<compile_context>
chip_gen: v7x
topology: tpu7x:2x2x1
jax: 0.10.2.dev20260603
libtpu: 0.0.44.dev20260713+nightly
codegen_flags: <defaults>
</compile_context>

<pallas_src>
import functools

import jax
import jax.numpy as jnp
import numpy as np
from jax import lax
from jax.experimental import pallas as pl
from jax.experimental.pallas import tpu as pltpu
from jax.experimental.pallas import tpu_sc as plsc

_N = 10000
_E = 320000
_D = 128
_H = 8
_DH = 16

_CHUNK = 32
_NCHUNK = _E // _CHUNK
_NW = 32
_NSUB = 16
_NPAD = 10112
_WV_PER_SUB = _NPAD // _NSUB
_NZ = 1280
_Z_PER_SUB = _NZ // _NSUB
_NGRP = _CHUNK // 16



def _pre_body(x_ref, wq_ref, wk_ref, wv_ref, we_ref, q_ref, kw_ref, v_ref):
    x = x_ref[...]
    q_ref[...] = jnp.dot(x, wq_ref[...], preferred_element_type=jnp.float32)
    k = jnp.dot(x, wk_ref[...], preferred_element_type=jnp.float32)
    v_ref[...] = jnp.dot(x, wv_ref[...], preferred_element_type=jnp.float32)
    kw_ref[...] = k * (we_ref[...] * (1.0 / np.sqrt(_DH)))


def _pre_call(x, Wq, Wk, Wv, We):
    blk = 2000
    grid = _N // blk
    return pl.pallas_call(
        _pre_body,
        grid=(grid,),
        in_specs=[
            pl.BlockSpec((blk, _D), lambda i: (i, 0)),
            pl.BlockSpec((_D, _D), lambda i: (0, 0)),
            pl.BlockSpec((_D, _D), lambda i: (0, 0)),
            pl.BlockSpec((_D, _D), lambda i: (0, 0)),
            pl.BlockSpec((1, _D), lambda i: (0, 0)),
        ],
        out_specs=[
            pl.BlockSpec((blk, _D), lambda i: (i, 0)),
            pl.BlockSpec((blk, _D), lambda i: (i, 0)),
            pl.BlockSpec((blk, _D), lambda i: (i, 0)),
        ],
        out_shape=[
            jax.ShapeDtypeStruct((_N, _D), jnp.float32),
            jax.ShapeDtypeStruct((_N, _D), jnp.float32),
            jax.ShapeDtypeStruct((_N, _D), jnp.float32),
        ],
    )(x, Wq, Wk, Wv, We)



def _sc_body(kw_hbm, v_hbm, q_hbm, src_hbm, dst_hbm, ea_hbm, zeros_hbm,
             owv_hbm, oz_hbm,
             wv_acc, z_acc, kw_v, v_v, q_v, zmsg_v,
             src_v, dst_v, dstadd_v, dstz_v, dstzadd_v, dstm_v, ea_v, sbuf,
             gsem0, gsem1, isem0, isem1, asem0, asem1):
    cid = lax.axis_index("c")
    sid = lax.axis_index("s")
    wid = cid * _NSUB + sid

    w0 = sid * _WV_PER_SUB
    z0 = sid * _Z_PER_SUB
    pltpu.sync_copy(zeros_hbm.at[pl.ds(0, _WV_PER_SUB)],
                    wv_acc.at[pl.ds(w0, _WV_PER_SUB)])
    pltpu.sync_copy(zeros_hbm.at[pl.ds(0, _Z_PER_SUB)],
                    z_acc.at[pl.ds(z0, _Z_PER_SUB)])
    pltpu.sync_copy(zeros_hbm.at[pl.ds(0, _CHUNK)], zmsg_v.at[0])
    pltpu.sync_copy(zeros_hbm.at[pl.ds(0, _CHUNK)], zmsg_v.at[1])
    zero16 = jnp.zeros((16,), jnp.float32)
    for r in range(16):
        sbuf[r, pl.ds(0, 16)] = zero16
    plsc.subcore_barrier()

    base = _NCHUNK // _NW
    rem = _NCHUNK % _NW
    first = wid * base + jnp.minimum(wid, rem)
    n_my = base + jnp.where(wid < rem, 1, 0)

    lane = lax.iota(jnp.int32, 16)
    rots = [lax.bitwise_and(lane + dd, 15) for dd in range(16)]
    gsems = (gsem0, gsem1)
    isems = (isem0, isem1)
    asems = (asem0, asem1)

    def issue_idx(c, ph):
        c0 = (first + c) * _CHUNK
        pltpu.async_copy(src_hbm.at[pl.ds(c0, _CHUNK)], src_v.at[ph],
                         isems[ph])
        pltpu.async_copy(dst_hbm.at[pl.ds(c0, _CHUNK)], dst_v.at[ph],
                         isems[ph])
        pltpu.async_copy(ea_hbm.at[pl.ds(c0, _CHUNK)], ea_v.at[ph],
                         isems[ph])

    def issue_gathers(ph):
        pltpu.async_copy(kw_hbm.at[src_v.at[ph]], kw_v.at[ph], gsems[ph])
        pltpu.async_copy(v_hbm.at[src_v.at[ph]], v_v.at[ph], gsems[ph])
        pltpu.async_copy(q_hbm.at[dst_v.at[ph]], q_v.at[ph], gsems[ph])

    def drain_idx(ph):
        pltpu.make_async_copy(src_hbm.at[pl.ds(0, _CHUNK)], src_v.at[ph],
                              isems[ph]).wait()
        pltpu.make_async_copy(dst_hbm.at[pl.ds(0, _CHUNK)], dst_v.at[ph],
                              isems[ph]).wait()
        pltpu.make_async_copy(ea_hbm.at[pl.ds(0, _CHUNK)], ea_v.at[ph],
                              isems[ph]).wait()

    def drain_gathers(ph):
        pltpu.make_async_copy(kw_hbm.at[pl.ds(0, _CHUNK)], kw_v.at[ph],
                              gsems[ph]).wait()
        pltpu.make_async_copy(v_hbm.at[pl.ds(0, _CHUNK)], v_v.at[ph],
                              gsems[ph]).wait()
        pltpu.make_async_copy(q_hbm.at[pl.ds(0, _CHUNK)], q_v.at[ph],
                              gsems[ph]).wait()

    def drain_adds(ph):
        pltpu.make_async_copy(v_v.at[ph], wv_acc.at[pl.ds(0, _CHUNK)],
                              asems[ph]).wait()
        pltpu.make_async_copy(zmsg_v.at[ph], z_acc.at[pl.ds(0, _CHUNK)],
                              asems[ph]).wait()

    def compute_chunk(ph):
        def split_body(g, carry2):
            dv = dst_v[ph, pl.ds(g * 16, 16)]
            dstz_v[ph, pl.ds(g * 16, 16)] = lax.shift_right_logical(dv, 3)
            dstm_v[ph, pl.ds(g * 16, 16)] = lax.bitwise_and(dv, 7)
            dstadd_v[ph, pl.ds(g * 16, 16)] = dv
            return carry2

        lax.fori_loop(0, _NGRP, split_body, 0)

        def group_body(g, carry2):
            edge16 = g * 16 + lane
            ea16 = ea_v[ph, pl.ds(g * 16, 16)]
            def head_body(h, carry3):
                h16 = h * 16
                prods = []
                for dd in range(16):
                    colv = rots[dd] + h16
                    a = plsc.load_gather(kw_v.at[ph], [edge16, colv])
                    b = plsc.load_gather(q_v.at[ph], [edge16, colv])
                    prods.append(a * b)
                while len(prods) > 1:
                    prods = [prods[k] + prods[k + 1]
                             for k in range(0, len(prods), 2)]
                sh = jnp.exp(jnp.clip(prods[0] * ea16, -5.0, 5.0))
                plsc.store_scatter(sbuf, [lane, lane * 0 + h], sh)
                for dd in range(16):
                    colv = rots[dd] + h16
                    vv = plsc.load_gather(v_v.at[ph], [edge16, colv])
                    plsc.store_scatter(v_v.at[ph], [edge16, colv], vv * sh)
                return carry3

            lax.fori_loop(0, _H, head_body, 0)

            def edge_body(j, carry3):
                e = g * 16 + j
                svec = sbuf[j, pl.ds(0, 16)]
                m8 = dstm_v[ph, pl.ds(e, 16)][0]
                zmsg_v[ph, e, pl.ds(m8 * 16, 16)] = svec
                return carry3

            lax.fori_loop(0, 16, edge_body, 0)
            return carry2

        lax.fori_loop(0, _NGRP, group_body, 0)
        dstzadd_v[ph, pl.ds(0, 16)] = dstz_v[ph, pl.ds(0, 16)]
        dstzadd_v[ph, pl.ds(16, 16)] = dstz_v[ph, pl.ds(16, 16)]
        pltpu.async_copy(v_v.at[ph], wv_acc.at[dstadd_v.at[ph]], asems[ph],
                         add=True)
        pltpu.async_copy(zmsg_v.at[ph], z_acc.at[dstzadd_v.at[ph]],
                         asems[ph], add=True)

    def clean_zmsg(ph):
        def clean_body(j, carry2):
            m8 = dstm_v[ph, pl.ds(j, 16)][0]
            zmsg_v[ph, j, pl.ds(m8 * 16, 16)] = zero16
            return carry2

        lax.fori_loop(0, _CHUNK, clean_body, 0)

    def step(i, ph):
        qh = 1 - ph
        @pl.when(jnp.logical_and(i >= 1, i <= n_my))
        def _():
            drain_adds(qh)
            clean_zmsg(qh)

        @pl.when(i + 1 <= n_my - 1)
        def _():
            drain_idx(qh)
            issue_gathers(qh)

        @pl.when(i <= n_my - 1)
        def _():
            drain_gathers(ph)
            compute_chunk(ph)

        @pl.when(i + 2 <= n_my - 1)
        def _():
            issue_idx(i + 2, ph)

    issue_idx(0, 0)
    drain_idx(0)
    issue_gathers(0)
    issue_idx(1, 1)

    def pair_body(t, carry):
        step(2 * t, 0)
        step(2 * t + 1, 1)
        return carry

    max_chunks = base + 1
    lax.fori_loop(0, (max_chunks + 2) // 2, pair_body, 0)
    plsc.subcore_barrier()
    pltpu.sync_copy(wv_acc.at[pl.ds(w0, _WV_PER_SUB)],
                    owv_hbm.at[cid, pl.ds(w0, _WV_PER_SUB)])
    pltpu.sync_copy(z_acc.at[pl.ds(z0, _Z_PER_SUB)],
                    oz_hbm.at[cid, pl.ds(z0, _Z_PER_SUB)])


@functools.partial(
    pl.kernel,
    mesh=plsc.VectorSubcoreMesh(core_axis_name="c", subcore_axis_name="s"),
    compiler_params=pltpu.CompilerParams(needs_layout_passes=False),
    out_type=[
        jax.ShapeDtypeStruct((2, _NPAD, _D), jnp.float32),
        jax.ShapeDtypeStruct((2, _NZ, _D), jnp.float32),
    ],
    scratch_types=[
        pltpu.VMEM_SHARED((_NPAD, _D), jnp.float32),
        pltpu.VMEM_SHARED((_NZ, _D), jnp.float32),
        pltpu.VMEM((2, _CHUNK, _D), jnp.float32),
        pltpu.VMEM((2, _CHUNK, _D), jnp.float32),
        pltpu.VMEM((2, _CHUNK, _D), jnp.float32),
        pltpu.VMEM((2, _CHUNK, _D), jnp.float32),
        pltpu.VMEM((2, _CHUNK), jnp.int32),
        pltpu.VMEM((2, _CHUNK), jnp.int32),
        pltpu.VMEM((2, _CHUNK), jnp.int32),
        pltpu.VMEM((2, _CHUNK), jnp.int32),
        pltpu.VMEM((2, _CHUNK), jnp.int32),
        pltpu.VMEM((2, _CHUNK + 16), jnp.int32),
        pltpu.VMEM((2, _CHUNK), jnp.float32),
        pltpu.VMEM((16, 17), jnp.float32),
        pltpu.SemaphoreType.DMA,
        pltpu.SemaphoreType.DMA,
        pltpu.SemaphoreType.DMA,
        pltpu.SemaphoreType.DMA,
        pltpu.SemaphoreType.DMA,
        pltpu.SemaphoreType.DMA,
    ],
)
def _sc_call(*args):
    _sc_body(*args)



def _post_body(wv_ref, z_ref, x_ref, wo_ref, bo_ref, w1_ref, b1_ref, w2_ref,
               b2_ref, g1_ref, be1_ref, g2_ref, be2_ref, brep_ref, out_ref):
    wv = wv_ref[0] + wv_ref[1]
    z16 = z_ref[0] + z_ref[1]
    zfull = jnp.dot(z16, brep_ref[...], preferred_element_type=jnp.float32)
    h_attn = wv / (zfull + 1e-6)
    h = jnp.dot(h_attn, wo_ref[...], preferred_element_type=jnp.float32)
    h = h + bo_ref[...]
    h = x_ref[...] + h
    m1 = jnp.mean(h, axis=0, keepdims=True)
    v1 = jnp.mean((h - m1) ** 2, axis=0, keepdims=True)
    h = (h - m1) / jnp.sqrt(v1 + 1e-5) * g1_ref[...] + be1_ref[...]
    h2 = jnp.dot(h, w1_ref[...], preferred_element_type=jnp.float32)
    h2 = jnp.maximum(h2 + b1_ref[...], 0.0)
    h2 = jnp.dot(h2, w2_ref[...], preferred_element_type=jnp.float32)
    h2 = h2 + b2_ref[...]
    h = h + h2
    m2 = jnp.mean(h, axis=0, keepdims=True)
    v2 = jnp.mean((h - m2) ** 2, axis=0, keepdims=True)
    out_ref[...] = (h - m2) / jnp.sqrt(v2 + 1e-5) * g2_ref[...] + be2_ref[...]


def _post_call(wv, z, x, Wo, bo, W1, b1, W2, b2, g1, be1, g2, be2, brep):
    return pl.pallas_call(
        _post_body,
        out_shape=jax.ShapeDtypeStruct((_N, _D), jnp.float32),
    )(wv, z, x, Wo, bo, W1, b1, W2, b2, g1, be1, g2, be2, brep)



def kernel(x, edge_index, edge_attr, Wq, Wk, We, Wv, Wo, bo, W1, b1, W2, b2,
           g1, be1, g2, be2):
    q, kw, v = _pre_call(x, Wq, Wk, Wv, We)
    src = edge_index[0]
    dst = edge_index[1]
    ea = edge_attr[:, 0]
    zeros = jnp.zeros((_WV_PER_SUB, _D), jnp.float32)
    owv, oz = _sc_call(kw, v, q, src, dst, ea, zeros)
    wv = owv[:, :_N, :]
    z = oz.reshape(2, _NZ * 8, 16)[:, :_N, :]
    brep = (jnp.arange(_D)[None, :] // _DH == jnp.arange(16)[:, None]).astype(
        jnp.float32)
    return _post_call(wv, z, x, Wo, bo, W1, b1, W2, b2, g1, be1, g2, be2, brep)

# --- scband reference (transcript-rebuilt; emitter-appended) ---
"""Pipeline reference for scband-gtlayer-44487271252168 (READ-ONLY COPY).

The authoritative reference and input builder live on the scoring server;
editing this copy changes nothing except your own understanding.
"""

import jax, jax.numpy as jnp
import numpy as np

N = 10000
E_EDGES = 320000
D = 128
H = 8
DH = 16  # out_dim // num_heads


def setup_inputs(seed: int = 0) -> dict:
    key = jax.random.key(seed)
    ks = jax.random.split(key, 12)
    inp = {}
    inp["x"] = jax.random.normal(ks[0], (N, D), dtype=jnp.float32)
    inp["edge_index"] = jax.random.randint(ks[1], (2, E_EDGES), 0, N, dtype=jnp.int32)
    inp["edge_attr"] = jax.random.normal(ks[2], (E_EDGES, 1), dtype=jnp.float32)
    # attention projections (use_bias=False)
    inp["Wq"] = jax.random.normal(ks[3], (D, D), dtype=jnp.float32) * 0.05
    inp["Wk"] = jax.random.normal(ks[4], (D, D), dtype=jnp.float32) * 0.05
    inp["We"] = jax.random.normal(ks[5], (1, D), dtype=jnp.float32) * 0.05
    inp["Wv"] = jax.random.normal(ks[6], (D, D), dtype=jnp.float32) * 0.05
    # output projection O_h (has bias)
    inp["Wo"] = jax.random.normal(ks[7], (D, D), dtype=jnp.float32) * 0.05
    inp["bo"] = jnp.zeros((D,), dtype=jnp.float32)
    # FFN
    inp["W1"] = jax.random.normal(ks[8], (D, 2 * D), dtype=jnp.float32) * 0.05
    inp["b1"] = jnp.zeros((2 * D,), dtype=jnp.float32)
    inp["W2"] = jax.random.normal(ks[9], (2 * D, D), dtype=jnp.float32) * 0.05
    inp["b2"] = jnp.zeros((D,), dtype=jnp.float32)
    # batchnorm affine params (norm1_h, norm2_h)
    inp["g1"] = jnp.ones((D,), dtype=jnp.float32)
    inp["be1"] = jnp.zeros((D,), dtype=jnp.float32)
    inp["g2"] = jnp.ones((D,), dtype=jnp.float32)
    inp["be2"] = jnp.zeros((D,), dtype=jnp.float32)
    return inp


def _batchnorm(h, g, b):
    # torch BatchNorm1d in training mode: biased batch statistics
    m = h.mean(axis=0)
    v = h.var(axis=0)
    return (h - m) / jnp.sqrt(v + 1e-5) * g + b


def reference(x, edge_index, edge_attr, Wq, Wk, We, Wv, Wo, bo, W1, b1, W2, b2, g1, be1, g2, be2):
    Q_h = (x @ Wq).reshape(-1, H, DH)
    K_h = (x @ Wk).reshape(-1, H, DH)
    E_h = (edge_attr @ We).reshape(-1, H, DH)
    V_h = (x @ Wv).reshape(-1, H, DH)
    src = edge_index[0]
    dst = edge_index[1]
    # propagate_attention
    score = K_h[src] * Q_h[dst]
    score = score / np.sqrt(DH)
    score = score * E_h
    score = jnp.exp(jnp.clip(score.sum(-1, keepdims=True), -5.0, 5.0))
    msg = V_h[src] * score
    wV = jax.ops.segment_sum(msg, dst, num_segments=N)
    Z = jax.ops.segment_sum(score, dst, num_segments=N)
    h_attn = wV / (Z + 1e-6)
    h = h_attn.reshape(-1, D)
    # dropout p=0.0 -> identity
    h = h @ Wo + bo
    h = x + h  # residual 1
    h = _batchnorm(h, g1, be1)
    h_in2 = h
    h = jax.nn.relu(h @ W1 + b1)
    h = h @ W2 + b2
    h = h_in2 + h  # residual 2
    h = _batchnorm(h, g2, be2)
    return h

if __name__ == "__main__":
    import jax
    _d = setup_inputs()
    print(jax.jit(kernel)(*tuple(_d.values())))

</pallas_src>

<mosaic_0001>
#map = affine_map<(d0, d1) -> (0, 0)>
#map1 = affine_map<(d0, d1) -> (0)>
#map2 = affine_map<(d0, d1) -> (0, 0, 0)>
module attributes {stable_mosaic.version = 14 : i64} {
  func.func @_sc_call(%arg0: i32, %arg1: i32, %arg2: memref<10000x128xf32, #tpu.memory_space<hbm>>, %arg3: memref<10000x128xf32, #tpu.memory_space<hbm>>, %arg4: memref<10000x128xf32, #tpu.memory_space<hbm>>, %arg5: memref<320000xi32, #tpu.memory_space<hbm>>, %arg6: memref<320000xi32, #tpu.memory_space<hbm>>, %arg7: memref<320000xf32, #tpu.memory_space<hbm>>, %arg8: memref<632x128xf32, #tpu.memory_space<hbm>>, %arg9: memref<2x10112x128xf32, #tpu.memory_space<hbm>>, %arg10: memref<2x1280x128xf32, #tpu.memory_space<hbm>>, %arg11: memref<10112x128xf32, #tpu.memory_space<vmem_shared>>, %arg12: memref<1280x128xf32, #tpu.memory_space<vmem_shared>>, %arg13: memref<2x32x128xf32, #tpu.memory_space<vmem>>, %arg14: memref<2x32x128xf32, #tpu.memory_space<vmem>>, %arg15: memref<2x32x128xf32, #tpu.memory_space<vmem>>, %arg16: memref<2x32x128xf32, #tpu.memory_space<vmem>>, %arg17: memref<2x32xi32, #tpu.memory_space<vmem>>, %arg18: memref<2x32xi32, #tpu.memory_space<vmem>>, %arg19: memref<2x32xi32, #tpu.memory_space<vmem>>, %arg20: memref<2x32xi32, #tpu.memory_space<vmem>>, %arg21: memref<2x32xi32, #tpu.memory_space<vmem>>, %arg22: memref<2x48xi32, #tpu.memory_space<vmem>>, %arg23: memref<2x32xf32, #tpu.memory_space<vmem>>, %arg24: memref<16x17xf32, #tpu.memory_space<vmem>>, %arg25: memref<!tpu.dma_semaphore, #tpu.memory_space<semaphore_mem>>, %arg26: memref<!tpu.dma_semaphore, #tpu.memory_space<semaphore_mem>>, %arg27: memref<!tpu.dma_semaphore, #tpu.memory_space<semaphore_mem>>, %arg28: memref<!tpu.dma_semaphore, #tpu.memory_space<semaphore_mem>>, %arg29: memref<!tpu.dma_semaphore, #tpu.memory_space<semaphore_mem>>, %arg30: memref<!tpu.dma_semaphore, #tpu.memory_space<semaphore_mem>>) attributes {dimension_semantics = [#tpu.dimension_semantics<core_parallel>, #tpu.dimension_semantics<subcore_parallel>], iteration_bounds = array<i64: 2, 16>, scalar_prefetch = 0 : i64, scratch_operands = 20 : i64, tpu.core_type = #tpu.core_type<sc_vector_subcore>, window_params = [{transform_indices = #map}, {transform_indices = #map}, {transform_indices = #map}, {transform_indices = #map1}, {transform_indices = #map1}, {transform_indices = #map1}, {transform_indices = #map}, {transform_indices = #map2}, {transform_indices = #map2}]} {
    %mul3A = arith.constant 16 : i32
    %mul3A_0 = arith.muli %arg0, %mul3A : i32
    %add3A = arith.addi %mul3A_0, %arg1 : i32
    %mul3A_1 = arith.constant 632 : i32
    %mul3A_2 = arith.muli %arg1, %mul3A_1 : i32
    %mul3A_3 = arith.constant 80 : i32
    %mul3A_4 = arith.muli %arg1, %mul3A_3 : i32
    "tpu.region"() ({
      %run_scoped3A_308 = tpu.sem_alloc : memref<!tpu.dma_semaphore, #tpu.memory_space<semaphore_mem>>
      %dma_start3A_309 = arith.constant 0 : i32
      %dma_start3A_310 = tpu.memref_slice %arg11[%mul3A_2, %dma_start3A_309] : memref<10112x128xf32, #tpu.memory_space<vmem_shared>> -> memref<632x128xf32, #tpu.memory_space<vmem_shared>>
      %dma_start3A_311 = arith.constant 0 : i32
      %dma_start3A_312 = arith.constant 0 : i32
      %dma_start3A_313 = tpu.memref_slice %arg8[%dma_start3A_311, %dma_start3A_312] : memref<632x128xf32, #tpu.memory_space<hbm>> -> memref<632x128xf32, #tpu.memory_space<hbm>>
      tpu.enqueue_dma source(%dma_start3A_313 : memref<632x128xf32, #tpu.memory_space<hbm>>) target(%dma_start3A_310 : memref<632x128xf32, #tpu.memory_space<vmem_shared>>) target_semaphore(%run_scoped3A_308 : memref<!tpu.dma_semaphore, #tpu.memory_space<semaphore_mem>>)
      %dma_wait3A_314 = arith.constant 0 : i32
      %dma_wait3A_315 = tpu.memref_slice %arg11[%mul3A_2, %dma_wait3A_314] : memref<10112x128xf32, #tpu.memory_space<vmem_shared>> -> memref<632x128xf32, #tpu.memory_space<vmem_shared>>
      %dma_wait3A_316 = arith.constant 0 : i32
      %dma_wait3A_317 = arith.constant 0 : i32
      %dma_wait3A_318 = tpu.memref_slice %arg8[%dma_wait3A_316, %dma_wait3A_317] : memref<632x128xf32, #tpu.memory_space<hbm>> -> memref<632x128xf32, #tpu.memory_space<hbm>>
      tpu.wait_dma2 semaphore(%run_scoped3A_308 : memref<!tpu.dma_semaphore, #tpu.memory_space<semaphore_mem>>) src(%dma_wait3A_318 : memref<632x128xf32, #tpu.memory_space<hbm>>) dst(%dma_wait3A_315 : memref<632x128xf32, #tpu.memory_space<vmem_shared>>)
      tpu.yield
    }) : () -> ()
    "tpu.region"() ({
      %run_scoped3A_308 = tpu.sem_alloc : memref<!tpu.dma_semaphore, #tpu.memory_space<semaphore_mem>>
      %dma_start3A_309 = arith.constant 0 : i32
      %dma_start3A_310 = tpu.memref_slice %arg12[%mul3A_4, %dma_start3A_309] : memref<1280x128xf32, #tpu.memory_space<vmem_shared>> -> memref<80x128xf32, #tpu.memory_space<vmem_shared>>
      %dma_start3A_311 = arith.constant 0 : i32
      %dma_start3A_312 = arith.constant 0 : i32
      %dma_start3A_313 = tpu.memref_slice %arg8[%dma_start3A_311, %dma_start3A_312] : memref<632x128xf32, #tpu.memory_space<hbm>> -> memref<80x128xf32, #tpu.memory_space<hbm>>
      tpu.enqueue_dma source(%dma_start3A_313 : memref<80x128xf32, #tpu.memory_space<hbm>>) target(%dma_start3A_310 : memref<80x128xf32, #tpu.memory_space<vmem_shared>>) target_semaphore(%run_scoped3A_308 : memref<!tpu.dma_semaphore, #tpu.memory_space<semaphore_mem>>)
      %dma_wait3A_314 = arith.constant 0 : i32
      %dma_wait3A_315 = tpu.memref_slice %arg12[%mul3A_4, %dma_wait3A_314] : memref<1280x128xf32, #tpu.memory_space<vmem_shared>> -> memref<80x128xf32, #tpu.memory_space<vmem_shared>>
      %dma_wait3A_316 = arith.constant 0 : i32
      %dma_wait3A_317 = arith.constant 0 : i32
      %dma_wait3A_318 = tpu.memref_slice %arg8[%dma_wait3A_316, %dma_wait3A_317] : memref<632x128xf32, #tpu.memory_space<hbm>> -> memref<80x128xf32, #tpu.memory_space<hbm>>
      tpu.wait_dma2 semaphore(%run_scoped3A_308 : memref<!tpu.dma_semaphore, #tpu.memory_space<semaphore_mem>>) src(%dma_wait3A_318 : memref<80x128xf32, #tpu.memory_space<hbm>>) dst(%dma_wait3A_315 : memref<80x128xf32, #tpu.memory_space<vmem_shared>>)
      tpu.yield
    }) : () -> ()
    %run_scoped3A = arith.constant 0 : i32
    "tpu.region"() ({
      %run_scoped3A_308 = tpu.sem_alloc : memref<!tpu.dma_semaphore, #tpu.memory_space<semaphore_mem>>
      %dma_start3A_309 = arith.constant 0 : i32
      %dma_start3A_310 = arith.constant 0 : i32
      %dma_start3A_311 = tpu.memref_slice %arg16[%run_scoped3A, %dma_start3A_309, %dma_start3A_310] : memref<2x32x128xf32, #tpu.memory_space<vmem>> -> memref<1x32x128xf32, #tpu.memory_space<vmem>>
      %dma_start3A_312 = tpu.memref_squeeze %dma_start3A_311 : memref<1x32x128xf32, #tpu.memory_space<vmem>> -> memref<32x128xf32, #tpu.memory_space<vmem>>
      %dma_start3A_313 = arith.constant 0 : i32
      %dma_start3A_314 = arith.constant 0 : i32
      %dma_start3A_315 = tpu.memref_slice %arg8[%dma_start3A_313, %dma_start3A_314] : memref<632x128xf32, #tpu.memory_space<hbm>> -> memref<32x128xf32, #tpu.memory_space<hbm>>
      %dma_start3A_316 = arith.constant 0 : i32
      %dma_start3A_317 = arith.constant 0 : i32
      %dma_start3A_318 = tpu.memref_slice %arg16[%run_scoped3A, %dma_start3A_316, %dma_start3A_317] : memref<2x32x128xf32, #tpu.memory_space<vmem>> -> memref<1x32x128xf32, #tpu.memory_space<vmem>>
      %dma_start3A_319 = tpu.memref_squeeze %dma_start3A_318 : memref<1x32x128xf32, #tpu.memory_space<vmem>> -> memref<32x128xf32, #tpu.memory_space<vmem>>
      %dma_start3A_320 = arith.constant 0 : i32
      %dma_start3A_321 = arith.constant 0 : i32
      %dma_start3A_322 = tpu.memref_slice %arg8[%dma_start3A_320, %dma_start3A_321] : memref<632x128xf32, #tpu.memory_space<hbm>> -> memref<32x128xf32, #tpu.memory_space<hbm>>
      tpu.enqueue_dma source(%dma_start3A_322 : memref<32x128xf32, #tpu.memory_space<hbm>>) target(%dma_start3A_319 : memref<32x128xf32, #tpu.memory_space<vmem>>) target_semaphore(%run_scoped3A_308 : memref<!tpu.dma_semaphore, #tpu.memory_space<semaphore_mem>>)
      %dma_wait3A_323 = arith.constant 0 : i32
      %dma_wait3A_324 = arith.constant 0 : i32
      %dma_wait3A_325 = tpu.memref_slice %arg16[%run_scoped3A, %dma_wait3A_323, %dma_wait3A_324] : memref<2x32x128xf32, #tpu.memory_space<vmem>> -> memref<1x32x128xf32, #tpu.memory_space<vmem>>
      %dma_wait3A_326 = tpu.memref_squeeze %dma_wait3A_325 : memref<1x32x128xf32, #tpu.memory_space<vmem>> -> memref<32x128xf32, #tpu.memory_space<vmem>>
      %dma_wait3A_327 = arith.constant 0 : i32
      %dma_wait3A_328 = arith.constant 0 : i32
      %dma_wait3A_329 = tpu.memref_slice %arg8[%dma_wait3A_327, %dma_wait3A_328] : memref<632x128xf32, #tpu.memory_space<hbm>> -> memref<32x128xf32, #tpu.memory_space<hbm>>
      %dma_wait3A_330 = arith.constant 0 : i32
      %dma_wait3A_331 = arith.constant 0 : i32
      %dma_wait3A_332 = tpu.memref_slice %arg16[%run_scoped3A, %dma_wait3A_330, %dma_wait3A_331] : memref<2x32x128xf32, #tpu.memory_space<vmem>> -> memref<1x32x128xf32, #tpu.memory_space<vmem>>
      %dma_wait3A_333 = tpu.memref_squeeze %dma_wait3A_332 : memref<1x32x128xf32, #tpu.memory_space<vmem>> -> memref<32x128xf32, #tpu.memory_space<vmem>>
      %dma_wait3A_334 = arith.constant 0 : i32
      %dma_wait3A_335 = arith.constant 0 : i32
      %dma_wait3A_336 = tpu.memref_slice %arg8[%dma_wait3A_334, %dma_wait3A_335] : memref<632x128xf32, #tpu.memory_space<hbm>> -> memref<32x128xf32, #tpu.memory_space<hbm>>
      tpu.wait_dma2 semaphore(%run_scoped3A_308 : memref<!tpu.dma_semaphore, #tpu.memory_space<semaphore_mem>>) src(%dma_wait3A_336 : memref<32x128xf32, #tpu.memory_space<hbm>>) dst(%dma_wait3A_333 : memref<32x128xf32, #tpu.memory_space<vmem>>)
      tpu.yield
    }) : () -> ()
    %run_scoped3A_5 = arith.constant 1 : i32
    "tpu.region"() ({
      %run_scoped3A_308 = tpu.sem_alloc : memref<!tpu.dma_semaphore, #tpu.memory_space<semaphore_mem>>
      %dma_start3A_309 = arith.constant 0 : i32
      %dma_start3A_310 = arith.constant 0 : i32
      %dma_start3A_311 = tpu.memref_slice %arg16[%run_scoped3A_5, %dma_start3A_309, %dma_start3A_310] : memref<2x32x128xf32, #tpu.memory_space<vmem>> -> memref<1x32x128xf32, #tpu.memory_space<vmem>>
      %dma_start3A_312 = tpu.memref_squeeze %dma_start3A_311 : memref<1x32x128xf32, #tpu.memory_space<vmem>> -> memref<32x128xf32, #tpu.memory_space<vmem>>
      %dma_start3A_313 = arith.constant 0 : i32
      %dma_start3A_314 = arith.constant 0 : i32
      %dma_start3A_315 = tpu.memref_slice %arg8[%dma_start3A_313, %dma_start3A_314] : memref<632x128xf32, #tpu.memory_space<hbm>> -> memref<32x128xf32, #tpu.memory_space<hbm>>
      %dma_start3A_316 = arith.constant 0 : i32
      %dma_start3A_317 = arith.constant 0 : i32
      %dma_start3A_318 = tpu.memref_slice %arg16[%run_scoped3A_5, %dma_start3A_316, %dma_start3A_317] : memref<2x32x128xf32, #tpu.memory_space<vmem>> -> memref<1x32x128xf32, #tpu.memory_space<vmem>>
      %dma_start3A_319 = tpu.memref_squeeze %dma_start3A_318 : memref<1x32x128xf32, #tpu.memory_space<vmem>> -> memref<32x128xf32, #tpu.memory_space<vmem>>
      %dma_start3A_320 = arith.constant 0 : i32
      %dma_start3A_321 = arith.constant 0 : i32
      %dma_start3A_322 = tpu.memref_slice %arg8[%dma_start3A_320, %dma_start3A_321] : memref<632x128xf32, #tpu.memory_space<hbm>> -> memref<32x128xf32, #tpu.memory_space<hbm>>
      tpu.enqueue_dma source(%dma_start3A_322 : memref<32x128xf32, #tpu.memory_space<hbm>>) target(%dma_start3A_319 : memref<32x128xf32, #tpu.memory_space<vmem>>) target_semaphore(%run_scoped3A_308 : memref<!tpu.dma_semaphore, #tpu.memory_space<semaphore_mem>>)
      %dma_wait3A_323 = arith.constant 0 : i32
      %dma_wait3A_324 = arith.constant 0 : i32
      %dma_wait3A_325 = tpu.memref_slice %arg16[%run_scoped3A_5, %dma_wait3A_323, %dma_wait3A_324] : memref<2x32x128xf32, #tpu.memory_space<vmem>> -> memref<1x32x128xf32, #tpu.memory_space<vmem>>
      %dma_wait3A_326 = tpu.memref_squeeze %dma_wait3A_325 : memref<1x32x128xf32, #tpu.memory_space<vmem>> -> memref<32x128xf32, #tpu.memory_space<vmem>>
      %dma_wait3A_327 = arith.constant 0 : i32
      %dma_wait3A_328 = arith.constant 0 : i32
      %dma_wait3A_329 = tpu.memref_slice %arg8[%dma_wait3A_327, %dma_wait3A_328] : memref<632x128xf32, #tpu.memory_space<hbm>> -> memref<32x128xf32, #tpu.memory_space<hbm>>
      %dma_wait3A_330 = arith.constant 0 : i32
      %dma_wait3A_331 = arith.constant 0 : i32
      %dma_wait3A_332 = tpu.memref_slice %arg16[%run_scoped3A_5, %dma_wait3A_330, %dma_wait3A_331] : memref<2x32x128xf32, #tpu.memory_space<vmem>> -> memref<1x32x128xf32, #tpu.memory_space<vmem>>
      %dma_wait3A_333 = tpu.memref_squeeze %dma_wait3A_332 : memref<1x32x128xf32, #tpu.memory_space<vmem>> -> memref<32x128xf32, #tpu.memory_space<vmem>>
      %dma_wait3A_334 = arith.constant 0 : i32
      %dma_wait3A_335 = arith.constant 0 : i32
      %dma_wait3A_336 = tpu.memref_slice %arg8[%dma_wait3A_334, %dma_wait3A_335] : memref<632x128xf32, #tpu.memory_space<hbm>> -> memref<32x128xf32, #tpu.memory_space<hbm>>
      tpu.wait_dma2 semaphore(%run_scoped3A_308 : memref<!tpu.dma_semaphore, #tpu.memory_space<semaphore_mem>>) src(%dma_wait3A_336 : memref<32x128xf32, #tpu.memory_space<hbm>>) dst(%dma_wait3A_333 : memref<32x128xf32, #tpu.memory_space<vmem>>)
      tpu.yield
    }) : () -> ()
    %broadcast_in_dim3A = arith.constant 0.000000e+00 : f32
    %broadcast_in_dim3A_6 = vector.broadcast %broadcast_in_dim3A : f32 to vector<16xf32>
    %swap3A = arith.constant 0 : i32
    %swap3A_7 = arith.index_cast %swap3A : i32 to index
    %swap3A_8 = arith.constant 0 : index
    %swap3A_9 = tpu.vector_load %arg24[%swap3A_7, %swap3A_8] {strides = array<i32>} : memref<16x17xf32, #tpu.memory_space<vmem>>, vector<16xf32>,
    tpu.vector_store %arg24[%swap3A_7, %swap3A_8], %broadcast_in_dim3A_6 {strides = array<i32>} : memref<16x17xf32, #tpu.memory_space<vmem>>, vector<16xf32>,
    %swap3A_10 = arith.constant 1 : i32
    %swap3A_11 = arith.index_cast %swap3A_10 : i32 to index
    %swap3A_12 = arith.constant 0 : index
    %swap3A_13 = tpu.vector_load %arg24[%swap3A_11, %swap3A_12] {strides = array<i32>} : memref<16x17xf32, #tpu.memory_space<vmem>>, vector<16xf32>,
    tpu.vector_store %arg24[%swap3A_11, %swap3A_12], %broadcast_in_dim3A_6 {strides = array<i32>} : memref<16x17xf32, #tpu.memory_space<vmem>>, vector<16xf32>,
    %swap3A_14 = arith.constant 2 : i32
    %swap3A_15 = arith.index_cast %swap3A_14 : i32 to index
    %swap3A_16 = arith.constant 0 : index
    %swap3A_17 = tpu.vector_load %arg24[%swap3A_15, %swap3A_16] {strides = array<i32>} : memref<16x17xf32, #tpu.memory_space<vmem>>, vector<16xf32>,
    tpu.vector_store %arg24[%swap3A_15, %swap3A_16], %broadcast_in_dim3A_6 {strides = array<i32>} : memref<16x17xf32, #tpu.memory_space<vmem>>, vector<16xf32>,
    %swap3A_18 = arith.constant 3 : i32
    %swap3A_19 = arith.index_cast %swap3A_18 : i32 to index
    %swap3A_20 = arith.constant 0 : index
    %swap3A_21 = tpu.vector_load %arg24[%swap3A_19, %swap3A_20] {strides = array<i32>} : memref<16x17xf32, #tpu.memory_space<vmem>>, vector<16xf32>,
    tpu.vector_store %arg24[%swap3A_19, %swap3A_20], %broadcast_in_dim3A_6 {strides = array<i32>} : memref<16x17xf32, #tpu.memory_space<vmem>>, vector<16xf32>,
    %swap3A_22 = arith.constant 4 : i32
    %swap3A_23 = arith.index_cast %swap3A_22 : i32 to index
    %swap3A_24 = arith.constant 0 : index
    %swap3A_25 = tpu.vector_load %arg24[%swap3A_23, %swap3A_24] {strides = array<i32>} : memref<16x17xf32, #tpu.memory_space<vmem>>, vector<16xf32>,
    tpu.vector_store %arg24[%swap3A_23, %swap3A_24], %broadcast_in_dim3A_6 {strides = array<i32>} : memref<16x17xf32, #tpu.memory_space<vmem>>, vector<16xf32>,
    %swap3A_26 = arith.constant 5 : i32
    %swap3A_27 = arith.index_cast %swap3A_26 : i32 to index
    %swap3A_28 = arith.constant 0 : index
    %swap3A_29 = tpu.vector_load %arg24[%swap3A_27, %swap3A_28] {strides = array<i32>} : memref<16x17xf32, #tpu.memory_space<vmem>>, vector<16xf32>,
    tpu.vector_store %arg24[%swap3A_27, %swap3A_28], %broadcast_in_dim3A_6 {strides = array<i32>} : memref<16x17xf32, #tpu.memory_space<vmem>>, vector<16xf32>,
    %swap3A_30 = arith.constant 6 : i32
    %swap3A_31 = arith.index_cast %swap3A_30 : i32 to index
    %swap3A_32 = arith.constant 0 : index
    %swap3A_33 = tpu.vector_load %arg24[%swap3A_31, %swap3A_32] {strides = array<i32>} : memref<16x17xf32, #tpu.memory_space<vmem>>, vector<16xf32>,
    tpu.vector_store %arg24[%swap3A_31, %swap3A_32], %broadcast_in_dim3A_6 {strides = array<i32>} : memref<16x17xf32, #tpu.memory_space<vmem>>, vector<16xf32>,
    %swap3A_34 = arith.constant 7 : i32
    %swap3A_35 = arith.index_cast %swap3A_34 : i32 to index
    %swap3A_36 = arith.constant 0 : index
    %swap3A_37 = tpu.vector_load %arg24[%swap3A_35, %swap3A_36] {strides = array<i32>} : memref<16x17xf32, #tpu.memory_space<vmem>>, vector<16xf32>,
    tpu.vector_store %arg24[%swap3A_35, %swap3A_36], %broadcast_in_dim3A_6 {strides = array<i32>} : memref<16x17xf32, #tpu.memory_space<vmem>>, vector<16xf32>,
    %swap3A_38 = arith.constant 8 : i32
    %swap3A_39 = arith.index_cast %swap3A_38 : i32 to index
    %swap3A_40 = arith.constant 0 : index
    %swap3A_41 = tpu.vector_load %arg24[%swap3A_39, %swap3A_40] {strides = array<i32>} : memref<16x17xf32, #tpu.memory_space<vmem>>, vector<16xf32>,
    tpu.vector_store %arg24[%swap3A_39, %swap3A_40], %broadcast_in_dim3A_6 {strides = array<i32>} : memref<16x17xf32, #tpu.memory_space<vmem>>, vector<16xf32>,
    %swap3A_42 = arith.constant 9 : i32
    %swap3A_43 = arith.index_cast %swap3A_42 : i32 to index
    %swap3A_44 = arith.constant 0 : index
    %swap3A_45 = tpu.vector_load %arg24[%swap3A_43, %swap3A_44] {strides = array<i32>} : memref<16x17xf32, #tpu.memory_space<vmem>>, vector<16xf32>,
    tpu.vector_store %arg24[%swap3A_43, %swap3A_44], %broadcast_in_dim3A_6 {strides = array<i32>} : memref<16x17xf32, #tpu.memory_space<vmem>>, vector<16xf32>,
    %swap3A_46 = arith.constant 10 : i32
    %swap3A_47 = arith.index_cast %swap3A_46 : i32 to index
    %swap3A_48 = arith.constant 0 : index
    %swap3A_49 = tpu.vector_load %arg24[%swap3A_47, %swap3A_48] {strides = array<i32>} : memref<16x17xf32, #tpu.memory_space<vmem>>, vector<16xf32>,
    tpu.vector_store %arg24[%swap3A_47, %swap3A_48], %broadcast_in_dim3A_6 {strides = array<i32>} : memref<16x17xf32, #tpu.memory_space<vmem>>, vector<16xf32>,
    %swap3A_50 = arith.constant 11 : i32
    %swap3A_51 = arith.index_cast %swap3A_50 : i32 to index
    %swap3A_52 = arith.constant 0 : index
    %swap3A_53 = tpu.vector_load %arg24[%swap3A_51, %swap3A_52] {strides = array<i32>} : memref<16x17xf32, #tpu.memory_space<vmem>>, vector<16xf32>,
    tpu.vector_store %arg24[%swap3A_51, %swap3A_52], %broadcast_in_dim3A_6 {strides = array<i32>} : memref<16x17xf32, #tpu.memory_space<vmem>>, vector<16xf32>,
    %swap3A_54 = arith.constant 12 : i32
    %swap3A_55 = arith.index_cast %swap3A_54 : i32 to index
    %swap3A_56 = arith.constant 0 : index
    %swap3A_57 = tpu.vector_load %arg24[%swap3A_55, %swap3A_56] {strides = array<i32>} : memref<16x17xf32, #tpu.memory_space<vmem>>, vector<16xf32>,
    tpu.vector_store %arg24[%swap3A_55, %swap3A_56], %broadcast_in_dim3A_6 {strides = array<i32>} : memref<16x17xf32, #tpu.memory_space<vmem>>, vector<16xf32>,
    %swap3A_58 = arith.constant 13 : i32
    %swap3A_59 = arith.index_cast %swap3A_58 : i32 to index
    %swap3A_60 = arith.constant 0 : index
    %swap3A_61 = tpu.vector_load %arg24[%swap3A_59, %swap3A_60] {strides = array<i32>} : memref<16x17xf32, #tpu.memory_space<vmem>>, vector<16xf32>,
    tpu.vector_store %arg24[%swap3A_59, %swap3A_60], %broadcast_in_dim3A_6 {strides = array<i32>} : memref<16x17xf32, #tpu.memory_space<vmem>>, vector<16xf32>,
    %swap3A_62 = arith.constant 14 : i32
    %swap3A_63 = arith.index_cast %swap3A_62 : i32 to index
    %swap3A_64 = arith.constant 0 : index
    %swap3A_65 = tpu.vector_load %arg24[%swap3A_63, %swap3A_64] {strides = array<i32>} : memref<16x17xf32, #tpu.memory_space<vmem>>, vector<16xf32>,
    tpu.vector_store %arg24[%swap3A_63, %swap3A_64], %broadcast_in_dim3A_6 {strides = array<i32>} : memref<16x17xf32, #tpu.memory_space<vmem>>, vector<16xf32>,
    %swap3A_66 = arith.constant 15 : i32
    %swap3A_67 = arith.index_cast %swap3A_66 : i32 to index
    %swap3A_68 = arith.constant 0 : index
    %swap3A_69 = tpu.vector_load %arg24[%swap3A_67, %swap3A_68] {strides = array<i32>} : memref<16x17xf32, #tpu.memory_space<vmem>>, vector<16xf32>,
    tpu.vector_store %arg24[%swap3A_67, %swap3A_68], %broadcast_in_dim3A_6 {strides = array<i32>} : memref<16x17xf32, #tpu.memory_space<vmem>>, vector<16xf32>,
    %barrier3A = arith.constant 0 : index
    tpu.barrier barrier_id(%barrier3A)
    %mul3A_70 = arith.constant 312 : i32
    %mul3A_71 = arith.muli %add3A, %mul3A_70 : i32
    %min3A = arith.constant 16 : i32
    %min3A_72 = arith.minsi %add3A, %min3A : i32
    %add3A_73 = arith.addi %mul3A_71, %min3A_72 : i32
    %lt3A = arith.constant 16 : i32
    %lt3A_74 = arith.cmpi slt, %add3A, %lt3A : i32
    %jit3A = arith.constant 1 : i32
    %jit3A_75 = arith.constant 0 : i32
    %select_n3A = arith.select %lt3A_74, %jit3A, %jit3A_75 : i32
    %add3A_76 = arith.constant 312 : i32
    %add3A_77 = arith.addi %add3A_76, %select_n3A : i32
    %iota3A = tpu.iota {dimensions = array<i32: 0>} : vector<16xi32>
    %add3A_78 = arith.constant 0 : i32
    %add3A_79 = vector.broadcast %add3A_78 : i32 to vector<16xi32>
    %add3A_80 = arith.addi %iota3A, %add3A_79 : vector<16xi32>
    %and3A = arith.constant 15 : i32
    %and3A_81 = vector.broadcast %and3A : i32 to vector<16xi32>
    %and3A_82 = arith.andi %add3A_80, %and3A_81 : vector<16xi32>
    %add3A_83 = arith.constant 1 : i32
    %add3A_84 = vector.broadcast %add3A_83 : i32 to vector<16xi32>
    %add3A_85 = arith.addi %iota3A, %add3A_84 : vector<16xi32>
    %and3A_86 = arith.constant 15 : i32
    %and3A_87 = vector.broadcast %and3A_86 : i32 to vector<16xi32>
    %and3A_88 = arith.andi %add3A_85, %and3A_87 : vector<16xi32>
    %add3A_89 = arith.constant 2 : i32
    %add3A_90 = vector.broadcast %add3A_89 : i32 to vector<16xi32>
    %add3A_91 = arith.addi %iota3A, %add3A_90 : vector<16xi32>
    %and3A_92 = arith.constant 15 : i32
    %and3A_93 = vector.broadcast %and3A_92 : i32 to vector<16xi32>
    %and3A_94 = arith.andi %add3A_91, %and3A_93 : vector<16xi32>
    %add3A_95 = arith.constant 3 : i32
    %add3A_96 = vector.broadcast %add3A_95 : i32 to vector<16xi32>
    %add3A_97 = arith.addi %iota3A, %add3A_96 : vector<16xi32>
    %and3A_98 = arith.constant 15 : i32
    %and3A_99 = vector.broadcast %and3A_98 : i32 to vector<16xi32>
    %and3A_100 = arith.andi %add3A_97, %and3A_99 : vector<16xi32>
    %add3A_101 = arith.constant 4 : i32
    %add3A_102 = vector.broadcast %add3A_101 : i32 to vector<16xi32>
    %add3A_103 = arith.addi %iota3A, %add3A_102 : vector<16xi32>
    %and3A_104 = arith.constant 15 : i32
    %and3A_105 = vector.broadcast %and3A_104 : i32 to vector<16xi32>
    %and3A_106 = arith.andi %add3A_103, %and3A_105 : vector<16xi32>
    %add3A_107 = arith.constant 5 : i32
    %add3A_108 = vector.broadcast %add3A_107 : i32 to vector<16xi32>
    %add3A_109 = arith.addi %iota3A, %add3A_108 : vector<16xi32>
    %and3A_110 = arith.constant 15 : i32
    %and3A_111 = vector.broadcast %and3A_110 : i32 to vector<16xi32>
    %and3A_112 = arith.andi %add3A_109, %and3A_111 : vector<16xi32>
    %add3A_113 = arith.constant 6 : i32
    %add3A_114 = vector.broadcast %add3A_113 : i32 to vector<16xi32>
    %add3A_115 = arith.addi %iota3A, %add3A_114 : vector<16xi32>
    %and3A_116 = arith.constant 15 : i32
    %and3A_117 = vector.broadcast %and3A_116 : i32 to vector<16xi32>
    %and3A_118 = arith.andi %add3A_115, %and3A_117 : vector<16xi32>
    %add3A_119 = arith.constant 7 : i32
    %add3A_120 = vector.broadcast %add3A_119 : i32 to vector<16xi32>
    %add3A_121 = arith.addi %iota3A, %add3A_120 : vector<16xi32>
    %and3A_122 = arith.constant 15 : i32
    %and3A_123 = vector.broadcast %and3A_122 : i32 to vector<16xi32>
    %and3A_124 = arith.andi %add3A_121, %and3A_123 : vector<16xi32>
    %add3A_125 = arith.constant 8 : i32
    %add3A_126 = vector.broadcast %add3A_125 : i32 to vector<16xi32>
    %add3A_127 = arith.addi %iota3A, %add3A_126 : vector<16xi32>
    %and3A_128 = arith.constant 15 : i32
    %and3A_129 = vector.broadcast %and3A_128 : i32 to vector<16xi32>
    %and3A_130 = arith.andi %add3A_127, %and3A_129 : vector<16xi32>
    %add3A_131 = arith.constant 9 : i32
    %add3A_132 = vector.broadcast %add3A_131 : i32 to vector<16xi32>
    %add3A_133 = arith.addi %iota3A, %add3A_132 : vector<16xi32>
    %and3A_134 = arith.constant 15 : i32
    %and3A_135 = vector.broadcast %and3A_134 : i32 to vector<16xi32>
    %and3A_136 = arith.andi %add3A_133, %and3A_135 : vector<16xi32>
    %add3A_137 = arith.constant 10 : i32
    %add3A_138 = vector.broadcast %add3A_137 : i32 to vector<16xi32>
    %add3A_139 = arith.addi %iota3A, %add3A_138 : vector<16xi32>
    %and3A_140 = arith.constant 15 : i32
    %and3A_141 = vector.broadcast %and3A_140 : i32 to vector<16xi32>
    %and3A_142 = arith.andi %add3A_139, %and3A_141 : vector<16xi32>
    %add3A_143 = arith.constant 11 : i32
    %add3A_144 = vector.broadcast %add3A_143 : i32 to vector<16xi32>
    %add3A_145 = arith.addi %iota3A, %add3A_144 : vector<16xi32>
    %and3A_146 = arith.constant 15 : i32
    %and3A_147 = vector.broadcast %and3A_146 : i32 to vector<16xi32>
    %and3A_148 = arith.andi %add3A_145, %and3A_147 : vector<16xi32>
    %add3A_149 = arith.constant 12 : i32
    %add3A_150 = vector.broadcast %add3A_149 : i32 to vector<16xi32>
    %add3A_151 = arith.addi %iota3A, %add3A_150 : vector<16xi32>
    %and3A_152 = arith.constant 15 : i32
    %and3A_153 = vector.broadcast %and3A_152 : i32 to vector<16xi32>
    %and3A_154 = arith.andi %add3A_151, %and3A_153 : vector<16xi32>
    %add3A_155 = arith.constant 13 : i32
    %add3A_156 = vector.broadcast %add3A_155 : i32 to vector<16xi32>
    %add3A_157 = arith.addi %iota3A, %add3A_156 : vector<16xi32>
    %and3A_158 = arith.constant 15 : i32
    %and3A_159 = vector.broadcast %and3A_158 : i32 to vector<16xi32>
    %and3A_160 = arith.andi %add3A_157, %and3A_159 : vector<16xi32>
    %add3A_161 = arith.constant 14 : i32
    %add3A_162 = vector.broadcast %add3A_161 : i32 to vector<16xi32>
    %add3A_163 = arith.addi %iota3A, %add3A_162 : vector<16xi32>
    %and3A_164 = arith.constant 15 : i32
    %and3A_165 = vector.broadcast %and3A_164 : i32 to vector<16xi32>
    %and3A_166 = arith.andi %add3A_163, %and3A_165 : vector<16xi32>
    %add3A_167 = arith.constant 15 : i32
    %add3A_168 = vector.broadcast %add3A_167 : i32 to vector<16xi32>
    %add3A_169 = arith.addi %iota3A, %add3A_168 : vector<16xi32>
    %and3A_170 = arith.constant 15 : i32
    %and3A_171 = vector.broadcast %and3A_170 : i32 to vector<16xi32>
    %and3A_172 = arith.andi %add3A_169, %and3A_171 : vector<16xi32>
    %add3A_173 = arith.constant 0 : i32
    %add3A_174 = arith.addi %add3A_73, %add3A_173 : i32
    %mul3A_175 = arith.constant 32 : i32
    %mul3A_176 = arith.muli %add3A_174, %mul3A_175 : i32
    %dma_start3A = arith.constant 0 : i32
    %dma_start3A_177 = arith.constant 0 : i32
    %dma_start3A_178 = tpu.memref_slice %arg17[%dma_start3A, %dma_start3A_177] : memref<2x32xi32, #tpu.memory_space<vmem>> -> memref<1x32xi32, #tpu.memory_space<vmem>>
    %dma_start3A_179 = tpu.memref_squeeze %dma_start3A_178 : memref<1x32xi32, #tpu.memory_space<vmem>> -> memref<32xi32, #tpu.memory_space<vmem>>
    %dma_start3A_180 = tpu.memref_slice %arg5[%mul3A_176] : memref<320000xi32, #tpu.memory_space<hbm>> -> memref<32xi32, #tpu.memory_space<hbm>>
    %dma_start3A_181 = arith.constant 0 : i32
    %dma_start3A_182 = tpu.memref_slice %arg17[%dma_start3A, %dma_start3A_181] : memref<2x32xi32, #tpu.memory_space<vmem>> -> memref<1x32xi32, #tpu.memory_space<vmem>>
    %dma_start3A_183 = tpu.memref_squeeze %dma_start3A_182 : memref<1x32xi32, #tpu.memory_space<vmem>> -> memref<32xi32, #tpu.memory_space<vmem>>
    %dma_start3A_184 = tpu.memref_slice %arg5[%mul3A_176] : memref<320000xi32, #tpu.memory_space<hbm>> -> memref<32xi32, #tpu.memory_space<hbm>>
    tpu.enqueue_dma source(%dma_start3A_184 : memref<32xi32, #tpu.memory_space<hbm>>) target(%dma_start3A_183 : memref<32xi32, #tpu.memory_space<vmem>>) target_semaphore(%arg27 : memref<!tpu.dma_semaphore, #tpu.memory_space<semaphore_mem>>)
    %dma_start3A_185 = arith.constant 0 : i32
    %dma_start3A_186 = arith.constant 0 : i32
    %dma_start3A_187 = tpu.memref_slice %arg18[%dma_start3A_185, %dma_start3A_186] : memref<2x32xi32, #tpu.memory_space<vmem>> -> memref<1x32xi32, #tpu.memory_space<vmem>>
    %dma_start3A_188 = tpu.memref_squeeze %dma_start3A_187 : memref<1x32xi32, #tpu.memory_space<vmem>> -> memref<32xi32, #tpu.memory_space<vmem>>
    %dma_start3A_189 = tpu.memref_slice %arg6[%mul3A_176] : memref<320000xi32, #tpu.memory_space<hbm>> -> memref<32xi32, #tpu.memory_space<hbm>>
    %dma_start3A_190 = arith.constant 0 : i32
    %dma_start3A_191 = tpu.memref_slice %arg18[%dma_start3A_185, %dma_start3A_190] : memref<2x32xi32, #tpu.memory_space<vmem>> -> memref<1x32xi32, #tpu.memory_space<vmem>>
    %dma_start3A_192 = tpu.memref_squeeze %dma_start3A_191 : memref<1x32xi32, #tpu.memory_space<vmem>> -> memref<32xi32, #tpu.memory_space<vmem>>
    %dma_start3A_193 = tpu.memref_slice %arg6[%mul3A_176] : memref<320000xi32, #tpu.memory_space<hbm>> -> memref<32xi32, #tpu.memory_space<hbm>>
    tpu.enqueue_dma source(%dma_start3A_193 : memref<32xi32, #tpu.memory_space<hbm>>) target(%dma_start3A_192 : memref<32xi32, #tpu.memory_space<vmem>>) target_semaphore(%arg27 : memref<!tpu.dma_semaphore, #tpu.memory_space<semaphore_mem>>)
    %dma_start3A_194 = arith.constant 0 : i32
    %dma_start3A_195 = arith.constant 0 : i32
    %dma_start3A_196 = tpu.memref_slice %arg23[%dma_start3A_194, %dma_start3A_195] : memref<2x32xf32, #tpu.memory_space<vmem>> -> memref<1x32xf32, #tpu.memory_space<vmem>>
    %dma_start3A_197 = tpu.memref_squeeze %dma_start3A_196 : memref<1x32xf32, #tpu.memory_space<vmem>> -> memref<32xf32, #tpu.memory_space<vmem>>
    %dma_start3A_198 = tpu.memref_slice %arg7[%mul3A_176] : memref<320000xf32, #tpu.memory_space<hbm>> -> memref<32xf32, #tpu.memory_space<hbm>>
    %dma_start3A_199 = arith.constant 0 : i32
    %dma_start3A_200 = tpu.memref_slice %arg23[%dma_start3A_194, %dma_start3A_199] : memref<2x32xf32, #tpu.memory_space<vmem>> -> memref<1x32xf32, #tpu.memory_space<vmem>>
    %dma_start3A_201 = tpu.memref_squeeze %dma_start3A_200 : memref<1x32xf32, #tpu.memory_space<vmem>> -> memref<32xf32, #tpu.memory_space<vmem>>
    %dma_start3A_202 = tpu.memref_slice %arg7[%mul3A_176] : memref<320000xf32, #tpu.memory_space<hbm>> -> memref<32xf32, #tpu.memory_space<hbm>>
    tpu.enqueue_dma source(%dma_start3A_202 : memref<32xf32, #tpu.memory_space<hbm>>) target(%dma_start3A_201 : memref<32xf32, #tpu.memory_space<vmem>>) target_semaphore(%arg27 : memref<!tpu.dma_semaphore, #tpu.memory_space<semaphore_mem>>)
    %dma_wait3A = arith.constant 0 : i32
    %dma_wait3A_203 = arith.constant 0 : i32
    %dma_wait3A_204 = tpu.memref_slice %arg17[%dma_wait3A, %dma_wait3A_203] : memref<2x32xi32, #tpu.memory_space<vmem>> -> memref<1x32xi32, #tpu.memory_space<vmem>>
    %dma_wait3A_205 = tpu.memref_squeeze %dma_wait3A_204 : memref<1x32xi32, #tpu.memory_space<vmem>> -> memref<32xi32, #tpu.memory_space<vmem>>
    %dma_wait3A_206 = arith.constant 0 : i32
    %dma_wait3A_207 = tpu.memref_slice %arg5[%dma_wait3A_206] : memref<320000xi32, #tpu.memory_space<hbm>> -> memref<32xi32, #tpu.memory_space<hbm>>
    %dma_wait3A_208 = arith.constant 0 : i32
    %dma_wait3A_209 = tpu.memref_slice %arg17[%dma_wait3A, %dma_wait3A_208] : memref<2x32xi32, #tpu.memory_space<vmem>> -> memref<1x32xi32, #tpu.memory_space<vmem>>
    %dma_wait3A_210 = tpu.memref_squeeze %dma_wait3A_209 : memref<1x32xi32, #tpu.memory_space<vmem>> -> memref<32xi32, #tpu.memory_space<vmem>>
    %dma_wait3A_211 = arith.constant 0 : i32
    %dma_wait3A_212 = tpu.memref_slice %arg5[%dma_wait3A_211] : memref<320000xi32, #tpu.memory_space<hbm>> -> memref<32xi32, #tpu.memory_space<hbm>>
    tpu.wait_dma2 semaphore(%arg27 : memref<!tpu.dma_semaphore, #tpu.memory_space<semaphore_mem>>) src(%dma_wait3A_212 : memref<32xi32, #tpu.memory_space<hbm>>) dst(%dma_wait3A_210 : memref<32xi32, #tpu.memory_space<vmem>>)
    %dma_wait3A_213 = arith.constant 0 : i32
    %dma_wait3A_214 = arith.constant 0 : i32
    %dma_wait3A_215 = tpu.memref_slice %arg18[%dma_wait3A_213, %dma_wait3A_214] : memref<2x32xi32, #tpu.memory_space<vmem>> -> memref<1x32xi32, #tpu.memory_space<vmem>>
    %dma_wait3A_216 = tpu.memref_squeeze %dma_wait3A_215 : memref<1x32xi32, #tpu.memory_space<vmem>> -> memref<32xi32, #tpu.memory_space<vmem>>
    %dma_wait3A_217 = arith.constant 0 : i32
    %dma_wait3A_218 = tpu.memref_slice %arg6[%dma_wait3A_217] : memref<320000xi32, #tpu.memory_space<hbm>> -> memref<32xi32, #tpu.memory_space<hbm>>
    %dma_wait3A_219 = arith.constant 0 : i32
    %dma_wait3A_220 = tpu.memref_slice %arg18[%dma_wait3A_213, %dma_wait3A_219] : memref<2x32xi32, #tpu.memory_space<vmem>> -> memref<1x32xi32, #tpu.memory_space<vmem>>
    %dma_wait3A_221 = tpu.memref_squeeze %dma_wait3A_220 : memref<1x32xi32, #tpu.memory_space<vmem>> -> memref<32xi32, #tpu.memory_space<vmem>>
    %dma_wait3A_222 = arith.constant 0 : i32
    %dma_wait3A_223 = tpu.memref_slice %arg6[%dma_wait3A_222] : memref<320000xi32, #tpu.memory_space<hbm>> -> memref<32xi32, #tpu.memory_space<hbm>>
    tpu.wait_dma2 semaphore(%arg27 : memref<!tpu.dma_semaphore, #tpu.memory_space<semaphore_mem>>) src(%dma_wait3A_223 : memref<32xi32, #tpu.memory_space<hbm>>) dst(%dma_wait3A_221 : memref<32xi32, #tpu.memory_space<vmem>>)
    %dma_wait3A_224 = arith.constant 0 : i32
    %dma_wait3A_225 = arith.constant 0 : i32
    %dma_wait3A_226 = tpu.memref_slice %arg23[%dma_wait3A_224, %dma_wait3A_225] : memref<2x32xf32, #tpu.memory_space<vmem>> -> memref<1x32xf32, #tpu.memory_space<vmem>>
    %dma_wait3A_227 = tpu.memref_squeeze %dma_wait3A_226 : memref<1x32xf32, #tpu.memory_space<vmem>> -> memref<32xf32, #tpu.memory_space<vmem>>
    %dma_wait3A_228 = arith.constant 0 : i32
    %dma_wait3A_229 = tpu.memref_slice %arg7[%dma_wait3A_228] : memref<320000xf32, #tpu.memory_space<hbm>> -> memref<32xf32, #tpu.memory_space<hbm>>
    %dma_wait3A_230 = arith.constant 0 : i32
    %dma_wait3A_231 = tpu.memref_slice %arg23[%dma_wait3A_224, %dma_wait3A_230] : memref<2x32xf32, #tpu.memory_space<vmem>> -> memref<1x32xf32, #tpu.memory_space<vmem>>
    %dma_wait3A_232 = tpu.memref_squeeze %dma_wait3A_231 : memref<1x32xf32, #tpu.memory_space<vmem>> -> memref<32xf32, #tpu.memory_space<vmem>>
    %dma_wait3A_233 = arith.constant 0 : i32
    %dma_wait3A_234 = tpu.memref_slice %arg7[%dma_wait3A_233] : memref<320000xf32, #tpu.memory_space<hbm>> -> memref<32xf32, #tpu.memory_space<hbm>>
    tpu.wait_dma2 semaphore(%arg27 : memref<!tpu.dma_semaphore, #tpu.memory_space<semaphore_mem>>) src(%dma_wait3A_234 : memref<32xf32, #tpu.memory_space<hbm>>) dst(%dma_wait3A_232 : memref<32xf32, #tpu.memory_space<vmem>>)
    %dma_start3A_235 = arith.constant 0 : i32
    %dma_start3A_236 = arith.constant 0 : i32
    %dma_start3A_237 = arith.constant 0 : i32
    %dma_start3A_238 = arith.constant 0 : i32
    %dma_start3A_239 = tpu.memref_slice %arg13[%dma_start3A_236, %dma_start3A_237, %dma_start3A_238] : memref<2x32x128xf32, #tpu.memory_space<vmem>> -> memref<1x32x128xf32, #tpu.memory_space<vmem>>
    %dma_start3A_240 = tpu.memref_squeeze %dma_start3A_239 : memref<1x32x128xf32, #tpu.memory_space<vmem>> -> memref<32x128xf32, #tpu.memory_space<vmem>>
    %dma_start3A_241 = arith.constant 0 : i32
    %dma_start3A_242 = tpu.memref_slice %arg17[%dma_start3A_235, %dma_start3A_241] : memref<2x32xi32, #tpu.memory_space<vmem>> -> memref<1x32xi32, #tpu.memory_space<vmem>>
    %dma_start3A_243 = tpu.memref_squeeze %dma_start3A_242 : memref<1x32xi32, #tpu.memory_space<vmem>> -> memref<32xi32, #tpu.memory_space<vmem>>
    %dma_start3A_244 = arith.constant 0 : i32
    %dma_start3A_245 = arith.constant 0 : i32
    %dma_start3A_246 = tpu.memref_slice %arg2[%dma_start3A_244, %dma_start3A_245] : memref<10000x128xf32, #tpu.memory_space<hbm>> -> memref<10000x128xf32, #tpu.memory_space<hbm>>
    tpu.enqueue_indirect_dma source(%dma_start3A_246 : memref<10000x128xf32, #tpu.memory_space<hbm>>) target(%dma_start3A_240 : memref<32x128xf32, #tpu.memory_space<vmem>>) offsets(%dma_start3A_243 : memref<32xi32, #tpu.memory_space<vmem>>) semaphore(%arg25 : memref<!tpu.dma_semaphore, #tpu.memory_space<semaphore_mem>>)
    %dma_start3A_247 = arith.constant 0 : i32
    %dma_start3A_248 = arith.constant 0 : i32
    %dma_start3A_249 = arith.constant 0 : i32
    %dma_start3A_250 = arith.constant 0 : i32
    %dma_start3A_251 = tpu.memref_slice %arg14[%dma_start3A_248, %dma_start3A_249, %dma_start3A_250] : memref<2x32x128xf32, #tpu.memory_space<vmem>> -> memref<1x32x128xf32, #tpu.memory_space<vmem>>
    %dma_start3A_252 = tpu.memref_squeeze %dma_start3A_251 : memref<1x32x128xf32, #tpu.memory_space<vmem>> -> memref<32x128xf32, #tpu.memory_space<vmem>>
    %dma_start3A_253 = arith.constant 0 : i32
    %dma_start3A_254 = tpu.memref_slice %arg17[%dma_start3A_247, %dma_start3A_253] : memref<2x32xi32, #tpu.memory_space<vmem>> -> memref<1x32xi32, #tpu.memory_space<vmem>>
    %dma_start3A_255 = tpu.memref_squeeze %dma_start3A_254 : memref<1x32xi32, #tpu.memory_space<vmem>> -> memref<32xi32, #tpu.memory_space<vmem>>
    %dma_start3A_256 = arith.constant 0 : i32
    %dma_start3A_257 = arith.constant 0 : i32
    %dma_start3A_258 = tpu.memref_slice %arg3[%dma_start3A_256, %dma_start3A_257] : memref<10000x128xf32, #tpu.memory_space<hbm>> -> memref<10000x128xf32, #tpu.memory_space<hbm>>
    tpu.enqueue_indirect_dma source(%dma_start3A_258 : memref<10000x128xf32, #tpu.memory_space<hbm>>) target(%dma_start3A_252 : memref<32x128xf32, #tpu.memory_space<vmem>>) offsets(%dma_start3A_255 : memref<32xi32, #tpu.memory_space<vmem>>) semaphore(%arg25 : memref<!tpu.dma_semaphore, #tpu.memory_space<semaphore_mem>>)
    %dma_start3A_259 = arith.constant 0 : i32
    %dma_start3A_260 = arith.constant 0 : i32
    %dma_start3A_261 = arith.constant 0 : i32
    %dma_start3A_262 = arith.constant 0 : i32
    %dma_start3A_263 = tpu.memref_slice %arg15[%dma_start3A_260, %dma_start3A_261, %dma_start3A_262] : memref<2x32x128xf32, #tpu.memory_space<vmem>> -> memref<1x32x128xf32, #tpu.memory_space<vmem>>
    %dma_start3A_264 = tpu.memref_squeeze %dma_start3A_263 : memref<1x32x128xf32, #tpu.memory_space<vmem>> -> memref<32x128xf32, #tpu.memory_space<vmem>>
    %dma_start3A_265 = arith.constant 0 : i32
    %dma_start3A_266 = tpu.memref_slice %arg18[%dma_start3A_259, %dma_start3A_265] : memref<2x32xi32, #tpu.memory_space<vmem>> -> memref<1x32xi32, #tpu.memory_space<vmem>>
    %dma_start3A_267 = tpu.memref_squeeze %dma_start3A_266 : memref<1x32xi32, #tpu.memory_space<vmem>> -> memref<32xi32, #tpu.memory_space<vmem>>
    %dma_start3A_268 = arith.constant 0 : i32
    %dma_start3A_269 = arith.constant 0 : i32
    %dma_start3A_270 = tpu.memref_slice %arg4[%dma_start3A_268, %dma_start3A_269] : memref<10000x128xf32, #tpu.memory_space<hbm>> -> memref<10000x128xf32, #tpu.memory_space<hbm>>
    tpu.enqueue_indirect_dma source(%dma_start3A_270 : memref<10000x128xf32, #tpu.memory_space<hbm>>) target(%dma_start3A_264 : memref<32x128xf32, #tpu.memory_space<vmem>>) offsets(%dma_start3A_267 : memref<32xi32, #tpu.memory_space<vmem>>) semaphore(%arg25 : memref<!tpu.dma_semaphore, #tpu.memory_space<semaphore_mem>>)
    %add3A_271 = arith.constant 1 : i32
    %add3A_272 = arith.addi %add3A_73, %add3A_271 : i32
    %mul3A_273 = arith.constant 32 : i32
    %mul3A_274 = arith.muli %add3A_272, %mul3A_273 : i32
    %dma_start3A_275 = arith.constant 1 : i32
    %dma_start3A_276 = arith.constant 0 : i32
    %dma_start3A_277 = tpu.memref_slice %arg17[%dma_start3A_275, %dma_start3A_276] : memref<2x32xi32, #tpu.memory_space<vmem>> -> memref<1x32xi32, #tpu.memory_space<vmem>>
    %dma_start3A_278 = tpu.memref_squeeze %dma_start3A_277 : memref<1x32xi32, #tpu.memory_space<vmem>> -> memref<32xi32, #tpu.memory_space<vmem>>
    %dma_start3A_279 = tpu.memref_slice %arg5[%mul3A_274] : memref<320000xi32, #tpu.memory_space<hbm>> -> memref<32xi32, #tpu.memory_space<hbm>>
    %dma_start3A_280 = arith.constant 0 : i32
    %dma_start3A_281 = tpu.memref_slice %arg17[%dma_start3A_275, %dma_start3A_280] : memref<2x32xi32, #tpu.memory_space<vmem>> -> memref<1x32xi32, #tpu.memory_space<vmem>>
    %dma_start3A_282 = tpu.memref_squeeze %dma_start3A_281 : memref<1x32xi32, #tpu.memory_space<vmem>> -> memref<32xi32, #tpu.memory_space<vmem>>
    %dma_start3A_283 = tpu.memref_slice %arg5[%mul3A_274] : memref<320000xi32, #tpu.memory_space<hbm>> -> memref<32xi32, #tpu.memory_space<hbm>>
    tpu.enqueue_dma source(%dma_start3A_283 : memref<32xi32, #tpu.memory_space<hbm>>) target(%dma_start3A_282 : memref<32xi32, #tpu.memory_space<vmem>>) target_semaphore(%arg28 : memref<!tpu.dma_semaphore, #tpu.memory_space<semaphore_mem>>)
    %dma_start3A_284 = arith.constant 1 : i32
    %dma_start3A_285 = arith.constant 0 : i32
    %dma_start3A_286 = tpu.memref_slice %arg18[%dma_start3A_284, %dma_start3A_285] : memref<2x32xi32, #tpu.memory_space<vmem>> -> memref<1x32xi32, #tpu.memory_space<vmem>>
    %dma_start3A_287 = tpu.memref_squeeze %dma_start3A_286 : memref<1x32xi32, #tpu.memory_space<vmem>> -> memref<32xi32, #tpu.memory_space<vmem>>
    %dma_start3A_288 = tpu.memref_slice %arg6[%mul3A_274] : memref<320000xi32, #tpu.memory_space<hbm>> -> memref<32xi32, #tpu.memory_space<hbm>>
    %dma_start3A_289 = arith.constant 0 : i32
    %dma_start3A_290 = tpu.memref_slice %arg18[%dma_start3A_284, %dma_start3A_289] : memref<2x32xi32, #tpu.memory_space<vmem>> -> memref<1x32xi32, #tpu.memory_space<vmem>>
    %dma_start3A_291 = tpu.memref_squeeze %dma_start3A_290 : memref<1x32xi32, #tpu.memory_space<vmem>> -> memref<32xi32, #tpu.memory_space<vmem>>
    %dma_start3A_292 = tpu.memref_slice %arg6[%mul3A_274] : memref<320000xi32, #tpu.memory_space<hbm>> -> memref<32xi32, #tpu.memory_space<hbm>>
    tpu.enqueue_dma source(%dma_start3A_292 : memref<32xi32, #tpu.memory_space<hbm>>) target(%dma_start3A_291 : memref<32xi32, #tpu.memory_space<vmem>>) target_semaphore(%arg28 : memref<!tpu.dma_semaphore, #tpu.memory_space<semaphore_mem>>)
    %dma_start3A_293 = arith.constant 1 : i32
    %dma_start3A_294 = arith.constant 0 : i32
    %dma_start3A_295 = tpu.memref_slice %arg23[%dma_start3A_293, %dma_start3A_294] : memref<2x32xf32, #tpu.memory_space<vmem>> -> memref<1x32xf32, #tpu.memory_space<vmem>>
    %dma_start3A_296 = tpu.memref_squeeze %dma_start3A_295 : memref<1x32xf32, #tpu.memory_space<vmem>> -> memref<32xf32, #tpu.memory_space<vmem>>
    %dma_start3A_297 = tpu.memref_slice %arg7[%mul3A_274] : memref<320000xf32, #tpu.memory_space<hbm>> -> memref<32xf32, #tpu.memory_space<hbm>>
    %dma_start3A_298 = arith.constant 0 : i32
    %dma_start3A_299 = tpu.memref_slice %arg23[%dma_start3A_293, %dma_start3A_298] : memref<2x32xf32, #tpu.memory_space<vmem>> -> memref<1x32xf32, #tpu.memory_space<vmem>>
    %dma_start3A_300 = tpu.memref_squeeze %dma_start3A_299 : memref<1x32xf32, #tpu.memory_space<vmem>> -> memref<32xf32, #tpu.memory_space<vmem>>
    %dma_start3A_301 = tpu.memref_slice %arg7[%mul3A_274] : memref<320000xf32, #tpu.memory_space<hbm>> -> memref<32xf32, #tpu.memory_space<hbm>>
    tpu.enqueue_dma source(%dma_start3A_301 : memref<32xf32, #tpu.memory_space<hbm>>) target(%dma_start3A_300 : memref<32xf32, #tpu.memory_space<vmem>>) target_semaphore(%arg28 : memref<!tpu.dma_semaphore, #tpu.memory_space<semaphore_mem>>)
    %scan3A = arith.constant 0 : i32
    %scan3A_302 = arith.constant 0 : i32
    %scan3A_303 = arith.constant 157 : i32
    %scan3A_304 = arith.addi %scan3A_302, %scan3A_303 : i32
    %scan3A_305 = arith.constant 1 : i32
    scf.for %scan3A_308 = %scan3A_302 to %scan3A_304 step %scan3A_305  : i32 {
      %mul3A_309 = arith.constant 2 : i32
      %mul3A_310 = arith.muli %mul3A_309, %scan3A_308 : i32
      %ge3A = arith.constant 1 : i32
      %ge3A_311 = arith.cmpi sge, %mul3A_310, %ge3A : i32
      %le3A = arith.cmpi sle, %mul3A_310, %add3A_77 : i32
      %and3A_312 = arith.andi %ge3A_311, %le3A : i1
      %convert_element_type3A = arith.extui %and3A_312 : i1 to i32
      %cond3A = arith.constant 0 : i32
      %cond3A_313 = arith.cmpi ne, %convert_element_type3A, %cond3A : i32
      scf.if %cond3A_313 {
        %dma_wait3A_368 = arith.constant 1 : i32
        %dma_wait3A_369 = arith.constant 0 : i32
        %dma_wait3A_370 = arith.constant 0 : i32
        %dma_wait3A_371 = tpu.memref_slice %arg14[%dma_wait3A_368, %dma_wait3A_369, %dma_wait3A_370] : memref<2x32x128xf32, #tpu.memory_space<vmem>> -> memref<1x32x128xf32, #tpu.memory_space<vmem>>
        %dma_wait3A_372 = tpu.memref_squeeze %dma_wait3A_371 : memref<1x32x128xf32, #tpu.memory_space<vmem>> -> memref<32x128xf32, #tpu.memory_space<vmem>>
        %dma_wait3A_373 = arith.constant 0 : i32
        %dma_wait3A_374 = arith.constant 0 : i32
        %dma_wait3A_375 = tpu.memref_slice %arg11[%dma_wait3A_373, %dma_wait3A_374] : memref<10112x128xf32, #tpu.memory_space<vmem_shared>> -> memref<32x128xf32, #tpu.memory_space<vmem_shared>>
        %dma_wait3A_376 = arith.constant 0 : i32
        %dma_wait3A_377 = arith.constant 0 : i32
        %dma_wait3A_378 = tpu.memref_slice %arg11[%dma_wait3A_376, %dma_wait3A_377] : memref<10112x128xf32, #tpu.memory_space<vmem_shared>> -> memref<32x128xf32, #tpu.memory_space<vmem_shared>>
        %dma_wait3A_379 = arith.constant 0 : i32
        %dma_wait3A_380 = arith.constant 0 : i32
        %dma_wait3A_381 = tpu.memref_slice %arg14[%dma_wait3A_368, %dma_wait3A_379, %dma_wait3A_380] : memref<2x32x128xf32, #tpu.memory_space<vmem>> -> memref<1x32x128xf32, #tpu.memory_space<vmem>>
        %dma_wait3A_382 = tpu.memref_squeeze %dma_wait3A_381 : memref<1x32x128xf32, #tpu.memory_space<vmem>> -> memref<32x128xf32, #tpu.memory_space<vmem>>
        tpu.wait_dma2 semaphore(%arg30 : memref<!tpu.dma_semaphore, #tpu.memory_space<semaphore_mem>>) src(%dma_wait3A_382 : memref<32x128xf32, #tpu.memory_space<vmem>>) dst(%dma_wait3A_378 : memref<32x128xf32, #tpu.memory_space<vmem_shared>>)
        %dma_wait3A_383 = arith.constant 1 : i32
        %dma_wait3A_384 = arith.constant 0 : i32
        %dma_wait3A_385 = arith.constant 0 : i32
        %dma_wait3A_386 = tpu.memref_slice %arg16[%dma_wait3A_383, %dma_wait3A_384, %dma_wait3A_385] : memref<2x32x128xf32, #tpu.memory_space<vmem>> -> memref<1x32x128xf32, #tpu.memory_space<vmem>>
        %dma_wait3A_387 = tpu.memref_squeeze %dma_wait3A_386 : memref<1x32x128xf32, #tpu.memory_space<vmem>> -> memref<32x128xf32, #tpu.memory_space<vmem>>
        %dma_wait3A_388 = arith.constant 0 : i32
        %dma_wait3A_389 = arith.constant 0 : i32
        %dma_wait3A_390 = tpu.memref_slice %arg12[%dma_wait3A_388, %dma_wait3A_389] : memref<1280x128xf32, #tpu.memory_space<vmem_shared>> -> memref<32x128xf32, #tpu.memory_space<vmem_shared>>
        %dma_wait3A_391 = arith.constant 0 : i32
        %dma_wait3A_392 = arith.constant 0 : i32
        %dma_wait3A_393 = tpu.memref_slice %arg12[%dma_wait3A_391, %dma_wait3A_392] : memref<1280x128xf32, #tpu.memory_space<vmem_shared>> -> memref<32x128xf32, #tpu.memory_space<vmem_shared>>
        %dma_wait3A_394 = arith.constant 0 : i32
        %dma_wait3A_395 = arith.constant 0 : i32
        %dma_wait3A_396 = tpu.memref_slice %arg16[%dma_wait3A_383, %dma_wait3A_394, %dma_wait3A_395] : memref<2x32x128xf32, #tpu.memory_space<vmem>> -> memref<1x32x128xf32, #tpu.memory_space<vmem>>
        %dma_wait3A_397 = tpu.memref_squeeze %dma_wait3A_396 : memref<1x32x128xf32, #tpu.memory_space<vmem>> -> memref<32x128xf32, #tpu.memory_space<vmem>>
        tpu.wait_dma2 semaphore(%arg30 : memref<!tpu.dma_semaphore, #tpu.memory_space<semaphore_mem>>) src(%dma_wait3A_397 : memref<32x128xf32, #tpu.memory_space<vmem>>) dst(%dma_wait3A_393 : memref<32x128xf32, #tpu.memory_space<vmem_shared>>)
        %scan3A_398 = arith.constant 0 : i32
        %scan3A_399 = arith.constant 0 : i32
        %scan3A_400 = arith.constant 32 : i32
        %scan3A_401 = arith.addi %scan3A_399, %scan3A_400 : i32
        %scan3A_402 = arith.constant 1 : i32
        scf.for %scan3A_404 = %scan3A_399 to %scan3A_401 step %scan3A_402  : i32 {
          %get3A = arith.constant 1 : i32
          %get3A_405 = arith.index_cast %get3A : i32 to index
          %get3A_406 = arith.index_cast %scan3A_404 : i32 to index
          %get3A_407 = tpu.vector_load %arg22[%get3A_405, %get3A_406] {strides = array<i32>} : memref<2x48xi32, #tpu.memory_space<vmem>>, vector<16xi32>,
          %slice3A = vector.extract_strided_slice %get3A_407 {offsets = [0], sizes = [1], strides = [1]} : vector<16xi32> to vector<1xi32>
          %squeeze3A = vector.extract %slice3A[0] : i32 from vector<1xi32>
          %mul3A_408 = arith.constant 16 : i32
          %mul3A_409 = arith.muli %squeeze3A, %mul3A_408 : i32
          %swap3A_410 = arith.constant 1 : i32
          %swap3A_411 = arith.index_cast %swap3A_410 : i32 to index
          %swap3A_412 = arith.index_cast %scan3A_404 : i32 to index
          %swap3A_413 = arith.index_cast %mul3A_409 : i32 to index
          %swap3A_414 = tpu.vector_load %arg16[%swap3A_411, %swap3A_412, %swap3A_413] {strides = array<i32>} : memref<2x32x128xf32, #tpu.memory_space<vmem>>, vector<16xf32>,
          tpu.vector_store %arg16[%swap3A_411, %swap3A_412, %swap3A_413], %broadcast_in_dim3A_6 {strides = array<i32>} : memref<2x32x128xf32, #tpu.memory_space<vmem>>, vector<16xf32>,
        }
        %scan3A_403 = arith.constant 32 : i32
      } else {
      }
      %add3A_314 = arith.constant 1 : i32
      %add3A_315 = arith.addi %mul3A_310, %add3A_314 : i32
      %sub3A = arith.constant 1 : i32
      %sub3A_316 = arith.subi %add3A_77, %sub3A : i32
      %le3A_317 = arith.cmpi sle, %add3A_315, %sub3A_316 : i32
      %convert_element_type3A_318 = arith.extui %le3A_317 : i1 to i32
      %cond3A_319 = arith.constant 0 : i32
      %cond3A_320 = arith.cmpi ne, %convert_element_type3A_318, %cond3A_319 : i32
      scf.if %cond3A_320 {
        %dma_wait3A_368 = arith.constant 1 : i32
        %dma_wait3A_369 = arith.constant 0 : i32
        %dma_wait3A_370 = tpu.memref_slice %arg17[%dma_wait3A_368, %dma_wait3A_369] : memref<2x32xi32, #tpu.memory_space<vmem>> -> memref<1x32xi32, #tpu.memory_space<vmem>>
        %dma_wait3A_371 = tpu.memref_squeeze %dma_wait3A_370 : memref<1x32xi32, #tpu.memory_space<vmem>> -> memref<32xi32, #tpu.memory_space<vmem>>
        %dma_wait3A_372 = arith.constant 0 : i32
        %dma_wait3A_373 = tpu.memref_slice %arg5[%dma_wait3A_372] : memref<320000xi32, #tpu.memory_space<hbm>> -> memref<32xi32, #tpu.memory_space<hbm>>
        %dma_wait3A_374 = arith.constant 0 : i32
        %dma_wait3A_375 = tpu.memref_slice %arg17[%dma_wait3A_368, %dma_wait3A_374] : memref<2x32xi32, #tpu.memory_space<vmem>> -> memref<1x32xi32, #tpu.memory_space<vmem>>
        %dma_wait3A_376 = tpu.memref_squeeze %dma_wait3A_375 : memref<1x32xi32, #tpu.memory_space<vmem>> -> memref<32xi32, #tpu.memory_space<vmem>>
        %dma_wait3A_377 = arith.constant 0 : i32
        %dma_wait3A_378 = tpu.memref_slice %arg5[%dma_wait3A_377] : memref<320000xi32, #tpu.memory_space<hbm>> -> memref<32xi32, #tpu.memory_space<hbm>>
        tpu.wait_dma2 semaphore(%arg28 : memref<!tpu.dma_semaphore, #tpu.memory_space<semaphore_mem>>) src(%dma_wait3A_378 : memref<32xi32, #tpu.memory_space<hbm>>) dst(%dma_wait3A_376 : memref<32xi32, #tpu.memory_space<vmem>>)
        %dma_wait3A_379 = arith.constant 1 : i32
        %dma_wait3A_380 = arith.constant 0 : i32
        %dma_wait3A_381 = tpu.memref_slice %arg18[%dma_wait3A_379, %dma_wait3A_380] : memref<2x32xi32, #tpu.memory_space<vmem>> -> memref<1x32xi32, #tpu.memory_space<vmem>>
        %dma_wait3A_382 = tpu.memref_squeeze %dma_wait3A_381 : memref<1x32xi32, #tpu.memory_space<vmem>> -> memref<32xi32, #tpu.memory_space<vmem>>
        %dma_wait3A_383 = arith.constant 0 : i32
        %dma_wait3A_384 = tpu.memref_slice %arg6[%dma_wait3A_383] : memref<320000xi32, #tpu.memory_space<hbm>> -> memref<32xi32, #tpu.memory_space<hbm>>
        %dma_wait3A_385 = arith.constant 0 : i32
        %dma_wait3A_386 = tpu.memref_slice %arg18[%dma_wait3A_379, %dma_wait3A_385] : memref<2x32xi32, #tpu.memory_space<vmem>> -> memref<1x32xi32, #tpu.memory_space<vmem>>
        %dma_wait3A_387 = tpu.memref_squeeze %dma_wait3A_386 : memref<1x32xi32, #tpu.memory_space<vmem>> -> memref<32xi32, #tpu.memory_space<vmem>>
        %dma_wait3A_388 = arith.constant 0 : i32
        %dma_wait3A_389 = tpu.memref_slice %arg6[%dma_wait3A_388] : memref<320000xi32, #tpu.memory_space<hbm>> -> memref<32xi32, #tpu.memory_space<hbm>>
        tpu.wait_dma2 semaphore(%arg28 : memref<!tpu.dma_semaphore, #tpu.memory_space<semaphore_mem>>) src(%dma_wait3A_389 : memref<32xi32, #tpu.memory_space<hbm>>) dst(%dma_wait3A_387 : memref<32xi32, #tpu.memory_space<vmem>>)
        %dma_wait3A_390 = arith.constant 1 : i32
        %dma_wait3A_391 = arith.constant 0 : i32
        %dma_wait3A_392 = tpu.memref_slice %arg23[%dma_wait3A_390, %dma_wait3A_391] : memref<2x32xf32, #tpu.memory_space<vmem>> -> memref<1x32xf32, #tpu.memory_space<vmem>>
        %dma_wait3A_393 = tpu.memref_squeeze %dma_wait3A_392 : memref<1x32xf32, #tpu.memory_space<vmem>> -> memref<32xf32, #tpu.memory_space<vmem>>
        %dma_wait3A_394 = arith.constant 0 : i32
        %dma_wait3A_395 = tpu.memref_slice %arg7[%dma_wait3A_394] : memref<320000xf32, #tpu.memory_space<hbm>> -> memref<32xf32, #tpu.memory_space<hbm>>
        %dma_wait3A_396 = arith.constant 0 : i32
        %dma_wait3A_397 = tpu.memref_slice %arg23[%dma_wait3A_390, %dma_wait3A_396] : memref<2x32xf32, #tpu.memory_space<vmem>> -> memref<1x32xf32, #tpu.memory_space<vmem>>
        %dma_wait3A_398 = tpu.memref_squeeze %dma_wait3A_397 : memref<1x32xf32, #tpu.memory_space<vmem>> -> memref<32xf32, #tpu.memory_space<vmem>>
        %dma_wait3A_399 = arith.constant 0 : i32
        %dma_wait3A_400 = tpu.memref_slice %arg7[%dma_wait3A_399] : memref<320000xf32, #tpu.memory_space<hbm>> -> memref<32xf32, #tpu.memory_space<hbm>>
        tpu.wait_dma2 semaphore(%arg28 : memref<!tpu.dma_semaphore, #tpu.memory_space<semaphore_mem>>) src(%dma_wait3A_400 : memref<32xf32, #tpu.memory_space<hbm>>) dst(%dma_wait3A_398 : memref<32xf32, #tpu.memory_space<vmem>>)
        %dma_start3A_401 = arith.constant 1 : i32
        %dma_start3A_402 = arith.constant 1 : i32
        %dma_start3A_403 = arith.constant 0 : i32
        %dma_start3A_404 = arith.constant 0 : i32
        %dma_start3A_405 = tpu.memref_slice %arg13[%dma_start3A_402, %dma_start3A_403, %dma_start3A_404] : memref<2x32x128xf32, #tpu.memory_space<vmem>> -> memref<1x32x128xf32, #tpu.memory_space<vmem>>
        %dma_start3A_406 = tpu.memref_squeeze %dma_start3A_405 : memref<1x32x128xf32, #tpu.memory_space<vmem>> -> memref<32x128xf32, #tpu.memory_space<vmem>>
        %dma_start3A_407 = arith.constant 0 : i32
        %dma_start3A_408 = tpu.memref_slice %arg17[%dma_start3A_401, %dma_start3A_407] : memref<2x32xi32, #tpu.memory_space<vmem>> -> memref<1x32xi32, #tpu.memory_space<vmem>>
        %dma_start3A_409 = tpu.memref_squeeze %dma_start3A_408 : memref<1x32xi32, #tpu.memory_space<vmem>> -> memref<32xi32, #tpu.memory_space<vmem>>
        %dma_start3A_410 = arith.constant 0 : i32
        %dma_start3A_411 = arith.constant 0 : i32
        %dma_start3A_412 = tpu.memref_slice %arg2[%dma_start3A_410, %dma_start3A_411] : memref<10000x128xf32, #tpu.memory_space<hbm>> -> memref<10000x128xf32, #tpu.memory_space<hbm>>
        tpu.enqueue_indirect_dma source(%dma_start3A_412 : memref<10000x128xf32, #tpu.memory_space<hbm>>) target(%dma_start3A_406 : memref<32x128xf32, #tpu.memory_space<vmem>>) offsets(%dma_start3A_409 : memref<32xi32, #tpu.memory_space<vmem>>) semaphore(%arg26 : memref<!tpu.dma_semaphore, #tpu.memory_space<semaphore_mem>>)
        %dma_start3A_413 = arith.constant 1 : i32
        %dma_start3A_414 = arith.constant 1 : i32
        %dma_start3A_415 = arith.constant 0 : i32
        %dma_start3A_416 = arith.constant 0 : i32
        %dma_start3A_417 = tpu.memref_slice %arg14[%dma_start3A_414, %dma_start3A_415, %dma_start3A_416] : memref<2x32x128xf32, #tpu.memory_space<vmem>> -> memref<1x32x128xf32, #tpu.memory_space<vmem>>
        %dma_start3A_418 = tpu.memref_squeeze %dma_start3A_417 : memref<1x32x128xf32, #tpu.memory_space<vmem>> -> memref<32x128xf32, #tpu.memory_space<vmem>>
        %dma_start3A_419 = arith.constant 0 : i32
        %dma_start3A_420 = tpu.memref_slice %arg17[%dma_start3A_413, %dma_start3A_419] : memref<2x32xi32, #tpu.memory_space<vmem>> -> memref<1x32xi32, #tpu.memory_space<vmem>>
        %dma_start3A_421 = tpu.memref_squeeze %dma_start3A_420 : memref<1x32xi32, #tpu.memory_space<vmem>> -> memref<32xi32, #tpu.memory_space<vmem>>
        %dma_start3A_422 = arith.constant 0 : i32
        %dma_start3A_423 = arith.constant 0 : i32
        %dma_start3A_424 = tpu.memref_slice %arg3[%dma_start3A_422, %dma_start3A_423] : memref<10000x128xf32, #tpu.memory_space<hbm>> -> memref<10000x128xf32, #tpu.memory_space<hbm>>
        tpu.enqueue_indirect_dma source(%dma_start3A_424 : memref<10000x128xf32, #tpu.memory_space<hbm>>) target(%dma_start3A_418 : memref<32x128xf32, #tpu.memory_space<vmem>>) offsets(%dma_start3A_421 : memref<32xi32, #tpu.memory_space<vmem>>) semaphore(%arg26 : memref<!tpu.dma_semaphore, #tpu.memory_space<semaphore_mem>>)
        %dma_start3A_425 = arith.constant 1 : i32
        %dma_start3A_426 = arith.constant 1 : i32
        %dma_start3A_427 = arith.constant 0 : i32
        %dma_start3A_428 = arith.constant 0 : i32
        %dma_start3A_429 = tpu.memref_slice %arg15[%dma_start3A_426, %dma_start3A_427, %dma_start3A_428] : memref<2x32x128xf32, #tpu.memory_space<vmem>> -> memref<1x32x128xf32, #tpu.memory_space<vmem>>
        %dma_start3A_430 = tpu.memref_squeeze %dma_start3A_429 : memref<1x32x128xf32, #tpu.memory_space<vmem>> -> memref<32x128xf32, #tpu.memory_space<vmem>>
        %dma_start3A_431 = arith.constant 0 : i32
        %dma_start3A_432 = tpu.memref_slice %arg18[%dma_start3A_425, %dma_start3A_431] : memref<2x32xi32, #tpu.memory_space<vmem>> -> memref<1x32xi32, #tpu.memory_space<vmem>>
        %dma_start3A_433 = tpu.memref_squeeze %dma_start3A_432 : memref<1x32xi32, #tpu.memory_space<vmem>> -> memref<32xi32, #tpu.memory_space<vmem>>
        %dma_start3A_434 = arith.constant 0 : i32
        %dma_start3A_435 = arith.constant 0 : i32
        %dma_start3A_436 = tpu.memref_slice %arg4[%dma_start3A_434, %dma_start3A_435] : memref<10000x128xf32, #tpu.memory_space<hbm>> -> memref<10000x128xf32, #tpu.memory_space<hbm>>
        tpu.enqueue_indirect_dma source(%dma_start3A_436 : memref<10000x128xf32, #tpu.memory_space<hbm>>) target(%dma_start3A_430 : memref<32x128xf32, #tpu.memory_space<vmem>>) offsets(%dma_start3A_433 : memref<32xi32, #tpu.memory_space<vmem>>) semaphore(%arg26 : memref<!tpu.dma_semaphore, #tpu.memory_space<semaphore_mem>>)
      } else {
      }
      %sub3A_321 = arith.constant 1 : i32
      %sub3A_322 = arith.subi %add3A_77, %sub3A_321 : i32
      %le3A_323 = arith.cmpi sle, %mul3A_310, %sub3A_322 : i32
      %convert_element_type3A_324 = arith.extui %le3A_323 : i1 to i32
      %cond3A_325 = arith.constant 0 : i32
      %cond3A_326 = arith.cmpi ne, %convert_element_type3A_324, %cond3A_325 : i32
      scf.if %cond3A_326 {
        %dma_wait3A_368 = arith.constant 0 : i32
        %dma_wait3A_369 = arith.constant 0 : i32
        %dma_wait3A_370 = arith.constant 0 : i32
        %dma_wait3A_371 = tpu.memref_slice %arg13[%dma_wait3A_368, %dma_wait3A_369, %dma_wait3A_370] : memref<2x32x128xf32, #tpu.memory_space<vmem>> -> memref<1x32x128xf32, #tpu.memory_space<vmem>>
        %dma_wait3A_372 = tpu.memref_squeeze %dma_wait3A_371 : memref<1x32x128xf32, #tpu.memory_space<vmem>> -> memref<32x128xf32, #tpu.memory_space<vmem>>
        %dma_wait3A_373 = arith.constant 0 : i32
        %dma_wait3A_374 = arith.constant 0 : i32
        %dma_wait3A_375 = tpu.memref_slice %arg2[%dma_wait3A_373, %dma_wait3A_374] : memref<10000x128xf32, #tpu.memory_space<hbm>> -> memref<32x128xf32, #tpu.memory_space<hbm>>
        %dma_wait3A_376 = arith.constant 0 : i32
        %dma_wait3A_377 = arith.constant 0 : i32
        %dma_wait3A_378 = tpu.memref_slice %arg13[%dma_wait3A_368, %dma_wait3A_376, %dma_wait3A_377] : memref<2x32x128xf32, #tpu.memory_space<vmem>> -> memref<1x32x128xf32, #tpu.memory_space<vmem>>
        %dma_wait3A_379 = tpu.memref_squeeze %dma_wait3A_378 : memref<1x32x128xf32, #tpu.memory_space<vmem>> -> memref<32x128xf32, #tpu.memory_space<vmem>>
        %dma_wait3A_380 = arith.constant 0 : i32
        %dma_wait3A_381 = arith.constant 0 : i32
        %dma_wait3A_382 = tpu.memref_slice %arg2[%dma_wait3A_380, %dma_wait3A_381] : memref<10000x128xf32, #tpu.memory_space<hbm>> -> memref<32x128xf32, #tpu.memory_space<hbm>>
        tpu.wait_dma2 semaphore(%arg25 : memref<!tpu.dma_semaphore, #tpu.memory_space<semaphore_mem>>) src(%dma_wait3A_382 : memref<32x128xf32, #tpu.memory_space<hbm>>) dst(%dma_wait3A_379 : memref<32x128xf32, #tpu.memory_space<vmem>>)
        %dma_wait3A_383 = arith.constant 0 : i32
        %dma_wait3A_384 = arith.constant 0 : i32
        %dma_wait3A_385 = arith.constant 0 : i32
        %dma_wait3A_386 = tpu.memref_slice %arg14[%dma_wait3A_383, %dma_wait3A_384, %dma_wait3A_385] : memref<2x32x128xf32, #tpu.memory_space<vmem>> -> memref<1x32x128xf32, #tpu.memory_space<vmem>>
        %dma_wait3A_387 = tpu.memref_squeeze %dma_wait3A_386 : memref<1x32x128xf32, #tpu.memory_space<vmem>> -> memref<32x128xf32, #tpu.memory_space<vmem>>
        %dma_wait3A_388 = arith.constant 0 : i32
        %dma_wait3A_389 = arith.constant 0 : i32
        %dma_wait3A_390 = tpu.memref_slice %arg3[%dma_wait3A_388, %dma_wait3A_389] : memref<10000x128xf32, #tpu.memory_space<hbm>> -> memref<32x128xf32, #tpu.memory_space<hbm>>
        %dma_wait3A_391 = arith.constant 0 : i32
        %dma_wait3A_392 = arith.constant 0 : i32
        %dma_wait3A_393 = tpu.memref_slice %arg14[%dma_wait3A_383, %dma_wait3A_391, %dma_wait3A_392] : memref<2x32x128xf32, #tpu.memory_space<vmem>> -> memref<1x32x128xf32, #tpu.memory_space<vmem>>
        %dma_wait3A_394 = tpu.memref_squeeze %dma_wait3A_393 : memref<1x32x128xf32, #tpu.memory_space<vmem>> -> memref<32x128xf32, #tpu.memory_space<vmem>>
        %dma_wait3A_395 = arith.constant 0 : i32
        %dma_wait3A_396 = arith.constant 0 : i32
        %dma_wait3A_397 = tpu.memref_slice %arg3[%dma_wait3A_395, %dma_wait3A_396] : memref<10000x128xf32, #tpu.memory_space<hbm>> -> memref<32x128xf32, #tpu.memory_space<hbm>>
        tpu.wait_dma2 semaphore(%arg25 : memref<!tpu.dma_semaphore, #tpu.memory_space<semaphore_mem>>) src(%dma_wait3A_397 : memref<32x128xf32, #tpu.memory_space<hbm>>) dst(%dma_wait3A_394 : memref<32x128xf32, #tpu.memory_space<vmem>>)
        %dma_wait3A_398 = arith.constant 0 : i32
        %dma_wait3A_399 = arith.constant 0 : i32
        %dma_wait3A_400 = arith.constant 0 : i32
        %dma_wait3A_401 = tpu.memref_slice %arg15[%dma_wait3A_398, %dma_wait3A_399, %dma_wait3A_400] : memref<2x32x128xf32, #tpu.memory_space<vmem>> -> memref<1x32x128xf32, #tpu.memory_space<vmem>>
        %dma_wait3A_402 = tpu.memref_squeeze %dma_wait3A_401 : memref<1x32x128xf32, #tpu.memory_space<vmem>> -> memref<32x128xf32, #tpu.memory_space<vmem>>
        %dma_wait3A_403 = arith.constant 0 : i32
        %dma_wait3A_404 = arith.constant 0 : i32
        %dma_wait3A_405 = tpu.memref_slice %arg4[%dma_wait3A_403, %dma_wait3A_404] : memref<10000x128xf32, #tpu.memory_space<hbm>> -> memref<32x128xf32, #tpu.memory_space<hbm>>
        %dma_wait3A_406 = arith.constant 0 : i32
        %dma_wait3A_407 = arith.constant 0 : i32
        %dma_wait3A_408 = tpu.memref_slice %arg15[%dma_wait3A_398, %dma_wait3A_406, %dma_wait3A_407] : memref<2x32x128xf32, #tpu.memory_space<vmem>> -> memref<1x32x128xf32, #tpu.memory_space<vmem>>
        %dma_wait3A_409 = tpu.memref_squeeze %dma_wait3A_408 : memref<1x32x128xf32, #tpu.memory_space<vmem>> -> memref<32x128xf32, #tpu.memory_space<vmem>>
        %dma_wait3A_410 = arith.constant 0 : i32
        %dma_wait3A_411 = arith.constant 0 : i32
        %dma_wait3A_412 = tpu.memref_slice %arg4[%dma_wait3A_410, %dma_wait3A_411] : memref<10000x128xf32, #tpu.memory_space<hbm>> -> memref<32x128xf32, #tpu.memory_space<hbm>>
        tpu.wait_dma2 semaphore(%arg25 : memref<!tpu.dma_semaphore, #tpu.memory_space<semaphore_mem>>) src(%dma_wait3A_412 : memref<32x128xf32, #tpu.memory_space<hbm>>) dst(%dma_wait3A_409 : memref<32x128xf32, #tpu.memory_space<vmem>>)
        %scan3A_413 = arith.constant 0 : i32
        %scan3A_414 = arith.constant 0 : i32
        %scan3A_415 = arith.constant 2 : i32
        %scan3A_416 = arith.addi %scan3A_414, %scan3A_415 : i32
        %scan3A_417 = arith.constant 1 : i32
        scf.for %scan3A_464 = %scan3A_414 to %scan3A_416 step %scan3A_417  : i32 {
          %mul3A_465 = arith.constant 16 : i32
          %mul3A_466 = arith.muli %scan3A_464, %mul3A_465 : i32
          %get3A_467 = arith.constant 0 : i32
          %get3A_468 = arith.index_cast %get3A_467 : i32 to index
          %get3A_469 = arith.index_cast %mul3A_466 : i32 to index
          %get3A_470 = tpu.vector_load %arg18[%get3A_468, %get3A_469] {strides = array<i32>} : memref<2x32xi32, #tpu.memory_space<vmem>>, vector<16xi32>,
          %shift_right_logical3A = arith.constant 3 : i32
          %shift_right_logical3A_471 = vector.broadcast %shift_right_logical3A : i32 to vector<16xi32>
          %shift_right_logical3A_472 = arith.shrui %get3A_470, %shift_right_logical3A_471 : vector<16xi32>
          %mul3A_473 = arith.constant 16 : i32
          %mul3A_474 = arith.muli %scan3A_464, %mul3A_473 : i32
          %swap3A_475 = arith.constant 0 : i32
          %swap3A_476 = arith.index_cast %swap3A_475 : i32 to index
          %swap3A_477 = arith.index_cast %mul3A_474 : i32 to index
          %swap3A_478 = tpu.vector_load %arg20[%swap3A_476, %swap3A_477] {strides = array<i32>} : memref<2x32xi32, #tpu.memory_space<vmem>>, vector<16xi32>,
          tpu.vector_store %arg20[%swap3A_476, %swap3A_477], %shift_right_logical3A_472 {strides = array<i32>} : memref<2x32xi32, #tpu.memory_space<vmem>>, vector<16xi32>,
          %and3A_479 = arith.constant 7 : i32
          %and3A_480 = vector.broadcast %and3A_479 : i32 to vector<16xi32>
          %and3A_481 = arith.andi %get3A_470, %and3A_480 : vector<16xi32>
          %mul3A_482 = arith.constant 16 : i32
          %mul3A_483 = arith.muli %scan3A_464, %mul3A_482 : i32
          %swap3A_484 = arith.constant 0 : i32
          %swap3A_485 = arith.index_cast %swap3A_484 : i32 to index
          %swap3A_486 = arith.index_cast %mul3A_483 : i32 to index
          %swap3A_487 = tpu.vector_load %arg22[%swap3A_485, %swap3A_486] {strides = array<i32>} : memref<2x48xi32, #tpu.memory_space<vmem>>, vector<16xi32>,
          tpu.vector_store %arg22[%swap3A_485, %swap3A_486], %and3A_481 {strides = array<i32>} : memref<2x48xi32, #tpu.memory_space<vmem>>, vector<16xi32>,
          %mul3A_488 = arith.constant 16 : i32
          %mul3A_489 = arith.muli %scan3A_464, %mul3A_488 : i32
          %swap3A_490 = arith.constant 0 : i32
          %swap3A_491 = arith.index_cast %swap3A_490 : i32 to index
          %swap3A_492 = arith.index_cast %mul3A_489 : i32 to index
          %swap3A_493 = tpu.vector_load %arg19[%swap3A_491, %swap3A_492] {strides = array<i32>} : memref<2x32xi32, #tpu.memory_space<vmem>>, vector<16xi32>,
          tpu.vector_store %arg19[%swap3A_491, %swap3A_492], %get3A_470 {strides = array<i32>} : memref<2x32xi32, #tpu.memory_space<vmem>>, vector<16xi32>,
        }
        %scan3A_418 = arith.constant 2 : i32
        %scan3A_419 = arith.constant 0 : i32
        %scan3A_420 = arith.constant 0 : i32
        %scan3A_421 = arith.constant 2 : i32
        %scan3A_422 = arith.addi %scan3A_420, %scan3A_421 : i32
        %scan3A_423 = arith.constant 1 : i32
        scf.for %scan3A_464 = %scan3A_420 to %scan3A_422 step %scan3A_423  : i32 {
          %mul3A_465 = arith.constant 16 : i32
          %mul3A_466 = arith.muli %scan3A_464, %mul3A_465 : i32
          %add3A_467 = vector.broadcast %mul3A_466 : i32 to vector<16xi32>
          %add3A_468 = arith.addi %add3A_467, %iota3A : vector<16xi32>
          %mul3A_469 = arith.constant 16 : i32
          %mul3A_470 = arith.muli %scan3A_464, %mul3A_469 : i32
          %get3A_471 = arith.constant 0 : i32
          %get3A_472 = arith.index_cast %get3A_471 : i32 to index
          %get3A_473 = arith.index_cast %mul3A_470 : i32 to index
          %get3A_474 = tpu.vector_load %arg23[%get3A_472, %get3A_473] {strides = array<i32>} : memref<2x32xf32, #tpu.memory_space<vmem>>, vector<16xf32>,
          %scan3A_475 = arith.constant 0 : i32
          %scan3A_476 = arith.constant 0 : i32
          %scan3A_477 = arith.constant 8 : i32
          %scan3A_478 = arith.addi %scan3A_476, %scan3A_477 : i32
          %scan3A_479 = arith.constant 1 : i32
          scf.for %scan3A_487 = %scan3A_476 to %scan3A_478 step %scan3A_479  : i32 {
            %mul3A_488 = arith.constant 16 : i32
            %mul3A_489 = arith.muli %scan3A_487, %mul3A_488 : i32
            %add3A_490 = vector.broadcast %mul3A_489 : i32 to vector<16xi32>
            %add3A_491 = arith.addi %and3A_82, %add3A_490 : vector<16xi32>
            %gather3A = arith.constant 0 : i32
            %gather3A_492 = arith.constant 0 : i32
            %gather3A_493 = arith.constant 0 : i32
            %gather3A_494 = tpu.memref_slice %arg13[%gather3A, %gather3A_492, %gather3A_493] : memref<2x32x128xf32, #tpu.memory_space<vmem>> -> memref<1x32x128xf32, #tpu.memory_space<vmem>>
            %gather3A_495 = tpu.memref_squeeze %gather3A_494 : memref<1x32x128xf32, #tpu.memory_space<vmem>> -> memref<32x128xf32, #tpu.memory_space<vmem>>
            %gather3A_496 = tpu.vector_load_idx %gather3A_495[%add3A_468, %add3A_491] : memref<32x128xf32, #tpu.memory_space<vmem>>[vector<16xi32>, vector<16xi32>], vector<16xf32>,
            %gather3A_497 = arith.constant 0 : i32
            %gather3A_498 = arith.constant 0 : i32
            %gather3A_499 = arith.constant 0 : i32
            %gather3A_500 = tpu.memref_slice %arg15[%gather3A_497, %gather3A_498, %gather3A_499] : memref<2x32x128xf32, #tpu.memory_space<vmem>> -> memref<1x32x128xf32, #tpu.memory_space<vmem>>
            %gather3A_501 = tpu.memref_squeeze %gather3A_500 : memref<1x32x128xf32, #tpu.memory_space<vmem>> -> memref<32x128xf32, #tpu.memory_space<vmem>>
            %gather3A_502 = tpu.vector_load_idx %gather3A_501[%add3A_468, %add3A_491] : memref<32x128xf32, #tpu.memory_space<vmem>>[vector<16xi32>, vector<16xi32>], vector<16xf32>,
            %mul3A_503 = arith.mulf %gather3A_496, %gather3A_502 : vector<16xf32>
            %add3A_504 = vector.broadcast %mul3A_489 : i32 to vector<16xi32>
            %add3A_505 = arith.addi %and3A_88, %add3A_504 : vector<16xi32>
            %gather3A_506 = arith.constant 0 : i32
            %gather3A_507 = arith.constant 0 : i32
            %gather3A_508 = arith.constant 0 : i32
            %gather3A_509 = tpu.memref_slice %arg13[%gather3A_506, %gather3A_507, %gather3A_508] : memref<2x32x128xf32, #tpu.memory_space<vmem>> -> memref<1x32x128xf32, #tpu.memory_space<vmem>>
            %gather3A_510 = tpu.memref_squeeze %gather3A_509 : memref<1x32x128xf32, #tpu.memory_space<vmem>> -> memref<32x128xf32, #tpu.memory_space<vmem>>
            %gather3A_511 = tpu.vector_load_idx %gather3A_510[%add3A_468, %add3A_505] : memref<32x128xf32, #tpu.memory_space<vmem>>[vector<16xi32>, vector<16xi32>], vector<16xf32>,
            %gather3A_512 = arith.constant 0 : i32
            %gather3A_513 = arith.constant 0 : i32
            %gather3A_514 = arith.constant 0 : i32
            %gather3A_515 = tpu.memref_slice %arg15[%gather3A_512, %gather3A_513, %gather3A_514] : memref<2x32x128xf32, #tpu.memory_space<vmem>> -> memref<1x32x128xf32, #tpu.memory_space<vmem>>
            %gather3A_516 = tpu.memref_squeeze %gather3A_515 : memref<1x32x128xf32, #tpu.memory_space<vmem>> -> memref<32x128xf32, #tpu.memory_space<vmem>>
            %gather3A_517 = tpu.vector_load_idx %gather3A_516[%add3A_468, %add3A_505] : memref<32x128xf32, #tpu.memory_space<vmem>>[vector<16xi32>, vector<16xi32>], vector<16xf32>,
            %mul3A_518 = arith.mulf %gather3A_511, %gather3A_517 : vector<16xf32>
            %add3A_519 = vector.broadcast %mul3A_489 : i32 to vector<16xi32>
            %add3A_520 = arith.addi %and3A_94, %add3A_519 : vector<16xi32>
            %gather3A_521 = arith.constant 0 : i32
            %gather3A_522 = arith.constant 0 : i32
            %gather3A_523 = arith.constant 0 : i32
            %gather3A_524 = tpu.memref_slice %arg13[%gather3A_521, %gather3A_522, %gather3A_523] : memref<2x32x128xf32, #tpu.memory_space<vmem>> -> memref<1x32x128xf32, #tpu.memory_space<vmem>>
            %gather3A_525 = tpu.memref_squeeze %gather3A_524 : memref<1x32x128xf32, #tpu.memory_space<vmem>> -> memref<32x128xf32, #tpu.memory_space<vmem>>
            %gather3A_526 = tpu.vector_load_idx %gather3A_525[%add3A_468, %add3A_520] : memref<32x128xf32, #tpu.memory_space<vmem>>[vector<16xi32>, vector<16xi32>], vector<16xf32>,
            %gather3A_527 = arith.constant 0 : i32
            %gather3A_528 = arith.constant 0 : i32
            %gather3A_529 = arith.constant 0 : i32
            %gather3A_530 = tpu.memref_slice %arg15[%gather3A_527, %gather3A_528, %gather3A_529] : memref<2x32x128xf32, #tpu.memory_space<vmem>> -> memref<1x32x128xf32, #tpu.memory_space<vmem>>
            %gather3A_531 = tpu.memref_squeeze %gather3A_530 : memref<1x32x128xf32, #tpu.memory_space<vmem>> -> memref<32x128xf32, #tpu.memory_space<vmem>>
            %gather3A_532 = tpu.vector_load_idx %gather3A_531[%add3A_468, %add3A_520] : memref<32x128xf32, #tpu.memory_space<vmem>>[vector<16xi32>, vector<16xi32>], vector<16xf32>,
            %mul3A_533 = arith.mulf %gather3A_526, %gather3A_532 : vector<16xf32>
            %add3A_534 = vector.broadcast %mul3A_489 : i32 to vector<16xi32>
            %add3A_535 = arith.addi %and3A_100, %add3A_534 : vector<16xi32>
            %gather3A_536 = arith.constant 0 : i32
            %gather3A_537 = arith.constant 0 : i32
            %gather3A_538 = arith.constant 0 : i32
            %gather3A_539 = tpu.memref_slice %arg13[%gather3A_536, %gather3A_537, %gather3A_538] : memref<2x32x128xf32, #tpu.memory_space<vmem>> -> memref<1x32x128xf32, #tpu.memory_space<vmem>>
            %gather3A_540 = tpu.memref_squeeze %gather3A_539 : memref<1x32x128xf32, #tpu.memory_space<vmem>> -> memref<32x128xf32, #tpu.memory_space<vmem>>
            %gather3A_541 = tpu.vector_load_idx %gather3A_540[%add3A_468, %add3A_535] : memref<32x128xf32, #tpu.memory_space<vmem>>[vector<16xi32>, vector<16xi32>], vector<16xf32>,
            %gather3A_542 = arith.constant 0 : i32
            %gather3A_543 = arith.constant 0 : i32
            %gather3A_544 = arith.constant 0 : i32
            %gather3A_545 = tpu.memref_slice %arg15[%gather3A_542, %gather3A_543, %gather3A_544] : memref<2x32x128xf32, #tpu.memory_space<vmem>> -> memref<1x32x128xf32, #tpu.memory_space<vmem>>
            %gather3A_546 = tpu.memref_squeeze %gather3A_545 : memref<1x32x128xf32, #tpu.memory_space<vmem>> -> memref<32x128xf32, #tpu.memory_space<vmem>>
            %gather3A_547 = tpu.vector_load_idx %gather3A_546[%add3A_468, %add3A_535] : memref<32x128xf32, #tpu.memory_space<vmem>>[vector<16xi32>, vector<16xi32>], vector<16xf32>,
            %mul3A_548 = arith.mulf %gather3A_541, %gather3A_547 : vector<16xf32>
            %add3A_549 = vector.broadcast %mul3A_489 : i32 to vector<16xi32>
            %add3A_550 = arith.addi %and3A_106, %add3A_549 : vector<16xi32>
            %gather3A_551 = arith.constant 0 : i32
            %gather3A_552 = arith.constant 0 : i32
            %gather3A_553 = arith.constant 0 : i32
            %gather3A_554 = tpu.memref_slice %arg13[%gather3A_551, %gather3A_552, %gather3A_553] : memref<2x32x128xf32, #tpu.memory_space<vmem>> -> memref<1x32x128xf32, #tpu.memory_space<vmem>>
            %gather3A_555 = tpu.memref_squeeze %gather3A_554 : memref<1x32x128xf32, #tpu.memory_space<vmem>> -> memref<32x128xf32, #tpu.memory_space<vmem>>
            %gather3A_556 = tpu.vector_load_idx %gather3A_555[%add3A_468, %add3A_550] : memref<32x128xf32, #tpu.memory_space<vmem>>[vector<16xi32>, vector<16xi32>], vector<16xf32>,
            %gather3A_557 = arith.constant 0 : i32
            %gather3A_558 = arith.constant 0 : i32
            %gather3A_559 = arith.constant 0 : i32
            %gather3A_560 = tpu.memref_slice %arg15[%gather3A_557, %gather3A_558, %gather3A_559] : memref<2x32x128xf32, #tpu.memory_space<vmem>> -> memref<1x32x128xf32, #tpu.memory_space<vmem>>
            %gather3A_561 = tpu.memref_squeeze %gather3A_560 : memref<1x32x128xf32, #tpu.memory_space<vmem>> -> memref<32x128xf32, #tpu.memory_space<vmem>>
            %gather3A_562 = tpu.vector_load_idx %gather3A_561[%add3A_468, %add3A_550] : memref<32x128xf32, #tpu.memory_space<vmem>>[vector<16xi32>, vector<16xi32>], vector<16xf32>,
            %mul3A_563 = arith.mulf %gather3A_556, %gather3A_562 : vector<16xf32>
            %add3A_564 = vector.broadcast %mul3A_489 : i32 to vector<16xi32>
            %add3A_565 = arith.addi %and3A_112, %add3A_564 : vector<16xi32>
            %gather3A_566 = arith.constant 0 : i32
            %gather3A_567 = arith.constant 0 : i32
            %gather3A_568 = arith.constant 0 : i32
            %gather3A_569 = tpu.memref_slice %arg13[%gather3A_566, %gather3A_567, %gather3A_568] : memref<2x32x128xf32, #tpu.memory_space<vmem>> -> memref<1x32x128xf32, #tpu.memory_space<vmem>>
            %gather3A_570 = tpu.memref_squeeze %gather3A_569 : memref<1x32x128xf32, #tpu.memory_space<vmem>> -> memref<32x128xf32, #tpu.memory_space<vmem>>
            %gather3A_571 = tpu.vector_load_idx %gather3A_570[%add3A_468, %add3A_565] : memref<32x128xf32, #tpu.memory_space<vmem>>[vector<16xi32>, vector<16xi32>], vector<16xf32>,
            %gather3A_572 = arith.constant 0 : i32
            %gather3A_573 = arith.constant 0 : i32
            %gather3A_574 = arith.constant 0 : i32
            %gather3A_575 = tpu.memref_slice %arg15[%gather3A_572, %gather3A_573, %gather3A_574] : memref<2x32x128xf32, #tpu.memory_space<vmem>> -> memref<1x32x128xf32, #tpu.memory_space<vmem>>
            %gather3A_576 = tpu.memref_squeeze %gather3A_575 : memref<1x32x128xf32, #tpu.memory_space<vmem>> -> memref<32x128xf32, #tpu.memory_space<vmem>>
            %gather3A_577 = tpu.vector_load_idx %gather3A_576[%add3A_468, %add3A_565] : memref<32x128xf32, #tpu.memory_space<vmem>>[vector<16xi32>, vector<16xi32>], vector<16xf32>,
            %mul3A_578 = arith.mulf %gather3A_571, %gather3A_577 : vector<16xf32>
            %add3A_579 = vector.broadcast %mul3A_489 : i32 to vector<16xi32>
            %add3A_580 = arith.addi %and3A_118, %add3A_579 : vector<16xi32>
            %gather3A_581 = arith.constant 0 : i32
            %gather3A_582 = arith.constant 0 : i32
            %gather3A_583 = arith.constant 0 : i32
            %gather3A_584 = tpu.memref_slice %arg13[%gather3A_581, %gather3A_582, %gather3A_583] : memref<2x32x128xf32, #tpu.memory_space<vmem>> -> memref<1x32x128xf32, #tpu.memory_space<vmem>>
            %gather3A_585 = tpu.memref_squeeze %gather3A_584 : memref<1x32x128xf32, #tpu.memory_space<vmem>> -> memref<32x128xf32, #tpu.memory_space<vmem>>
            %gather3A_586 = tpu.vector_load_idx %gather3A_585[%add3A_468, %add3A_580] : memref<32x128xf32, #tpu.memory_space<vmem>>[vector<16xi32>, vector<16xi32>], vector<16xf32>,
            %gather3A_587 = arith.constant 0 : i32
            %gather3A_588 = arith.constant 0 : i32
            %gather3A_589 = arith.constant 0 : i32
            %gather3A_590 = tpu.memref_slice %arg15[%gather3A_587, %gather3A_588, %gather3A_589] : memref<2x32x128xf32, #tpu.memory_space<vmem>> -> memref<1x32x128xf32, #tpu.memory_space<vmem>>
            %gather3A_591 = tpu.memref_squeeze %gather3A_590 : memref<1x32x128xf32, #tpu.memory_space<vmem>> -> memref<32x128xf32, #tpu.memory_space<vmem>>
            %gather3A_592 = tpu.vector_load_idx %gather3A_591[%add3A_468, %add3A_580] : memref<32x128xf32, #tpu.memory_space<vmem>>[vector<16xi32>, vector<16xi32>], vector<16xf32>,
            %mul3A_593 = arith.mulf %gather3A_586, %gather3A_592 : vector<16xf32>
            %add3A_594 = vector.broadcast %mul3A_489 : i32 to vector<16xi32>
            %add3A_595 = arith.addi %and3A_124, %add3A_594 : vector<16xi32>
            %gather3A_596 = arith.constant 0 : i32
            %gather3A_597 = arith.constant 0 : i32
            %gather3A_598 = arith.constant 0 : i32
            %gather3A_599 = tpu.memref_slice %arg13[%gather3A_596, %gather3A_597, %gather3A_598] : memref<2x32x128xf32, #tpu.memory_space<vmem>> -> memref<1x32x128xf32, #tpu.memory_space<vmem>>
            %gather3A_600 = tpu.memref_squeeze %gather3A_599 : memref<1x32x128xf32, #tpu.memory_space<vmem>> -> memref<32x128xf32, #tpu.memory_space<vmem>>
            %gather3A_601 = tpu.vector_load_idx %gather3A_600[%add3A_468, %add3A_595] : memref<32x128xf32, #tpu.memory_space<vmem>>[vector<16xi32>, vector<16xi32>], vector<16xf32>,
            %gather3A_602 = arith.constant 0 : i32
            %gather3A_603 = arith.constant 0 : i32
            %gather3A_604 = arith.constant 0 : i32
            %gather3A_605 = tpu.memref_slice %arg15[%gather3A_602, %gather3A_603, %gather3A_604] : memref<2x32x128xf32, #tpu.memory_space<vmem>> -> memref<1x32x128xf32, #tpu.memory_space<vmem>>
            %gather3A_606 = tpu.memref_squeeze %gather3A_605 : memref<1x32x128xf32, #tpu.memory_space<vmem>> -> memref<32x128xf32, #tpu.memory_space<vmem>>
            %gather3A_607 = tpu.vector_load_idx %gather3A_606[%add3A_468, %add3A_595] : memref<32x128xf32, #tpu.memory_space<vmem>>[vector<16xi32>, vector<16xi32>], vector<16xf32>,
            %mul3A_608 = arith.mulf %gather3A_601, %gather3A_607 : vector<16xf32>
            %add3A_609 = vector.broadcast %mul3A_489 : i32 to vector<16xi32>
            %add3A_610 = arith.addi %and3A_130, %add3A_609 : vector<16xi32>
            %gather3A_611 = arith.constant 0 : i32
            %gather3A_612 = arith.constant 0 : i32
            %gather3A_613 = arith.constant 0 : i32
            %gather3A_614 = tpu.memref_slice %arg13[%gather3A_611, %gather3A_612, %gather3A_613] : memref<2x32x128xf32, #tpu.memory_space<vmem>> -> memref<1x32x128xf32, #tpu.memory_space<vmem>>
            %gather3A_615 = tpu.memref_squeeze %gather3A_614 : memref<1x32x128xf32, #tpu.memory_space<vmem>> -> memref<32x128xf32, #tpu.memory_space<vmem>>
            %gather3A_616 = tpu.vector_load_idx %gather3A_615[%add3A_468, %add3A_610] : memref<32x128xf32, #tpu.memory_space<vmem>>[vector<16xi32>, vector<16xi32>], vector<16xf32>,
            %gather3A_617 = arith.constant 0 : i32
            %gather3A_618 = arith.constant 0 : i32
            %gather3A_619 = arith.constant 0 : i32
            %gather3A_620 = tpu.memref_slice %arg15[%gather3A_617, %gather3A_618, %gather3A_619] : memref<2x32x128xf32, #tpu.memory_space<vmem>> -> memref<1x32x128xf32, #tpu.memory_space<vmem>>
            %gather3A_621 = tpu.memref_squeeze %gather3A_620 : memref<1x32x128xf32, #tpu.memory_space<vmem>> -> memref<32x128xf32, #tpu.memory_space<vmem>>
            %gather3A_622 = tpu.vector_load_idx %gather3A_621[%add3A_468, %add3A_610] : memref<32x128xf32, #tpu.memory_space<vmem>>[vector<16xi32>, vector<16xi32>], vector<16xf32>,
            %mul3A_623 = arith.mulf %gather3A_616, %gather3A_622 : vector<16xf32>
            %add3A_624 = vector.broadcast %mul3A_489 : i32 to vector<16xi32>
            %add3A_625 = arith.addi %and3A_136, %add3A_624 : vector<16xi32>
            %gather3A_626 = arith.constant 0 : i32
            %gather3A_627 = arith.constant 0 : i32
            %gather3A_628 = arith.constant 0 : i32
            %gather3A_629 = tpu.memref_slice %arg13[%gather3A_626, %gather3A_627, %gather3A_628] : memref<2x32x128xf32, #tpu.memory_space<vmem>> -> memref<1x32x128xf32, #tpu.memory_space<vmem>>
            %gather3A_630 = tpu.memref_squeeze %gather3A_629 : memref<1x32x128xf32, #tpu.memory_space<vmem>> -> memref<32x128xf32, #tpu.memory_space<vmem>>
            %gather3A_631 = tpu.vector_load_idx %gather3A_630[%add3A_468, %add3A_625] : memref<32x128xf32, #tpu.memory_space<vmem>>[vector<16xi32>, vector<16xi32>], vector<16xf32>,
            %gather3A_632 = arith.constant 0 : i32
            %gather3A_633 = arith.constant 0 : i32
            %gather3A_634 = arith.constant 0 : i32
            %gather3A_635 = tpu.memref_slice %arg15[%gather3A_632, %gather3A_633, %gather3A_634] : memref<2x32x128xf32, #tpu.memory_space<vmem>> -> memref<1x32x128xf32, #tpu.memory_space<vmem>>
            %gather3A_636 = tpu.memref_squeeze %gather3A_635 : memref<1x32x128xf32, #tpu.memory_space<vmem>> -> memref<32x128xf32, #tpu.memory_space<vmem>>
            %gather3A_637 = tpu.vector_load_idx %gather3A_636[%add3A_468, %add3A_625] : memref<32x128xf32, #tpu.memory_space<vmem>>[vector<16xi32>, vector<16xi32>], vector<16xf32>,
            %mul3A_638 = arith.mulf %gather3A_631, %gather3A_637 : vector<16xf32>
            %add3A_639 = vector.broadcast %mul3A_489 : i32 to vector<16xi32>
            %add3A_640 = arith.addi %and3A_142, %add3A_639 : vector<16xi32>
            %gather3A_641 = arith.constant 0 : i32
            %gather3A_642 = arith.constant 0 : i32
            %gather3A_643 = arith.constant 0 : i32
            %gather3A_644 = tpu.memref_slice %arg13[%gather3A_641, %gather3A_642, %gather3A_643] : memref<2x32x128xf32, #tpu.memory_space<vmem>> -> memref<1x32x128xf32, #tpu.memory_space<vmem>>
            %gather3A_645 = tpu.memref_squeeze %gather3A_644 : memref<1x32x128xf32, #tpu.memory_space<vmem>> -> memref<32x128xf32, #tpu.memory_space<vmem>>
            %gather3A_646 = tpu.vector_load_idx %gather3A_645[%add3A_468, %add3A_640] : memref<32x128xf32, #tpu.memory_space<vmem>>[vector<16xi32>, vector<16xi32>], vector<16xf32>,
            %gather3A_647 = arith.constant 0 : i32
            %gather3A_648 = arith.constant 0 : i32
            %gather3A_649 = arith.constant 0 : i32
            %gather3A_650 = tpu.memref_slice %arg15[%gather3A_647, %gather3A_648, %gather3A_649] : memref<2x32x128xf32, #tpu.memory_space<vmem>> -> memref<1x32x128xf32, #tpu.memory_space<vmem>>
            %gather3A_651 = tpu.memref_squeeze %gather3A_650 : memref<1x32x128xf32, #tpu.memory_space<vmem>> -> memref<32x128xf32, #tpu.memory_space<vmem>>
            %gather3A_652 = tpu.vector_load_idx %gather3A_651[%add3A_468, %add3A_640] : memref<32x128xf32, #tpu.memory_space<vmem>>[vector<16xi32>, vector<16xi32>], vector<16xf32>,
            %mul3A_653 = arith.mulf %gather3A_646, %gather3A_652 : vector<16xf32>
            %add3A_654 = vector.broadcast %mul3A_489 : i32 to vector<16xi32>
            %add3A_655 = arith.addi %and3A_148, %add3A_654 : vector<16xi32>
            %gather3A_656 = arith.constant 0 : i32
            %gather3A_657 = arith.constant 0 : i32
            %gather3A_658 = arith.constant 0 : i32
            %gather3A_659 = tpu.memref_slice %arg13[%gather3A_656, %gather3A_657, %gather3A_658] : memref<2x32x128xf32, #tpu.memory_space<vmem>> -> memref<1x32x128xf32, #tpu.memory_space<vmem>>
            %gather3A_660 = tpu.memref_squeeze %gather3A_659 : memref<1x32x128xf32, #tpu.memory_space<vmem>> -> memref<32x128xf32, #tpu.memory_space<vmem>>
            %gather3A_661 = tpu.vector_load_idx %gather3A_660[%add3A_468, %add3A_655] : memref<32x128xf32, #tpu.memory_space<vmem>>[vector<16xi32>, vector<16xi32>], vector<16xf32>,
            %gather3A_662 = arith.constant 0 : i32
            %gather3A_663 = arith.constant 0 : i32
            %gather3A_664 = arith.constant 0 : i32
            %gather3A_665 = tpu.memref_slice %arg15[%gather3A_662, %gather3A_663, %gather3A_664] : memref<2x32x128xf32, #tpu.memory_space<vmem>> -> memref<1x32x128xf32, #tpu.memory_space<vmem>>
            %gather3A_666 = tpu.memref_squeeze %gather3A_665 : memref<1x32x128xf32, #tpu.memory_space<vmem>> -> memref<32x128xf32, #tpu.memory_space<vmem>>
            %gather3A_667 = tpu.vector_load_idx %gather3A_666[%add3A_468, %add3A_655] : memref<32x128xf32, #tpu.memory_space<vmem>>[vector<16xi32>, vector<16xi32>], vector<16xf32>,
            %mul3A_668 = arith.mulf %gather3A_661, %gather3A_667 : vector<16xf32>
            %add3A_669 = vector.broadcast %mul3A_489 : i32 to vector<16xi32>
            %add3A_670 = arith.addi %and3A_154, %add3A_669 : vector<16xi32>
            %gather3A_671 = arith.constant 0 : i32
            %gather3A_672 = arith.constant 0 : i32
            %gather3A_673 = arith.constant 0 : i32
            %gather3A_674 = tpu.memref_slice %arg13[%gather3A_671, %gather3A_672, %gather3A_673] : memref<2x32x128xf32, #tpu.memory_space<vmem>> -> memref<1x32x128xf32, #tpu.memory_space<vmem>>
            %gather3A_675 = tpu.memref_squeeze %gather3A_674 : memref<1x32x128xf32, #tpu.memory_space<vmem>> -> memref<32x128xf32, #tpu.memory_space<vmem>>
            %gather3A_676 = tpu.vector_load_idx %gather3A_675[%add3A_468, %add3A_670] : memref<32x128xf32, #tpu.memory_space<vmem>>[vector<16xi32>, vector<16xi32>], vector<16xf32>,
            %gather3A_677 = arith.constant 0 : i32
            %gather3A_678 = arith.constant 0 : i32
            %gather3A_679 = arith.constant 0 : i32
            %gather3A_680 = tpu.memref_slice %arg15[%gather3A_677, %gather3A_678, %gather3A_679] : memref<2x32x128xf32, #tpu.memory_space<vmem>> -> memref<1x32x128xf32, #tpu.memory_space<vmem>>
            %gather3A_681 = tpu.memref_squeeze %gather3A_680 : memref<1x32x128xf32, #tpu.memory_space<vmem>> -> memref<32x128xf32, #tpu.memory_space<vmem>>
            %gather3A_682 = tpu.vector_load_idx %gather3A_681[%add3A_468, %add3A_670] : memref<32x128xf32, #tpu.memory_space<vmem>>[vector<16xi32>, vector<16xi32>], vector<16xf32>,
            %mul3A_683 = arith.mulf %gather3A_676, %gather3A_682 : vector<16xf32>
            %add3A_684 = vector.broadcast %mul3A_489 : i32 to vector<16xi32>
            %add3A_685 = arith.addi %and3A_160, %add3A_684 : vector<16xi32>
            %gather3A_686 = arith.constant 0 : i32
            %gather3A_687 = arith.constant 0 : i32
            %gather3A_688 = arith.constant 0 : i32
            %gather3A_689 = tpu.memref_slice %arg13[%gather3A_686, %gather3A_687, %gather3A_688] : memref<2x32x128xf32, #tpu.memory_space<vmem>> -> memref<1x32x128xf32, #tpu.memory_space<vmem>>
            %gather3A_690 = tpu.memref_squeeze %gather3A_689 : memref<1x32x128xf32, #tpu.memory_space<vmem>> -> memref<32x128xf32, #tpu.memory_space<vmem>>
            %gather3A_691 = tpu.vector_load_idx %gather3A_690[%add3A_468, %add3A_685] : memref<32x128xf32, #tpu.memory_space<vmem>>[vector<16xi32>, vector<16xi32>], vector<16xf32>,
            %gather3A_692 = arith.constant 0 : i32
            %gather3A_693 = arith.constant 0 : i32
            %gather3A_694 = arith.constant 0 : i32
            %gather3A_695 = tpu.memref_slice %arg15[%gather3A_692, %gather3A_693, %gather3A_694] : memref<2x32x128xf32, #tpu.memory_space<vmem>> -> memref<1x32x128xf32, #tpu.memory_space<vmem>>
            %gather3A_696 = tpu.memref_squeeze %gather3A_695 : memref<1x32x128xf32, #tpu.memory_space<vmem>> -> memref<32x128xf32, #tpu.memory_space<vmem>>
            %gather3A_697 = tpu.vector_load_idx %gather3A_696[%add3A_468, %add3A_685] : memref<32x128xf32, #tpu.memory_space<vmem>>[vector<16xi32>, vector<16xi32>], vector<16xf32>,
            %mul3A_698 = arith.mulf %gather3A_691, %gather3A_697 : vector<16xf32>
            %add3A_699 = vector.broadcast %mul3A_489 : i32 to vector<16xi32>
            %add3A_700 = arith.addi %and3A_166, %add3A_699 : vector<16xi32>
            %gather3A_701 = arith.constant 0 : i32
            %gather3A_702 = arith.constant 0 : i32
            %gather3A_703 = arith.constant 0 : i32
            %gather3A_704 = tpu.memref_slice %arg13[%gather3A_701, %gather3A_702, %gather3A_703] : memref<2x32x128xf32, #tpu.memory_space<vmem>> -> memref<1x32x128xf32, #tpu.memory_space<vmem>>
            %gather3A_705 = tpu.memref_squeeze %gather3A_704 : memref<1x32x128xf32, #tpu.memory_space<vmem>> -> memref<32x128xf32, #tpu.memory_space<vmem>>
            %gather3A_706 = tpu.vector_load_idx %gather3A_705[%add3A_468, %add3A_700] : memref<32x128xf32, #tpu.memory_space<vmem>>[vector<16xi32>, vector<16xi32>], vector<16xf32>,
            %gather3A_707 = arith.constant 0 : i32
            %gather3A_708 = arith.constant 0 : i32
            %gather3A_709 = arith.constant 0 : i32
            %gather3A_710 = tpu.memref_slice %arg15[%gather3A_707, %gather3A_708, %gather3A_709] : memref<2x32x128xf32, #tpu.memory_space<vmem>> -> memref<1x32x128xf32, #tpu.memory_space<vmem>>
            %gather3A_711 = tpu.memref_squeeze %gather3A_710 : memref<1x32x128xf32, #tpu.memory_space<vmem>> -> memref<32x128xf32, #tpu.memory_space<vmem>>
            %gather3A_712 = tpu.vector_load_idx %gather3A_711[%add3A_468, %add3A_700] : memref<32x128xf32, #tpu.memory_space<vmem>>[vector<16xi32>, vector<16xi32>], vector<16xf32>,
            %mul3A_713 = arith.mulf %gather3A_706, %gather3A_712 : vector<16xf32>
            %add3A_714 = vector.broadcast %mul3A_489 : i32 to vector<16xi32>
            %add3A_715 = arith.addi %and3A_172, %add3A_714 : vector<16xi32>
            %gather3A_716 = arith.constant 0 : i32
            %gather3A_717 = arith.constant 0 : i32
            %gather3A_718 = arith.constant 0 : i32
            %gather3A_719 = tpu.memref_slice %arg13[%gather3A_716, %gather3A_717, %gather3A_718] : memref<2x32x128xf32, #tpu.memory_space<vmem>> -> memref<1x32x128xf32, #tpu.memory_space<vmem>>
            %gather3A_720 = tpu.memref_squeeze %gather3A_719 : memref<1x32x128xf32, #tpu.memory_space<vmem>> -> memref<32x128xf32, #tpu.memory_space<vmem>>
            %gather3A_721 = tpu.vector_load_idx %gather3A_720[%add3A_468, %add3A_715] : memref<32x128xf32, #tpu.memory_space<vmem>>[vector<16xi32>, vector<16xi32>], vector<16xf32>,
            %gather3A_722 = arith.constant 0 : i32
            %gather3A_723 = arith.constant 0 : i32
            %gather3A_724 = arith.constant 0 : i32
            %gather3A_725 = tpu.memref_slice %arg15[%gather3A_722, %gather3A_723, %gather3A_724] : memref<2x32x128xf32, #tpu.memory_space<vmem>> -> memref<1x32x128xf32, #tpu.memory_space<vmem>>
            %gather3A_726 = tpu.memref_squeeze %gather3A_725 : memref<1x32x128xf32, #tpu.memory_space<vmem>> -> memref<32x128xf32, #tpu.memory_space<vmem>>
            %gather3A_727 = tpu.vector_load_idx %gather3A_726[%add3A_468, %add3A_715] : memref<32x128xf32, #tpu.memory_space<vmem>>[vector<16xi32>, vector<16xi32>], vector<16xf32>,
            %mul3A_728 = arith.mulf %gather3A_721, %gather3A_727 : vector<16xf32>
            %add3A_729 = arith.addf %mul3A_503, %mul3A_518 : vector<16xf32>
            %add3A_730 = arith.addf %mul3A_533, %mul3A_548 : vector<16xf32>
            %add3A_731 = arith.addf %mul3A_563, %mul3A_578 : vector<16xf32>
            %add3A_732 = arith.addf %mul3A_593, %mul3A_608 : vector<16xf32>
            %add3A_733 = arith.addf %mul3A_623, %mul3A_638 : vector<16xf32>
            %add3A_734 = arith.addf %mul3A_653, %mul3A_668 : vector<16xf32>
            %add3A_735 = arith.addf %mul3A_683, %mul3A_698 : vector<16xf32>
            %add3A_736 = arith.addf %mul3A_713, %mul3A_728 : vector<16xf32>
            %add3A_737 = arith.addf %add3A_729, %add3A_730 : vector<16xf32>
            %add3A_738 = arith.addf %add3A_731, %add3A_732 : vector<16xf32>
            %add3A_739 = arith.addf %add3A_733, %add3A_734 : vector<16xf32>
            %add3A_740 = arith.addf %add3A_735, %add3A_736 : vector<16xf32>
            %add3A_741 = arith.addf %add3A_737, %add3A_738 : vector<16xf32>
            %add3A_742 = arith.addf %add3A_739, %add3A_740 : vector<16xf32>
            %add3A_743 = arith.addf %add3A_741, %add3A_742 : vector<16xf32>
            %mul3A_744 = arith.mulf %add3A_743, %get3A_474 : vector<16xf32>
            %jit3A_745 = arith.constant -5.000000e+00 : f32
            %jit3A_746 = arith.constant 5.000000e+00 : f32
            %max3A = vector.broadcast %jit3A_745 : f32 to vector<16xf32>
            %max3A_747 = arith.maximumf %max3A, %mul3A_744 : vector<16xf32>
            %min3A_748 = vector.broadcast %jit3A_746 : f32 to vector<16xf32>
            %min3A_749 = arith.minimumf %min3A_748, %max3A_747 : vector<16xf32>
            %exp3A = math.exp %min3A_749 : vector<16xf32>
            %mul3A_750 = arith.constant 0 : i32
            %mul3A_751 = vector.broadcast %mul3A_750 : i32 to vector<16xi32>
            %mul3A_752 = arith.muli %iota3A, %mul3A_751 : vector<16xi32>
            %add3A_753 = vector.broadcast %scan3A_487 : i32 to vector<16xi32>
            %add3A_754 = arith.addi %mul3A_752, %add3A_753 : vector<16xi32>
            tpu.vector_store_idx %arg24[%iota3A, %add3A_754], %exp3A : memref<16x17xf32, #tpu.memory_space<vmem>>[vector<16xi32>, vector<16xi32>], vector<16xf32>,
            %add3A_755 = vector.broadcast %mul3A_489 : i32 to vector<16xi32>
            %add3A_756 = arith.addi %and3A_82, %add3A_755 : vector<16xi32>
            %gather3A_757 = arith.constant 0 : i32
            %gather3A_758 = arith.constant 0 : i32
            %gather3A_759 = arith.constant 0 : i32
            %gather3A_760 = tpu.memref_slice %arg14[%gather3A_757, %gather3A_758, %gather3A_759] : memref<2x32x128xf32, #tpu.memory_space<vmem>> -> memref<1x32x128xf32, #tpu.memory_space<vmem>>
            %gather3A_761 = tpu.memref_squeeze %gather3A_760 : memref<1x32x128xf32, #tpu.memory_space<vmem>> -> memref<32x128xf32, #tpu.memory_space<vmem>>
            %gather3A_762 = tpu.vector_load_idx %gather3A_761[%add3A_468, %add3A_756] : memref<32x128xf32, #tpu.memory_space<vmem>>[vector<16xi32>, vector<16xi32>], vector<16xf32>,
            %mul3A_763 = arith.mulf %gather3A_762, %exp3A : vector<16xf32>
            %scatter3A = arith.constant 0 : i32
            %scatter3A_764 = arith.constant 0 : i32
            %scatter3A_765 = arith.constant 0 : i32
            %scatter3A_766 = tpu.memref_slice %arg14[%scatter3A, %scatter3A_764, %scatter3A_765] : memref<2x32x128xf32, #tpu.memory_space<vmem>> -> memref<1x32x128xf32, #tpu.memory_space<vmem>>
            %scatter3A_767 = tpu.memref_squeeze %scatter3A_766 : memref<1x32x128xf32, #tpu.memory_space<vmem>> -> memref<32x128xf32, #tpu.memory_space<vmem>>
            tpu.vector_store_idx %scatter3A_767[%add3A_468, %add3A_756], %mul3A_763 : memref<32x128xf32, #tpu.memory_space<vmem>>[vector<16xi32>, vector<16xi32>], vector<16xf32>,
            %add3A_768 = vector.broadcast %mul3A_489 : i32 to vector<16xi32>
            %add3A_769 = arith.addi %and3A_88, %add3A_768 : vector<16xi32>
            %gather3A_770 = arith.constant 0 : i32
            %gather3A_771 = arith.constant 0 : i32
            %gather3A_772 = arith.constant 0 : i32
            %gather3A_773 = tpu.memref_slice %arg14[%gather3A_770, %gather3A_771, %gather3A_772] : memref<2x32x128xf32, #tpu.memory_space<vmem>> -> memref<1x32x128xf32, #tpu.memory_space<vmem>>
            %gather3A_774 = tpu.memref_squeeze %gather3A_773 : memref<1x32x128xf32, #tpu.memory_space<vmem>> -> memref<32x128xf32, #tpu.memory_space<vmem>>
            %gather3A_775 = tpu.vector_load_idx %gather3A_774[%add3A_468, %add3A_769] : memref<32x128xf32, #tpu.memory_space<vmem>>[vector<16xi32>, vector<16xi32>], vector<16xf32>,
            %mul3A_776 = arith.mulf %gather3A_775, %exp3A : vector<16xf32>
            %scatter3A_777 = arith.constant 0 : i32
            %scatter3A_778 = arith.constant 0 : i32
            %scatter3A_779 = arith.constant 0 : i32
            %scatter3A_780 = tpu.memref_slice %arg14[%scatter3A_777, %scatter3A_778, %scatter3A_779] : memref<2x32x128xf32, #tpu.memory_space<vmem>> -> memref<1x32x128xf32, #tpu.memory_space<vmem>>
            %scatter3A_781 = tpu.memref_squeeze %scatter3A_780 : memref<1x32x128xf32, #tpu.memory_space<vmem>> -> memref<32x128xf32, #tpu.memory_space<vmem>>
            tpu.vector_store_idx %scatter3A_781[%add3A_468, %add3A_769], %mul3A_776 : memref<32x128xf32, #tpu.memory_space<vmem>>[vector<16xi32>, vector<16xi32>], vector<16xf32>,
            %add3A_782 = vector.broadcast %mul3A_489 : i32 to vector<16xi32>
            %add3A_783 = arith.addi %and3A_94, %add3A_782 : vector<16xi32>
            %gather3A_784 = arith.constant 0 : i32
            %gather3A_785 = arith.constant 0 : i32
            %gather3A_786 = arith.constant 0 : i32
            %gather3A_787 = tpu.memref_slice %arg14[%gather3A_784, %gather3A_785, %gather3A_786] : memref<2x32x128xf32, #tpu.memory_space<vmem>> -> memref<1x32x128xf32, #tpu.memory_space<vmem>>
            %gather3A_788 = tpu.memref_squeeze %gather3A_787 : memref<1x32x128xf32, #tpu.memory_space<vmem>> -> memref<32x128xf32, #tpu.memory_space<vmem>>
            %gather3A_789 = tpu.vector_load_idx %gather3A_788[%add3A_468, %add3A_783] : memref<32x128xf32, #tpu.memory_space<vmem>>[vector<16xi32>, vector<16xi32>], vector<16xf32>,
            %mul3A_790 = arith.mulf %gather3A_789, %exp3A : vector<16xf32>
            %scatter3A_791 = arith.constant 0 : i32
            %scatter3A_792 = arith.constant 0 : i32
            %scatter3A_793 = arith.constant 0 : i32
            %scatter3A_794 = tpu.memref_slice %arg14[%scatter3A_791, %scatter3A_792, %scatter3A_793] : memref<2x32x128xf32, #tpu.memory_space<vmem>> -> memref<1x32x128xf32, #tpu.memory_space<vmem>>
            %scatter3A_795 = tpu.memref_squeeze %scatter3A_794 : memref<1x32x128xf32, #tpu.memory_space<vmem>> -> memref<32x128xf32, #tpu.memory_space<vmem>>
            tpu.vector_store_idx %scatter3A_795[%add3A_468, %add3A_783], %mul3A_790 : memref<32x128xf32, #tpu.memory_space<vmem>>[vector<16xi32>, vector<16xi32>], vector<16xf32>,
            %add3A_796 = vector.broadcast %mul3A_489 : i32 to vector<16xi32>
            %add3A_797 = arith.addi %and3A_100, %add3A_796 : vector<16xi32>
            %gather3A_798 = arith.constant 0 : i32
            %gather3A_799 = arith.constant 0 : i32
            %gather3A_800 = arith.constant 0 : i32
            %gather3A_801 = tpu.memref_slice %arg14[%gather3A_798, %gather3A_799, %gather3A_800] : memref<2x32x128xf32, #tpu.memory_space<vmem>> -> memref<1x32x128xf32, #tpu.memory_space<vmem>>
            %gather3A_802 = tpu.memref_squeeze %gather3A_801 : memref<1x32x128xf32, #tpu.memory_space<vmem>> -> memref<32x128xf32, #tpu.memory_space<vmem>>
            %gather3A_803 = tpu.vector_load_idx %gather3A_802[%add3A_468, %add3A_797] : memref<32x128xf32, #tpu.memory_space<vmem>>[vector<16xi32>, vector<16xi32>], vector<16xf32>,
            %mul3A_804 = arith.mulf %gather3A_803, %exp3A : vector<16xf32>
            %scatter3A_805 = arith.constant 0 : i32
            %scatter3A_806 = arith.constant 0 : i32
            %scatter3A_807 = arith.constant 0 : i32
            %scatter3A_808 = tpu.memref_slice %arg14[%scatter3A_805, %scatter3A_806, %scatter3A_807] : memref<2x32x128xf32, #tpu.memory_space<vmem>> -> memref<1x32x128xf32, #tpu.memory_space<vmem>>
            %scatter3A_809 = tpu.memref_squeeze %scatter3A_808 : memref<1x32x128xf32, #tpu.memory_space<vmem>> -> memref<32x128xf32, #tpu.memory_space<vmem>>
            tpu.vector_store_idx %scatter3A_809[%add3A_468, %add3A_797], %mul3A_804 : memref<32x128xf32, #tpu.memory_space<vmem>>[vector<16xi32>, vector<16xi32>], vector<16xf32>,
            %add3A_810 = vector.broadcast %mul3A_489 : i32 to vector<16xi32>
            %add3A_811 = arith.addi %and3A_106, %add3A_810 : vector<16xi32>
            %gather3A_812 = arith.constant 0 : i32
            %gather3A_813 = arith.constant 0 : i32
            %gather3A_814 = arith.constant 0 : i32
            %gather3A_815 = tpu.memref_slice %arg14[%gather3A_812, %gather3A_813, %gather3A_814] : memref<2x32x128xf32, #tpu.memory_space<vmem>> -> memref<1x32x128xf32, #tpu.memory_space<vmem>>
            %gather3A_816 = tpu.memref_squeeze %gather3A_815 : memref<1x32x128xf32, #tpu.memory_space<vmem>> -> memref<32x128xf32, #tpu.memory_space<vmem>>
            %gather3A_817 = tpu.vector_load_idx %gather3A_816[%add3A_468, %add3A_811] : memref<32x128xf32, #tpu.memory_space<vmem>>[vector<16xi32>, vector<16xi32>], vector<16xf32>,
            %mul3A_818 = arith.mulf %gather3A_817, %exp3A : vector<16xf32>
            %scatter3A_819 = arith.constant 0 : i32
            %scatter3A_820 = arith.constant 0 : i32
            %scatter3A_821 = arith.constant 0 : i32
            %scatter3A_822 = tpu.memref_slice %arg14[%scatter3A_819, %scatter3A_820, %scatter3A_821] : memref<2x32x128xf32, #tpu.memory_space<vmem>> -> memref<1x32x128xf32, #tpu.memory_space<vmem>>
            %scatter3A_823 = tpu.memref_squeeze %scatter3A_822 : memref<1x32x128xf32, #tpu.memory_space<vmem>> -> memref<32x128xf32, #tpu.memory_space<vmem>>
            tpu.vector_store_idx %scatter3A_823[%add3A_468, %add3A_811], %mul3A_818 : memref<32x128xf32, #tpu.memory_space<vmem>>[vector<16xi32>, vector<16xi32>], vector<16xf32>,
            %add3A_824 = vector.broadcast %mul3A_489 : i32 to vector<16xi32>
            %add3A_825 = arith.addi %and3A_112, %add3A_824 : vector<16xi32>
            %gather3A_826 = arith.constant 0 : i32
            %gather3A_827 = arith.constant 0 : i32
            %gather3A_828 = arith.constant 0 : i32
            %gather3A_829 = tpu.memref_slice %arg14[%gather3A_826, %gather3A_827, %gather3A_828] : memref<2x32x128xf32, #tpu.memory_space<vmem>> -> memref<1x32x128xf32, #tpu.memory_space<vmem>>
            %gather3A_830 = tpu.memref_squeeze %gather3A_829 : memref<1x32x128xf32, #tpu.memory_space<vmem>> -> memref<32x128xf32, #tpu.memory_space<vmem>>
            %gather3A_831 = tpu.vector_load_idx %gather3A_830[%add3A_468, %add3A_825] : memref<32x128xf32, #tpu.memory_space<vmem>>[vector<16xi32>, vector<16xi32>], vector<16xf32>,
            %mul3A_832 = arith.mulf %gather3A_831, %exp3A : vector<16xf32>
            %scatter3A_833 = arith.constant 0 : i32
            %scatter3A_834 = arith.constant 0 : i32
            %scatter3A_835 = arith.constant 0 : i32
            %scatter3A_836 = tpu.memref_slice %arg14[%scatter3A_833, %scatter3A_834, %scatter3A_835] : memref<2x32x128xf32, #tpu.memory_space<vmem>> -> memref<1x32x128xf32, #tpu.memory_space<vmem>>
            %scatter3A_837 = tpu.memref_squeeze %scatter3A_836 : memref<1x32x128xf32, #tpu.memory_space<vmem>> -> memref<32x128xf32, #tpu.memory_space<vmem>>
            tpu.vector_store_idx %scatter3A_837[%add3A_468, %add3A_825], %mul3A_832 : memref<32x128xf32, #tpu.memory_space<vmem>>[vector<16xi32>, vector<16xi32>], vector<16xf32>,
            %add3A_838 = vector.broadcast %mul3A_489 : i32 to vector<16xi32>
            %add3A_839 = arith.addi %and3A_118, %add3A_838 : vector<16xi32>
            %gather3A_840 = arith.constant 0 : i32
            %gather3A_841 = arith.constant 0 : i32
            %gather3A_842 = arith.constant 0 : i32
            %gather3A_843 = tpu.memref_slice %arg14[%gather3A_840, %gather3A_841, %gather3A_842] : memref<2x32x128xf32, #tpu.memory_space<vmem>> -> memref<1x32x128xf32, #tpu.memory_space<vmem>>
            %gather3A_844 = tpu.memref_squeeze %gather3A_843 : memref<1x32x128xf32, #tpu.memory_space<vmem>> -> memref<32x128xf32, #tpu.memory_space<vmem>>
            %gather3A_845 = tpu.vector_load_idx %gather3A_844[%add3A_468, %add3A_839] : memref<32x128xf32, #tpu.memory_space<vmem>>[vector<16xi32>, vector<16xi32>], vector<16xf32>,
            %mul3A_846 = arith.mulf %gather3A_845, %exp3A : vector<16xf32>
            %scatter3A_847 = arith.constant 0 : i32
            %scatter3A_848 = arith.constant 0 : i32
            %scatter3A_849 = arith.constant 0 : i32
            %scatter3A_850 = tpu.memref_slice %arg14[%scatter3A_847, %scatter3A_848, %scatter3A_849] : memref<2x32x128xf32, #tpu.memory_space<vmem>> -> memref<1x32x128xf32, #tpu.memory_space<vmem>>
            %scatter3A_851 = tpu.memref_squeeze %scatter3A_850 : memref<1x32x128xf32, #tpu.memory_space<vmem>> -> memref<32x128xf32, #tpu.memory_space<vmem>>
            tpu.vector_store_idx %scatter3A_851[%add3A_468, %add3A_839], %mul3A_846 : memref<32x128xf32, #tpu.memory_space<vmem>>[vector<16xi32>, vector<16xi32>], vector<16xf32>,
            %add3A_852 = vector.broadcast %mul3A_489 : i32 to vector<16xi32>
            %add3A_853 = arith.addi %and3A_124, %add3A_852 : vector<16xi32>
            %gather3A_854 = arith.constant 0 : i32
            %gather3A_855 = arith.constant 0 : i32
            %gather3A_856 = arith.constant 0 : i32
            %gather3A_857 = tpu.memref_slice %arg14[%gather3A_854, %gather3A_855, %gather3A_856] : memref<2x32x128xf32, #tpu.memory_space<vmem>> -> memref<1x32x128xf32, #tpu.memory_space<vmem>>
            %gather3A_858 = tpu.memref_squeeze %gather3A_857 : memref<1x32x128xf32, #tpu.memory_space<vmem>> -> memref<32x128xf32, #tpu.memory_space<vmem>>
            %gather3A_859 = tpu.vector_load_idx %gather3A_858[%add3A_468, %add3A_853] : memref<32x128xf32, #tpu.memory_space<vmem>>[vector<16xi32>, vector<16xi32>], vector<16xf32>,
            %mul3A_860 = arith.mulf %gather3A_859, %exp3A : vector<16xf32>
            %scatter3A_861 = arith.constant 0 : i32
            %scatter3A_862 = arith.constant 0 : i32
            %scatter3A_863 = arith.constant 0 : i32
            %scatter3A_864 = tpu.memref_slice %arg14[%scatter3A_861, %scatter3A_862, %scatter3A_863] : memref<2x32x128xf32, #tpu.memory_space<vmem>> -> memref<1x32x128xf32, #tpu.memory_space<vmem>>
            %scatter3A_865 = tpu.memref_squeeze %scatter3A_864 : memref<1x32x128xf32, #tpu.memory_space<vmem>> -> memref<32x128xf32, #tpu.memory_space<vmem>>
            tpu.vector_store_idx %scatter3A_865[%add3A_468, %add3A_853], %mul3A_860 : memref<32x128xf32, #tpu.memory_space<vmem>>[vector<16xi32>, vector<16xi32>], vector<16xf32>,
            %add3A_866 = vector.broadcast %mul3A_489 : i32 to vector<16xi32>
            %add3A_867 = arith.addi %and3A_130, %add3A_866 : vector<16xi32>
            %gather3A_868 = arith.constant 0 : i32
            %gather3A_869 = arith.constant 0 : i32
            %gather3A_870 = arith.constant 0 : i32
            %gather3A_871 = tpu.memref_slice %arg14[%gather3A_868, %gather3A_869, %gather3A_870] : memref<2x32x128xf32, #tpu.memory_space<vmem>> -> memref<1x32x128xf32, #tpu.memory_space<vmem>>
            %gather3A_872 = tpu.memref_squeeze %gather3A_871 : memref<1x32x128xf32, #tpu.memory_space<vmem>> -> memref<32x128xf32, #tpu.memory_space<vmem>>
            %gather3A_873 = tpu.vector_load_idx %gather3A_872[%add3A_468, %add3A_867] : memref<32x128xf32, #tpu.memory_space<vmem>>[vector<16xi32>, vector<16xi32>], vector<16xf32>,
            %mul3A_874 = arith.mulf %gather3A_873, %exp3A : vector<16xf32>
            %scatter3A_875 = arith.constant 0 : i32
            %scatter3A_876 = arith.constant 0 : i32
            %scatter3A_877 = arith.constant 0 : i32
            %scatter3A_878 = tpu.memref_slice %arg14[%scatter3A_875, %scatter3A_876, %scatter3A_877] : memref<2x32x128xf32, #tpu.memory_space<vmem>> -> memref<1x32x128xf32, #tpu.memory_space<vmem>>
            %scatter3A_879 = tpu.memref_squeeze %scatter3A_878 : memref<1x32x128xf32, #tpu.memory_space<vmem>> -> memref<32x128xf32, #tpu.memory_space<vmem>>
            tpu.vector_store_idx %scatter3A_879[%add3A_468, %add3A_867], %mul3A_874 : memref<32x128xf32, #tpu.memory_space<vmem>>[vector<16xi32>, vector<16xi32>], vector<16xf32>,
            %add3A_880 = vector.broadcast %mul3A_489 : i32 to vector<16xi32>
            %add3A_881 = arith.addi %and3A_136, %add3A_880 : vector<16xi32>
            %gather3A_882 = arith.constant 0 : i32
            %gather3A_883 = arith.constant 0 : i32
            %gather3A_884 = arith.constant 0 : i32
            %gather3A_885 = tpu.memref_slice %arg14[%gather3A_882, %gather3A_883, %gather3A_884] : memref<2x32x128xf32, #tpu.memory_space<vmem>> -> memref<1x32x128xf32, #tpu.memory_space<vmem>>
            %gather3A_886 = tpu.memref_squeeze %gather3A_885 : memref<1x32x128xf32, #tpu.memory_space<vmem>> -> memref<32x128xf32, #tpu.memory_space<vmem>>
            %gather3A_887 = tpu.vector_load_idx %gather3A_886[%add3A_468, %add3A_881] : memref<32x128xf32, #tpu.memory_space<vmem>>[vector<16xi32>, vector<16xi32>], vector<16xf32>,
            %mul3A_888 = arith.mulf %gather3A_887, %exp3A : vector<16xf32>
            %scatter3A_889 = arith.constant 0 : i32
            %scatter3A_890 = arith.constant 0 : i32
            %scatter3A_891 = arith.constant 0 : i32
            %scatter3A_892 = tpu.memref_slice %arg14[%scatter3A_889, %scatter3A_890, %scatter3A_891] : memref<2x32x128xf32, #tpu.memory_space<vmem>> -> memref<1x32x128xf32, #tpu.memory_space<vmem>>
            %scatter3A_893 = tpu.memref_squeeze %scatter3A_892 : memref<1x32x128xf32, #tpu.memory_space<vmem>> -> memref<32x128xf32, #tpu.memory_space<vmem>>
            tpu.vector_store_idx %scatter3A_893[%add3A_468, %add3A_881], %mul3A_888 : memref<32x128xf32, #tpu.memory_space<vmem>>[vector<16xi32>, vector<16xi32>], vector<16xf32>,
            %add3A_894 = vector.broadcast %mul3A_489 : i32 to vector<16xi32>
            %add3A_895 = arith.addi %and3A_142, %add3A_894 : vector<16xi32>
            %gather3A_896 = arith.constant 0 : i32
            %gather3A_897 = arith.constant 0 : i32
            %gather3A_898 = arith.constant 0 : i32
            %gather3A_899 = tpu.memref_slice %arg14[%gather3A_896, %gather3A_897, %gather3A_898] : memref<2x32x128xf32, #tpu.memory_space<vmem>> -> memref<1x32x128xf32, #tpu.memory_space<vmem>>
            %gather3A_900 = tpu.memref_squeeze %gather3A_899 : memref<1x32x128xf32, #tpu.memory_space<vmem>> -> memref<32x128xf32, #tpu.memory_space<vmem>>
            %gather3A_901 = tpu.vector_load_idx %gather3A_900[%add3A_468, %add3A_895] : memref<32x128xf32, #tpu.memory_space<vmem>>[vector<16xi32>, vector<16xi32>], vector<16xf32>,
            %mul3A_902 = arith.mulf %gather3A_901, %exp3A : vector<16xf32>
            %scatter3A_903 = arith.constant 0 : i32
            %scatter3A_904 = arith.constant 0 : i32
            %scatter3A_905 = arith.constant 0 : i32
            %scatter3A_906 = tpu.memref_slice %arg14[%scatter3A_903, %scatter3A_904, %scatter3A_905] : memref<2x32x128xf32, #tpu.memory_space<vmem>> -> memref<1x32x128xf32, #tpu.memory_space<vmem>>
            %scatter3A_907 = tpu.memref_squeeze %scatter3A_906 : memref<1x32x128xf32, #tpu.memory_space<vmem>> -> memref<32x128xf32, #tpu.memory_space<vmem>>
            tpu.vector_store_idx %scatter3A_907[%add3A_468, %add3A_895], %mul3A_902 : memref<32x128xf32, #tpu.memory_space<vmem>>[vector<16xi32>, vector<16xi32>], vector<16xf32>,
            %add3A_908 = vector.broadcast %mul3A_489 : i32 to vector<16xi32>
            %add3A_909 = arith.addi %and3A_148, %add3A_908 : vector<16xi32>
            %gather3A_910 = arith.constant 0 : i32
            %gather3A_911 = arith.constant 0 : i32
            %gather3A_912 = arith.constant 0 : i32
            %gather3A_913 = tpu.memref_slice %arg14[%gather3A_910, %gather3A_911, %gather3A_912] : memref<2x32x128xf32, #tpu.memory_space<vmem>> -> memref<1x32x128xf32, #tpu.memory_space<vmem>>
            %gather3A_914 = tpu.memref_squeeze %gather3A_913 : memref<1x32x128xf32, #tpu.memory_space<vmem>> -> memref<32x128xf32, #tpu.memory_space<vmem>>
            %gather3A_915 = tpu.vector_load_idx %gather3A_914[%add3A_468, %add3A_909] : memref<32x128xf32, #tpu.memory_space<vmem>>[vector<16xi32>, vector<16xi32>], vector<16xf32>,
            %mul3A_916 = arith.mulf %gather3A_915, %exp3A : vector<16xf32>
            %scatter3A_917 = arith.constant 0 : i32
            %scatter3A_918 = arith.constant 0 : i32
            %scatter3A_919 = arith.constant 0 : i32
            %scatter3A_920 = tpu.memref_slice %arg14[%scatter3A_917, %scatter3A_918, %scatter3A_919] : memref<2x32x128xf32, #tpu.memory_space<vmem>> -> memref<1x32x128xf32, #tpu.memory_space<vmem>>
            %scatter3A_921 = tpu.memref_squeeze %scatter3A_920 : memref<1x32x128xf32, #tpu.memory_space<vmem>> -> memref<32x128xf32, #tpu.memory_space<vmem>>
            tpu.vector_store_idx %scatter3A_921[%add3A_468, %add3A_909], %mul3A_916 : memref<32x128xf32, #tpu.memory_space<vmem>>[vector<16xi32>, vector<16xi32>], vector<16xf32>,
            %add3A_922 = vector.broadcast %mul3A_489 : i32 to vector<16xi32>
            %add3A_923 = arith.addi %and3A_154, %add3A_922 : vector<16xi32>
            %gather3A_924 = arith.constant 0 : i32
            %gather3A_925 = arith.constant 0 : i32
            %gather3A_926 = arith.constant 0 : i32
            %gather3A_927 = tpu.memref_slice %arg14[%gather3A_924, %gather3A_925, %gather3A_926] : memref<2x32x128xf32, #tpu.memory_space<vmem>> -> memref<1x32x128xf32, #tpu.memory_space<vmem>>
            %gather3A_928 = tpu.memref_squeeze %gather3A_927 : memref<1x32x128xf32, #tpu.memory_space<vmem>> -> memref<32x128xf32, #tpu.memory_space<vmem>>
            %gather3A_929 = tpu.vector_load_idx %gather3A_928[%add3A_468, %add3A_923] : memref<32x128xf32, #tpu.memory_space<vmem>>[vector<16xi32>, vector<16xi32>], vector<16xf32>,
            %mul3A_930 = arith.mulf %gather3A_929, %exp3A : vector<16xf32>
            %scatter3A_931 = arith.constant 0 : i32
            %scatter3A_932 = arith.constant 0 : i32
            %scatter3A_933 = arith.constant 0 : i32
            %scatter3A_934 = tpu.memref_slice %arg14[%scatter3A_931, %scatter3A_932, %scatter3A_933] : memref<2x32x128xf32, #tpu.memory_space<vmem>> -> memref<1x32x128xf32, #tpu.memory_space<vmem>>
            %scatter3A_935 = tpu.memref_squeeze %scatter3A_934 : memref<1x32x128xf32, #tpu.memory_space<vmem>> -> memref<32x128xf32, #tpu.memory_space<vmem>>
            tpu.vector_store_idx %scatter3A_935[%add3A_468, %add3A_923], %mul3A_930 : memref<32x128xf32, #tpu.memory_space<vmem>>[vector<16xi32>, vector<16xi32>], vector<16xf32>,
            %add3A_936 = vector.broadcast %mul3A_489 : i32 to vector<16xi32>
            %add3A_937 = arith.addi %and3A_160, %add3A_936 : vector<16xi32>
            %gather3A_938 = arith.constant 0 : i32
            %gather3A_939 = arith.constant 0 : i32
            %gather3A_940 = arith.constant 0 : i32
            %gather3A_941 = tpu.memref_slice %arg14[%gather3A_938, %gather3A_939, %gather3A_940] : memref<2x32x128xf32, #tpu.memory_space<vmem>> -> memref<1x32x128xf32, #tpu.memory_space<vmem>>
            %gather3A_942 = tpu.memref_squeeze %gather3A_941 : memref<1x32x128xf32, #tpu.memory_space<vmem>> -> memref<32x128xf32, #tpu.memory_space<vmem>>
            %gather3A_943 = tpu.vector_load_idx %gather3A_942[%add3A_468, %add3A_937] : memref<32x128xf32, #tpu.memory_space<vmem>>[vector<16xi32>, vector<16xi32>], vector<16xf32>,
            %mul3A_944 = arith.mulf %gather3A_943, %exp3A : vector<16xf32>
            %scatter3A_945 = arith.constant 0 : i32
            %scatter3A_946 = arith.constant 0 : i32
            %scatter3A_947 = arith.constant 0 : i32
            %scatter3A_948 = tpu.memref_slice %arg14[%scatter3A_945, %scatter3A_946, %scatter3A_947] : memref<2x32x128xf32, #tpu.memory_space<vmem>> -> memref<1x32x128xf32, #tpu.memory_space<vmem>>
            %scatter3A_949 = tpu.memref_squeeze %scatter3A_948 : memref<1x32x128xf32, #tpu.memory_space<vmem>> -> memref<32x128xf32, #tpu.memory_space<vmem>>
            tpu.vector_store_idx %scatter3A_949[%add3A_468, %add3A_937], %mul3A_944 : memref<32x128xf32, #tpu.memory_space<vmem>>[vector<16xi32>, vector<16xi32>], vector<16xf32>,
            %add3A_950 = vector.broadcast %mul3A_489 : i32 to vector<16xi32>
            %add3A_951 = arith.addi %and3A_166, %add3A_950 : vector<16xi32>
            %gather3A_952 = arith.constant 0 : i32
            %gather3A_953 = arith.constant 0 : i32
            %gather3A_954 = arith.constant 0 : i32
            %gather3A_955 = tpu.memref_slice %arg14[%gather3A_952, %gather3A_953, %gather3A_954] : memref<2x32x128xf32, #tpu.memory_space<vmem>> -> memref<1x32x128xf32, #tpu.memory_space<vmem>>
            %gather3A_956 = tpu.memref_squeeze %gather3A_955 : memref<1x32x128xf32, #tpu.memory_space<vmem>> -> memref<32x128xf32, #tpu.memory_space<vmem>>
            %gather3A_957 = tpu.vector_load_idx %gather3A_956[%add3A_468, %add3A_951] : memref<32x128xf32, #tpu.memory_space<vmem>>[vector<16xi32>, vector<16xi32>], vector<16xf32>,
            %mul3A_958 = arith.mulf %gather3A_957, %exp3A : vector<16xf32>
            %scatter3A_959 = arith.constant 0 : i32
            %scatter3A_960 = arith.constant 0 : i32
            %scatter3A_961 = arith.constant 0 : i32
            %scatter3A_962 = tpu.memref_slice %arg14[%scatter3A_959, %scatter3A_960, %scatter3A_961] : memref<2x32x128xf32, #tpu.memory_space<vmem>> -> memref<1x32x128xf32, #tpu.memory_space<vmem>>
            %scatter3A_963 = tpu.memref_squeeze %scatter3A_962 : memref<1x32x128xf32, #tpu.memory_space<vmem>> -> memref<32x128xf32, #tpu.memory_space<vmem>>
            tpu.vector_store_idx %scatter3A_963[%add3A_468, %add3A_951], %mul3A_958 : memref<32x128xf32, #tpu.memory_space<vmem>>[vector<16xi32>, vector<16xi32>], vector<16xf32>,
            %add3A_964 = vector.broadcast %mul3A_489 : i32 to vector<16xi32>
            %add3A_965 = arith.addi %and3A_172, %add3A_964 : vector<16xi32>
            %gather3A_966 = arith.constant 0 : i32
            %gather3A_967 = arith.constant 0 : i32
            %gather3A_968 = arith.constant 0 : i32
            %gather3A_969 = tpu.memref_slice %arg14[%gather3A_966, %gather3A_967, %gather3A_968] : memref<2x32x128xf32, #tpu.memory_space<vmem>> -> memref<1x32x128xf32, #tpu.memory_space<vmem>>
            %gather3A_970 = tpu.memref_squeeze %gather3A_969 : memref<1x32x128xf32, #tpu.memory_space<vmem>> -> memref<32x128xf32, #tpu.memory_space<vmem>>
            %gather3A_971 = tpu.vector_load_idx %gather3A_970[%add3A_468, %add3A_965] : memref<32x128xf32, #tpu.memory_space<vmem>>[vector<16xi32>, vector<16xi32>], vector<16xf32>,
            %mul3A_972 = arith.mulf %gather3A_971, %exp3A : vector<16xf32>
            %scatter3A_973 = arith.constant 0 : i32
            %scatter3A_974 = arith.constant 0 : i32
            %scatter3A_975 = arith.constant 0 : i32
            %scatter3A_976 = tpu.memref_slice %arg14[%scatter3A_973, %scatter3A_974, %scatter3A_975] : memref<2x32x128xf32, #tpu.memory_space<vmem>> -> memref<1x32x128xf32, #tpu.memory_space<vmem>>
            %scatter3A_977 = tpu.memref_squeeze %scatter3A_976 : memref<1x32x128xf32, #tpu.memory_space<vmem>> -> memref<32x128xf32, #tpu.memory_space<vmem>>
            tpu.vector_store_idx %scatter3A_977[%add3A_468, %add3A_965], %mul3A_972 : memref<32x128xf32, #tpu.memory_space<vmem>>[vector<16xi32>, vector<16xi32>], vector<16xf32>,
          }
          %scan3A_480 = arith.constant 8 : i32
          %scan3A_481 = arith.constant 0 : i32
          %scan3A_482 = arith.constant 0 : i32
          %scan3A_483 = arith.constant 16 : i32
          %scan3A_484 = arith.addi %scan3A_482, %scan3A_483 : i32
          %scan3A_485 = arith.constant 1 : i32
          scf.for %scan3A_487 = %scan3A_482 to %scan3A_484 step %scan3A_485  : i32 {
            %mul3A_488 = arith.constant 16 : i32
            %mul3A_489 = arith.muli %scan3A_464, %mul3A_488 : i32
            %add3A_490 = arith.addi %mul3A_489, %scan3A_487 : i32
            %get3A_491 = arith.index_cast %scan3A_487 : i32 to index
            %get3A_492 = arith.constant 0 : index
            %get3A_493 = tpu.vector_load %arg24[%get3A_491, %get3A_492] {strides = array<i32>} : memref<16x17xf32, #tpu.memory_space<vmem>>, vector<16xf32>,
            %get3A_494 = arith.constant 0 : i32
            %get3A_495 = arith.index_cast %get3A_494 : i32 to index
            %get3A_496 = arith.index_cast %add3A_490 : i32 to index
            %get3A_497 = tpu.vector_load %arg22[%get3A_495, %get3A_496] {strides = array<i32>} : memref<2x48xi32, #tpu.memory_space<vmem>>, vector<16xi32>,
            %slice3A = vector.extract_strided_slice %get3A_497 {offsets = [0], sizes = [1], strides = [1]} : vector<16xi32> to vector<1xi32>
            %squeeze3A = vector.extract %slice3A[0] : i32 from vector<1xi32>
            %mul3A_498 = arith.constant 16 : i32
            %mul3A_499 = arith.muli %squeeze3A, %mul3A_498 : i32
            %swap3A_500 = arith.constant 0 : i32
            %swap3A_501 = arith.index_cast %swap3A_500 : i32 to index
            %swap3A_502 = arith.index_cast %add3A_490 : i32 to index
            %swap3A_503 = arith.index_cast %mul3A_499 : i32 to index
            %swap3A_504 = tpu.vector_load %arg16[%swap3A_501, %swap3A_502, %swap3A_503] {strides = array<i32>} : memref<2x32x128xf32, #tpu.memory_space<vmem>>, vector<16xf32>,
            tpu.vector_store %arg16[%swap3A_501, %swap3A_502, %swap3A_503], %get3A_493 {strides = array<i32>} : memref<2x32x128xf32, #tpu.memory_space<vmem>>, vector<16xf32>,
          }
          %scan3A_486 = arith.constant 16 : i32
        }
        %scan3A_424 = arith.constant 2 : i32
        %get3A = arith.constant 0 : i32
        %get3A_425 = arith.index_cast %get3A : i32 to index
        %get3A_426 = arith.constant 0 : index
        %get3A_427 = tpu.vector_load %arg20[%get3A_425, %get3A_426] {strides = array<i32>} : memref<2x32xi32, #tpu.memory_space<vmem>>, vector<16xi32>,
        %swap3A_428 = arith.constant 0 : i32
        %swap3A_429 = arith.index_cast %swap3A_428 : i32 to index
        %swap3A_430 = arith.constant 0 : index
        %swap3A_431 = tpu.vector_load %arg21[%swap3A_429, %swap3A_430] {strides = array<i32>} : memref<2x32xi32, #tpu.memory_space<vmem>>, vector<16xi32>,
        tpu.vector_store %arg21[%swap3A_429, %swap3A_430], %get3A_427 {strides = array<i32>} : memref<2x32xi32, #tpu.memory_space<vmem>>, vector<16xi32>,
        %get3A_432 = arith.constant 0 : i32
        %get3A_433 = arith.index_cast %get3A_432 : i32 to index
        %get3A_434 = arith.constant 16 : index
        %get3A_435 = tpu.vector_load %arg20[%get3A_433, %get3A_434] {strides = array<i32>} : memref<2x32xi32, #tpu.memory_space<vmem>>, vector<16xi32>,
        %swap3A_436 = arith.constant 0 : i32
        %swap3A_437 = arith.index_cast %swap3A_436 : i32 to index
        %swap3A_438 = arith.constant 16 : index
        %swap3A_439 = tpu.vector_load %arg21[%swap3A_437, %swap3A_438] {strides = array<i32>} : memref<2x32xi32, #tpu.memory_space<vmem>>, vector<16xi32>,
        tpu.vector_store %arg21[%swap3A_437, %swap3A_438], %get3A_435 {strides = array<i32>} : memref<2x32xi32, #tpu.memory_space<vmem>>, vector<16xi32>,
        %dma_start3A_440 = arith.constant 0 : i32
        %dma_start3A_441 = arith.constant 0 : i32
        %dma_start3A_442 = arith.constant 0 : i32
        %dma_start3A_443 = arith.constant 0 : i32
        %dma_start3A_444 = tpu.memref_slice %arg14[%dma_start3A_440, %dma_start3A_442, %dma_start3A_443] : memref<2x32x128xf32, #tpu.memory_space<vmem>> -> memref<1x32x128xf32, #tpu.memory_space<vmem>>
        %dma_start3A_445 = tpu.memref_squeeze %dma_start3A_444 : memref<1x32x128xf32, #tpu.memory_space<vmem>> -> memref<32x128xf32, #tpu.memory_space<vmem>>
        %dma_start3A_446 = arith.constant 0 : i32
        %dma_start3A_447 = tpu.memref_slice %arg19[%dma_start3A_441, %dma_start3A_446] : memref<2x32xi32, #tpu.memory_space<vmem>> -> memref<1x32xi32, #tpu.memory_space<vmem>>
        %dma_start3A_448 = tpu.memref_squeeze %dma_start3A_447 : memref<1x32xi32, #tpu.memory_space<vmem>> -> memref<32xi32, #tpu.memory_space<vmem>>
        %dma_start3A_449 = arith.constant 0 : i32
        %dma_start3A_450 = arith.constant 0 : i32
        %dma_start3A_451 = tpu.memref_slice %arg11[%dma_start3A_449, %dma_start3A_450] : memref<10112x128xf32, #tpu.memory_space<vmem_shared>> -> memref<10112x128xf32, #tpu.memory_space<vmem_shared>>
        tpu.enqueue_indirect_dma source(%dma_start3A_445 : memref<32x128xf32, #tpu.memory_space<vmem>>) target(%dma_start3A_451 : memref<10112x128xf32, #tpu.memory_space<vmem_shared>>) offsets(%dma_start3A_448 : memref<32xi32, #tpu.memory_space<vmem>>) semaphore(%arg29 : memref<!tpu.dma_semaphore, #tpu.memory_space<semaphore_mem>>) {add = true}
        %dma_start3A_452 = arith.constant 0 : i32
        %dma_start3A_453 = arith.constant 0 : i32
        %dma_start3A_454 = arith.constant 0 : i32
        %dma_start3A_455 = arith.constant 0 : i32
        %dma_start3A_456 = tpu.memref_slice %arg16[%dma_start3A_452, %dma_start3A_454, %dma_start3A_455] : memref<2x32x128xf32, #tpu.memory_space<vmem>> -> memref<1x32x128xf32, #tpu.memory_space<vmem>>
        %dma_start3A_457 = tpu.memref_squeeze %dma_start3A_456 : memref<1x32x128xf32, #tpu.memory_space<vmem>> -> memref<32x128xf32, #tpu.memory_space<vmem>>
        %dma_start3A_458 = arith.constant 0 : i32
        %dma_start3A_459 = tpu.memref_slice %arg21[%dma_start3A_453, %dma_start3A_458] : memref<2x32xi32, #tpu.memory_space<vmem>> -> memref<1x32xi32, #tpu.memory_space<vmem>>
        %dma_start3A_460 = tpu.memref_squeeze %dma_start3A_459 : memref<1x32xi32, #tpu.memory_space<vmem>> -> memref<32xi32, #tpu.memory_space<vmem>>
        %dma_start3A_461 = arith.constant 0 : i32
        %dma_start3A_462 = arith.constant 0 : i32
        %dma_start3A_463 = tpu.memref_slice %arg12[%dma_start3A_461, %dma_start3A_462] : memref<1280x128xf32, #tpu.memory_space<vmem_shared>> -> memref<1280x128xf32, #tpu.memory_space<vmem_shared>>
        tpu.enqueue_indirect_dma source(%dma_start3A_457 : memref<32x128xf32, #tpu.memory_space<vmem>>) target(%dma_start3A_463 : memref<1280x128xf32, #tpu.memory_space<vmem_shared>>) offsets(%dma_start3A_460 : memref<32xi32, #tpu.memory_space<vmem>>) semaphore(%arg29 : memref<!tpu.dma_semaphore, #tpu.memory_space<semaphore_mem>>) {add = true}
      } else {
      }
      %add3A_327 = arith.constant 2 : i32
      %add3A_328 = arith.addi %mul3A_310, %add3A_327 : i32
      %sub3A_329 = arith.constant 1 : i32
      %sub3A_330 = arith.subi %add3A_77, %sub3A_329 : i32
      %le3A_331 = arith.cmpi sle, %add3A_328, %sub3A_330 : i32
      %convert_element_type3A_332 = arith.extui %le3A_331 : i1 to i32
      %cond3A_333 = arith.constant 0 : i32
      %cond3A_334 = arith.cmpi ne, %convert_element_type3A_332, %cond3A_333 : i32
      scf.if %cond3A_334 {
        %add3A_368 = arith.constant 2 : i32
        %add3A_369 = arith.addi %mul3A_310, %add3A_368 : i32
        %add3A_370 = arith.addi %add3A_73, %add3A_369 : i32
        %mul3A_371 = arith.constant 32 : i32
        %mul3A_372 = arith.muli %add3A_370, %mul3A_371 : i32
        %dma_start3A_373 = arith.constant 0 : i32
        %dma_start3A_374 = arith.constant 0 : i32
        %dma_start3A_375 = tpu.memref_slice %arg17[%dma_start3A_373, %dma_start3A_374] : memref<2x32xi32, #tpu.memory_space<vmem>> -> memref<1x32xi32, #tpu.memory_space<vmem>>
        %dma_start3A_376 = tpu.memref_squeeze %dma_start3A_375 : memref<1x32xi32, #tpu.memory_space<vmem>> -> memref<32xi32, #tpu.memory_space<vmem>>
        %dma_start3A_377 = tpu.memref_slice %arg5[%mul3A_372] : memref<320000xi32, #tpu.memory_space<hbm>> -> memref<32xi32, #tpu.memory_space<hbm>>
        %dma_start3A_378 = arith.constant 0 : i32
        %dma_start3A_379 = tpu.memref_slice %arg17[%dma_start3A_373, %dma_start3A_378] : memref<2x32xi32, #tpu.memory_space<vmem>> -> memref<1x32xi32, #tpu.memory_space<vmem>>
        %dma_start3A_380 = tpu.memref_squeeze %dma_start3A_379 : memref<1x32xi32, #tpu.memory_space<vmem>> -> memref<32xi32, #tpu.memory_space<vmem>>
        %dma_start3A_381 = tpu.memref_slice %arg5[%mul3A_372] : memref<320000xi32, #tpu.memory_space<hbm>> -> memref<32xi32, #tpu.memory_space<hbm>>
        tpu.enqueue_dma source(%dma_start3A_381 : memref<32xi32, #tpu.memory_space<hbm>>) target(%dma_start3A_380 : memref<32xi32, #tpu.memory_space<vmem>>) target_semaphore(%arg27 : memref<!tpu.dma_semaphore, #tpu.memory_space<semaphore_mem>>)
        %dma_start3A_382 = arith.constant 0 : i32
        %dma_start3A_383 = arith.constant 0 : i32
        %dma_start3A_384 = tpu.memref_slice %arg18[%dma_start3A_382, %dma_start3A_383] : memref<2x32xi32, #tpu.memory_space<vmem>> -> memref<1x32xi32, #tpu.memory_space<vmem>>
        %dma_start3A_385 = tpu.memref_squeeze %dma_start3A_384 : memref<1x32xi32, #tpu.memory_space<vmem>> -> memref<32xi32, #tpu.memory_space<vmem>>
        %dma_start3A_386 = tpu.memref_slice %arg6[%mul3A_372] : memref<320000xi32, #tpu.memory_space<hbm>> -> memref<32xi32, #tpu.memory_space<hbm>>
        %dma_start3A_387 = arith.constant 0 : i32
        %dma_start3A_388 = tpu.memref_slice %arg18[%dma_start3A_382, %dma_start3A_387] : memref<2x32xi32, #tpu.memory_space<vmem>> -> memref<1x32xi32, #tpu.memory_space<vmem>>
        %dma_start3A_389 = tpu.memref_squeeze %dma_start3A_388 : memref<1x32xi32, #tpu.memory_space<vmem>> -> memref<32xi32, #tpu.memory_space<vmem>>
        %dma_start3A_390 = tpu.memref_slice %arg6[%mul3A_372] : memref<320000xi32, #tpu.memory_space<hbm>> -> memref<32xi32, #tpu.memory_space<hbm>>
        tpu.enqueue_dma source(%dma_start3A_390 : memref<32xi32, #tpu.memory_space<hbm>>) target(%dma_start3A_389 : memref<32xi32, #tpu.memory_space<vmem>>) target_semaphore(%arg27 : memref<!tpu.dma_semaphore, #tpu.memory_space<semaphore_mem>>)
        %dma_start3A_391 = arith.constant 0 : i32
        %dma_start3A_392 = arith.constant 0 : i32
        %dma_start3A_393 = tpu.memref_slice %arg23[%dma_start3A_391, %dma_start3A_392] : memref<2x32xf32, #tpu.memory_space<vmem>> -> memref<1x32xf32, #tpu.memory_space<vmem>>
        %dma_start3A_394 = tpu.memref_squeeze %dma_start3A_393 : memref<1x32xf32, #tpu.memory_space<vmem>> -> memref<32xf32, #tpu.memory_space<vmem>>
        %dma_start3A_395 = tpu.memref_slice %arg7[%mul3A_372] : memref<320000xf32, #tpu.memory_space<hbm>> -> memref<32xf32, #tpu.memory_space<hbm>>
        %dma_start3A_396 = arith.constant 0 : i32
        %dma_start3A_397 = tpu.memref_slice %arg23[%dma_start3A_391, %dma_start3A_396] : memref<2x32xf32, #tpu.memory_space<vmem>> -> memref<1x32xf32, #tpu.memory_space<vmem>>
        %dma_start3A_398 = tpu.memref_squeeze %dma_start3A_397 : memref<1x32xf32, #tpu.memory_space<vmem>> -> memref<32xf32, #tpu.memory_space<vmem>>
        %dma_start3A_399 = tpu.memref_slice %arg7[%mul3A_372] : memref<320000xf32, #tpu.memory_space<hbm>> -> memref<32xf32, #tpu.memory_space<hbm>>
        tpu.enqueue_dma source(%dma_start3A_399 : memref<32xf32, #tpu.memory_space<hbm>>) target(%dma_start3A_398 : memref<32xf32, #tpu.memory_space<vmem>>) target_semaphore(%arg27 : memref<!tpu.dma_semaphore, #tpu.memory_space<semaphore_mem>>)
      } else {
      }
      %mul3A_335 = arith.constant 2 : i32
      %mul3A_336 = arith.muli %mul3A_335, %scan3A_308 : i32
      %add3A_337 = arith.constant 1 : i32
      %add3A_338 = arith.addi %mul3A_336, %add3A_337 : i32
      %ge3A_339 = arith.constant 1 : i32
      %ge3A_340 = arith.cmpi sge, %add3A_338, %ge3A_339 : i32
      %le3A_341 = arith.cmpi sle, %add3A_338, %add3A_77 : i32
      %and3A_342 = arith.andi %ge3A_340, %le3A_341 : i1
      %convert_element_type3A_343 = arith.extui %and3A_342 : i1 to i32
      %cond3A_344 = arith.constant 0 : i32
      %cond3A_345 = arith.cmpi ne, %convert_element_type3A_343, %cond3A_344 : i32
      scf.if %cond3A_345 {
        %dma_wait3A_368 = arith.constant 0 : i32
        %dma_wait3A_369 = arith.constant 0 : i32
        %dma_wait3A_370 = arith.constant 0 : i32
        %dma_wait3A_371 = tpu.memref_slice %arg14[%dma_wait3A_368, %dma_wait3A_369, %dma_wait3A_370] : memref<2x32x128xf32, #tpu.memory_space<vmem>> -> memref<1x32x128xf32, #tpu.memory_space<vmem>>
        %dma_wait3A_372 = tpu.memref_squeeze %dma_wait3A_371 : memref<1x32x128xf32, #tpu.memory_space<vmem>> -> memref<32x128xf32, #tpu.memory_space<vmem>>
        %dma_wait3A_373 = arith.constant 0 : i32
        %dma_wait3A_374 = arith.constant 0 : i32
        %dma_wait3A_375 = tpu.memref_slice %arg11[%dma_wait3A_373, %dma_wait3A_374] : memref<10112x128xf32, #tpu.memory_space<vmem_shared>> -> memref<32x128xf32, #tpu.memory_space<vmem_shared>>
        %dma_wait3A_376 = arith.constant 0 : i32
        %dma_wait3A_377 = arith.constant 0 : i32
        %dma_wait3A_378 = tpu.memref_slice %arg11[%dma_wait3A_376, %dma_wait3A_377] : memref<10112x128xf32, #tpu.memory_space<vmem_shared>> -> memref<32x128xf32, #tpu.memory_space<vmem_shared>>
        %dma_wait3A_379 = arith.constant 0 : i32
        %dma_wait3A_380 = arith.constant 0 : i32
        %dma_wait3A_381 = tpu.memref_slice %arg14[%dma_wait3A_368, %dma_wait3A_379, %dma_wait3A_380] : memref<2x32x128xf32, #tpu.memory_space<vmem>> -> memref<1x32x128xf32, #tpu.memory_space<vmem>>
        %dma_wait3A_382 = tpu.memref_squeeze %dma_wait3A_381 : memref<1x32x128xf32, #tpu.memory_space<vmem>> -> memref<32x128xf32, #tpu.memory_space<vmem>>
        tpu.wait_dma2 semaphore(%arg29 : memref<!tpu.dma_semaphore, #tpu.memory_space<semaphore_mem>>) src(%dma_wait3A_382 : memref<32x128xf32, #tpu.memory_space<vmem>>) dst(%dma_wait3A_378 : memref<32x128xf32, #tpu.memory_space<vmem_shared>>)
        %dma_wait3A_383 = arith.constant 0 : i32
        %dma_wait3A_384 = arith.constant 0 : i32
        %dma_wait3A_385 = arith.constant 0 : i32
        %dma_wait3A_386 = tpu.memref_slice %arg16[%dma_wait3A_383, %dma_wait3A_384, %dma_wait3A_385] : memref<2x32x128xf32, #tpu.memory_space<vmem>> -> memref<1x32x128xf32, #tpu.memory_space<vmem>>
        %dma_wait3A_387 = tpu.memref_squeeze %dma_wait3A_386 : memref<1x32x128xf32, #tpu.memory_space<vmem>> -> memref<32x128xf32, #tpu.memory_space<vmem>>
        %dma_wait3A_388 = arith.constant 0 : i32
        %dma_wait3A_389 = arith.constant 0 : i32
        %dma_wait3A_390 = tpu.memref_slice %arg12[%dma_wait3A_388, %dma_wait3A_389] : memref<1280x128xf32, #tpu.memory_space<vmem_shared>> -> memref<32x128xf32, #tpu.memory_space<vmem_shared>>
        %dma_wait3A_391 = arith.constant 0 : i32
        %dma_wait3A_392 = arith.constant 0 : i32
        %dma_wait3A_393 = tpu.memref_slice %arg12[%dma_wait3A_391, %dma_wait3A_392] : memref<1280x128xf32, #tpu.memory_space<vmem_shared>> -> memref<32x128xf32, #tpu.memory_space<vmem_shared>>
        %dma_wait3A_394 = arith.constant 0 : i32
        %dma_wait3A_395 = arith.constant 0 : i32
        %dma_wait3A_396 = tpu.memref_slice %arg16[%dma_wait3A_383, %dma_wait3A_394, %dma_wait3A_395] : memref<2x32x128xf32, #tpu.memory_space<vmem>> -> memref<1x32x128xf32, #tpu.memory_space<vmem>>
        %dma_wait3A_397 = tpu.memref_squeeze %dma_wait3A_396 : memref<1x32x128xf32, #tpu.memory_space<vmem>> -> memref<32x128xf32, #tpu.memory_space<vmem>>
        tpu.wait_dma2 semaphore(%arg29 : memref<!tpu.dma_semaphore, #tpu.memory_space<semaphore_mem>>) src(%dma_wait3A_397 : memref<32x128xf32, #tpu.memory_space<vmem>>) dst(%dma_wait3A_393 : memref<32x128xf32, #tpu.memory_space<vmem_shared>>)
        %scan3A_398 = arith.constant 0 : i32
        %scan3A_399 = arith.constant 0 : i32
        %scan3A_400 = arith.constant 32 : i32
        %scan3A_401 = arith.addi %scan3A_399, %scan3A_400 : i32
        %scan3A_402 = arith.constant 1 : i32
        scf.for %scan3A_404 = %scan3A_399 to %scan3A_401 step %scan3A_402  : i32 {
          %get3A = arith.constant 0 : i32
          %get3A_405 = arith.index_cast %get3A : i32 to index
          %get3A_406 = arith.index_cast %scan3A_404 : i32 to index
          %get3A_407 = tpu.vector_load %arg22[%get3A_405, %get3A_406] {strides = array<i32>} : memref<2x48xi32, #tpu.memory_space<vmem>>, vector<16xi32>,
          %slice3A = vector.extract_strided_slice %get3A_407 {offsets = [0], sizes = [1], strides = [1]} : vector<16xi32> to vector<1xi32>
          %squeeze3A = vector.extract %slice3A[0] : i32 from vector<1xi32>
          %mul3A_408 = arith.constant 16 : i32
          %mul3A_409 = arith.muli %squeeze3A, %mul3A_408 : i32
          %swap3A_410 = arith.constant 0 : i32
          %swap3A_411 = arith.index_cast %swap3A_410 : i32 to index
          %swap3A_412 = arith.index_cast %scan3A_404 : i32 to index
          %swap3A_413 = arith.index_cast %mul3A_409 : i32 to index
          %swap3A_414 = tpu.vector_load %arg16[%swap3A_411, %swap3A_412, %swap3A_413] {strides = array<i32>} : memref<2x32x128xf32, #tpu.memory_space<vmem>>, vector<16xf32>,
          tpu.vector_store %arg16[%swap3A_411, %swap3A_412, %swap3A_413], %broadcast_in_dim3A_6 {strides = array<i32>} : memref<2x32x128xf32, #tpu.memory_space<vmem>>, vector<16xf32>,
        }
        %scan3A_403 = arith.constant 32 : i32
      } else {
      }
      %add3A_346 = arith.constant 1 : i32
      %add3A_347 = arith.addi %add3A_338, %add3A_346 : i32
      %sub3A_348 = arith.constant 1 : i32
      %sub3A_349 = arith.subi %add3A_77, %sub3A_348 : i32
      %le3A_350 = arith.cmpi sle, %add3A_347, %sub3A_349 : i32
      %convert_element_type3A_351 = arith.extui %le3A_350 : i1 to i32
      %cond3A_352 = arith.constant 0 : i32
      %cond3A_353 = arith.cmpi ne, %convert_element_type3A_351, %cond3A_352 : i32
      scf.if %cond3A_353 {
        %dma_wait3A_368 = arith.constant 0 : i32
        %dma_wait3A_369 = arith.constant 0 : i32
        %dma_wait3A_370 = tpu.memref_slice %arg17[%dma_wait3A_368, %dma_wait3A_369] : memref<2x32xi32, #tpu.memory_space<vmem>> -> memref<1x32xi32, #tpu.memory_space<vmem>>
        %dma_wait3A_371 = tpu.memref_squeeze %dma_wait3A_370 : memref<1x32xi32, #tpu.memory_space<vmem>> -> memref<32xi32, #tpu.memory_space<vmem>>
        %dma_wait3A_372 = arith.constant 0 : i32
        %dma_wait3A_373 = tpu.memref_slice %arg5[%dma_wait3A_372] : memref<320000xi32, #tpu.memory_space<hbm>> -> memref<32xi32, #tpu.memory_space<hbm>>
        %dma_wait3A_374 = arith.constant 0 : i32
        %dma_wait3A_375 = tpu.memref_slice %arg17[%dma_wait3A_368, %dma_wait3A_374] : memref<2x32xi32, #tpu.memory_space<vmem>> -> memref<1x32xi32, #tpu.memory_space<vmem>>
        %dma_wait3A_376 = tpu.memref_squeeze %dma_wait3A_375 : memref<1x32xi32, #tpu.memory_space<vmem>> -> memref<32xi32, #tpu.memory_space<vmem>>
        %dma_wait3A_377 = arith.constant 0 : i32
        %dma_wait3A_378 = tpu.memref_slice %arg5[%dma_wait3A_377] : memref<320000xi32, #tpu.memory_space<hbm>> -> memref<32xi32, #tpu.memory_space<hbm>>
        tpu.wait_dma2 semaphore(%arg27 : memref<!tpu.dma_semaphore, #tpu.memory_space<semaphore_mem>>) src(%dma_wait3A_378 : memref<32xi32, #tpu.memory_space<hbm>>) dst(%dma_wait3A_376 : memref<32xi32, #tpu.memory_space<vmem>>)
        %dma_wait3A_379 = arith.constant 0 : i32
        %dma_wait3A_380 = arith.constant 0 : i32
        %dma_wait3A_381 = tpu.memref_slice %arg18[%dma_wait3A_379, %dma_wait3A_380] : memref<2x32xi32, #tpu.memory_space<vmem>> -> memref<1x32xi32, #tpu.memory_space<vmem>>
        %dma_wait3A_382 = tpu.memref_squeeze %dma_wait3A_381 : memref<1x32xi32, #tpu.memory_space<vmem>> -> memref<32xi32, #tpu.memory_space<vmem>>
        %dma_wait3A_383 = arith.constant 0 : i32
        %dma_wait3A_384 = tpu.memref_slice %arg6[%dma_wait3A_383] : memref<320000xi32, #tpu.memory_space<hbm>> -> memref<32xi32, #tpu.memory_space<hbm>>
        %dma_wait3A_385 = arith.constant 0 : i32
        %dma_wait3A_386 = tpu.memref_slice %arg18[%dma_wait3A_379, %dma_wait3A_385] : memref<2x32xi32, #tpu.memory_space<vmem>> -> memref<1x32xi32, #tpu.memory_space<vmem>>
        %dma_wait3A_387 = tpu.memref_squeeze %dma_wait3A_386 : memref<1x32xi32, #tpu.memory_space<vmem>> -> memref<32xi32, #tpu.memory_space<vmem>>
        %dma_wait3A_388 = arith.constant 0 : i32
        %dma_wait3A_389 = tpu.memref_slice %arg6[%dma_wait3A_388] : memref<320000xi32, #tpu.memory_space<hbm>> -> memref<32xi32, #tpu.memory_space<hbm>>
        tpu.wait_dma2 semaphore(%arg27 : memref<!tpu.dma_semaphore, #tpu.memory_space<semaphore_mem>>) src(%dma_wait3A_389 : memref<32xi32, #tpu.memory_space<hbm>>) dst(%dma_wait3A_387 : memref<32xi32, #tpu.memory_space<vmem>>)
        %dma_wait3A_390 = arith.constant 0 : i32
        %dma_wait3A_391 = arith.constant 0 : i32
        %dma_wait3A_392 = tpu.memref_slice %arg23[%dma_wait3A_390, %dma_wait3A_391] : memref<2x32xf32, #tpu.memory_space<vmem>> -> memref<1x32xf32, #tpu.memory_space<vmem>>
        %dma_wait3A_393 = tpu.memref_squeeze %dma_wait3A_392 : memref<1x32xf32, #tpu.memory_space<vmem>> -> memref<32xf32, #tpu.memory_space<vmem>>
        %dma_wait3A_394 = arith.constant 0 : i32
        %dma_wait3A_395 = tpu.memref_slice %arg7[%dma_wait3A_394] : memref<320000xf32, #tpu.memory_space<hbm>> -> memref<32xf32, #tpu.memory_space<hbm>>
        %dma_wait3A_396 = arith.constant 0 : i32
        %dma_wait3A_397 = tpu.memref_slice %arg23[%dma_wait3A_390, %dma_wait3A_396] : memref<2x32xf32, #tpu.memory_space<vmem>> -> memref<1x32xf32, #tpu.memory_space<vmem>>
        %dma_wait3A_398 = tpu.memref_squeeze %dma_wait3A_397 : memref<1x32xf32, #tpu.memory_space<vmem>> -> memref<32xf32, #tpu.memory_space<vmem>>
        %dma_wait3A_399 = arith.constant 0 : i32
        %dma_wait3A_400 = tpu.memref_slice %arg7[%dma_wait3A_399] : memref<320000xf32, #tpu.memory_space<hbm>> -> memref<32xf32, #tpu.memory_space<hbm>>
        tpu.wait_dma2 semaphore(%arg27 : memref<!tpu.dma_semaphore, #tpu.memory_space<semaphore_mem>>) src(%dma_wait3A_400 : memref<32xf32, #tpu.memory_space<hbm>>) dst(%dma_wait3A_398 : memref<32xf32, #tpu.memory_space<vmem>>)
        %dma_start3A_401 = arith.constant 0 : i32
        %dma_start3A_402 = arith.constant 0 : i32
        %dma_start3A_403 = arith.constant 0 : i32
        %dma_start3A_404 = arith.constant 0 : i32
        %dma_start3A_405 = tpu.memref_slice %arg13[%dma_start3A_402, %dma_start3A_403, %dma_start3A_404] : memref<2x32x128xf32, #tpu.memory_space<vmem>> -> memref<1x32x128xf32, #tpu.memory_space<vmem>>
        %dma_start3A_406 = tpu.memref_squeeze %dma_start3A_405 : memref<1x32x128xf32, #tpu.memory_space<vmem>> -> memref<32x128xf32, #tpu.memory_space<vmem>>
        %dma_start3A_407 = arith.constant 0 : i32
        %dma_start3A_408 = tpu.memref_slice %arg17[%dma_start3A_401, %dma_start3A_407] : memref<2x32xi32, #tpu.memory_space<vmem>> -> memref<1x32xi32, #tpu.memory_space<vmem>>
        %dma_start3A_409 = tpu.memref_squeeze %dma_start3A_408 : memref<1x32xi32, #tpu.memory_space<vmem>> -> memref<32xi32, #tpu.memory_space<vmem>>
        %dma_start3A_410 = arith.constant 0 : i32
        %dma_start3A_411 = arith.constant 0 : i32
        %dma_start3A_412 = tpu.memref_slice %arg2[%dma_start3A_410, %dma_start3A_411] : memref<10000x128xf32, #tpu.memory_space<hbm>> -> memref<10000x128xf32, #tpu.memory_space<hbm>>
        tpu.enqueue_indirect_dma source(%dma_start3A_412 : memref<10000x128xf32, #tpu.memory_space<hbm>>) target(%dma_start3A_406 : memref<32x128xf32, #tpu.memory_space<vmem>>) offsets(%dma_start3A_409 : memref<32xi32, #tpu.memory_space<vmem>>) semaphore(%arg25 : memref<!tpu.dma_semaphore, #tpu.memory_space<semaphore_mem>>)
        %dma_start3A_413 = arith.constant 0 : i32
        %dma_start3A_414 = arith.constant 0 : i32
        %dma_start3A_415 = arith.constant 0 : i32
        %dma_start3A_416 = arith.constant 0 : i32
        %dma_start3A_417 = tpu.memref_slice %arg14[%dma_start3A_414, %dma_start3A_415, %dma_start3A_416] : memref<2x32x128xf32, #tpu.memory_space<vmem>> -> memref<1x32x128xf32, #tpu.memory_space<vmem>>
        %dma_start3A_418 = tpu.memref_squeeze %dma_start3A_417 : memref<1x32x128xf32, #tpu.memory_space<vmem>> -> memref<32x128xf32, #tpu.memory_space<vmem>>
        %dma_start3A_419 = arith.constant 0 : i32
        %dma_start3A_420 = tpu.memref_slice %arg17[%dma_start3A_413, %dma_start3A_419] : memref<2x32xi32, #tpu.memory_space<vmem>> -> memref<1x32xi32, #tpu.memory_space<vmem>>
        %dma_start3A_421 = tpu.memref_squeeze %dma_start3A_420 : memref<1x32xi32, #tpu.memory_space<vmem>> -> memref<32xi32, #tpu.memory_space<vmem>>
        %dma_start3A_422 = arith.constant 0 : i32
        %dma_start3A_423 = arith.constant 0 : i32
        %dma_start3A_424 = tpu.memref_slice %arg3[%dma_start3A_422, %dma_start3A_423] : memref<10000x128xf32, #tpu.memory_space<hbm>> -> memref<10000x128xf32, #tpu.memory_space<hbm>>
        tpu.enqueue_indirect_dma source(%dma_start3A_424 : memref<10000x128xf32, #tpu.memory_space<hbm>>) target(%dma_start3A_418 : memref<32x128xf32, #tpu.memory_space<vmem>>) offsets(%dma_start3A_421 : memref<32xi32, #tpu.memory_space<vmem>>) semaphore(%arg25 : memref<!tpu.dma_semaphore, #tpu.memory_space<semaphore_mem>>)
        %dma_start3A_425 = arith.constant 0 : i32
        %dma_start3A_426 = arith.constant 0 : i32
        %dma_start3A_427 = arith.constant 0 : i32
        %dma_start3A_428 = arith.constant 0 : i32
        %dma_start3A_429 = tpu.memref_slice %arg15[%dma_start3A_426, %dma_start3A_427, %dma_start3A_428] : memref<2x32x128xf32, #tpu.memory_space<vmem>> -> memref<1x32x128xf32, #tpu.memory_space<vmem>>
        %dma_start3A_430 = tpu.memref_squeeze %dma_start3A_429 : memref<1x32x128xf32, #tpu.memory_space<vmem>> -> memref<32x128xf32, #tpu.memory_space<vmem>>
        %dma_start3A_431 = arith.constant 0 : i32
        %dma_start3A_432 = tpu.memref_slice %arg18[%dma_start3A_425, %dma_start3A_431] : memref<2x32xi32, #tpu.memory_space<vmem>> -> memref<1x32xi32, #tpu.memory_space<vmem>>
        %dma_start3A_433 = tpu.memref_squeeze %dma_start3A_432 : memref<1x32xi32, #tpu.memory_space<vmem>> -> memref<32xi32, #tpu.memory_space<vmem>>
        %dma_start3A_434 = arith.constant 0 : i32
        %dma_start3A_435 = arith.constant 0 : i32
        %dma_start3A_436 = tpu.memref_slice %arg4[%dma_start3A_434, %dma_start3A_435] : memref<10000x128xf32, #tpu.memory_space<hbm>> -> memref<10000x128xf32, #tpu.memory_space<hbm>>
        tpu.enqueue_indirect_dma source(%dma_start3A_436 : memref<10000x128xf32, #tpu.memory_space<hbm>>) target(%dma_start3A_430 : memref<32x128xf32, #tpu.memory_space<vmem>>) offsets(%dma_start3A_433 : memref<32xi32, #tpu.memory_space<vmem>>) semaphore(%arg25 : memref<!tpu.dma_semaphore, #tpu.memory_space<semaphore_mem>>)
      } else {
      }
      %sub3A_354 = arith.constant 1 : i32
      %sub3A_355 = arith.subi %add3A_77, %sub3A_354 : i32
      %le3A_356 = arith.cmpi sle, %add3A_338, %sub3A_355 : i32
      %convert_element_type3A_357 = arith.extui %le3A_356 : i1 to i32
      %cond3A_358 = arith.constant 0 : i32
      %cond3A_359 = arith.cmpi ne, %convert_element_type3A_357, %cond3A_358 : i32
      scf.if %cond3A_359 {
        %dma_wait3A_368 = arith.constant 1 : i32
        %dma_wait3A_369 = arith.constant 0 : i32
        %dma_wait3A_370 = arith.constant 0 : i32
        %dma_wait3A_371 = tpu.memref_slice %arg13[%dma_wait3A_368, %dma_wait3A_369, %dma_wait3A_370] : memref<2x32x128xf32, #tpu.memory_space<vmem>> -> memref<1x32x128xf32, #tpu.memory_space<vmem>>
        %dma_wait3A_372 = tpu.memref_squeeze %dma_wait3A_371 : memref<1x32x128xf32, #tpu.memory_space<vmem>> -> memref<32x128xf32, #tpu.memory_space<vmem>>
        %dma_wait3A_373 = arith.constant 0 : i32
        %dma_wait3A_374 = arith.constant 0 : i32
        %dma_wait3A_375 = tpu.memref_slice %arg2[%dma_wait3A_373, %dma_wait3A_374] : memref<10000x128xf32, #tpu.memory_space<hbm>> -> memref<32x128xf32, #tpu.memory_space<hbm>>
        %dma_wait3A_376 = arith.constant 0 : i32
        %dma_wait3A_377 = arith.constant 0 : i32
        %dma_wait3A_378 = tpu.memref_slice %arg13[%dma_wait3A_368, %dma_wait3A_376, %dma_wait3A_377] : memref<2x32x128xf32, #tpu.memory_space<vmem>> -> memref<1x32x128xf32, #tpu.memory_space<vmem>>
        %dma_wait3A_379 = tpu.memref_squeeze %dma_wait3A_378 : memref<1x32x128xf32, #tpu.memory_space<vmem>> -> memref<32x128xf32, #tpu.memory_space<vmem>>
        %dma_wait3A_380 = arith.constant 0 : i32
        %dma_wait3A_381 = arith.constant 0 : i32
        %dma_wait3A_382 = tpu.memref_slice %arg2[%dma_wait3A_380, %dma_wait3A_381] : memref<10000x128xf32, #tpu.memory_space<hbm>> -> memref<32x128xf32, #tpu.memory_space<hbm>>
        tpu.wait_dma2 semaphore(%arg26 : memref<!tpu.dma_semaphore, #tpu.memory_space<semaphore_mem>>) src(%dma_wait3A_382 : memref<32x128xf32, #tpu.memory_space<hbm>>) dst(%dma_wait3A_379 : memref<32x128xf32, #tpu.memory_space<vmem>>)
        %dma_wait3A_383 = arith.constant 1 : i32
        %dma_wait3A_384 = arith.constant 0 : i32
        %dma_wait3A_385 = arith.constant 0 : i32
        %dma_wait3A_386 = tpu.memref_slice %arg14[%dma_wait3A_383, %dma_wait3A_384, %dma_wait3A_385] : memref<2x32x128xf32, #tpu.memory_space<vmem>> -> memref<1x32x128xf32, #tpu.memory_space<vmem>>
        %dma_wait3A_387 = tpu.memref_squeeze %dma_wait3A_386 : memref<1x32x128xf32, #tpu.memory_space<vmem>> -> memref<32x128xf32, #tpu.memory_space<vmem>>
        %dma_wait3A_388 = arith.constant 0 : i32
        %dma_wait3A_389 = arith.constant 0 : i32
        %dma_wait3A_390 = tpu.memref_slice %arg3[%dma_wait3A_388, %dma_wait3A_389] : memref<10000x128xf32, #tpu.memory_space<hbm>> -> memref<32x128xf32, #tpu.memory_space<hbm>>
        %dma_wait3A_391 = arith.constant 0 : i32
        %dma_wait3A_392 = arith.constant 0 : i32
        %dma_wait3A_393 = tpu.memref_slice %arg14[%dma_wait3A_383, %dma_wait3A_391, %dma_wait3A_392] : memref<2x32x128xf32, #tpu.memory_space<vmem>> -> memref<1x32x128xf32, #tpu.memory_space<vmem>>
        %dma_wait3A_394 = tpu.memref_squeeze %dma_wait3A_393 : memref<1x32x128xf32, #tpu.memory_space<vmem>> -> memref<32x128xf32, #tpu.memory_space<vmem>>
        %dma_wait3A_395 = arith.constant 0 : i32
        %dma_wait3A_396 = arith.constant 0 : i32
        %dma_wait3A_397 = tpu.memref_slice %arg3[%dma_wait3A_395, %dma_wait3A_396] : memref<10000x128xf32, #tpu.memory_space<hbm>> -> memref<32x128xf32, #tpu.memory_space<hbm>>
        tpu.wait_dma2 semaphore(%arg26 : memref<!tpu.dma_semaphore, #tpu.memory_space<semaphore_mem>>) src(%dma_wait3A_397 : memref<32x128xf32, #tpu.memory_space<hbm>>) dst(%dma_wait3A_394 : memref<32x128xf32, #tpu.memory_space<vmem>>)
        %dma_wait3A_398 = arith.constant 1 : i32
        %dma_wait3A_399 = arith.constant 0 : i32
        %dma_wait3A_400 = arith.constant 0 : i32
        %dma_wait3A_401 = tpu.memref_slice %arg15[%dma_wait3A_398, %dma_wait3A_399, %dma_wait3A_400] : memref<2x32x128xf32, #tpu.memory_space<vmem>> -> memref<1x32x128xf32, #tpu.memory_space<vmem>>
        %dma_wait3A_402 = tpu.memref_squeeze %dma_wait3A_401 : memref<1x32x128xf32, #tpu.memory_space<vmem>> -> memref<32x128xf32, #tpu.memory_space<vmem>>
        %dma_wait3A_403 = arith.constant 0 : i32
        %dma_wait3A_404 = arith.constant 0 : i32
        %dma_wait3A_405 = tpu.memref_slice %arg4[%dma_wait3A_403, %dma_wait3A_404] : memref<10000x128xf32, #tpu.memory_space<hbm>> -> memref<32x128xf32, #tpu.memory_space<hbm>>
        %dma_wait3A_406 = arith.constant 0 : i32
        %dma_wait3A_407 = arith.constant 0 : i32
        %dma_wait3A_408 = tpu.memref_slice %arg15[%dma_wait3A_398, %dma_wait3A_406, %dma_wait3A_407] : memref<2x32x128xf32, #tpu.memory_space<vmem>> -> memref<1x32x128xf32, #tpu.memory_space<vmem>>
        %dma_wait3A_409 = tpu.memref_squeeze %dma_wait3A_408 : memref<1x32x128xf32, #tpu.memory_space<vmem>> -> memref<32x128xf32, #tpu.memory_space<vmem>>
        %dma_wait3A_410 = arith.constant 0 : i32
        %dma_wait3A_411 = arith.constant 0 : i32
        %dma_wait3A_412 = tpu.memref_slice %arg4[%dma_wait3A_410, %dma_wait3A_411] : memref<10000x128xf32, #tpu.memory_space<hbm>> -> memref<32x128xf32, #tpu.memory_space<hbm>>
        tpu.wait_dma2 semaphore(%arg26 : memref<!tpu.dma_semaphore, #tpu.memory_space<semaphore_mem>>) src(%dma_wait3A_412 : memref<32x128xf32, #tpu.memory_space<hbm>>) dst(%dma_wait3A_409 : memref<32x128xf32, #tpu.memory_space<vmem>>)
        %scan3A_413 = arith.constant 0 : i32
        %scan3A_414 = arith.constant 0 : i32
        %scan3A_415 = arith.constant 2 : i32
        %scan3A_416 = arith.addi %scan3A_414, %scan3A_415 : i32
        %scan3A_417 = arith.constant 1 : i32
        scf.for %scan3A_464 = %scan3A_414 to %scan3A_416 step %scan3A_417  : i32 {
          %mul3A_465 = arith.constant 16 : i32
          %mul3A_466 = arith.muli %scan3A_464, %mul3A_465 : i32
          %get3A_467 = arith.constant 1 : i32
          %get3A_468 = arith.index_cast %get3A_467 : i32 to index
          %get3A_469 = arith.index_cast %mul3A_466 : i32 to index
          %get3A_470 = tpu.vector_load %arg18[%get3A_468, %get3A_469] {strides = array<i32>} : memref<2x32xi32, #tpu.memory_space<vmem>>, vector<16xi32>,
          %shift_right_logical3A = arith.constant 3 : i32
          %shift_right_logical3A_471 = vector.broadcast %shift_right_logical3A : i32 to vector<16xi32>
          %shift_right_logical3A_472 = arith.shrui %get3A_470, %shift_right_logical3A_471 : vector<16xi32>
          %mul3A_473 = arith.constant 16 : i32
          %mul3A_474 = arith.muli %scan3A_464, %mul3A_473 : i32
          %swap3A_475 = arith.constant 1 : i32
          %swap3A_476 = arith.index_cast %swap3A_475 : i32 to index
          %swap3A_477 = arith.index_cast %mul3A_474 : i32 to index
          %swap3A_478 = tpu.vector_load %arg20[%swap3A_476, %swap3A_477] {strides = array<i32>} : memref<2x32xi32, #tpu.memory_space<vmem>>, vector<16xi32>,
          tpu.vector_store %arg20[%swap3A_476, %swap3A_477], %shift_right_logical3A_472 {strides = array<i32>} : memref<2x32xi32, #tpu.memory_space<vmem>>, vector<16xi32>,
          %and3A_479 = arith.constant 7 : i32
          %and3A_480 = vector.broadcast %and3A_479 : i32 to vector<16xi32>
          %and3A_481 = arith.andi %get3A_470, %and3A_480 : vector<16xi32>
          %mul3A_482 = arith.constant 16 : i32
          %mul3A_483 = arith.muli %scan3A_464, %mul3A_482 : i32
          %swap3A_484 = arith.constant 1 : i32
          %swap3A_485 = arith.index_cast %swap3A_484 : i32 to index
          %swap3A_486 = arith.index_cast %mul3A_483 : i32 to index
          %swap3A_487 = tpu.vector_load %arg22[%swap3A_485, %swap3A_486] {strides = array<i32>} : memref<2x48xi32, #tpu.memory_space<vmem>>, vector<16xi32>,
          tpu.vector_store %arg22[%swap3A_485, %swap3A_486], %and3A_481 {strides = array<i32>} : memref<2x48xi32, #tpu.memory_space<vmem>>, vector<16xi32>,
          %mul3A_488 = arith.constant 16 : i32
          %mul3A_489 = arith.muli %scan3A_464, %mul3A_488 : i32
          %swap3A_490 = arith.constant 1 : i32
          %swap3A_491 = arith.index_cast %swap3A_490 : i32 to index
          %swap3A_492 = arith.index_cast %mul3A_489 : i32 to index
          %swap3A_493 = tpu.vector_load %arg19[%swap3A_491, %swap3A_492] {strides = array<i32>} : memref<2x32xi32, #tpu.memory_space<vmem>>, vector<16xi32>,
          tpu.vector_store %arg19[%swap3A_491, %swap3A_492], %get3A_470 {strides = array<i32>} : memref<2x32xi32, #tpu.memory_space<vmem>>, vector<16xi32>,
        }
        %scan3A_418 = arith.constant 2 : i32
        %scan3A_419 = arith.constant 0 : i32
        %scan3A_420 = arith.constant 0 : i32
        %scan3A_421 = arith.constant 2 : i32
        %scan3A_422 = arith.addi %scan3A_420, %scan3A_421 : i32
        %scan3A_423 = arith.constant 1 : i32
        scf.for %scan3A_464 = %scan3A_420 to %scan3A_422 step %scan3A_423  : i32 {
          %mul3A_465 = arith.constant 16 : i32
          %mul3A_466 = arith.muli %scan3A_464, %mul3A_465 : i32
          %add3A_467 = vector.broadcast %mul3A_466 : i32 to vector<16xi32>
          %add3A_468 = arith.addi %add3A_467, %iota3A : vector<16xi32>
          %mul3A_469 = arith.constant 16 : i32
          %mul3A_470 = arith.muli %scan3A_464, %mul3A_469 : i32
          %get3A_471 = arith.constant 1 : i32
          %get3A_472 = arith.index_cast %get3A_471 : i32 to index
          %get3A_473 = arith.index_cast %mul3A_470 : i32 to index
          %get3A_474 = tpu.vector_load %arg23[%get3A_472, %get3A_473] {strides = array<i32>} : memref<2x32xf32, #tpu.memory_space<vmem>>, vector<16xf32>,
          %scan3A_475 = arith.constant 0 : i32
          %scan3A_476 = arith.constant 0 : i32
          %scan3A_477 = arith.constant 8 : i32
          %scan3A_478 = arith.addi %scan3A_476, %scan3A_477 : i32
          %scan3A_479 = arith.constant 1 : i32
          scf.for %scan3A_487 = %scan3A_476 to %scan3A_478 step %scan3A_479  : i32 {
            %mul3A_488 = arith.constant 16 : i32
            %mul3A_489 = arith.muli %scan3A_487, %mul3A_488 : i32
            %add3A_490 = vector.broadcast %mul3A_489 : i32 to vector<16xi32>
            %add3A_491 = arith.addi %and3A_82, %add3A_490 : vector<16xi32>
            %gather3A = arith.constant 1 : i32
            %gather3A_492 = arith.constant 0 : i32
            %gather3A_493 = arith.constant 0 : i32
            %gather3A_494 = tpu.memref_slice %arg13[%gather3A, %gather3A_492, %gather3A_493] : memref<2x32x128xf32, #tpu.memory_space<vmem>> -> memref<1x32x128xf32, #tpu.memory_space<vmem>>
            %gather3A_495 = tpu.memref_squeeze %gather3A_494 : memref<1x32x128xf32, #tpu.memory_space<vmem>> -> memref<32x128xf32, #tpu.memory_space<vmem>>
            %gather3A_496 = tpu.vector_load_idx %gather3A_495[%add3A_468, %add3A_491] : memref<32x128xf32, #tpu.memory_space<vmem>>[vector<16xi32>, vector<16xi32>], vector<16xf32>,
            %gather3A_497 = arith.constant 1 : i32
            %gather3A_498 = arith.constant 0 : i32
            %gather3A_499 = arith.constant 0 : i32
            %gather3A_500 = tpu.memref_slice %arg15[%gather3A_497, %gather3A_498, %gather3A_499] : memref<2x32x128xf32, #tpu.memory_space<vmem>> -> memref<1x32x128xf32, #tpu.memory_space<vmem>>
            %gather3A_501 = tpu.memref_squeeze %gather3A_500 : memref<1x32x128xf32, #tpu.memory_space<vmem>> -> memref<32x128xf32, #tpu.memory_space<vmem>>
            %gather3A_502 = tpu.vector_load_idx %gather3A_501[%add3A_468, %add3A_491] : memref<32x128xf32, #tpu.memory_space<vmem>>[vector<16xi32>, vector<16xi32>], vector<16xf32>,
            %mul3A_503 = arith.mulf %gather3A_496, %gather3A_502 : vector<16xf32>
            %add3A_504 = vector.broadcast %mul3A_489 : i32 to vector<16xi32>
            %add3A_505 = arith.addi %and3A_88, %add3A_504 : vector<16xi32>
            %gather3A_506 = arith.constant 1 : i32
            %gather3A_507 = arith.constant 0 : i32
            %gather3A_508 = arith.constant 0 : i32
            %gather3A_509 = tpu.memref_slice %arg13[%gather3A_506, %gather3A_507, %gather3A_508] : memref<2x32x128xf32, #tpu.memory_space<vmem>> -> memref<1x32x128xf32, #tpu.memory_space<vmem>>
            %gather3A_510 = tpu.memref_squeeze %gather3A_509 : memref<1x32x128xf32, #tpu.memory_space<vmem>> -> memref<32x128xf32, #tpu.memory_space<vmem>>
            %gather3A_511 = tpu.vector_load_idx %gather3A_510[%add3A_468, %add3A_505] : memref<32x128xf32, #tpu.memory_space<vmem>>[vector<16xi32>, vector<16xi32>], vector<16xf32>,
            %gather3A_512 = arith.constant 1 : i32
            %gather3A_513 = arith.constant 0 : i32
            %gather3A_514 = arith.constant 0 : i32
            %gather3A_515 = tpu.memref_slice %arg15[%gather3A_512, %gather3A_513, %gather3A_514] : memref<2x32x128xf32, #tpu.memory_space<vmem>> -> memref<1x32x128xf32, #tpu.memory_space<vmem>>
            %gather3A_516 = tpu.memref_squeeze %gather3A_515 : memref<1x32x128xf32, #tpu.memory_space<vmem>> -> memref<32x128xf32, #tpu.memory_space<vmem>>
            %gather3A_517 = tpu.vector_load_idx %gather3A_516[%add3A_468, %add3A_505] : memref<32x128xf32, #tpu.memory_space<vmem>>[vector<16xi32>, vector<16xi32>], vector<16xf32>,
            %mul3A_518 = arith.mulf %gather3A_511, %gather3A_517 : vector<16xf32>
            %add3A_519 = vector.broadcast %mul3A_489 : i32 to vector<16xi32>
            %add3A_520 = arith.addi %and3A_94, %add3A_519 : vector<16xi32>
            %gather3A_521 = arith.constant 1 : i32
            %gather3A_522 = arith.constant 0 : i32
            %gather3A_523 = arith.constant 0 : i32
            %gather3A_524 = tpu.memref_slice %arg13[%gather3A_521, %gather3A_522, %gather3A_523] : memref<2x32x128xf32, #tpu.memory_space<vmem>> -> memref<1x32x128xf32, #tpu.memory_space<vmem>>
            %gather3A_525 = tpu.memref_squeeze %gather3A_524 : memref<1x32x128xf32, #tpu.memory_space<vmem>> -> memref<32x128xf32, #tpu.memory_space<vmem>>
            %gather3A_526 = tpu.vector_load_idx %gather3A_525[%add3A_468, %add3A_520] : memref<32x128xf32, #tpu.memory_space<vmem>>[vector<16xi32>, vector<16xi32>], vector<16xf32>,
            %gather3A_527 = arith.constant 1 : i32
            %gather3A_528 = arith.constant 0 : i32
            %gather3A_529 = arith.constant 0 : i32
            %gather3A_530 = tpu.memref_slice %arg15[%gather3A_527, %gather3A_528, %gather3A_529] : memref<2x32x128xf32, #tpu.memory_space<vmem>> -> memref<1x32x128xf32, #tpu.memory_space<vmem>>
            %gather3A_531 = tpu.memref_squeeze %gather3A_530 : memref<1x32x128xf32, #tpu.memory_space<vmem>> -> memref<32x128xf32, #tpu.memory_space<vmem>>
            %gather3A_532 = tpu.vector_load_idx %gather3A_531[%add3A_468, %add3A_520] : memref<32x128xf32, #tpu.memory_space<vmem>>[vector<16xi32>, vector<16xi32>], vector<16xf32>,
            %mul3A_533 = arith.mulf %gather3A_526, %gather3A_532 : vector<16xf32>
            %add3A_534 = vector.broadcast %mul3A_489 : i32 to vector<16xi32>
            %add3A_535 = arith.addi %and3A_100, %add3A_534 : vector<16xi32>
            %gather3A_536 = arith.constant 1 : i32
            %gather3A_537 = arith.constant 0 : i32
            %gather3A_538 = arith.constant 0 : i32
            %gather3A_539 = tpu.memref_slice %arg13[%gather3A_536, %gather3A_537, %gather3A_538] : memref<2x32x128xf32, #tpu.memory_space<vmem>> -> memref<1x32x128xf32, #tpu.memory_space<vmem>>
            %gather3A_540 = tpu.memref_squeeze %gather3A_539 : memref<1x32x128xf32, #tpu.memory_space<vmem>> -> memref<32x128xf32, #tpu.memory_space<vmem>>
            %gather3A_541 = tpu.vector_load_idx %gather3A_540[%add3A_468, %add3A_535] : memref<32x128xf32, #tpu.memory_space<vmem>>[vector<16xi32>, vector<16xi32>], vector<16xf32>,
            %gather3A_542 = arith.constant 1 : i32
            %gather3A_543 = arith.constant 0 : i32
            %gather3A_544 = arith.constant 0 : i32
            %gather3A_545 = tpu.memref_slice %arg15[%gather3A_542, %gather3A_543, %gather3A_544] : memref<2x32x128xf32, #tpu.memory_space<vmem>> -> memref<1x32x128xf32, #tpu.memory_space<vmem>>
            %gather3A_546 = tpu.memref_squeeze %gather3A_545 : memref<1x32x128xf32, #tpu.memory_space<vmem>> -> memref<32x128xf32, #tpu.memory_space<vmem>>
            %gather3A_547 = tpu.vector_load_idx %gather3A_546[%add3A_468, %add3A_535] : memref<32x128xf32, #tpu.memory_space<vmem>>[vector<16xi32>, vector<16xi32>], vector<16xf32>,
            %mul3A_548 = arith.mulf %gather3A_541, %gather3A_547 : vector<16xf32>
            %add3A_549 = vector.broadcast %mul3A_489 : i32 to vector<16xi32>
            %add3A_550 = arith.addi %and3A_106, %add3A_549 : vector<16xi32>
            %gather3A_551 = arith.constant 1 : i32
            %gather3A_552 = arith.constant 0 : i32
            %gather3A_553 = arith.constant 0 : i32
            %gather3A_554 = tpu.memref_slice %arg13[%gather3A_551, %gather3A_552, %gather3A_553] : memref<2x32x128xf32, #tpu.memory_space<vmem>> -> memref<1x32x128xf32, #tpu.memory_space<vmem>>
            %gather3A_555 = tpu.memref_squeeze %gather3A_554 : memref<1x32x128xf32, #tpu.memory_space<vmem>> -> memref<32x128xf32, #tpu.memory_space<vmem>>
            %gather3A_556 = tpu.vector_load_idx %gather3A_555[%add3A_468, %add3A_550] : memref<32x128xf32, #tpu.memory_space<vmem>>[vector<16xi32>, vector<16xi32>], vector<16xf32>,
            %gather3A_557 = arith.constant 1 : i32
            %gather3A_558 = arith.constant 0 : i32
            %gather3A_559 = arith.constant 0 : i32
            %gather3A_560 = tpu.memref_slice %arg15[%gather3A_557, %gather3A_558, %gather3A_559] : memref<2x32x128xf32, #tpu.memory_space<vmem>> -> memref<1x32x128xf32, #tpu.memory_space<vmem>>
            %gather3A_561 = tpu.memref_squeeze %gather3A_560 : memref<1x32x128xf32, #tpu.memory_space<vmem>> -> memref<32x128xf32, #tpu.memory_space<vmem>>
            %gather3A_562 = tpu.vector_load_idx %gather3A_561[%add3A_468, %add3A_550] : memref<32x128xf32, #tpu.memory_space<vmem>>[vector<16xi32>, vector<16xi32>], vector<16xf32>,
            %mul3A_563 = arith.mulf %gather3A_556, %gather3A_562 : vector<16xf32>
            %add3A_564 = vector.broadcast %mul3A_489 : i32 to vector<16xi32>
            %add3A_565 = arith.addi %and3A_112, %add3A_564 : vector<16xi32>
            %gather3A_566 = arith.constant 1 : i32
            %gather3A_567 = arith.constant 0 : i32
            %gather3A_568 = arith.constant 0 : i32
            %gather3A_569 = tpu.memref_slice %arg13[%gather3A_566, %gather3A_567, %gather3A_568] : memref<2x32x128xf32, #tpu.memory_space<vmem>> -> memref<1x32x128xf32, #tpu.memory_space<vmem>>
            %gather3A_570 = tpu.memref_squeeze %gather3A_569 : memref<1x32x128xf32, #tpu.memory_space<vmem>> -> memref<32x128xf32, #tpu.memory_space<vmem>>
            %gather3A_571 = tpu.vector_load_idx %gather3A_570[%add3A_468, %add3A_565] : memref<32x128xf32, #tpu.memory_space<vmem>>[vector<16xi32>, vector<16xi32>], vector<16xf32>,
            %gather3A_572 = arith.constant 1 : i32
            %gather3A_573 = arith.constant 0 : i32
            %gather3A_574 = arith.constant 0 : i32
            %gather3A_575 = tpu.memref_slice %arg15[%gather3A_572, %gather3A_573, %gather3A_574] : memref<2x32x128xf32, #tpu.memory_space<vmem>> -> memref<1x32x128xf32, #tpu.memory_space<vmem>>
            %gather3A_576 = tpu.memref_squeeze %gather3A_575 : memref<1x32x128xf32, #tpu.memory_space<vmem>> -> memref<32x128xf32, #tpu.memory_space<vmem>>
            %gather3A_577 = tpu.vector_load_idx %gather3A_576[%add3A_468, %add3A_565] : memref<32x128xf32, #tpu.memory_space<vmem>>[vector<16xi32>, vector<16xi32>], vector<16xf32>,
            %mul3A_578 = arith.mulf %gather3A_571, %gather3A_577 : vector<16xf32>
            %add3A_579 = vector.broadcast %mul3A_489 : i32 to vector<16xi32>
            %add3A_580 = arith.addi %and3A_118, %add3A_579 : vector<16xi32>
            %gather3A_581 = arith.constant 1 : i32
            %gather3A_582 = arith.constant 0 : i32
            %gather3A_583 = arith.constant 0 : i32
            %gather3A_584 = tpu.memref_slice %arg13[%gather3A_581, %gather3A_582, %gather3A_583] : memref<2x32x128xf32, #tpu.memory_space<vmem>> -> memref<1x32x128xf32, #tpu.memory_space<vmem>>
            %gather3A_585 = tpu.memref_squeeze %gather3A_584 : memref<1x32x128xf32, #tpu.memory_space<vmem>> -> memref<32x128xf32, #tpu.memory_space<vmem>>
            %gather3A_586 = tpu.vector_load_idx %gather3A_585[%add3A_468, %add3A_580] : memref<32x128xf32, #tpu.memory_space<vmem>>[vector<16xi32>, vector<16xi32>], vector<16xf32>,
            %gather3A_587 = arith.constant 1 : i32
            %gather3A_588 = arith.constant 0 : i32
            %gather3A_589 = arith.constant 0 : i32
            %gather3A_590 = tpu.memref_slice %arg15[%gather3A_587, %gather3A_588, %gather3A_589] : memref<2x32x128xf32, #tpu.memory_space<vmem>> -> memref<1x32x128xf32, #tpu.memory_space<vmem>>
            %gather3A_591 = tpu.memref_squeeze %gather3A_590 : memref<1x32x128xf32, #tpu.memory_space<vmem>> -> memref<32x128xf32, #tpu.memory_space<vmem>>
            %gather3A_592 = tpu.vector_load_idx %gather3A_591[%add3A_468, %add3A_580] : memref<32x128xf32, #tpu.memory_space<vmem>>[vector<16xi32>, vector<16xi32>], vector<16xf32>,
            %mul3A_593 = arith.mulf %gather3A_586, %gather3A_592 : vector<16xf32>
            %add3A_594 = vector.broadcast %mul3A_489 : i32 to vector<16xi32>
            %add3A_595 = arith.addi %and3A_124, %add3A_594 : vector<16xi32>
            %gather3A_596 = arith.constant 1 : i32
            %gather3A_597 = arith.constant 0 : i32
            %gather3A_598 = arith.constant 0 : i32
            %gather3A_599 = tpu.memref_slice %arg13[%gather3A_596, %gather3A_597, %gather3A_598] : memref<2x32x128xf32, #tpu.memory_space<vmem>> -> memref<1x32x128xf32, #tpu.memory_space<vmem>>
            %gather3A_600 = tpu.memref_squeeze %gather3A_599 : memref<1x32x128xf32, #tpu.memory_space<vmem>> -> memref<32x128xf32, #tpu.memory_space<vmem>>
            %gather3A_601 = tpu.vector_load_idx %gather3A_600[%add3A_468, %add3A_595] : memref<32x128xf32, #tpu.memory_space<vmem>>[vector<16xi32>, vector<16xi32>], vector<16xf32>,
            %gather3A_602 = arith.constant 1 : i32
            %gather3A_603 = arith.constant 0 : i32
            %gather3A_604 = arith.constant 0 : i32
            %gather3A_605 = tpu.memref_slice %arg15[%gather3A_602, %gather3A_603, %gather3A_604] : memref<2x32x128xf32, #tpu.memory_space<vmem>> -> memref<1x32x128xf32, #tpu.memory_space<vmem>>
            %gather3A_606 = tpu.memref_squeeze %gather3A_605 : memref<1x32x128xf32, #tpu.memory_space<vmem>> -> memref<32x128xf32, #tpu.memory_space<vmem>>
            %gather3A_607 = tpu.vector_load_idx %gather3A_606[%add3A_468, %add3A_595] : memref<32x128xf32, #tpu.memory_space<vmem>>[vector<16xi32>, vector<16xi32>], vector<16xf32>,
            %mul3A_608 = arith.mulf %gather3A_601, %gather3A_607 : vector<16xf32>
            %add3A_609 = vector.broadcast %mul3A_489 : i32 to vector<16xi32>
            %add3A_610 = arith.addi %and3A_130, %add3A_609 : vector<16xi32>
            %gather3A_611 = arith.constant 1 : i32
            %gather3A_612 = arith.constant 0 : i32
            %gather3A_613 = arith.constant 0 : i32
            %gather3A_614 = tpu.memref_slice %arg13[%gather3A_611, %gather3A_612, %gather3A_613] : memref<2x32x128xf32, #tpu.memory_space<vmem>> -> memref<1x32x128xf32, #tpu.memory_space<vmem>>
            %gather3A_615 = tpu.memref_squeeze %gather3A_614 : memref<1x32x128xf32, #tpu.memory_space<vmem>> -> memref<32x128xf32, #tpu.memory_space<vmem>>
            %gather3A_616 = tpu.vector_load_idx %gather3A_615[%add3A_468, %add3A_610] : memref<32x128xf32, #tpu.memory_space<vmem>>[vector<16xi32>, vector<16xi32>], vector<16xf32>,
            %gather3A_617 = arith.constant 1 : i32
            %gather3A_618 = arith.constant 0 : i32
            %gather3A_619 = arith.constant 0 : i32
            %gather3A_620 = tpu.memref_slice %arg15[%gather3A_617, %gather3A_618, %gather3A_619] : memref<2x32x128xf32, #tpu.memory_space<vmem>> -> memref<1x32x128xf32, #tpu.memory_space<vmem>>
            %gather3A_621 = tpu.memref_squeeze %gather3A_620 : memref<1x32x128xf32, #tpu.memory_space<vmem>> -> memref<32x128xf32, #tpu.memory_space<vmem>>
            %gather3A_622 = tpu.vector_load_idx %gather3A_621[%add3A_468, %add3A_610] : memref<32x128xf32, #tpu.memory_space<vmem>>[vector<16xi32>, vector<16xi32>], vector<16xf32>,
            %mul3A_623 = arith.mulf %gather3A_616, %gather3A_622 : vector<16xf32>
            %add3A_624 = vector.broadcast %mul3A_489 : i32 to vector<16xi32>
            %add3A_625 = arith.addi %and3A_136, %add3A_624 : vector<16xi32>
            %gather3A_626 = arith.constant 1 : i32
            %gather3A_627 = arith.constant 0 : i32
            %gather3A_628 = arith.constant 0 : i32
            %gather3A_629 = tpu.memref_slice %arg13[%gather3A_626, %gather3A_627, %gather3A_628] : memref<2x32x128xf32, #tpu.memory_space<vmem>> -> memref<1x32x128xf32, #tpu.memory_space<vmem>>
            %gather3A_630 = tpu.memref_squeeze %gather3A_629 : memref<1x32x128xf32, #tpu.memory_space<vmem>> -> memref<32x128xf32, #tpu.memory_space<vmem>>
            %gather3A_631 = tpu.vector_load_idx %gather3A_630[%add3A_468, %add3A_625] : memref<32x128xf32, #tpu.memory_space<vmem>>[vector<16xi32>, vector<16xi32>], vector<16xf32>,
            %gather3A_632 = arith.constant 1 : i32
            %gather3A_633 = arith.constant 0 : i32
            %gather3A_634 = arith.constant 0 : i32
            %gather3A_635 = tpu.memref_slice %arg15[%gather3A_632, %gather3A_633, %gather3A_634] : memref<2x32x128xf32, #tpu.memory_space<vmem>> -> memref<1x32x128xf32, #tpu.memory_space<vmem>>
            %gather3A_636 = tpu.memref_squeeze %gather3A_635 : memref<1x32x128xf32, #tpu.memory_space<vmem>> -> memref<32x128xf32, #tpu.memory_space<vmem>>
            %gather3A_637 = tpu.vector_load_idx %gather3A_636[%add3A_468, %add3A_625] : memref<32x128xf32, #tpu.memory_space<vmem>>[vector<16xi32>, vector<16xi32>], vector<16xf32>,
            %mul3A_638 = arith.mulf %gather3A_631, %gather3A_637 : vector<16xf32>
            %add3A_639 = vector.broadcast %mul3A_489 : i32 to vector<16xi32>
            %add3A_640 = arith.addi %and3A_142, %add3A_639 : vector<16xi32>
            %gather3A_641 = arith.constant 1 : i32
            %gather3A_642 = arith.constant 0 : i32
            %gather3A_643 = arith.constant 0 : i32
            %gather3A_644 = tpu.memref_slice %arg13[%gather3A_641, %gather3A_642, %gather3A_643] : memref<2x32x128xf32, #tpu.memory_space<vmem>> -> memref<1x32x128xf32, #tpu.memory_space<vmem>>
            %gather3A_645 = tpu.memref_squeeze %gather3A_644 : memref<1x32x128xf32, #tpu.memory_space<vmem>> -> memref<32x128xf32, #tpu.memory_space<vmem>>
            %gather3A_646 = tpu.vector_load_idx %gather3A_645[%add3A_468, %add3A_640] : memref<32x128xf32, #tpu.memory_space<vmem>>[vector<16xi32>, vector<16xi32>], vector<16xf32>,
            %gather3A_647 = arith.constant 1 : i32
            %gather3A_648 = arith.constant 0 : i32
            %gather3A_649 = arith.constant 0 : i32
            %gather3A_650 = tpu.memref_slice %arg15[%gather3A_647, %gather3A_648, %gather3A_649] : memref<2x32x128xf32, #tpu.memory_space<vmem>> -> memref<1x32x128xf32, #tpu.memory_space<vmem>>
            %gather3A_651 = tpu.memref_squeeze %gather3A_650 : memref<1x32x128xf32, #tpu.memory_space<vmem>> -> memref<32x128xf32, #tpu.memory_space<vmem>>
            %gather3A_652 = tpu.vector_load_idx %gather3A_651[%add3A_468, %add3A_640] : memref<32x128xf32, #tpu.memory_space<vmem>>[vector<16xi32>, vector<16xi32>], vector<16xf32>,
            %mul3A_653 = arith.mulf %gather3A_646, %gather3A_652 : vector<16xf32>
            %add3A_654 = vector.broadcast %mul3A_489 : i32 to vector<16xi32>
            %add3A_655 = arith.addi %and3A_148, %add3A_654 : vector<16xi32>
            %gather3A_656 = arith.constant 1 : i32
            %gather3A_657 = arith.constant 0 : i32
            %gather3A_658 = arith.constant 0 : i32
            %gather3A_659 = tpu.memref_slice %arg13[%gather3A_656, %gather3A_657, %gather3A_658] : memref<2x32x128xf32, #tpu.memory_space<vmem>> -> memref<1x32x128xf32, #tpu.memory_space<vmem>>
            %gather3A_660 = tpu.memref_squeeze %gather3A_659 : memref<1x32x128xf32, #tpu.memory_space<vmem>> -> memref<32x128xf32, #tpu.memory_space<vmem>>
            %gather3A_661 = tpu.vector_load_idx %gather3A_660[%add3A_468, %add3A_655] : memref<32x128xf32, #tpu.memory_space<vmem>>[vector<16xi32>, vector<16xi32>], vector<16xf32>,
            %gather3A_662 = arith.constant 1 : i32
            %gather3A_663 = arith.constant 0 : i32
            %gather3A_664 = arith.constant 0 : i32
            %gather3A_665 = tpu.memref_slice %arg15[%gather3A_662, %gather3A_663, %gather3A_664] : memref<2x32x128xf32, #tpu.memory_space<vmem>> -> memref<1x32x128xf32, #tpu.memory_space<vmem>>
            %gather3A_666 = tpu.memref_squeeze %gather3A_665 : memref<1x32x128xf32, #tpu.memory_space<vmem>> -> memref<32x128xf32, #tpu.memory_space<vmem>>
            %gather3A_667 = tpu.vector_load_idx %gather3A_666[%add3A_468, %add3A_655] : memref<32x128xf32, #tpu.memory_space<vmem>>[vector<16xi32>, vector<16xi32>], vector<16xf32>,
            %mul3A_668 = arith.mulf %gather3A_661, %gather3A_667 : vector<16xf32>
            %add3A_669 = vector.broadcast %mul3A_489 : i32 to vector<16xi32>
            %add3A_670 = arith.addi %and3A_154, %add3A_669 : vector<16xi32>
            %gather3A_671 = arith.constant 1 : i32
            %gather3A_672 = arith.constant 0 : i32
            %gather3A_673 = arith.constant 0 : i32
            %gather3A_674 = tpu.memref_slice %arg13[%gather3A_671, %gather3A_672, %gather3A_673] : memref<2x32x128xf32, #tpu.memory_space<vmem>> -> memref<1x32x128xf32, #tpu.memory_space<vmem>>
            %gather3A_675 = tpu.memref_squeeze %gather3A_674 : memref<1x32x128xf32, #tpu.memory_space<vmem>> -> memref<32x128xf32, #tpu.memory_space<vmem>>
            %gather3A_676 = tpu.vector_load_idx %gather3A_675[%add3A_468, %add3A_670] : memref<32x128xf32, #tpu.memory_space<vmem>>[vector<16xi32>, vector<16xi32>], vector<16xf32>,
            %gather3A_677 = arith.constant 1 : i32
            %gather3A_678 = arith.constant 0 : i32
            %gather3A_679 = arith.constant 0 : i32
            %gather3A_680 = tpu.memref_slice %arg15[%gather3A_677, %gather3A_678, %gather3A_679] : memref<2x32x128xf32, #tpu.memory_space<vmem>> -> memref<1x32x128xf32, #tpu.memory_space<vmem>>
            %gather3A_681 = tpu.memref_squeeze %gather3A_680 : memref<1x32x128xf32, #tpu.memory_space<vmem>> -> memref<32x128xf32, #tpu.memory_space<vmem>>
            %gather3A_682 = tpu.vector_load_idx %gather3A_681[%add3A_468, %add3A_670] : memref<32x128xf32, #tpu.memory_space<vmem>>[vector<16xi32>, vector<16xi32>], vector<16xf32>,
            %mul3A_683 = arith.mulf %gather3A_676, %gather3A_682 : vector<16xf32>
            %add3A_684 = vector.broadcast %mul3A_489 : i32 to vector<16xi32>
            %add3A_685 = arith.addi %and3A_160, %add3A_684 : vector<16xi32>
            %gather3A_686 = arith.constant 1 : i32
            %gather3A_687 = arith.constant 0 : i32
            %gather3A_688 = arith.constant 0 : i32
            %gather3A_689 = tpu.memref_slice %arg13[%gather3A_686, %gather3A_687, %gather3A_688] : memref<2x32x128xf32, #tpu.memory_space<vmem>> -> memref<1x32x128xf32, #tpu.memory_space<vmem>>
            %gather3A_690 = tpu.memref_squeeze %gather3A_689 : memref<1x32x128xf32, #tpu.memory_space<vmem>> -> memref<32x128xf32, #tpu.memory_space<vmem>>
            %gather3A_691 = tpu.vector_load_idx %gather3A_690[%add3A_468, %add3A_685] : memref<32x128xf32, #tpu.memory_space<vmem>>[vector<16xi32>, vector<16xi32>], vector<16xf32>,
            %gather3A_692 = arith.constant 1 : i32
            %gather3A_693 = arith.constant 0 : i32
            %gather3A_694 = arith.constant 0 : i32
            %gather3A_695 = tpu.memref_slice %arg15[%gather3A_692, %gather3A_693, %gather3A_694] : memref<2x32x128xf32, #tpu.memory_space<vmem>> -> memref<1x32x128xf32, #tpu.memory_space<vmem>>
            %gather3A_696 = tpu.memref_squeeze %gather3A_695 : memref<1x32x128xf32, #tpu.memory_space<vmem>> -> memref<32x128xf32, #tpu.memory_space<vmem>>
            %gather3A_697 = tpu.vector_load_idx %gather3A_696[%add3A_468, %add3A_685] : memref<32x128xf32, #tpu.memory_space<vmem>>[vector<16xi32>, vector<16xi32>], vector<16xf32>,
            %mul3A_698 = arith.mulf %gather3A_691, %gather3A_697 : vector<16xf32>
            %add3A_699 = vector.broadcast %mul3A_489 : i32 to vector<16xi32>
            %add3A_700 = arith.addi %and3A_166, %add3A_699 : vector<16xi32>
            %gather3A_701 = arith.constant 1 : i32
            %gather3A_702 = arith.constant 0 : i32
            %gather3A_703 = arith.constant 0 : i32
            %gather3A_704 = tpu.memref_slice %arg13[%gather3A_701, %gather3A_702, %gather3A_703] : memref<2x32x128xf32, #tpu.memory_space<vmem>> -> memref<1x32x128xf32, #tpu.memory_space<vmem>>
            %gather3A_705 = tpu.memref_squeeze %gather3A_704 : memref<1x32x128xf32, #tpu.memory_space<vmem>> -> memref<32x128xf32, #tpu.memory_space<vmem>>
            %gather3A_706 = tpu.vector_load_idx %gather3A_705[%add3A_468, %add3A_700] : memref<32x128xf32, #tpu.memory_space<vmem>>[vector<16xi32>, vector<16xi32>], vector<16xf32>,
            %gather3A_707 = arith.constant 1 : i32
            %gather3A_708 = arith.constant 0 : i32
            %gather3A_709 = arith.constant 0 : i32
            %gather3A_710 = tpu.memref_slice %arg15[%gather3A_707, %gather3A_708, %gather3A_709] : memref<2x32x128xf32, #tpu.memory_space<vmem>> -> memref<1x32x128xf32, #tpu.memory_space<vmem>>
            %gather3A_711 = tpu.memref_squeeze %gather3A_710 : memref<1x32x128xf32, #tpu.memory_space<vmem>> -> memref<32x128xf32, #tpu.memory_space<vmem>>
            %gather3A_712 = tpu.vector_load_idx %gather3A_711[%add3A_468, %add3A_700] : memref<32x128xf32, #tpu.memory_space<vmem>>[vector<16xi32>, vector<16xi32>], vector<16xf32>,
            %mul3A_713 = arith.mulf %gather3A_706, %gather3A_712 : vector<16xf32>
            %add3A_714 = vector.broadcast %mul3A_489 : i32 to vector<16xi32>
            %add3A_715 = arith.addi %and3A_172, %add3A_714 : vector<16xi32>
            %gather3A_716 = arith.constant 1 : i32
            %gather3A_717 = arith.constant 0 : i32
            %gather3A_718 = arith.constant 0 : i32
            %gather3A_719 = tpu.memref_slice %arg13[%gather3A_716, %gather3A_717, %gather3A_718] : memref<2x32x128xf32, #tpu.memory_space<vmem>> -> memref<1x32x128xf32, #tpu.memory_space<vmem>>
            %gather3A_720 = tpu.memref_squeeze %gather3A_719 : memref<1x32x128xf32, #tpu.memory_space<vmem>> -> memref<32x128xf32, #tpu.memory_space<vmem>>
            %gather3A_721 = tpu.vector_load_idx %gather3A_720[%add3A_468, %add3A_715] : memref<32x128xf32, #tpu.memory_space<vmem>>[vector<16xi32>, vector<16xi32>], vector<16xf32>,
            %gather3A_722 = arith.constant 1 : i32
            %gather3A_723 = arith.constant 0 : i32
            %gather3A_724 = arith.constant 0 : i32
            %gather3A_725 = tpu.memref_slice %arg15[%gather3A_722, %gather3A_723, %gather3A_724] : memref<2x32x128xf32, #tpu.memory_space<vmem>> -> memref<1x32x128xf32, #tpu.memory_space<vmem>>
            %gather3A_726 = tpu.memref_squeeze %gather3A_725 : memref<1x32x128xf32, #tpu.memory_space<vmem>> -> memref<32x128xf32, #tpu.memory_space<vmem>>
            %gather3A_727 = tpu.vector_load_idx %gather3A_726[%add3A_468, %add3A_715] : memref<32x128xf32, #tpu.memory_space<vmem>>[vector<16xi32>, vector<16xi32>], vector<16xf32>,
            %mul3A_728 = arith.mulf %gather3A_721, %gather3A_727 : vector<16xf32>
            %add3A_729 = arith.addf %mul3A_503, %mul3A_518 : vector<16xf32>
            %add3A_730 = arith.addf %mul3A_533, %mul3A_548 : vector<16xf32>
            %add3A_731 = arith.addf %mul3A_563, %mul3A_578 : vector<16xf32>
            %add3A_732 = arith.addf %mul3A_593, %mul3A_608 : vector<16xf32>
            %add3A_733 = arith.addf %mul3A_623, %mul3A_638 : vector<16xf32>
            %add3A_734 = arith.addf %mul3A_653, %mul3A_668 : vector<16xf32>
            %add3A_735 = arith.addf %mul3A_683, %mul3A_698 : vector<16xf32>
            %add3A_736 = arith.addf %mul3A_713, %mul3A_728 : vector<16xf32>
            %add3A_737 = arith.addf %add3A_729, %add3A_730 : vector<16xf32>
            %add3A_738 = arith.addf %add3A_731, %add3A_732 : vector<16xf32>
            %add3A_739 = arith.addf %add3A_733, %add3A_734 : vector<16xf32>
            %add3A_740 = arith.addf %add3A_735, %add3A_736 : vector<16xf32>
            %add3A_741 = arith.addf %add3A_737, %add3A_738 : vector<16xf32>
            %add3A_742 = arith.addf %add3A_739, %add3A_740 : vector<16xf32>
            %add3A_743 = arith.addf %add3A_741, %add3A_742 : vector<16xf32>
            %mul3A_744 = arith.mulf %add3A_743, %get3A_474 : vector<16xf32>
            %jit3A_745 = arith.constant -5.000000e+00 : f32
            %jit3A_746 = arith.constant 5.000000e+00 : f32
            %max3A = vector.broadcast %jit3A_745 : f32 to vector<16xf32>
            %max3A_747 = arith.maximumf %max3A, %mul3A_744 : vector<16xf32>
            %min3A_748 = vector.broadcast %jit3A_746 : f32 to vector<16xf32>
            %min3A_749 = arith.minimumf %min3A_748, %max3A_747 : vector<16xf32>
            %exp3A = math.exp %min3A_749 : vector<16xf32>
            %mul3A_750 = arith.constant 0 : i32
            %mul3A_751 = vector.broadcast %mul3A_750 : i32 to vector<16xi32>
            %mul3A_752 = arith.muli %iota3A, %mul3A_751 : vector<16xi32>
            %add3A_753 = vector.broadcast %scan3A_487 : i32 to vector<16xi32>
            %add3A_754 = arith.addi %mul3A_752, %add3A_753 : vector<16xi32>
            tpu.vector_store_idx %arg24[%iota3A, %add3A_754], %exp3A : memref<16x17xf32, #tpu.memory_space<vmem>>[vector<16xi32>, vector<16xi32>], vector<16xf32>,
            %add3A_755 = vector.broadcast %mul3A_489 : i32 to vector<16xi32>
            %add3A_756 = arith.addi %and3A_82, %add3A_755 : vector<16xi32>
            %gather3A_757 = arith.constant 1 : i32
            %gather3A_758 = arith.constant 0 : i32
            %gather3A_759 = arith.constant 0 : i32
            %gather3A_760 = tpu.memref_slice %arg14[%gather3A_757, %gather3A_758, %gather3A_759] : memref<2x32x128xf32, #tpu.memory_space<vmem>> -> memref<1x32x128xf32, #tpu.memory_space<vmem>>
            %gather3A_761 = tpu.memref_squeeze %gather3A_760 : memref<1x32x128xf32, #tpu.memory_space<vmem>> -> memref<32x128xf32, #tpu.memory_space<vmem>>
            %gather3A_762 = tpu.vector_load_idx %gather3A_761[%add3A_468, %add3A_756] : memref<32x128xf32, #tpu.memory_space<vmem>>[vector<16xi32>, vector<16xi32>], vector<16xf32>,
            %mul3A_763 = arith.mulf %gather3A_762, %exp3A : vector<16xf32>
            %scatter3A = arith.constant 1 : i32
            %scatter3A_764 = arith.constant 0 : i32
            %scatter3A_765 = arith.constant 0 : i32
            %scatter3A_766 = tpu.memref_slice %arg14[%scatter3A, %scatter3A_764, %scatter3A_765] : memref<2x32x128xf32, #tpu.memory_space<vmem>> -> memref<1x32x128xf32, #tpu.memory_space<vmem>>
            %scatter3A_767 = tpu.memref_squeeze %scatter3A_766 : memref<1x32x128xf32, #tpu.memory_space<vmem>> -> memref<32x128xf32, #tpu.memory_space<vmem>>
            tpu.vector_store_idx %scatter3A_767[%add3A_468, %add3A_756], %mul3A_763 : memref<32x128xf32, #tpu.memory_space<vmem>>[vector<16xi32>, vector<16xi32>], vector<16xf32>,
            %add3A_768 = vector.broadcast %mul3A_489 : i32 to vector<16xi32>
            %add3A_769 = arith.addi %and3A_88, %add3A_768 : vector<16xi32>
            %gather3A_770 = arith.constant 1 : i32
            %gather3A_771 = arith.constant 0 : i32
            %gather3A_772 = arith.constant 0 : i32
            %gather3A_773 = tpu.memref_slice %arg14[%gather3A_770, %gather3A_771, %gather3A_772] : memref<2x32x128xf32, #tpu.memory_space<vmem>> -> memref<1x32x128xf32, #tpu.memory_space<vmem>>
            %gather3A_774 = tpu.memref_squeeze %gather3A_773 : memref<1x32x128xf32, #tpu.memory_space<vmem>> -> memref<32x128xf32, #tpu.memory_space<vmem>>
            %gather3A_775 = tpu.vector_load_idx %gather3A_774[%add3A_468, %add3A_769] : memref<32x128xf32, #tpu.memory_space<vmem>>[vector<16xi32>, vector<16xi32>], vector<16xf32>,
            %mul3A_776 = arith.mulf %gather3A_775, %exp3A : vector<16xf32>
            %scatter3A_777 = arith.constant 1 : i32
            %scatter3A_778 = arith.constant 0 : i32
            %scatter3A_779 = arith.constant 0 : i32
            %scatter3A_780 = tpu.memref_slice %arg14[%scatter3A_777, %scatter3A_778, %scatter3A_779] : memref<2x32x128xf32, #tpu.memory_space<vmem>> -> memref<1x32x128xf32, #tpu.memory_space<vmem>>
            %scatter3A_781 = tpu.memref_squeeze %scatter3A_780 : memref<1x32x128xf32, #tpu.memory_space<vmem>> -> memref<32x128xf32, #tpu.memory_space<vmem>>
            tpu.vector_store_idx %scatter3A_781[%add3A_468, %add3A_769], %mul3A_776 : memref<32x128xf32, #tpu.memory_space<vmem>>[vector<16xi32>, vector<16xi32>], vector<16xf32>,
            %add3A_782 = vector.broadcast %mul3A_489 : i32 to vector<16xi32>
            %add3A_783 = arith.addi %and3A_94, %add3A_782 : vector<16xi32>
            %gather3A_784 = arith.constant 1 : i32
            %gather3A_785 = arith.constant 0 : i32
            %gather3A_786 = arith.constant 0 : i32
            %gather3A_787 = tpu.memref_slice %arg14[%gather3A_784, %gather3A_785, %gather3A_786] : memref<2x32x128xf32, #tpu.memory_space<vmem>> -> memref<1x32x128xf32, #tpu.memory_space<vmem>>
            %gather3A_788 = tpu.memref_squeeze %gather3A_787 : memref<1x32x128xf32, #tpu.memory_space<vmem>> -> memref<32x128xf32, #tpu.memory_space<vmem>>
            %gather3A_789 = tpu.vector_load_idx %gather3A_788[%add3A_468, %add3A_783] : memref<32x128xf32, #tpu.memory_space<vmem>>[vector<16xi32>, vector<16xi32>], vector<16xf32>,
            %mul3A_790 = arith.mulf %gather3A_789, %exp3A : vector<16xf32>
            %scatter3A_791 = arith.constant 1 : i32
            %scatter3A_792 = arith.constant 0 : i32
            %scatter3A_793 = arith.constant 0 : i32
            %scatter3A_794 = tpu.memref_slice %arg14[%scatter3A_791, %scatter3A_792, %scatter3A_793] : memref<2x32x128xf32, #tpu.memory_space<vmem>> -> memref<1x32x128xf32, #tpu.memory_space<vmem>>
            %scatter3A_795 = tpu.memref_squeeze %scatter3A_794 : memref<1x32x128xf32, #tpu.memory_space<vmem>> -> memref<32x128xf32, #tpu.memory_space<vmem>>
            tpu.vector_store_idx %scatter3A_795[%add3A_468, %add3A_783], %mul3A_790 : memref<32x128xf32, #tpu.memory_space<vmem>>[vector<16xi32>, vector<16xi32>], vector<16xf32>,
            %add3A_796 = vector.broadcast %mul3A_489 : i32 to vector<16xi32>
            %add3A_797 = arith.addi %and3A_100, %add3A_796 : vector<16xi32>
            %gather3A_798 = arith.constant 1 : i32
            %gather3A_799 = arith.constant 0 : i32
            %gather3A_800 = arith.constant 0 : i32
            %gather3A_801 = tpu.memref_slice %arg14[%gather3A_798, %gather3A_799, %gather3A_800] : memref<2x32x128xf32, #tpu.memory_space<vmem>> -> memref<1x32x128xf32, #tpu.memory_space<vmem>>
            %gather3A_802 = tpu.memref_squeeze %gather3A_801 : memref<1x32x128xf32, #tpu.memory_space<vmem>> -> memref<32x128xf32, #tpu.memory_space<vmem>>
            %gather3A_803 = tpu.vector_load_idx %gather3A_802[%add3A_468, %add3A_797] : memref<32x128xf32, #tpu.memory_space<vmem>>[vector<16xi32>, vector<16xi32>], vector<16xf32>,
            %mul3A_804 = arith.mulf %gather3A_803, %exp3A : vector<16xf32>
            %scatter3A_805 = arith.constant 1 : i32
            %scatter3A_806 = arith.constant 0 : i32
            %scatter3A_807 = arith.constant 0 : i32
            %scatter3A_808 = tpu.memref_slice %arg14[%scatter3A_805, %scatter3A_806, %scatter3A_807] : memref<2x32x128xf32, #tpu.memory_space<vmem>> -> memref<1x32x128xf32, #tpu.memory_space<vmem>>
            %scatter3A_809 = tpu.memref_squeeze %scatter3A_808 : memref<1x32x128xf32, #tpu.memory_space<vmem>> -> memref<32x128xf32, #tpu.memory_space<vmem>>
            tpu.vector_store_idx %scatter3A_809[%add3A_468, %add3A_797], %mul3A_804 : memref<32x128xf32, #tpu.memory_space<vmem>>[vector<16xi32>, vector<16xi32>], vector<16xf32>,
            %add3A_810 = vector.broadcast %mul3A_489 : i32 to vector<16xi32>
            %add3A_811 = arith.addi %and3A_106, %add3A_810 : vector<16xi32>
            %gather3A_812 = arith.constant 1 : i32
            %gather3A_813 = arith.constant 0 : i32
            %gather3A_814 = arith.constant 0 : i32
            %gather3A_815 = tpu.memref_slice %arg14[%gather3A_812, %gather3A_813, %gather3A_814] : memref<2x32x128xf32, #tpu.memory_space<vmem>> -> memref<1x32x128xf32, #tpu.memory_space<vmem>>
            %gather3A_816 = tpu.memref_squeeze %gather3A_815 : memref<1x32x128xf32, #tpu.memory_space<vmem>> -> memref<32x128xf32, #tpu.memory_space<vmem>>
            %gather3A_817 = tpu.vector_load_idx %gather3A_816[%add3A_468, %add3A_811] : memref<32x128xf32, #tpu.memory_space<vmem>>[vector<16xi32>, vector<16xi32>], vector<16xf32>,
            %mul3A_818 = arith.mulf %gather3A_817, %exp3A : vector<16xf32>
            %scatter3A_819 = arith.constant 1 : i32
            %scatter3A_820 = arith.constant 0 : i32
            %scatter3A_821 = arith.constant 0 : i32
            %scatter3A_822 = tpu.memref_slice %arg14[%scatter3A_819, %scatter3A_820, %scatter3A_821] : memref<2x32x128xf32, #tpu.memory_space<vmem>> -> memref<1x32x128xf32, #tpu.memory_space<vmem>>
            %scatter3A_823 = tpu.memref_squeeze %scatter3A_822 : memref<1x32x128xf32, #tpu.memory_space<vmem>> -> memref<32x128xf32, #tpu.memory_space<vmem>>
            tpu.vector_store_idx %scatter3A_823[%add3A_468, %add3A_811], %mul3A_818 : memref<32x128xf32, #tpu.memory_space<vmem>>[vector<16xi32>, vector<16xi32>], vector<16xf32>,
            %add3A_824 = vector.broadcast %mul3A_489 : i32 to vector<16xi32>
            %add3A_825 = arith.addi %and3A_112, %add3A_824 : vector<16xi32>
            %gather3A_826 = arith.constant 1 : i32
            %gather3A_827 = arith.constant 0 : i32
            %gather3A_828 = arith.constant 0 : i32
            %gather3A_829 = tpu.memref_slice %arg14[%gather3A_826, %gather3A_827, %gather3A_828] : memref<2x32x128xf32, #tpu.memory_space<vmem>> -> memref<1x32x128xf32, #tpu.memory_space<vmem>>
            %gather3A_830 = tpu.memref_squeeze %gather3A_829 : memref<1x32x128xf32, #tpu.memory_space<vmem>> -> memref<32x128xf32, #tpu.memory_space<vmem>>
            %gather3A_831 = tpu.vector_load_idx %gather3A_830[%add3A_468, %add3A_825] : memref<32x128xf32, #tpu.memory_space<vmem>>[vector<16xi32>, vector<16xi32>], vector<16xf32>,
            %mul3A_832 = arith.mulf %gather3A_831, %exp3A : vector<16xf32>
            %scatter3A_833 = arith.constant 1 : i32
            %scatter3A_834 = arith.constant 0 : i32
            %scatter3A_835 = arith.constant 0 : i32
            %scatter3A_836 = tpu.memref_slice %arg14[%scatter3A_833, %scatter3A_834, %scatter3A_835] : memref<2x32x128xf32, #tpu.memory_space<vmem>> -> memref<1x32x128xf32, #tpu.memory_space<vmem>>
            %scatter3A_837 = tpu.memref_squeeze %scatter3A_836 : memref<1x32x128xf32, #tpu.memory_space<vmem>> -> memref<32x128xf32, #tpu.memory_space<vmem>>
            tpu.vector_store_idx %scatter3A_837[%add3A_468, %add3A_825], %mul3A_832 : memref<32x128xf32, #tpu.memory_space<vmem>>[vector<16xi32>, vector<16xi32>], vector<16xf32>,
            %add3A_838 = vector.broadcast %mul3A_489 : i32 to vector<16xi32>
            %add3A_839 = arith.addi %and3A_118, %add3A_838 : vector<16xi32>
            %gather3A_840 = arith.constant 1 : i32
            %gather3A_841 = arith.constant 0 : i32
            %gather3A_842 = arith.constant 0 : i32
            %gather3A_843 = tpu.memref_slice %arg14[%gather3A_840, %gather3A_841, %gather3A_842] : memref<2x32x128xf32, #tpu.memory_space<vmem>> -> memref<1x32x128xf32, #tpu.memory_space<vmem>>
            %gather3A_844 = tpu.memref_squeeze %gather3A_843 : memref<1x32x128xf32, #tpu.memory_space<vmem>> -> memref<32x128xf32, #tpu.memory_space<vmem>>
            %gather3A_845 = tpu.vector_load_idx %gather3A_844[%add3A_468, %add3A_839] : memref<32x128xf32, #tpu.memory_space<vmem>>[vector<16xi32>, vector<16xi32>], vector<16xf32>,
            %mul3A_846 = arith.mulf %gather3A_845, %exp3A : vector<16xf32>
            %scatter3A_847 = arith.constant 1 : i32
            %scatter3A_848 = arith.constant 0 : i32
            %scatter3A_849 = arith.constant 0 : i32
            %scatter3A_850 = tpu.memref_slice %arg14[%scatter3A_847, %scatter3A_848, %scatter3A_849] : memref<2x32x128xf32, #tpu.memory_space<vmem>> -> memref<1x32x128xf32, #tpu.memory_space<vmem>>
            %scatter3A_851 = tpu.memref_squeeze %scatter3A_850 : memref<1x32x128xf32, #tpu.memory_space<vmem>> -> memref<32x128xf32, #tpu.memory_space<vmem>>
            tpu.vector_store_idx %scatter3A_851[%add3A_468, %add3A_839], %mul3A_846 : memref<32x128xf32, #tpu.memory_space<vmem>>[vector<16xi32>, vector<16xi32>], vector<16xf32>,
            %add3A_852 = vector.broadcast %mul3A_489 : i32 to vector<16xi32>
            %add3A_853 = arith.addi %and3A_124, %add3A_852 : vector<16xi32>
            %gather3A_854 = arith.constant 1 : i32
            %gather3A_855 = arith.constant 0 : i32
            %gather3A_856 = arith.constant 0 : i32
            %gather3A_857 = tpu.memref_slice %arg14[%gather3A_854, %gather3A_855, %gather3A_856] : memref<2x32x128xf32, #tpu.memory_space<vmem>> -> memref<1x32x128xf32, #tpu.memory_space<vmem>>
            %gather3A_858 = tpu.memref_squeeze %gather3A_857 : memref<1x32x128xf32, #tpu.memory_space<vmem>> -> memref<32x128xf32, #tpu.memory_space<vmem>>
            %gather3A_859 = tpu.vector_load_idx %gather3A_858[%add3A_468, %add3A_853] : memref<32x128xf32, #tpu.memory_space<vmem>>[vector<16xi32>, vector<16xi32>], vector<16xf32>,
            %mul3A_860 = arith.mulf %gather3A_859, %exp3A : vector<16xf32>
            %scatter3A_861 = arith.constant 1 : i32
            %scatter3A_862 = arith.constant 0 : i32
            %scatter3A_863 = arith.constant 0 : i32
            %scatter3A_864 = tpu.memref_slice %arg14[%scatter3A_861, %scatter3A_862, %scatter3A_863] : memref<2x32x128xf32, #tpu.memory_space<vmem>> -> memref<1x32x128xf32, #tpu.memory_space<vmem>>
            %scatter3A_865 = tpu.memref_squeeze %scatter3A_864 : memref<1x32x128xf32, #tpu.memory_space<vmem>> -> memref<32x128xf32, #tpu.memory_space<vmem>>
            tpu.vector_store_idx %scatter3A_865[%add3A_468, %add3A_853], %mul3A_860 : memref<32x128xf32, #tpu.memory_space<vmem>>[vector<16xi32>, vector<16xi32>], vector<16xf32>,
            %add3A_866 = vector.broadcast %mul3A_489 : i32 to vector<16xi32>
            %add3A_867 = arith.addi %and3A_130, %add3A_866 : vector<16xi32>
            %gather3A_868 = arith.constant 1 : i32
            %gather3A_869 = arith.constant 0 : i32
            %gather3A_870 = arith.constant 0 : i32
            %gather3A_871 = tpu.memref_slice %arg14[%gather3A_868, %gather3A_869, %gather3A_870] : memref<2x32x128xf32, #tpu.memory_space<vmem>> -> memref<1x32x128xf32, #tpu.memory_space<vmem>>
            %gather3A_872 = tpu.memref_squeeze %gather3A_871 : memref<1x32x128xf32, #tpu.memory_space<vmem>> -> memref<32x128xf32, #tpu.memory_space<vmem>>
            %gather3A_873 = tpu.vector_load_idx %gather3A_872[%add3A_468, %add3A_867] : memref<32x128xf32, #tpu.memory_space<vmem>>[vector<16xi32>, vector<16xi32>], vector<16xf32>,
            %mul3A_874 = arith.mulf %gather3A_873, %exp3A : vector<16xf32>
            %scatter3A_875 = arith.constant 1 : i32
            %scatter3A_876 = arith.constant 0 : i32
            %scatter3A_877 = arith.constant 0 : i32
            %scatter3A_878 = tpu.memref_slice %arg14[%scatter3A_875, %scatter3A_876, %scatter3A_877] : memref<2x32x128xf32, #tpu.memory_space<vmem>> -> memref<1x32x128xf32, #tpu.memory_space<vmem>>
            %scatter3A_879 = tpu.memref_squeeze %scatter3A_878 : memref<1x32x128xf32, #tpu.memory_space<vmem>> -> memref<32x128xf32, #tpu.memory_space<vmem>>
            tpu.vector_store_idx %scatter3A_879[%add3A_468, %add3A_867], %mul3A_874 : memref<32x128xf32, #tpu.memory_space<vmem>>[vector<16xi32>, vector<16xi32>], vector<16xf32>,
            %add3A_880 = vector.broadcast %mul3A_489 : i32 to vector<16xi32>
            %add3A_881 = arith.addi %and3A_136, %add3A_880 : vector<16xi32>
            %gather3A_882 = arith.constant 1 : i32
            %gather3A_883 = arith.constant 0 : i32
            %gather3A_884 = arith.constant 0 : i32
            %gather3A_885 = tpu.memref_slice %arg14[%gather3A_882, %gather3A_883, %gather3A_884] : memref<2x32x128xf32, #tpu.memory_space<vmem>> -> memref<1x32x128xf32, #tpu.memory_space<vmem>>
            %gather3A_886 = tpu.memref_squeeze %gather3A_885 : memref<1x32x128xf32, #tpu.memory_space<vmem>> -> memref<32x128xf32, #tpu.memory_space<vmem>>
            %gather3A_887 = tpu.vector_load_idx %gather3A_886[%add3A_468, %add3A_881] : memref<32x128xf32, #tpu.memory_space<vmem>>[vector<16xi32>, vector<16xi32>], vector<16xf32>,
            %mul3A_888 = arith.mulf %gather3A_887, %exp3A : vector<16xf32>
            %scatter3A_889 = arith.constant 1 : i32
            %scatter3A_890 = arith.constant 0 : i32
            %scatter3A_891 = arith.constant 0 : i32
            %scatter3A_892 = tpu.memref_slice %arg14[%scatter3A_889, %scatter3A_890, %scatter3A_891] : memref<2x32x128xf32, #tpu.memory_space<vmem>> -> memref<1x32x128xf32, #tpu.memory_space<vmem>>
            %scatter3A_893 = tpu.memref_squeeze %scatter3A_892 : memref<1x32x128xf32, #tpu.memory_space<vmem>> -> memref<32x128xf32, #tpu.memory_space<vmem>>
            tpu.vector_store_idx %scatter3A_893[%add3A_468, %add3A_881], %mul3A_888 : memref<32x128xf32, #tpu.memory_space<vmem>>[vector<16xi32>, vector<16xi32>], vector<16xf32>,
            %add3A_894 = vector.broadcast %mul3A_489 : i32 to vector<16xi32>
            %add3A_895 = arith.addi %and3A_142, %add3A_894 : vector<16xi32>
            %gather3A_896 = arith.constant 1 : i32
            %gather3A_897 = arith.constant 0 : i32
            %gather3A_898 = arith.constant 0 : i32
            %gather3A_899 = tpu.memref_slice %arg14[%gather3A_896, %gather3A_897, %gather3A_898] : memref<2x32x128xf32, #tpu.memory_space<vmem>> -> memref<1x32x128xf32, #tpu.memory_space<vmem>>
            %gather3A_900 = tpu.memref_squeeze %gather3A_899 : memref<1x32x128xf32, #tpu.memory_space<vmem>> -> memref<32x128xf32, #tpu.memory_space<vmem>>
            %gather3A_901 = tpu.vector_load_idx %gather3A_900[%add3A_468, %add3A_895] : memref<32x128xf32, #tpu.memory_space<vmem>>[vector<16xi32>, vector<16xi32>], vector<16xf32>,
            %mul3A_902 = arith.mulf %gather3A_901, %exp3A : vector<16xf32>
            %scatter3A_903 = arith.constant 1 : i32
            %scatter3A_904 = arith.constant 0 : i32
            %scatter3A_905 = arith.constant 0 : i32
            %scatter3A_906 = tpu.memref_slice %arg14[%scatter3A_903, %scatter3A_904, %scatter3A_905] : memref<2x32x128xf32, #tpu.memory_space<vmem>> -> memref<1x32x128xf32, #tpu.memory_space<vmem>>
            %scatter3A_907 = tpu.memref_squeeze %scatter3A_906 : memref<1x32x128xf32, #tpu.memory_space<vmem>> -> memref<32x128xf32, #tpu.memory_space<vmem>>
            tpu.vector_store_idx %scatter3A_907[%add3A_468, %add3A_895], %mul3A_902 : memref<32x128xf32, #tpu.memory_space<vmem>>[vector<16xi32>, vector<16xi32>], vector<16xf32>,
            %add3A_908 = vector.broadcast %mul3A_489 : i32 to vector<16xi32>
            %add3A_909 = arith.addi %and3A_148, %add3A_908 : vector<16xi32>
            %gather3A_910 = arith.constant 1 : i32
            %gather3A_911 = arith.constant 0 : i32
            %gather3A_912 = arith.constant 0 : i32
            %gather3A_913 = tpu.memref_slice %arg14[%gather3A_910, %gather3A_911, %gather3A_912] : memref<2x32x128xf32, #tpu.memory_space<vmem>> -> memref<1x32x128xf32, #tpu.memory_space<vmem>>
            %gather3A_914 = tpu.memref_squeeze %gather3A_913 : memref<1x32x128xf32, #tpu.memory_space<vmem>> -> memref<32x128xf32, #tpu.memory_space<vmem>>
            %gather3A_915 = tpu.vector_load_idx %gather3A_914[%add3A_468, %add3A_909] : memref<32x128xf32, #tpu.memory_space<vmem>>[vector<16xi32>, vector<16xi32>], vector<16xf32>,
            %mul3A_916 = arith.mulf %gather3A_915, %exp3A : vector<16xf32>
            %scatter3A_917 = arith.constant 1 : i32
            %scatter3A_918 = arith.constant 0 : i32
            %scatter3A_919 = arith.constant 0 : i32
            %scatter3A_920 = tpu.memref_slice %arg14[%scatter3A_917, %scatter3A_918, %scatter3A_919] : memref<2x32x128xf32, #tpu.memory_space<vmem>> -> memref<1x32x128xf32, #tpu.memory_space<vmem>>
            %scatter3A_921 = tpu.memref_squeeze %scatter3A_920 : memref<1x32x128xf32, #tpu.memory_space<vmem>> -> memref<32x128xf32, #tpu.memory_space<vmem>>
            tpu.vector_store_idx %scatter3A_921[%add3A_468, %add3A_909], %mul3A_916 : memref<32x128xf32, #tpu.memory_space<vmem>>[vector<16xi32>, vector<16xi32>], vector<16xf32>,
            %add3A_922 = vector.broadcast %mul3A_489 : i32 to vector<16xi32>
            %add3A_923 = arith.addi %and3A_154, %add3A_922 : vector<16xi32>
            %gather3A_924 = arith.constant 1 : i32
            %gather3A_925 = arith.constant 0 : i32
            %gather3A_926 = arith.constant 0 : i32
            %gather3A_927 = tpu.memref_slice %arg14[%gather3A_924, %gather3A_925, %gather3A_926] : memref<2x32x128xf32, #tpu.memory_space<vmem>> -> memref<1x32x128xf32, #tpu.memory_space<vmem>>
            %gather3A_928 = tpu.memref_squeeze %gather3A_927 : memref<1x32x128xf32, #tpu.memory_space<vmem>> -> memref<32x128xf32, #tpu.memory_space<vmem>>
            %gather3A_929 = tpu.vector_load_idx %gather3A_928[%add3A_468, %add3A_923] : memref<32x128xf32, #tpu.memory_space<vmem>>[vector<16xi32>, vector<16xi32>], vector<16xf32>,
            %mul3A_930 = arith.mulf %gather3A_929, %exp3A : vector<16xf32>
            %scatter3A_931 = arith.constant 1 : i32
            %scatter3A_932 = arith.constant 0 : i32
            %scatter3A_933 = arith.constant 0 : i32
            %scatter3A_934 = tpu.memref_slice %arg14[%scatter3A_931, %scatter3A_932, %scatter3A_933] : memref<2x32x128xf32, #tpu.memory_space<vmem>> -> memref<1x32x128xf32, #tpu.memory_space<vmem>>
            %scatter3A_935 = tpu.memref_squeeze %scatter3A_934 : memref<1x32x128xf32, #tpu.memory_space<vmem>> -> memref<32x128xf32, #tpu.memory_space<vmem>>
            tpu.vector_store_idx %scatter3A_935[%add3A_468, %add3A_923], %mul3A_930 : memref<32x128xf32, #tpu.memory_space<vmem>>[vector<16xi32>, vector<16xi32>], vector<16xf32>,
            %add3A_936 = vector.broadcast %mul3A_489 : i32 to vector<16xi32>
            %add3A_937 = arith.addi %and3A_160, %add3A_936 : vector<16xi32>
            %gather3A_938 = arith.constant 1 : i32
            %gather3A_939 = arith.constant 0 : i32
            %gather3A_940 = arith.constant 0 : i32
            %gather3A_941 = tpu.memref_slice %arg14[%gather3A_938, %gather3A_939, %gather3A_940] : memref<2x32x128xf32, #tpu.memory_space<vmem>> -> memref<1x32x128xf32, #tpu.memory_space<vmem>>
            %gather3A_942 = tpu.memref_squeeze %gather3A_941 : memref<1x32x128xf32, #tpu.memory_space<vmem>> -> memref<32x128xf32, #tpu.memory_space<vmem>>
            %gather3A_943 = tpu.vector_load_idx %gather3A_942[%add3A_468, %add3A_937] : memref<32x128xf32, #tpu.memory_space<vmem>>[vector<16xi32>, vector<16xi32>], vector<16xf32>,
            %mul3A_944 = arith.mulf %gather3A_943, %exp3A : vector<16xf32>
            %scatter3A_945 = arith.constant 1 : i32
            %scatter3A_946 = arith.constant 0 : i32
            %scatter3A_947 = arith.constant 0 : i32
            %scatter3A_948 = tpu.memref_slice %arg14[%scatter3A_945, %scatter3A_946, %scatter3A_947] : memref<2x32x128xf32, #tpu.memory_space<vmem>> -> memref<1x32x128xf32, #tpu.memory_space<vmem>>
            %scatter3A_949 = tpu.memref_squeeze %scatter3A_948 : memref<1x32x128xf32, #tpu.memory_space<vmem>> -> memref<32x128xf32, #tpu.memory_space<vmem>>
            tpu.vector_store_idx %scatter3A_949[%add3A_468, %add3A_937], %mul3A_944 : memref<32x128xf32, #tpu.memory_space<vmem>>[vector<16xi32>, vector<16xi32>], vector<16xf32>,
            %add3A_950 = vector.broadcast %mul3A_489 : i32 to vector<16xi32>
            %add3A_951 = arith.addi %and3A_166, %add3A_950 : vector<16xi32>
            %gather3A_952 = arith.constant 1 : i32
            %gather3A_953 = arith.constant 0 : i32
            %gather3A_954 = arith.constant 0 : i32
            %gather3A_955 = tpu.memref_slice %arg14[%gather3A_952, %gather3A_953, %gather3A_954] : memref<2x32x128xf32, #tpu.memory_space<vmem>> -> memref<1x32x128xf32, #tpu.memory_space<vmem>>
            %gather3A_956 = tpu.memref_squeeze %gather3A_955 : memref<1x32x128xf32, #tpu.memory_space<vmem>> -> memref<32x128xf32, #tpu.memory_space<vmem>>
            %gather3A_957 = tpu.vector_load_idx %gather3A_956[%add3A_468, %add3A_951] : memref<32x128xf32, #tpu.memory_space<vmem>>[vector<16xi32>, vector<16xi32>], vector<16xf32>,
            %mul3A_958 = arith.mulf %gather3A_957, %exp3A : vector<16xf32>
            %scatter3A_959 = arith.constant 1 : i32
            %scatter3A_960 = arith.constant 0 : i32
            %scatter3A_961 = arith.constant 0 : i32
            %scatter3A_962 = tpu.memref_slice %arg14[%scatter3A_959, %scatter3A_960, %scatter3A_961] : memref<2x32x128xf32, #tpu.memory_space<vmem>> -> memref<1x32x128xf32, #tpu.memory_space<vmem>>
            %scatter3A_963 = tpu.memref_squeeze %scatter3A_962 : memref<1x32x128xf32, #tpu.memory_space<vmem>> -> memref<32x128xf32, #tpu.memory_space<vmem>>
            tpu.vector_store_idx %scatter3A_963[%add3A_468, %add3A_951], %mul3A_958 : memref<32x128xf32, #tpu.memory_space<vmem>>[vector<16xi32>, vector<16xi32>], vector<16xf32>,
            %add3A_964 = vector.broadcast %mul3A_489 : i32 to vector<16xi32>
            %add3A_965 = arith.addi %and3A_172, %add3A_964 : vector<16xi32>
            %gather3A_966 = arith.constant 1 : i32
            %gather3A_967 = arith.constant 0 : i32
            %gather3A_968 = arith.constant 0 : i32
            %gather3A_969 = tpu.memref_slice %arg14[%gather3A_966, %gather3A_967, %gather3A_968] : memref<2x32x128xf32, #tpu.memory_space<vmem>> -> memref<1x32x128xf32, #tpu.memory_space<vmem>>
            %gather3A_970 = tpu.memref_squeeze %gather3A_969 : memref<1x32x128xf32, #tpu.memory_space<vmem>> -> memref<32x128xf32, #tpu.memory_space<vmem>>
            %gather3A_971 = tpu.vector_load_idx %gather3A_970[%add3A_468, %add3A_965] : memref<32x128xf32, #tpu.memory_space<vmem>>[vector<16xi32>, vector<16xi32>], vector<16xf32>,
            %mul3A_972 = arith.mulf %gather3A_971, %exp3A : vector<16xf32>
            %scatter3A_973 = arith.constant 1 : i32
            %scatter3A_974 = arith.constant 0 : i32
            %scatter3A_975 = arith.constant 0 : i32
            %scatter3A_976 = tpu.memref_slice %arg14[%scatter3A_973, %scatter3A_974, %scatter3A_975] : memref<2x32x128xf32, #tpu.memory_space<vmem>> -> memref<1x32x128xf32, #tpu.memory_space<vmem>>
            %scatter3A_977 = tpu.memref_squeeze %scatter3A_976 : memref<1x32x128xf32, #tpu.memory_space<vmem>> -> memref<32x128xf32, #tpu.memory_space<vmem>>
            tpu.vector_store_idx %scatter3A_977[%add3A_468, %add3A_965], %mul3A_972 : memref<32x128xf32, #tpu.memory_space<vmem>>[vector<16xi32>, vector<16xi32>], vector<16xf32>,
          }
          %scan3A_480 = arith.constant 8 : i32
          %scan3A_481 = arith.constant 0 : i32
          %scan3A_482 = arith.constant 0 : i32
          %scan3A_483 = arith.constant 16 : i32
          %scan3A_484 = arith.addi %scan3A_482, %scan3A_483 : i32
          %scan3A_485 = arith.constant 1 : i32
          scf.for %scan3A_487 = %scan3A_482 to %scan3A_484 step %scan3A_485  : i32 {
            %mul3A_488 = arith.constant 16 : i32
            %mul3A_489 = arith.muli %scan3A_464, %mul3A_488 : i32
            %add3A_490 = arith.addi %mul3A_489, %scan3A_487 : i32
            %get3A_491 = arith.index_cast %scan3A_487 : i32 to index
            %get3A_492 = arith.constant 0 : index
            %get3A_493 = tpu.vector_load %arg24[%get3A_491, %get3A_492] {strides = array<i32>} : memref<16x17xf32, #tpu.memory_space<vmem>>, vector<16xf32>,
            %get3A_494 = arith.constant 1 : i32
            %get3A_495 = arith.index_cast %get3A_494 : i32 to index
            %get3A_496 = arith.index_cast %add3A_490 : i32 to index
            %get3A_497 = tpu.vector_load %arg22[%get3A_495, %get3A_496] {strides = array<i32>} : memref<2x48xi32, #tpu.memory_space<vmem>>, vector<16xi32>,
            %slice3A = vector.extract_strided_slice %get3A_497 {offsets = [0], sizes = [1], strides = [1]} : vector<16xi32> to vector<1xi32>
            %squeeze3A = vector.extract %slice3A[0] : i32 from vector<1xi32>
            %mul3A_498 = arith.constant 16 : i32
            %mul3A_499 = arith.muli %squeeze3A, %mul3A_498 : i32
            %swap3A_500 = arith.constant 1 : i32
            %swap3A_501 = arith.index_cast %swap3A_500 : i32 to index
            %swap3A_502 = arith.index_cast %add3A_490 : i32 to index
            %swap3A_503 = arith.index_cast %mul3A_499 : i32 to index
            %swap3A_504 = tpu.vector_load %arg16[%swap3A_501, %swap3A_502, %swap3A_503] {strides = array<i32>} : memref<2x32x128xf32, #tpu.memory_space<vmem>>, vector<16xf32>,
            tpu.vector_store %arg16[%swap3A_501, %swap3A_502, %swap3A_503], %get3A_493 {strides = array<i32>} : memref<2x32x128xf32, #tpu.memory_space<vmem>>, vector<16xf32>,
          }
          %scan3A_486 = arith.constant 16 : i32
        }
        %scan3A_424 = arith.constant 2 : i32
        %get3A = arith.constant 1 : i32
        %get3A_425 = arith.index_cast %get3A : i32 to index
        %get3A_426 = arith.constant 0 : index
        %get3A_427 = tpu.vector_load %arg20[%get3A_425, %get3A_426] {strides = array<i32>} : memref<2x32xi32, #tpu.memory_space<vmem>>, vector<16xi32>,
        %swap3A_428 = arith.constant 1 : i32
        %swap3A_429 = arith.index_cast %swap3A_428 : i32 to index
        %swap3A_430 = arith.constant 0 : index
        %swap3A_431 = tpu.vector_load %arg21[%swap3A_429, %swap3A_430] {strides = array<i32>} : memref<2x32xi32, #tpu.memory_space<vmem>>, vector<16xi32>,
        tpu.vector_store %arg21[%swap3A_429, %swap3A_430], %get3A_427 {strides = array<i32>} : memref<2x32xi32, #tpu.memory_space<vmem>>, vector<16xi32>,
        %get3A_432 = arith.constant 1 : i32
        %get3A_433 = arith.index_cast %get3A_432 : i32 to index
        %get3A_434 = arith.constant 16 : index
        %get3A_435 = tpu.vector_load %arg20[%get3A_433, %get3A_434] {strides = array<i32>} : memref<2x32xi32, #tpu.memory_space<vmem>>, vector<16xi32>,
        %swap3A_436 = arith.constant 1 : i32
        %swap3A_437 = arith.index_cast %swap3A_436 : i32 to index
        %swap3A_438 = arith.constant 16 : index
        %swap3A_439 = tpu.vector_load %arg21[%swap3A_437, %swap3A_438] {strides = array<i32>} : memref<2x32xi32, #tpu.memory_space<vmem>>, vector<16xi32>,
        tpu.vector_store %arg21[%swap3A_437, %swap3A_438], %get3A_435 {strides = array<i32>} : memref<2x32xi32, #tpu.memory_space<vmem>>, vector<16xi32>,
        %dma_start3A_440 = arith.constant 1 : i32
        %dma_start3A_441 = arith.constant 1 : i32
        %dma_start3A_442 = arith.constant 0 : i32
        %dma_start3A_443 = arith.constant 0 : i32
        %dma_start3A_444 = tpu.memref_slice %arg14[%dma_start3A_440, %dma_start3A_442, %dma_start3A_443] : memref<2x32x128xf32, #tpu.memory_space<vmem>> -> memref<1x32x128xf32, #tpu.memory_space<vmem>>
        %dma_start3A_445 = tpu.memref_squeeze %dma_start3A_444 : memref<1x32x128xf32, #tpu.memory_space<vmem>> -> memref<32x128xf32, #tpu.memory_space<vmem>>
        %dma_start3A_446 = arith.constant 0 : i32
        %dma_start3A_447 = tpu.memref_slice %arg19[%dma_start3A_441, %dma_start3A_446] : memref<2x32xi32, #tpu.memory_space<vmem>> -> memref<1x32xi32, #tpu.memory_space<vmem>>
        %dma_start3A_448 = tpu.memref_squeeze %dma_start3A_447 : memref<1x32xi32, #tpu.memory_space<vmem>> -> memref<32xi32, #tpu.memory_space<vmem>>
        %dma_start3A_449 = arith.constant 0 : i32
        %dma_start3A_450 = arith.constant 0 : i32
        %dma_start3A_451 = tpu.memref_slice %arg11[%dma_start3A_449, %dma_start3A_450] : memref<10112x128xf32, #tpu.memory_space<vmem_shared>> -> memref<10112x128xf32, #tpu.memory_space<vmem_shared>>
        tpu.enqueue_indirect_dma source(%dma_start3A_445 : memref<32x128xf32, #tpu.memory_space<vmem>>) target(%dma_start3A_451 : memref<10112x128xf32, #tpu.memory_space<vmem_shared>>) offsets(%dma_start3A_448 : memref<32xi32, #tpu.memory_space<vmem>>) semaphore(%arg30 : memref<!tpu.dma_semaphore, #tpu.memory_space<semaphore_mem>>) {add = true}
        %dma_start3A_452 = arith.constant 1 : i32
        %dma_start3A_453 = arith.constant 1 : i32
        %dma_start3A_454 = arith.constant 0 : i32
        %dma_start3A_455 = arith.constant 0 : i32
        %dma_start3A_456 = tpu.memref_slice %arg16[%dma_start3A_452, %dma_start3A_454, %dma_start3A_455] : memref<2x32x128xf32, #tpu.memory_space<vmem>> -> memref<1x32x128xf32, #tpu.memory_space<vmem>>
        %dma_start3A_457 = tpu.memref_squeeze %dma_start3A_456 : memref<1x32x128xf32, #tpu.memory_space<vmem>> -> memref<32x128xf32, #tpu.memory_space<vmem>>
        %dma_start3A_458 = arith.constant 0 : i32
        %dma_start3A_459 = tpu.memref_slice %arg21[%dma_start3A_453, %dma_start3A_458] : memref<2x32xi32, #tpu.memory_space<vmem>> -> memref<1x32xi32, #tpu.memory_space<vmem>>
        %dma_start3A_460 = tpu.memref_squeeze %dma_start3A_459 : memref<1x32xi32, #tpu.memory_space<vmem>> -> memref<32xi32, #tpu.memory_space<vmem>>
        %dma_start3A_461 = arith.constant 0 : i32
        %dma_start3A_462 = arith.constant 0 : i32
        %dma_start3A_463 = tpu.memref_slice %arg12[%dma_start3A_461, %dma_start3A_462] : memref<1280x128xf32, #tpu.memory_space<vmem_shared>> -> memref<1280x128xf32, #tpu.memory_space<vmem_shared>>
        tpu.enqueue_indirect_dma source(%dma_start3A_457 : memref<32x128xf32, #tpu.memory_space<vmem>>) target(%dma_start3A_463 : memref<1280x128xf32, #tpu.memory_space<vmem_shared>>) offsets(%dma_start3A_460 : memref<32xi32, #tpu.memory_space<vmem>>) semaphore(%arg30 : memref<!tpu.dma_semaphore, #tpu.memory_space<semaphore_mem>>) {add = true}
      } else {
      }
      %add3A_360 = arith.constant 2 : i32
      %add3A_361 = arith.addi %add3A_338, %add3A_360 : i32
      %sub3A_362 = arith.constant 1 : i32
      %sub3A_363 = arith.subi %add3A_77, %sub3A_362 : i32
      %le3A_364 = arith.cmpi sle, %add3A_361, %sub3A_363 : i32
      %convert_element_type3A_365 = arith.extui %le3A_364 : i1 to i32
      %cond3A_366 = arith.constant 0 : i32
      %cond3A_367 = arith.cmpi ne, %convert_element_type3A_365, %cond3A_366 : i32
      scf.if %cond3A_367 {
        %add3A_368 = arith.constant 2 : i32
        %add3A_369 = arith.addi %add3A_338, %add3A_368 : i32
        %add3A_370 = arith.addi %add3A_73, %add3A_369 : i32
        %mul3A_371 = arith.constant 32 : i32
        %mul3A_372 = arith.muli %add3A_370, %mul3A_371 : i32
        %dma_start3A_373 = arith.constant 1 : i32
        %dma_start3A_374 = arith.constant 0 : i32
        %dma_start3A_375 = tpu.memref_slice %arg17[%dma_start3A_373, %dma_start3A_374] : memref<2x32xi32, #tpu.memory_space<vmem>> -> memref<1x32xi32, #tpu.memory_space<vmem>>
        %dma_start3A_376 = tpu.memref_squeeze %dma_start3A_375 : memref<1x32xi32, #tpu.memory_space<vmem>> -> memref<32xi32, #tpu.memory_space<vmem>>
        %dma_start3A_377 = tpu.memref_slice %arg5[%mul3A_372] : memref<320000xi32, #tpu.memory_space<hbm>> -> memref<32xi32, #tpu.memory_space<hbm>>
        %dma_start3A_378 = arith.constant 0 : i32
        %dma_start3A_379 = tpu.memref_slice %arg17[%dma_start3A_373, %dma_start3A_378] : memref<2x32xi32, #tpu.memory_space<vmem>> -> memref<1x32xi32, #tpu.memory_space<vmem>>
        %dma_start3A_380 = tpu.memref_squeeze %dma_start3A_379 : memref<1x32xi32, #tpu.memory_space<vmem>> -> memref<32xi32, #tpu.memory_space<vmem>>
        %dma_start3A_381 = tpu.memref_slice %arg5[%mul3A_372] : memref<320000xi32, #tpu.memory_space<hbm>> -> memref<32xi32, #tpu.memory_space<hbm>>
        tpu.enqueue_dma source(%dma_start3A_381 : memref<32xi32, #tpu.memory_space<hbm>>) target(%dma_start3A_380 : memref<32xi32, #tpu.memory_space<vmem>>) target_semaphore(%arg28 : memref<!tpu.dma_semaphore, #tpu.memory_space<semaphore_mem>>)
        %dma_start3A_382 = arith.constant 1 : i32
        %dma_start3A_383 = arith.constant 0 : i32
        %dma_start3A_384 = tpu.memref_slice %arg18[%dma_start3A_382, %dma_start3A_383] : memref<2x32xi32, #tpu.memory_space<vmem>> -> memref<1x32xi32, #tpu.memory_space<vmem>>
        %dma_start3A_385 = tpu.memref_squeeze %dma_start3A_384 : memref<1x32xi32, #tpu.memory_space<vmem>> -> memref<32xi32, #tpu.memory_space<vmem>>
        %dma_start3A_386 = tpu.memref_slice %arg6[%mul3A_372] : memref<320000xi32, #tpu.memory_space<hbm>> -> memref<32xi32, #tpu.memory_space<hbm>>
        %dma_start3A_387 = arith.constant 0 : i32
        %dma_start3A_388 = tpu.memref_slice %arg18[%dma_start3A_382, %dma_start3A_387] : memref<2x32xi32, #tpu.memory_space<vmem>> -> memref<1x32xi32, #tpu.memory_space<vmem>>
        %dma_start3A_389 = tpu.memref_squeeze %dma_start3A_388 : memref<1x32xi32, #tpu.memory_space<vmem>> -> memref<32xi32, #tpu.memory_space<vmem>>
        %dma_start3A_390 = tpu.memref_slice %arg6[%mul3A_372] : memref<320000xi32, #tpu.memory_space<hbm>> -> memref<32xi32, #tpu.memory_space<hbm>>
        tpu.enqueue_dma source(%dma_start3A_390 : memref<32xi32, #tpu.memory_space<hbm>>) target(%dma_start3A_389 : memref<32xi32, #tpu.memory_space<vmem>>) target_semaphore(%arg28 : memref<!tpu.dma_semaphore, #tpu.memory_space<semaphore_mem>>)
        %dma_start3A_391 = arith.constant 1 : i32
        %dma_start3A_392 = arith.constant 0 : i32
        %dma_start3A_393 = tpu.memref_slice %arg23[%dma_start3A_391, %dma_start3A_392] : memref<2x32xf32, #tpu.memory_space<vmem>> -> memref<1x32xf32, #tpu.memory_space<vmem>>
        %dma_start3A_394 = tpu.memref_squeeze %dma_start3A_393 : memref<1x32xf32, #tpu.memory_space<vmem>> -> memref<32xf32, #tpu.memory_space<vmem>>
        %dma_start3A_395 = tpu.memref_slice %arg7[%mul3A_372] : memref<320000xf32, #tpu.memory_space<hbm>> -> memref<32xf32, #tpu.memory_space<hbm>>
        %dma_start3A_396 = arith.constant 0 : i32
        %dma_start3A_397 = tpu.memref_slice %arg23[%dma_start3A_391, %dma_start3A_396] : memref<2x32xf32, #tpu.memory_space<vmem>> -> memref<1x32xf32, #tpu.memory_space<vmem>>
        %dma_start3A_398 = tpu.memref_squeeze %dma_start3A_397 : memref<1x32xf32, #tpu.memory_space<vmem>> -> memref<32xf32, #tpu.memory_space<vmem>>
        %dma_start3A_399 = tpu.memref_slice %arg7[%mul3A_372] : memref<320000xf32, #tpu.memory_space<hbm>> -> memref<32xf32, #tpu.memory_space<hbm>>
        tpu.enqueue_dma source(%dma_start3A_399 : memref<32xf32, #tpu.memory_space<hbm>>) target(%dma_start3A_398 : memref<32xf32, #tpu.memory_space<vmem>>) target_semaphore(%arg28 : memref<!tpu.dma_semaphore, #tpu.memory_space<semaphore_mem>>)
      } else {
      }
    }
    %scan3A_306 = arith.constant 157 : i32
    %barrier3A_307 = arith.constant 0 : index
    tpu.barrier barrier_id(%barrier3A_307)
    "tpu.region"() ({
      %run_scoped3A_308 = tpu.sem_alloc : memref<!tpu.dma_semaphore, #tpu.memory_space<semaphore_mem>>
      %dma_start3A_309 = arith.constant 0 : i32
      %dma_start3A_310 = tpu.memref_slice %arg9[%arg0, %mul3A_2, %dma_start3A_309] : memref<2x10112x128xf32, #tpu.memory_space<hbm>> -> memref<1x632x128xf32, #tpu.memory_space<hbm>>
      %dma_start3A_311 = tpu.memref_squeeze %dma_start3A_310 : memref<1x632x128xf32, #tpu.memory_space<hbm>> -> memref<632x128xf32, #tpu.memory_space<hbm>>
      %dma_start3A_312 = arith.constant 0 : i32
      %dma_start3A_313 = tpu.memref_slice %arg11[%mul3A_2, %dma_start3A_312] : memref<10112x128xf32, #tpu.memory_space<vmem_shared>> -> memref<632x128xf32, #tpu.memory_space<vmem_shared>>
      tpu.enqueue_dma source(%dma_start3A_313 : memref<632x128xf32, #tpu.memory_space<vmem_shared>>) target(%dma_start3A_311 : memref<632x128xf32, #tpu.memory_space<hbm>>) target_semaphore(%run_scoped3A_308 : memref<!tpu.dma_semaphore, #tpu.memory_space<semaphore_mem>>)
      %dma_wait3A_314 = arith.constant 0 : i32
      %dma_wait3A_315 = tpu.memref_slice %arg9[%arg0, %mul3A_2, %dma_wait3A_314] : memref<2x10112x128xf32, #tpu.memory_space<hbm>> -> memref<1x632x128xf32, #tpu.memory_space<hbm>>
      %dma_wait3A_316 = tpu.memref_squeeze %dma_wait3A_315 : memref<1x632x128xf32, #tpu.memory_space<hbm>> -> memref<632x128xf32, #tpu.memory_space<hbm>>
      %dma_wait3A_317 = arith.constant 0 : i32
      %dma_wait3A_318 = tpu.memref_slice %arg11[%mul3A_2, %dma_wait3A_317] : memref<10112x128xf32, #tpu.memory_space<vmem_shared>> -> memref<632x128xf32, #tpu.memory_space<vmem_shared>>
      tpu.wait_dma2 semaphore(%run_scoped3A_308 : memref<!tpu.dma_semaphore, #tpu.memory_space<semaphore_mem>>) src(%dma_wait3A_318 : memref<632x128xf32, #tpu.memory_space<vmem_shared>>) dst(%dma_wait3A_316 : memref<632x128xf32, #tpu.memory_space<hbm>>)
      tpu.yield
    }) : () -> ()
    "tpu.region"() ({
      %run_scoped3A_308 = tpu.sem_alloc : memref<!tpu.dma_semaphore, #tpu.memory_space<semaphore_mem>>
      %dma_start3A_309 = arith.constant 0 : i32
      %dma_start3A_310 = tpu.memref_slice %arg10[%arg0, %mul3A_4, %dma_start3A_309] : memref<2x1280x128xf32, #tpu.memory_space<hbm>> -> memref<1x80x128xf32, #tpu.memory_space<hbm>>
      %dma_start3A_311 = tpu.memref_squeeze %dma_start3A_310 : memref<1x80x128xf32, #tpu.memory_space<hbm>> -> memref<80x128xf32, #tpu.memory_space<hbm>>
      %dma_start3A_312 = arith.constant 0 : i32
      %dma_start3A_313 = tpu.memref_slice %arg12[%mul3A_4, %dma_start3A_312] : memref<1280x128xf32, #tpu.memory_space<vmem_shared>> -> memref<80x128xf32, #tpu.memory_space<vmem_shared>>
      tpu.enqueue_dma source(%dma_start3A_313 : memref<80x128xf32, #tpu.memory_space<vmem_shared>>) target(%dma_start3A_311 : memref<80x128xf32, #tpu.memory_space<hbm>>) target_semaphore(%run_scoped3A_308 : memref<!tpu.dma_semaphore, #tpu.memory_space<semaphore_mem>>)
      %dma_wait3A_314 = arith.constant 0 : i32
      %dma_wait3A_315 = tpu.memref_slice %arg10[%arg0, %mul3A_4, %dma_wait3A_314] : memref<2x1280x128xf32, #tpu.memory_space<hbm>> -> memref<1x80x128xf32, #tpu.memory_space<hbm>>
      %dma_wait3A_316 = tpu.memref_squeeze %dma_wait3A_315 : memref<1x80x128xf32, #tpu.memory_space<hbm>> -> memref<80x128xf32, #tpu.memory_space<hbm>>
      %dma_wait3A_317 = arith.constant 0 : i32
      %dma_wait3A_318 = tpu.memref_slice %arg12[%mul3A_4, %dma_wait3A_317] : memref<1280x128xf32, #tpu.memory_space<vmem_shared>> -> memref<80x128xf32, #tpu.memory_space<vmem_shared>>
      tpu.wait_dma2 semaphore(%run_scoped3A_308 : memref<!tpu.dma_semaphore, #tpu.memory_space<semaphore_mem>>) src(%dma_wait3A_318 : memref<80x128xf32, #tpu.memory_space<vmem_shared>>) dst(%dma_wait3A_316 : memref<80x128xf32, #tpu.memory_space<hbm>>)
      tpu.yield
    }) : () -> ()
    return
  }
}

module attributes {stable_mosaic.version = 14 : i64} {
  func.func @_pre_body(%arg0: i32, %arg1: memref<2000x128xf32, #tpu.memory_space<vmem>>, %arg2: memref<128x128xf32, #tpu.memory_space<vmem>>, %arg3: memref<128x128xf32, #tpu.memory_space<vmem>>, %arg4: memref<128x128xf32, #tpu.memory_space<vmem>>, %arg5: memref<1x128xf32, #tpu.memory_space<vmem>>, %arg6: memref<2000x128xf32, #tpu.memory_space<vmem>>, %arg7: memref<2000x128xf32, #tpu.memory_space<vmem>>, %arg8: memref<2000x128xf32, #tpu.memory_space<vmem>>) attributes {dimension_semantics = [#tpu.dimension_semantics<arbitrary>], iteration_bounds = array<i64: 5>, scalar_prefetch = 0 : i64, scratch_operands = 0 : i64, tpu.core_type = #tpu.core_type<tc>, window_params = [{transform_indices = @transform_0, window_bounds = array<i64: 2000, 128>}, {pipeline_mode = #tpu.pipeline_mode<synchronous>, transform_indices = @transform_1, window_bounds = array<i64: 128, 128>}, {pipeline_mode = #tpu.pipeline_mode<synchronous>, transform_indices = @transform_2, window_bounds = array<i64: 128, 128>}, {pipeline_mode = #tpu.pipeline_mode<synchronous>, transform_indices = @transform_3, window_bounds = array<i64: 128, 128>}, {pipeline_mode = #tpu.pipeline_mode<synchronous>, transform_indices = @transform_4, window_bounds = array<i64: 1, 128>}, {transform_indices = @transform_5, window_bounds = array<i64: 2000, 128>}, {transform_indices = @transform_6, window_bounds = array<i64: 2000, 128>}, {transform_indices = @transform_7, window_bounds = array<i64: 2000, 128>}]} {
    %get3A = arith.constant 0 : index
    %get3A_0 = arith.constant 0 : index
    %get3A_1 = vector.load %arg1[%get3A, %get3A_0] : memref<2000x128xf32, #tpu.memory_space<vmem>>, vector<2000x128xf32>
    %get3A_2 = arith.constant 0 : index
    %get3A_3 = arith.constant 0 : index
    %get3A_4 = vector.load %arg2[%get3A_2, %get3A_3] : memref<128x128xf32, #tpu.memory_space<vmem>>, vector<128x128xf32>
    %dot_general3A = arith.constant dense<0.000000e+00> : vector<2000x128xf32>
    %dot_general3A_5 = tpu.matmul %get3A_1, %get3A_4, %dot_general3A {dimension_numbers = #tpu.dot_dimension_numbers<[1], [0], [0], [1], [0, 0, 1, 1], [], []>, transpose_lhs_hint = false} : vector<2000x128xf32>, vector<128x128xf32>, vector<2000x128xf32> -> vector<2000x128xf32>
    %swap3A = arith.constant 0 : index
    %swap3A_6 = arith.constant 0 : index
    %swap3A_7 = vector.load %arg6[%swap3A, %swap3A_6] : memref<2000x128xf32, #tpu.memory_space<vmem>>, vector<2000x128xf32>
    tpu.vector_store %arg6[%swap3A, %swap3A_6], %dot_general3A_5 {strides = array<i32>} : memref<2000x128xf32, #tpu.memory_space<vmem>>, vector<2000x128xf32>,
    %get3A_8 = arith.constant 0 : index
    %get3A_9 = arith.constant 0 : index
    %get3A_10 = vector.load %arg3[%get3A_8, %get3A_9] : memref<128x128xf32, #tpu.memory_space<vmem>>, vector<128x128xf32>
    %dot_general3A_11 = arith.constant dense<0.000000e+00> : vector<2000x128xf32>
    %dot_general3A_12 = tpu.matmul %get3A_1, %get3A_10, %dot_general3A_11 {dimension_numbers = #tpu.dot_dimension_numbers<[1], [0], [0], [1], [0, 0, 1, 1], [], []>, transpose_lhs_hint = false} : vector<2000x128xf32>, vector<128x128xf32>, vector<2000x128xf32> -> vector<2000x128xf32>
    %get3A_13 = arith.constant 0 : index
    %get3A_14 = arith.constant 0 : index
    %get3A_15 = vector.load %arg4[%get3A_13, %get3A_14] : memref<128x128xf32, #tpu.memory_space<vmem>>, vector<128x128xf32>
    %dot_general3A_16 = arith.constant dense<0.000000e+00> : vector<2000x128xf32>
    %dot_general3A_17 = tpu.matmul %get3A_1, %get3A_15, %dot_general3A_16 {dimension_numbers = #tpu.dot_dimension_numbers<[1], [0], [0], [1], [0, 0, 1, 1], [], []>, transpose_lhs_hint = false} : vector<2000x128xf32>, vector<128x128xf32>, vector<2000x128xf32> -> vector<2000x128xf32>
    %swap3A_18 = arith.constant 0 : index
    %swap3A_19 = arith.constant 0 : index
    %swap3A_20 = vector.load %arg8[%swap3A_18, %swap3A_19] : memref<2000x128xf32, #tpu.memory_space<vmem>>, vector<2000x128xf32>
    tpu.vector_store %arg8[%swap3A_18, %swap3A_19], %dot_general3A_17 {strides = array<i32>} : memref<2000x128xf32, #tpu.memory_space<vmem>>, vector<2000x128xf32>,
    %get3A_21 = arith.constant 0 : index
    %get3A_22 = arith.constant 0 : index
    %get3A_23 = vector.load %arg5[%get3A_21, %get3A_22] : memref<1x128xf32, #tpu.memory_space<vmem>>, vector<1x128xf32>
    %mul3A = arith.constant 2.500000e-01 : f32
    %mul3A_24 = vector.broadcast %mul3A : f32 to vector<1x128xf32>
    %mul3A_25 = arith.mulf %get3A_23, %mul3A_24 : vector<1x128xf32>
    %mul3A_26 = vector.broadcast %mul3A_25 : vector<1x128xf32> to vector<2000x128xf32>
    %mul3A_27 = arith.mulf %dot_general3A_12, %mul3A_26 : vector<2000x128xf32>
    %swap3A_28 = arith.constant 0 : index
    %swap3A_29 = arith.constant 0 : index
    %swap3A_30 = vector.load %arg7[%swap3A_28, %swap3A_29] : memref<2000x128xf32, #tpu.memory_space<vmem>>, vector<2000x128xf32>
    tpu.vector_store %arg7[%swap3A_28, %swap3A_29], %mul3A_27 {strides = array<i32>} : memref<2000x128xf32, #tpu.memory_space<vmem>>, vector<2000x128xf32>,
    return
  }
  func.func @transform_0(%arg0: i32) -> (i32, i32) {
    %c0_i32 = arith.constant 0 : i32
    %c0_i32_0 = arith.constant 0 : i32
    return %arg0, %c0_i32 : i32, i32
  }
  func.func @transform_1(%arg0: i32) -> (i32, i32) {
    %c0_i32 = arith.constant 0 : i32
    %c0_i32_0 = arith.constant 0 : i32
    %c0_i32_1 = arith.constant 0 : i32
    return %c0_i32, %c0_i32_0 : i32, i32
  }
  func.func @transform_2(%arg0: i32) -> (i32, i32) {
    %c0_i32 = arith.constant 0 : i32
    %c0_i32_0 = arith.constant 0 : i32
    %c0_i32_1 = arith.constant 0 : i32
    return %c0_i32, %c0_i32_0 : i32, i32
  }
  func.func @transform_3(%arg0: i32) -> (i32, i32) {
    %c0_i32 = arith.constant 0 : i32
    %c0_i32_0 = arith.constant 0 : i32
    %c0_i32_1 = arith.constant 0 : i32
    return %c0_i32, %c0_i32_0 : i32, i32
  }
  func.func @transform_4(%arg0: i32) -> (i32, i32) {
    %c0_i32 = arith.constant 0 : i32
    %c0_i32_0 = arith.constant 0 : i32
    %c0_i32_1 = arith.constant 0 : i32
    return %c0_i32, %c0_i32_0 : i32, i32
  }
  func.func @transform_5(%arg0: i32) -> (i32, i32) {
    %c0_i32 = arith.constant 0 : i32
    %c0_i32_0 = arith.constant 0 : i32
    return %arg0, %c0_i32 : i32, i32
  }
  func.func @transform_6(%arg0: i32) -> (i32, i32) {
    %c0_i32 = arith.constant 0 : i32
    %c0_i32_0 = arith.constant 0 : i32
    return %arg0, %c0_i32 : i32, i32
  }
  func.func @transform_7(%arg0: i32) -> (i32, i32) {
    %c0_i32 = arith.constant 0 : i32
    %c0_i32_0 = arith.constant 0 : i32
    return %arg0, %c0_i32 : i32, i32
  }
}

module attributes {stable_mosaic.version = 14 : i64} {
  func.func @_post_body(%arg0: memref<2x10000x128xf32, #tpu.memory_space<vmem>>, %arg1: memref<2x10000x16xf32, #tpu.memory_space<vmem>>, %arg2: memref<10000x128xf32, #tpu.memory_space<vmem>>, %arg3: memref<128x128xf32, #tpu.memory_space<vmem>>, %arg4: memref<128xf32, #tpu.memory_space<vmem>>, %arg5: memref<128x256xf32, #tpu.memory_space<vmem>>, %arg6: memref<256xf32, #tpu.memory_space<vmem>>, %arg7: memref<256x128xf32, #tpu.memory_space<vmem>>, %arg8: memref<128xf32, #tpu.memory_space<vmem>>, %arg9: memref<128xf32, #tpu.memory_space<vmem>>, %arg10: memref<128xf32, #tpu.memory_space<vmem>>, %arg11: memref<128xf32, #tpu.memory_space<vmem>>, %arg12: memref<128xf32, #tpu.memory_space<vmem>>, %arg13: memref<16x128xf32, #tpu.memory_space<vmem>>, %arg14: memref<10000x128xf32, #tpu.memory_space<vmem>>) attributes {dimension_semantics = [], scalar_prefetch = 0 : i64, scratch_operands = 0 : i64, tpu.core_type = #tpu.core_type<tc>} {
    %get3A = arith.constant 0 : index
    %get3A_0 = arith.constant 0 : index
    %get3A_1 = arith.constant 0 : index
    %get3A_2 = vector.load %arg0[%get3A, %get3A_0, %get3A_1] : memref<2x10000x128xf32, #tpu.memory_space<vmem>>, vector<1x10000x128xf32>
    %get3A_3 = vector.shape_cast %get3A_2 : vector<1x10000x128xf32> to vector<10000x128xf32>
    %get3A_4 = arith.constant 1 : index
    %get3A_5 = arith.constant 0 : index
    %get3A_6 = arith.constant 0 : index
    %get3A_7 = vector.load %arg0[%get3A_4, %get3A_5, %get3A_6] : memref<2x10000x128xf32, #tpu.memory_space<vmem>>, vector<1x10000x128xf32>
    %get3A_8 = vector.shape_cast %get3A_7 : vector<1x10000x128xf32> to vector<10000x128xf32>
    %add3A = arith.addf %get3A_3, %get3A_8 : vector<10000x128xf32>
    %get3A_9 = arith.constant 0 : index
    %get3A_10 = arith.constant 0 : index
    %get3A_11 = arith.constant 0 : index
    %get3A_12 = vector.load %arg1[%get3A_9, %get3A_10, %get3A_11] : memref<2x10000x16xf32, #tpu.memory_space<vmem>>, vector<1x10000x16xf32>
    %get3A_13 = vector.shape_cast %get3A_12 : vector<1x10000x16xf32> to vector<10000x16xf32>
    %get3A_14 = arith.constant 1 : index
    %get3A_15 = arith.constant 0 : index
    %get3A_16 = arith.constant 0 : index
    %get3A_17 = vector.load %arg1[%get3A_14, %get3A_15, %get3A_16] : memref<2x10000x16xf32, #tpu.memory_space<vmem>>, vector<1x10000x16xf32>
    %get3A_18 = vector.shape_cast %get3A_17 : vector<1x10000x16xf32> to vector<10000x16xf32>
    %add3A_19 = arith.addf %get3A_13, %get3A_18 : vector<10000x16xf32>
    %get3A_20 = arith.constant 0 : index
    %get3A_21 = arith.constant 0 : index
    %get3A_22 = vector.load %arg13[%get3A_20, %get3A_21] : memref<16x128xf32, #tpu.memory_space<vmem>>, vector<16x128xf32>
    %dot_general3A = arith.constant dense<0.000000e+00> : vector<10000x128xf32>
    %dot_general3A_23 = tpu.matmul %add3A_19, %get3A_22, %dot_general3A {dimension_numbers = #tpu.dot_dimension_numbers<[1], [0], [0], [1], [0, 0, 1, 1], [], []>, transpose_lhs_hint = false} : vector<10000x16xf32>, vector<16x128xf32>, vector<10000x128xf32> -> vector<10000x128xf32>
    %add3A_24 = arith.constant 9.99999997E-7 : f32
    %add3A_25 = vector.broadcast %add3A_24 : f32 to vector<10000x128xf32>
    %add3A_26 = arith.addf %dot_general3A_23, %add3A_25 : vector<10000x128xf32>
    %div3A = arith.divf %add3A, %add3A_26 : vector<10000x128xf32>
    %get3A_27 = arith.constant 0 : index
    %get3A_28 = arith.constant 0 : index
    %get3A_29 = vector.load %arg3[%get3A_27, %get3A_28] : memref<128x128xf32, #tpu.memory_space<vmem>>, vector<128x128xf32>
    %dot_general3A_30 = arith.constant dense<0.000000e+00> : vector<10000x128xf32>
    %dot_general3A_31 = tpu.matmul %div3A, %get3A_29, %dot_general3A_30 {dimension_numbers = #tpu.dot_dimension_numbers<[1], [0], [0], [1], [0, 0, 1, 1], [], []>, transpose_lhs_hint = false} : vector<10000x128xf32>, vector<128x128xf32>, vector<10000x128xf32> -> vector<10000x128xf32>
    %get3A_32 = arith.constant 0 : index
    %get3A_33 = vector.load %arg4[%get3A_32] : memref<128xf32, #tpu.memory_space<vmem>>, vector<128xf32>
    %broadcast_in_dim3A = vector.shape_cast %get3A_33 : vector<128xf32> to vector<1x128xf32>
    %add3A_34 = vector.broadcast %broadcast_in_dim3A : vector<1x128xf32> to vector<10000x128xf32>
    %add3A_35 = arith.addf %dot_general3A_31, %add3A_34 : vector<10000x128xf32>
    %get3A_36 = arith.constant 0 : index
    %get3A_37 = arith.constant 0 : index
    %get3A_38 = vector.load %arg2[%get3A_36, %get3A_37] : memref<10000x128xf32, #tpu.memory_space<vmem>>, vector<10000x128xf32>
    %add3A_39 = arith.addf %get3A_38, %add3A_35 : vector<10000x128xf32>
    %reduce_sum3A = arith.constant dense<0.000000e+00> : vector<128xf32>
    %reduce_sum3A_40 = vector.multi_reduction <add>, %add3A_39, %reduce_sum3A [0] : vector<10000x128xf32> to vector<128xf32>
    %broadcast_in_dim3A_41 = vector.shape_cast %reduce_sum3A_40 : vector<128xf32> to vector<1x128xf32>
    %div3A_42 = arith.constant 1.000000e+04 : f32
    %div3A_43 = vector.broadcast %div3A_42 : f32 to vector<1x128xf32>
    %div3A_44 = arith.divf %broadcast_in_dim3A_41, %div3A_43 : vector<1x128xf32>
    %sub3A = vector.broadcast %div3A_44 : vector<1x128xf32> to vector<10000x128xf32>
    %sub3A_45 = arith.subf %add3A_39, %sub3A : vector<10000x128xf32>
    %integer_pow3A = arith.mulf %sub3A_45, %sub3A_45 : vector<10000x128xf32>
    %reduce_sum3A_46 = arith.constant dense<0.000000e+00> : vector<128xf32>
    %reduce_sum3A_47 = vector.multi_reduction <add>, %integer_pow3A, %reduce_sum3A_46 [0] : vector<10000x128xf32> to vector<128xf32>
    %broadcast_in_dim3A_48 = vector.shape_cast %reduce_sum3A_47 : vector<128xf32> to vector<1x128xf32>
    %div3A_49 = arith.constant 1.000000e+04 : f32
    %div3A_50 = vector.broadcast %div3A_49 : f32 to vector<1x128xf32>
    %div3A_51 = arith.divf %broadcast_in_dim3A_48, %div3A_50 : vector<1x128xf32>
    %sub3A_52 = vector.broadcast %div3A_44 : vector<1x128xf32> to vector<10000x128xf32>
    %sub3A_53 = arith.subf %add3A_39, %sub3A_52 : vector<10000x128xf32>
    %add3A_54 = arith.constant 9.99999974E-6 : f32
    %add3A_55 = vector.broadcast %add3A_54 : f32 to vector<1x128xf32>
    %add3A_56 = arith.addf %div3A_51, %add3A_55 : vector<1x128xf32>
    %sqrt3A = math.sqrt %add3A_56 : vector<1x128xf32>
    %div3A_57 = vector.broadcast %sqrt3A : vector<1x128xf32> to vector<10000x128xf32>
    %div3A_58 = arith.divf %sub3A_53, %div3A_57 : vector<10000x128xf32>
    %get3A_59 = arith.constant 0 : index
    %get3A_60 = vector.load %arg9[%get3A_59] : memref<128xf32, #tpu.memory_space<vmem>>, vector<128xf32>
    %broadcast_in_dim3A_61 = vector.shape_cast %get3A_60 : vector<128xf32> to vector<1x128xf32>
    %mul3A = vector.broadcast %broadcast_in_dim3A_61 : vector<1x128xf32> to vector<10000x128xf32>
    %mul3A_62 = arith.mulf %div3A_58, %mul3A : vector<10000x128xf32>
    %get3A_63 = arith.constant 0 : index
    %get3A_64 = vector.load %arg10[%get3A_63] : memref<128xf32, #tpu.memory_space<vmem>>, vector<128xf32>
    %broadcast_in_dim3A_65 = vector.shape_cast %get3A_64 : vector<128xf32> to vector<1x128xf32>
    %add3A_66 = vector.broadcast %broadcast_in_dim3A_65 : vector<1x128xf32> to vector<10000x128xf32>
    %add3A_67 = arith.addf %mul3A_62, %add3A_66 : vector<10000x128xf32>
    %get3A_68 = arith.constant 0 : index
    %get3A_69 = arith.constant 0 : index
    %get3A_70 = vector.load %arg5[%get3A_68, %get3A_69] : memref<128x256xf32, #tpu.memory_space<vmem>>, vector<128x256xf32>
    %dot_general3A_71 = arith.constant dense<0.000000e+00> : vector<10000x256xf32>
    %dot_general3A_72 = tpu.matmul %add3A_67, %get3A_70, %dot_general3A_71 {dimension_numbers = #tpu.dot_dimension_numbers<[1], [0], [0], [1], [0, 0, 1, 1], [], []>, transpose_lhs_hint = false} : vector<10000x128xf32>, vector<128x256xf32>, vector<10000x256xf32> -> vector<10000x256xf32>
    %get3A_73 = arith.constant 0 : index
    %get3A_74 = vector.load %arg6[%get3A_73] : memref<256xf32, #tpu.memory_space<vmem>>, vector<256xf32>
    %broadcast_in_dim3A_75 = vector.shape_cast %get3A_74 : vector<256xf32> to vector<1x256xf32>
    %add3A_76 = vector.broadcast %broadcast_in_dim3A_75 : vector<1x256xf32> to vector<10000x256xf32>
    %add3A_77 = arith.addf %dot_general3A_72, %add3A_76 : vector<10000x256xf32>
    %max3A = arith.constant 0.000000e+00 : f32
    %max3A_78 = vector.broadcast %max3A : f32 to vector<10000x256xf32>
    %max3A_79 = arith.maximumf %add3A_77, %max3A_78 : vector<10000x256xf32>
    %get3A_80 = arith.constant 0 : index
    %get3A_81 = arith.constant 0 : index
    %get3A_82 = vector.load %arg7[%get3A_80, %get3A_81] : memref<256x128xf32, #tpu.memory_space<vmem>>, vector<256x128xf32>
    %dot_general3A_83 = arith.constant dense<0.000000e+00> : vector<10000x128xf32>
    %dot_general3A_84 = tpu.matmul %max3A_79, %get3A_82, %dot_general3A_83 {dimension_numbers = #tpu.dot_dimension_numbers<[1], [0], [0], [1], [0, 0, 1, 1], [], []>, transpose_lhs_hint = false} : vector<10000x256xf32>, vector<256x128xf32>, vector<10000x128xf32> -> vector<10000x128xf32>
    %get3A_85 = arith.constant 0 : index
    %get3A_86 = vector.load %arg8[%get3A_85] : memref<128xf32, #tpu.memory_space<vmem>>, vector<128xf32>
    %broadcast_in_dim3A_87 = vector.shape_cast %get3A_86 : vector<128xf32> to vector<1x128xf32>
    %add3A_88 = vector.broadcast %broadcast_in_dim3A_87 : vector<1x128xf32> to vector<10000x128xf32>
    %add3A_89 = arith.addf %dot_general3A_84, %add3A_88 : vector<10000x128xf32>
    %add3A_90 = arith.addf %add3A_67, %add3A_89 : vector<10000x128xf32>
    %reduce_sum3A_91 = arith.constant dense<0.000000e+00> : vector<128xf32>
    %reduce_sum3A_92 = vector.multi_reduction <add>, %add3A_90, %reduce_sum3A_91 [0] : vector<10000x128xf32> to vector<128xf32>
    %broadcast_in_dim3A_93 = vector.shape_cast %reduce_sum3A_92 : vector<128xf32> to vector<1x128xf32>
    %div3A_94 = arith.constant 1.000000e+04 : f32
    %div3A_95 = vector.broadcast %div3A_94 : f32 to vector<1x128xf32>
    %div3A_96 = arith.divf %broadcast_in_dim3A_93, %div3A_95 : vector<1x128xf32>
    %sub3A_97 = vector.broadcast %div3A_96 : vector<1x128xf32> to vector<10000x128xf32>
    %sub3A_98 = arith.subf %add3A_90, %sub3A_97 : vector<10000x128xf32>
    %integer_pow3A_99 = arith.mulf %sub3A_98, %sub3A_98 : vector<10000x128xf32>
    %reduce_sum3A_100 = arith.constant dense<0.000000e+00> : vector<128xf32>
    %reduce_sum3A_101 = vector.multi_reduction <add>, %integer_pow3A_99, %reduce_sum3A_100 [0] : vector<10000x128xf32> to vector<128xf32>
    %broadcast_in_dim3A_102 = vector.shape_cast %reduce_sum3A_101 : vector<128xf32> to vector<1x128xf32>
    %div3A_103 = arith.constant 1.000000e+04 : f32
    %div3A_104 = vector.broadcast %div3A_103 : f32 to vector<1x128xf32>
    %div3A_105 = arith.divf %broadcast_in_dim3A_102, %div3A_104 : vector<1x128xf32>
    %sub3A_106 = vector.broadcast %div3A_96 : vector<1x128xf32> to vector<10000x128xf32>
    %sub3A_107 = arith.subf %add3A_90, %sub3A_106 : vector<10000x128xf32>
    %add3A_108 = arith.constant 9.99999974E-6 : f32
    %add3A_109 = vector.broadcast %add3A_108 : f32 to vector<1x128xf32>
    %add3A_110 = arith.addf %div3A_105, %add3A_109 : vector<1x128xf32>
    %sqrt3A_111 = math.sqrt %add3A_110 : vector<1x128xf32>
    %div3A_112 = vector.broadcast %sqrt3A_111 : vector<1x128xf32> to vector<10000x128xf32>
    %div3A_113 = arith.divf %sub3A_107, %div3A_112 : vector<10000x128xf32>
    %get3A_114 = arith.constant 0 : index
    %get3A_115 = vector.load %arg11[%get3A_114] : memref<128xf32, #tpu.memory_space<vmem>>, vector<128xf32>
    %broadcast_in_dim3A_116 = vector.shape_cast %get3A_115 : vector<128xf32> to vector<1x128xf32>
    %mul3A_117 = vector.broadcast %broadcast_in_dim3A_116 : vector<1x128xf32> to vector<10000x128xf32>
    %mul3A_118 = arith.mulf %div3A_113, %mul3A_117 : vector<10000x128xf32>
    %get3A_119 = arith.constant 0 : index
    %get3A_120 = vector.load %arg12[%get3A_119] : memref<128xf32, #tpu.memory_space<vmem>>, vector<128xf32>
    %broadcast_in_dim3A_121 = vector.shape_cast %get3A_120 : vector<128xf32> to vector<1x128xf32>
    %add3A_122 = vector.broadcast %broadcast_in_dim3A_121 : vector<1x128xf32> to vector<10000x128xf32>
    %add3A_123 = arith.addf %mul3A_118, %add3A_122 : vector<10000x128xf32>
    %swap3A = arith.constant 0 : index
    %swap3A_124 = arith.constant 0 : index
    %swap3A_125 = vector.load %arg14[%swap3A, %swap3A_124] : memref<10000x128xf32, #tpu.memory_space<vmem>>, vector<10000x128xf32>
    tpu.vector_store %arg14[%swap3A, %swap3A_124], %add3A_123 {strides = array<i32>} : memref<10000x128xf32, #tpu.memory_space<vmem>>, vector<10000x128xf32>,
    return
  }
}

</mosaic_0001>

<sc_bundles>
// kernel: kernel.5.cloned.1.call-start
scs
__scs_entry_jumppad:
0x0: {  	(pc) =	sbr.rel $0x88, $3  }
0x1: {  	(tag) =	ssettag $0x0;
	lr =	simm.s32 $0x1  }
0x2: {  	[smem:$0x3F90] =	sst lr;
	_ =	strace $0xD0000000  }
0x3: {  	_ = 	snop  }
0x4: {  	_ = 	snop  }
0x5: {  	_ = 	snop  }
0x6: {  	_ = 	snop  }
0x7: {  	_ = 	snop  }
__scs_overlays_trampoline_lowered:
0x8: {  	[smem:$0x3F9F] =	sst s0  }
0x9: {  	[smem:$0x3FA0] =	sst s1  }
0xa: {  	[smem:$0x3FA1] =	sst s2  }
0xb: {  	[smem:$0x3FA2] =	sst s3  }
0xc: {  	[smem:$0x3FA3] =	sst s4  }
0xd: {  	[smem:$0x3FA4] =	sst s5  }
0xe: {  	[smem:$0x3FA5] =	sst s6  }
0xf: {  	[smem:$0x3FA6] =	sst s7  }
0x10: {  	[smem:$0x3FA7] =	sst s8  }
0x11: {  	[smem:$0x3FA8] =	sst s9;
	s0 =	simm.s32 @!p0 $0x0  }
0x12: {  	s1 =	sld [smem:$0x3F8E];
	s0 =	simm.s32 @p0 $0x1  }
0x13: {  	[smem:$0x3FA9] =	sst s0;
	s0 =	simm.s32 @!p1 $0x0  }
0x14: {  	s2 =	sld [smem:$0x3F8D];
	s0 =	simm.s32 @p1 $0x1  }
0x15: {  	[smem:$0x3FAA] =	sst s0;
	s0 =	simm.s32 @!p2 $0x0  }
0x16: {  	s3 =	sld [smem:$0x3FDB];
	s0 =	simm.s32 @p2 $0x1  }
0x17: {  	s4 =	simm.s32 $0x1BF5;
	[smem:$0x3FAC] =	sst s0  }
0x18: {  	s0 =	sld [smem:$0x3F8F];
	_ =	swait.ge [sflag:s4], $0x0  }
0x19: {  	s7 =	sld [smem:$0x3F90]  }
0x1a: {  	s8 =	sadd.s32 $0xFFFFE003, lr  }
0x1b: {  	s9 =	sadd.s32 $0xFFFFFEF7, lr;
	s5 =	simm.s32 $0xFFFFFFFF;
	p2 =	slt.u32 s8, $0xFFFFF086  }
0x1c: {  	p1 =	slt.u32 s9, $0xF7A;
	s5 =	simm.s32 @!p2 $0x0  }
0x1d: {  	s5 =	simm.s32 @p1 $0x1;
	p0 =	seq.s32 s7, s2  }
0x1e: {  	s7 =	smul.u32 @!p0 $0xF7A, s2;
	p2 =	seq.s32 @!p0 s5, $0x0  }
0x1f: {  	s9 =	smul.u32 $0xF7A, s1;
	s8 =	simm.s32 @!p0 $0x1BF5;
	p2 =	por !p2, p0  }
0x20: {  	[sflag:s8] =	ssyncset.s32 @!p0 $0xFFFFF086;
	s6 =	sadd.s32 @!p0 s3, s7;
	s7 =	simm.s32 @!p0 $0x108  }
0x21: {  	s3 =	sadd.s32 s3, s9;
	s6 =	sadd.s32 @!p0 $0x88, s6;
	s7 =	simm.s32 @p2 $0x1082  }
0x22: {  	[simem:s7], [sflag:s8] =	dma.local @!p0 [hbm:s6], $0xF7A  }
0x23: {  	s9 =	sor.u32 $0xD0000000, s2;
	s6 =	simm.s32 $0x108;
	_ =	swait.ge @!p0 [sflag:s8], $0x0  }
0x24: {  	s3 =	sadd.s32 $0x88, s3;
	s6 =	simm.s32 @!p1 $0x1082;
	[sflag:s4] =	ssyncset.s32 $0xFFFFF086  }
0x25: {  	[simem:s6], [sflag:s4] =	dma.local [hbm:s3], $0xF7A  }
0x26: {  	[smem:$0x3F90] =	sst s1;
	(tag) =	ssettag s2;
	_ =	strace s9  }
0x27: {  	s1 =	sld [smem:$0x3FA0]  }
0x28: {  	s2 =	sld [smem:$0x3FA1]  }
0x29: {  	s4 =	sld [smem:$0x3FA3]  }
0x2a: {  	p0 =	seq.s32 s5, $0x0;
	s5 =	sld [smem:$0x3FA4]  }
0x2b: {  	s6 =	sld [smem:$0x3FA5]  }
0x2c: {  	s7 =	sld [smem:$0x3FA6]  }
0x2d: {  	s3 =	simm.s32 $0x108;
	s8 =	sld [smem:$0x3FA7]  }
0x2e: {  	s3 =	simm.s32 @!p0 $0x1082;
	s9 =	sld [smem:$0x3FA8]  }
0x2f: {  	lr =	sadd.s32 s0, s3;
	s0 =	sld [smem:$0x3F9F]  }
0x30: {  	s3 =	sld [smem:$0x3FA2]  }
0x31: {  	[smem:$0x3FAB] =	sst s10  }
0x32: {  	s10 =	sld [smem:$0x3FA9];
	_ =	sdelay $0x3  }
0x33: {  	p0 =	seq.s32 s10, $0x1;
	s10 =	sld [smem:$0x3FAB];
	_ =	sdelay $0x3  }
0x34: {  	[smem:$0x3FAB] =	sst s10  }
0x35: {  	s10 =	sld [smem:$0x3FAA];
	_ =	sdelay $0x3  }
0x36: {  	p1 =	seq.s32 s10, $0x1;
	s10 =	sld [smem:$0x3FAB];
	_ =	sdelay $0x3  }
0x37: {  	[smem:$0x3FAB] =	sst s10  }
0x38: {  	s10 =	sld [smem:$0x3FAC]  }
0x39: {  	_ = 	snop;
	(pc) =	sbr.ind lr, $3  }
0x3a: {  	_ = 	snop  }
0x3b: {  	_ = 	snop  }
0x3c: {  	p2 =	seq.s32 s10, $0x1;
	s10 =	sld [smem:$0x3FAB]  }
0x3d: {  	_ =	shalt  }
0x3e: {  	_ =	shalt  }
0x3f: {  	_ =	shalt  }
0x40: {  	_ =	shalt  }
0x41: {  	_ =	shalt  }
0x42: {  	_ =	shalt  }
0x43: {  	_ =	shalt  }
0x44: {  	_ =	shalt  }
0x45: {  	_ =	shalt  }
0x46: {  	_ =	shalt  }
0x47: {  	_ =	shalt  }
0x48: {  	_ =	shalt  }
0x49: {  	_ =	shalt  }
0x4a: {  	_ =	shalt  }
0x4b: {  	_ =	shalt  }
0x4c: {  	_ =	shalt  }
0x4d: {  	_ =	shalt  }
0x4e: {  	_ =	shalt  }
0x4f: {  	_ =	shalt  }
0x50: {  	_ =	shalt  }
0x51: {  	_ =	shalt  }
0x52: {  	_ =	shalt  }
0x53: {  	_ =	shalt  }
0x54: {  	_ =	shalt  }
0x55: {  	_ =	shalt  }
0x56: {  	_ =	shalt  }
0x57: {  	_ =	shalt  }
0x58: {  	_ =	shalt  }
0x59: {  	_ =	shalt  }
0x5a: {  	_ =	shalt  }
0x5b: {  	_ =	shalt  }
0x5c: {  	_ =	shalt  }
0x5d: {  	_ =	shalt  }
0x5e: {  	_ =	shalt  }
0x5f: {  	_ =	shalt  }
0x60: {  	_ =	shalt  }
0x61: {  	_ =	shalt  }
0x62: {  	_ =	shalt  }
0x63: {  	_ =	shalt  }
0x64: {  	_ =	shalt  }
0x65: {  	_ =	shalt  }
0x66: {  	_ =	shalt  }
0x67: {  	_ =	shalt  }
0x68: {  	_ =	shalt  }
0x69: {  	_ =	shalt  }
0x6a: {  	_ =	shalt  }
0x6b: {  	_ =	shalt  }
0x6c: {  	_ =	shalt  }
0x6d: {  	_ =	shalt  }
0x6e: {  	_ =	shalt  }
0x6f: {  	_ =	shalt  }
0x70: {  	_ =	shalt  }
0x71: {  	_ =	shalt  }
0x72: {  	_ =	shalt  }
0x73: {  	_ =	shalt  }
0x74: {  	_ =	shalt  }
0x75: {  	_ =	shalt  }
0x76: {  	_ =	shalt  }
0x77: {  	_ =	shalt  }
0x78: {  	_ =	shalt  }
0x79: {  	_ =	shalt  }
0x7a: {  	_ =	shalt  }
0x7b: {  	_ =	shalt  }
0x7c: {  	_ =	shalt  }
0x7d: {  	_ =	shalt  }
0x7e: {  	_ =	shalt  }
0x7f: {  	_ =	shalt  }
0x80: {  	_ =	shalt  }
0x81: {  	_ =	shalt  }
0x82: {  	_ =	shalt  }
0x83: {  	_ =	shalt  }
0x84: {  	_ =	shalt  }
0x85: {  	_ =	shalt  }
0x86: {  	_ =	shalt  }
0x87: {  	_ =	shalt  }
.Lfunc_end0:
.L_simem_size_0:
called_computation_lowered:
.L_overlay_start_0:
0x88: {  	s2 =	sld [smem:$0x3FD9]  }
0x89: {  	s3 =	sld [smem:$0x3FFE];
	_ =	sdelay $0x1  }
0x8a: {  	s1 =	srdreg.scid  }
0x8b: {  	s0 =	sand.u32 $0x1, s1  }
0x8c: {  	s17 =	sshll.u32 s0, $0xA;
	s2 =	sadd.s32 s3, s2  }
0x8d: {  	s2 =	sadd.s32 s2, s17  }
0x8e: {  	[smem:$0x3FB7] =	sst s2  }
0x8f: {  	_ = 	snop  }
0x90: {  	s2 =	sld [smem:$0x3FD0];
	(tm) =	ssettm $0x1  }
0x91: {  	s18 =	sld [smem:$0x3FFB];
	_ =	sdelay $0x3  }
0x92: {  	_ =	strace s18  }
0x93: {  	s3 =	sld [smem:$0x3FFC];
	_ =	sdelay $0x3  }
0x94: {  	_ =	strace s3  }
0x95: {  	s3 =	sld [smem:$0x3FFD];
	_ =	sdelay $0x3  }
0x96: {  	_ =	strace s3  }
0x97: {  	_ =	strace $0x8FFFFFFF  }
0x98: {  	s19 =	sld [smem:$0x3FDB];
	_ =	sdelay $0x1  }
0x99: {  	s4 =	simm.s32 $_scs_section_size  }
0x9a: {  	s5 =	simm.s32 $_size__tile_overlayer_lowered;
	s6 =	simm.s32 $_tile_overlayer_lowered  }
0x9b: {  	s22 =	simm.s32 $0x1BFF;
	s21 =	sshll.u32 s6, $0x1;
	s3 =	sadd.s32 s4, s19  }
0x9c: {  	s7 =	simm.s32 $0x0;
	s20 =	sshll.u32 s5, $0x1;
	s5 =	sadd.s32 s21, s3  }
0x9d: {  	[timem:s7], [sflag:s22] =	dma.local [hbm:s5], s20  }
0x9e: {  	_ =	swait.ge [sflag:s22], s20  }
0x9f: {  	s4 =	ssub.s32 $0x0, s20;
	[sflag:s22] =	ssyncset.done $0x0  }
0xa0: {  	[sflag:s22] =	ssyncadd.s32 s4;
	_ =	sdelay $0x1  }
0xa1: {  	s23 =	simm.s32 $0x1B8B  }
0xa2: {  	_ =	swait.ge [sflag:s23], $0x1  }
0xa3: {  	[sflag:s23] =	ssyncset.done $0x0  }
0xa4: {  	s25 =	simm.s32 $0x1B8E;
	s24 =	sld [smem:$0x3FFE];
	[sflag:s23] =	ssyncadd.s32 $0xFFFFFFFF  }
0xa5: {  	s26 =	simm.s32 $execute0_lowered;
	[smem:$0x3FD2] =	sst s25  }
0xa6: {  	s5 =	sshll.u32 s26, $0x1;
	_ =	strace $0x80000046;
	[dreg:$0x1] =	wrdreg $0xFFFFFFFF  }
0xa7: {  	s28 =	simm.s32 $_size_execute0_lowered;
	s3 =	sadd.s32 s3, s5;
	[dreg:$0x0] =	wrdreg $0x0  }
0xa8: {  	s5 =	sshll.u32 s28, $0x1;
	[dreg:$0x2] =	wrdreg s3  }
0xa9: {  	[dreg:$0x3] =	wrdreg s5  }
0xaa: {  	[dreg:$0x4] =	wrdreg $0xC0  }
0xab: {  	_ =	task [dreg:s7], $0x5FFFF  }
0xac: {  	[dreg:$0x1] =	wrdreg $0xFFFFFFFF  }
0xad: {  	[dreg:$0x0] =	wrdreg $0x60  }
0xae: {  	[dreg:$0x2] =	wrdreg s2  }
0xaf: {  	[dreg:$0x3] =	wrdreg s24  }
0xb0: {  	[dreg:$0x4] =	wrdreg $0x0  }
0xb1: {  	[dreg:$0x5] =	wrdreg $0x13C000  }
0xb2: {  	[dreg:$0x6] =	wrdreg $0x9  }
0xb3: {  	_ =	task.clear_ibuf [dreg:s7], $0x7FFFF;
	_ =	strace $0x90000046  }
0xb4: {  	s29 =	simm.s32 $0x9;
	_ =	strace $0x80000048  }
0xb5: {  	_ =	swait.ge [sflag:s29], $0x1  }
0xb6: {  	[sflag:s29] =	ssyncadd.s32 $0xFFFFFFFF  }
0xb7: {  	_ =	strace $0x90000048  }
0xb8: {  	_ =	sfence  }
0xb9: {  	s30 =	sld [smem:$0x0];
	_ =	sdelay $0x2  }
0xba: {  	s31 =	sshll.u32 s1, $0xD;
	s1 =	sshrl.u32 s1, $0x2  }
0xbb: {  	s3 =	sand.u32 $0x4000, s31;
	s1 =	sadd.s32 s1, s30  }
0xbc: {  	s0 =	sor.u32 s3, s0;
	s1 =	sshll.u32 s1, $0x11  }
0xbd: {  	s0 =	sor.u32 s1, s0  }
0xbe: {  	s0 =	sadd.s32 $0x8F2B, s0  }
0xbf: {  	[sflag:s0] =	ssyncadd.remote.s32 $0x1  }
0xc0: {  	_ =	sfence.sel $0xFFFF  }
0xc1: {  	[dreg:$0x0] =	wrdreg $0xFFFFFFFF;
	(pc) =	sbr.abs _section_cstart, $3  }
0xc2: {  	[dreg:$0x1] =	wrdreg $0xFFFFFFFF  }
0xc3: {  	_ =	task.clear_ibuf [dreg:s7], $0x2FFFF;
	_ =	strace $0x9FFFFFFF  }
0xc4: {  	(tm) =	ssettm $0x7FFFFFFF  }
0xc5: {  	_ =	shalt  }
tec
execute0_lowered:
.L_overlay_start_1:
0x0: {  	(tag) =	ssettag $0x1  }
0x1: {  	v1 =	vimm.s32 $0xFEDCBA9  }
0x2: {  	v0 =	vlaneseq.u32;
	v4 =	vimm.s32 $0x87654321;
	v49 =	vimm.s32 $0x10FEDCBA  }
0x3: {  	s1 =	rddreg [dreg:$0x0];
	v5 =	vimm.s32 $0x98765432;
	v6 =	vimm.s32 $0x210FEDCB;
	v7 =	vimm.s32 $0xA9876543  }
0x4: {  	s4 =	rddreg [dreg:$0x1];
	v50 =	vimm.s32 $0x3210FEDC;
	v51 =	vimm.s32 $0xBA987654;
	v17 =	vimm.s32 $0xCBA98765  }
0x5: {  	s2 =	rddreg [dreg:$0x2];
	v57 =	vimm.s32 $0x543210FE;
	v58 =	vimm.s32 $0xDCBA9876;
	v19 =	vimm.s32 $0x6543210F  }
0x6: {  	s3 =	rddreg [dreg:$0x3];
	s5 =	simm.s32 $0x0;
	v20 =	vimm.s32 $0xEDCBA987;
	v21 =	vimm.s32 $0xFEDCBA98;
	v3 =	vunpack.c.l.s4.s8 v1  }
0x7: {  	s0 =	srdreg.scid;
	s17 =	stileid.u32;
	v22 =	vimm.s32 $0x76543210;
	s31 =	simm.s32 $0x1;
	v2 =	vmul.u32 $0x80, v0;
	v5 =	vunpack.c.l.s4.s8 v5  }
0x8: {  	[smem:$0x7FF] =	sst s5;
	s0 =	sand.u32 $0x1, s0;
	s10 =	smul.u32 $0x13C00, s17;
	v6 =	vunpack.c.l.s4.s8 v6;
	v9 =	vunpack.c.0.s8.s32 v3;
	v3 =	vunpack.c.l.s4.s8 v4  }
0x9: {  	s6 =	sadd.s32 $0x47800, s4;
	s7 =	sadd.s32 $0x20600, s4;
	s12 =	smul.u32 $0x2800, s17;
	v55 =	vunpack.c.l.s4.s8 v17;
	v19 =	vunpack.c.l.s4.s8 v19;
	v20 =	vunpack.c.l.s4.s8 v20  }
0xa: {  	s8 =	sadd.s32 $0xCA00, s4;
	s9 =	sadd.s32 $0x2C00, s4;
	s16 =	smul.u32 $0x4F000, s17;
	v21 =	vunpack.c.l.s4.s8 v21;
	v10 =	vunpack.c.0.s8.s32 v3;
	v3 =	vunpack.c.l.s4.s8 v7  }
0xb: {  	s14 =	sadd.s32 $0x6EA00, s4;
	v59 =	vunpack.c.l.s4.s8 v22;
	s13 =	smul.u32 $0x13C000, s0;
	_ =	strace $0x80000047;
	v4 =	vunpack.c.l.s4.s8 v49;
	v12 =	vunpack.c.0.s8.s32 v5  }
0xc: {  	s11 =	smul.u32 $0x28000, s0;
	[dreg:$0x5] =	wrdreg s14;
	s15 =	sshll.u32 s0, $0x4;
	v13 =	vunpack.c.0.s8.s32 v6;
	v14 =	vunpack.c.0.s8.s32 v3;
	v3 =	vunpack.c.l.s4.s8 v50  }
0xd: {  	s14 =	smul.u32 $0xA000, s17;
	v18 =	vunpack.c.0.s8.s32 v55;
	v6 =	vunpack.c.l.s4.s8 v57;
	s5 =	sadd.s32 s10, s13;
	s10 =	sadd.s32 $0x16800, s4;
	v11 =	vunpack.c.0.s8.s32 v4  }
0xe: {  	s11 =	sadd.s32 s12, s11;
	s13 =	ssub.s32 $0x2, s0;
	s12 =	sshrl.u32 s16, $0x2;
	v4 =	vunpack.c.l.s4.s8 v51;
	v15 =	vunpack.c.0.s8.s32 v3;
	v3 =	vimm.s32 $0x43210FED  }
0xf: {  	v19 =	vunpack.c.0.s8.s32 v19;
	s14 =	sshrl.u32 s14, $0x2;
	s5 =	sshrl.u32 s5, $0x3;
	s11 =	sshrl.u32 s11, $0x3;
	v52 =	vcombine.low v10, v9;
	v8 =	vunpack.c.l.s4.s8 v3  }
0x10: {  	v21 =	vunpack.c.0.s8.s32 v21;
	s2 =	sadd.s32 s12, s2;
	s18 =	sadd.s32 s14, s3;
	s12 =	simm.s32 $0x20;
	v53 =	vcombine.low v12, v11;
	v16 =	vunpack.c.0.s8.s32 v4  }
0x11: {  	s14 =	simm.s32 $0x6;
	s3 =	simm.s32 $0x0;
	s5 =	sadd.s32 s5, s4;
	v54 =	vcombine.low v14, v13;
	v0 =	vand.u32 $0xF, v52;
	v17 =	vunpack.c.0.s8.s32 v8  }
0x12: {  	s4 =	sadd.s32 s11, s4;
	s11 =	sor.u32 s17, s15;
	[dreg:$0x6] =	wrdreg s2;
	[tilespmem:$0x1FF20] =	vst v0;
	v0 =	vand.u32 $0xF, v53;
	v56 =	vcombine.low v16, v15;
	v8 =	vunpack.c.l.s4.s8 v58  }
0x13: {  	v23 =	vunpack.c.0.s8.s32 v6;
	s15 =	sshrl.u32 s13, $0x1;
	s17 =	sshll.u32 s17, $0x6;
	[dreg:$0x8] =	wrdreg s18;
	[tilespmem:$0x1FF30] =	vst v0;
	v0 =	vand.u32 $0xF, v54;
	v60 =	vcombine.low v18, v17  }
0x14: {  	s18 =	simm.s32 $0x5;
	s16 =	smul.u32 $0x138, s11;
	s15 =	ssub.s32 s13, s15;
	[tilespmem:$0x1FF40] =	vst v0;
	v0 =	vand.u32 $0xF, v56;
	v24 =	vunpack.c.0.s8.s32 v8;
	v8 =	vunpack.c.0.s8.s32 v59  }
0x15: {  	v20 =	vunpack.c.0.s8.s32 v20;
	v21 =	vand.u32 $0xF, v21;
	s11 =	smin.u32 s11, $0x10;
	s25 =	sor.u32 $0x1C07, s17;
	s28 =	sadd.s32 $0x7B200, s5;
	[tilespmem:$0x1FF50] =	vst v0;
	v0 =	vand.u32 $0xF, v60  }
0x16: {  	s29 =	sadd.s32 $0x71200, s4;
	s4 =	simm.s32 $0x7;
	[dreg:$0xf] =	wrdreg s28;
	v61 =	vcombine.low v24, v23;
	[tilespmem:$0x1FF60] =	vst v0;
	v0 =	vcombine.low v21, v8  }
0x17: {  	v25 =	vcombine.low v20, v19;
	s17 =	simm.s32 $0x1A400;
	[dreg:$0x10] =	wrdreg s29;
	s13 =	sadd.s32 s11, s16  }
0x18: {  	v62 =	vcombine.low v9, v10;
	s30 =	smax.u32 s15, $0x1;
	[dreg:$0x7] =	wrdreg s25;
	s11 =	sshll.u32 s13, $0x2;
	[tilespmem:$0x1FF70] =	vst v0;
	v0 =	vand.u32 $0xF, v61  }
0x19: {  	v12 =	vcombine.low v11, v12;
	s15 =	simm.s32 $0x16400;
	[dreg:$0x11] =	wrdreg s30;
	s19 =	sadd.s32 s8, s11;
	[tilespmem:$0x1FF80] =	vst v0;
	v0 =	vand.u32 $0xF, v25  }
0x1a: {  	s16 =	simm.s32 $0x18400;
	v13 =	vcombine.low v13, v14;
	s20 =	sadd.s32 s9, s11;
	[dreg:$0x9] =	wrdreg s19;
	[tilespmem:$0x1FF90] =	vst v0;
	v0 =	vand.u32 $0xF, v62  }
0x1b: {  	s21 =	sadd.s32 $0x4, s11;
	s22 =	sadd.s32 s10, s11;
	v63 =	vcombine.low v15, v16;
	[dreg:$0xa] =	wrdreg s20;
	[tilespmem:$0x1FFA0] =	vst v0;
	v0 =	vand.u32 $0xF, v12  }
.Ltmp0:
0x1c: {  	[dreg:$0xb] =	wrdreg s22;
	s23 =	sadd.s32 s8, s21;
	v15 =	vcombine.low v17, v18;
	[tilespmem:$0x1FFB0] =	vst v0;
	v0 =	vand.u32 $0xF, v13;
	(pc) =	sbr.rel .LBB2_1-.Ltmp0, $4  }
0x1d: {  	s24 =	sadd.s32 s9, s21;
	s26 =	sadd.s32 s10, s21;
	[dreg:$0xc] =	wrdreg s23;
	v16 =	vcombine.low v23, v24;
	[tilespmem:$0x1FFC0] =	vst v0;
	v0 =	vand.u32 $0xF, v63  }
0x1e: {  	s22 =	sxor.u32 $0x139, s0;
	s19 =	simm.s32 $0x2;
	[dreg:$0xd] =	wrdreg s24;
	v17 =	vcombine.low v19, v20;
	[tilespmem:$0x1FFD0] =	vst v0;
	v0 =	vand.u32 $0xF, v15  }
0x1f: {  	s20 =	simm.s32 $0x17400;
	s21 =	simm.s32 $0x1EB00;
	[dreg:$0xe] =	wrdreg s26;
	[tilespmem:$0x1FFE0] =	vst v0;
	v0 =	vand.u32 $0xF, v16  }
0x20: {  	v1 =	vimm.f32 $0.0e+00;
	s23 =	ssub.s32 $0x138, s0;
	s0 =	simm.s32 $0x1B400;
	s24 =	simm.s32 $0x19400;
	v17 =	vand.u32 $0xF, v17;
	[tilespmem:$0x1FFF0] =	vst v0  }
.LBB2_27:
0x21: {  	[bflag:$0x0] =	sbarrier.arrive $0xFFFF  }
0x22: {  	s25 =	rddreg [dreg:$0x7]  }
0x23: {  	s2 =	rddreg [dreg:$0xf]  }
0x24: {  	s4 =	simm.s32 $0x7;
	s3 =	rddreg [dreg:$0x13]  }
0x25: {  	[hbm:s2], [sflag:s25] =	dma.local [spmem:s3], $0x2780  }
0x26: {  	_ =	swait.ge [sflag:s4], $0x2780  }
0x27: {  	[sflag:s4] =	ssyncset.done $0x0;
	s26 =	rddreg [dreg:$0x10]  }
0x28: {  	s28 =	rddreg [dreg:$0x14];
	[sflag:s4] =	ssyncadd.s32 $0xFFFFD880  }
0x29: {  	[hbm:s26], [sflag:s25] =	dma.local [spmem:s28], $0x500  }
0x2a: {  	_ =	swait.ge [sflag:s4], $0x500  }
0x2b: {  	s29 =	rddreg [dreg:$0x12]  }
0x2c: {  	s30 =	rddreg [dreg:$0x11];
	s3 =	sadd.s32 $0x1, s29  }
0x2d: {  	p0 =	sne.s32 s3, s30  }
.Ltmp1:
0x2e: {  	_ = 	snop;
	(pc) =	sbr.rel @!p0 .LBB2_28-.Ltmp1, $3  }
0x2f: {  	_ =	sdelay $0x1  }
0x30: {  	[sflag:s4] =	ssyncset.done $0x0  }
0x31: {  	[sflag:s4] =	ssyncadd.s32 $0xFFFFFB00  }
.LBB2_1:
0x32: {  	[dreg:$0x12] =	wrdreg s3  }
0x33: {  	s2 =	rddreg [dreg:$0x6]  }
0x34: {  	s28 =	rddreg [dreg:$0x5];
	s2 =	sshrl.u32 s2, $0x3  }
0x35: {  	[dreg:$0x13] =	wrdreg s2  }
0x36: {  	[spmem:s2], [sflag:s25] =	dma.local [hbm:s28], $0x2780  }
0x37: {  	_ =	swait.ge [sflag:s4], $0x2780  }
0x38: {  	s29 =	rddreg [dreg:$0x8]  }
0x39: {  	[sflag:s4] =	ssyncset.done $0x0;
	s2 =	sshrl.u32 s29, $0x3  }
0x3a: {  	[sflag:s4] =	ssyncadd.s32 $0xFFFFD880;
	[dreg:$0x14] =	wrdreg s2  }
0x3b: {  	[spmem:s2], [sflag:s25] =	dma.local [hbm:s28], $0x500  }
0x3c: {  	_ =	swait.ge [sflag:s4], $0x500  }
0x3d: {  	[sflag:s4] =	ssyncset.done $0x0  }
0x3e: {  	s5 =	simm.s32 $0x1C400;
	s2 =	simm.s32 $0x0;
	[sflag:s4] =	ssyncadd.s32 $0xFFFFFB00  }
0x3f: {  	[tilespmem:s5], [sflag:$0x7] =	stream.linear.gather [hbm4b:s28+s2], $0x1000, $0x38;
	[tilespmem:$0x1F300] =	vst v63  }
0x40: {  	_ =	swait.ge [sflag:s4], $0x1000  }
0x41: {  	[sflag:s4] =	ssyncset.done $0x0  }
0x42: {  	s30 =	simm.s32 $0x1D400;
	[sflag:s4] =	ssyncadd.s32 $0xFFFFF000  }
0x43: {  	[tilespmem:s30], [sflag:$0x7] =	stream.linear.gather [hbm4b:s28+s2], $0x1000, $0x38;
	[tilespmem:$0x1F300] =	vst v63  }
0x44: {  	_ =	swait.ge [sflag:s4], $0x1000  }
0x45: {  	[sflag:s4] =	ssyncset.done $0x0  }
0x46: {  	[sflag:s4] =	ssyncadd.s32 $0xFFFFF000  }
0x47: {  	[tilespmem:$0x1EB00] =	vst v1  }
0x48: {  	[tilespmem:$0x1EB80] =	vst v1  }
0x49: {  	[tilespmem:$0x1EC00] =	vst v1  }
0x4a: {  	[tilespmem:$0x1EC80] =	vst v1  }
0x4b: {  	[tilespmem:$0x1ED00] =	vst v1  }
0x4c: {  	[tilespmem:$0x1ED80] =	vst v1  }
0x4d: {  	[tilespmem:$0x1EE00] =	vst v1  }
0x4e: {  	[tilespmem:$0x1EE80] =	vst v1  }
0x4f: {  	[tilespmem:$0x1EF00] =	vst v1  }
0x50: {  	[tilespmem:$0x1EF80] =	vst v1  }
0x51: {  	[tilespmem:$0x1F000] =	vst v1  }
0x52: {  	[tilespmem:$0x1F080] =	vst v1  }
0x53: {  	[tilespmem:$0x1F100] =	vst v1  }
0x54: {  	[tilespmem:$0x1F180] =	vst v1  }
0x55: {  	[tilespmem:$0x1F200] =	vst v1  }
0x56: {  	[tilespmem:$0x1F280] =	vst v1  }
0x57: {  	[bflag:$0x0] =	sbarrier.arrive $0xFFFF  }
0x58: {  	s25 =	simm.s32 $0x1E400;
	s11 =	rddreg [dreg:$0x9]  }
0x59: {  	[tilespmem:s25], [sflag:$0x3] =	stream.linear.gather [hbm4b:s11+s2], $0x20, $0x38;
	[tilespmem:$0x1F300] =	vst v63  }
0x5a: {  	s28 =	simm.s32 $0x1E500;
	s26 =	rddreg [dreg:$0xa]  }
0x5b: {  	[tilespmem:s28], [sflag:$0x3] =	stream.linear.gather [hbm4b:s26+s2], $0x20, $0x38;
	[tilespmem:$0x1F300] =	vst v63  }
0x5c: {  	s30 =	simm.s32 $0x3;
	s29 =	rddreg [dreg:$0xb];
	s11 =	simm.s32 $0x1EA00  }
0x5d: {  	[tilespmem:s11], [sflag:$0x3] =	stream.linear.gather [hbm4b:s29+s2], $0x20, $0x38;
	[tilespmem:$0x1F300] =	vst v63  }
0x5e: {  	_ =	swait.ge [sflag:s30], $0x20  }
0x5f: {  	[sflag:s30] =	ssyncset.done $0x0  }
0x60: {  	[sflag:s30] =	ssyncadd.s32 $0xFFFFFFE0  }
0x61: {  	_ =	swait.ge [sflag:s30], $0x20  }
0x62: {  	[sflag:s30] =	ssyncset.done $0x0  }
0x63: {  	[sflag:s30] =	ssyncadd.s32 $0xFFFFFFE0  }
0x64: {  	_ =	swait.ge [sflag:s30], $0x20  }
0x65: {  	[sflag:s30] =	ssyncset.done $0x0  }
0x66: {  	[sflag:s30] =	ssyncadd.s32 $0xFFFFFFE0  }
0x67: {  	[tilespmem:s15], [sflag:$0x1] =	stream.indirect.gather [hbm4b:s1+s12], $0x80, s25, s12, $0xb8;
	[tilespmem:$0x1F300] =	vst v63  }
0x68: {  	_ = 	snop  }
0x69: {  	[tilespmem:s16], [sflag:$0x1] =	stream.indirect.gather [hbm4b:s6+s12], $0x80, s25, s12, $0xb8;
	[tilespmem:$0x1F300] =	vst v63  }
0x6a: {  	_ = 	snop  }
0x6b: {  	[tilespmem:s17], [sflag:$0x1] =	stream.indirect.gather [hbm4b:s7+s12], $0x80, s28, s12, $0xb8;
	[tilespmem:$0x1F300] =	vst v63  }
0x6c: {  	s11 =	rddreg [dreg:$0xc];
	s25 =	simm.s32 $0x1E480  }
0x6d: {  	[tilespmem:s25], [sflag:$0x4] =	stream.linear.gather [hbm4b:s11+s2], $0x20, $0x38;
	[tilespmem:$0x1F300] =	vst v63  }
.Ltmp2:
0x6e: {  	_ = 	snop;
	(pc) =	sbr.rel .LBB2_2-.Ltmp2, $4  }
0x6f: {  	s26 =	rddreg [dreg:$0xd];
	s28 =	simm.s32 $0x1E580  }
0x70: {  	[tilespmem:s28], [sflag:$0x4] =	stream.linear.gather [hbm4b:s26+s2], $0x20, $0x38;
	[tilespmem:$0x1F300] =	vst v63  }
0x71: {  	s5 =	simm.s32 $0x0;
	s29 =	rddreg [dreg:$0xe];
	s30 =	simm.s32 $0x1EA80  }
0x72: {  	[tilespmem:s30], [sflag:$0x4] =	stream.linear.gather [hbm4b:s29+s2], $0x20, $0x38;
	[tilespmem:$0x1F300] =	vst v63  }
.LBB2_26:
0x73: {  	s2 =	sadd.s32 $0x3, s25  }
0x74: {  	p0 =	sgt.u32 s2, s23  }
0x75: {  	s2 =	sadd.s32 @!p0 s13, s2  }
0x76: {  	s2 =	sshll.u32 @!p0 s2, $0x2  }
0x77: {  	s2 =	sand.u32 @!p0 $0x1FFFFFFC, s2  }
0x78: {  	s4 =	simm.s32 @!p0 $0x0;
	s11 =	simm.s32 @!p0 $0x1E480;
	s3 =	sadd.s32 @!p0 s8, s2  }
0x79: {  	[tilespmem:s11], [sflag:$0x4] =	stream.linear.gather @!p0 [hbm4b:s3+s4], $0x20, $0x38;
	[tilespmem:$0x1F300] =	vst v63  }
0x7a: {  	s3 =	sadd.s32 @!p0 s9, s2;
	s11 =	simm.s32 @!p0 $0x1E580  }
0x7b: {  	[tilespmem:s11], [sflag:$0x4] =	stream.linear.gather @!p0 [hbm4b:s3+s4], $0x20, $0x38;
	[tilespmem:$0x1F300] =	vst v63  }
0x7c: {  	s5 =	sadd.s32 $0x1, s5;
	s2 =	sadd.s32 @!p0 s10, s2;
	s3 =	simm.s32 @!p0 $0x1EA80  }
0x7d: {  	[tilespmem:s3], [sflag:$0x4] =	stream.linear.gather @!p0 [hbm4b:s2+s4], $0x20, $0x38;
	[tilespmem:$0x1F300] =	vst v63  }
0x7e: {  	p0 =	sne.s32 s5, $0x9D  }
.Ltmp3:
0x7f: {  	_ = 	snop;
	(pc) =	sbr.rel @!p0 .LBB2_27-.Ltmp3, $1  }
0x80: {  	_ =	sdelay $0x3  }
.LBB2_2:
0x81: {  	p0 =	seq.s32 s5, $0x0  }
.Ltmp4:
0x82: {  	_ = 	snop;
	(pc) =	sbr.rel @p0 .LBB2_6-.Ltmp4, $1  }
0x83: {  	_ =	sdelay $0x3  }
0x84: {  	_ =	swait.ge [sflag:s14], $0x1000  }
0x85: {  	[sflag:s14] =	ssyncset.done $0x0  }
0x86: {  	[sflag:s14] =	ssyncadd.s32 $0xFFFFF000  }
0x87: {  	_ =	swait.ge [sflag:s14], $0x1000  }
0x88: {  	[sflag:s14] =	ssyncset.done $0x0  }
0x89: {  	s4 =	simm.s32 $0x0;
	[sflag:s14] =	ssyncadd.s32 $0xFFFFF000  }
0x8a: {  	v18 =	vld [tilespmem:s4+$0x1E980];
	_ =	sdelay $0x4  }
0x8b: {  	(v2sf) =	vpush v18, $0x0;
	_ =	sdelay $0xe  }
0x8c: {  	s30 =	spop (v2sf)  }
0x8d: {  	s11 =	sshll.u32 s30, $0x6;
	s4 =	sand.u32 $0x7, s30  }
0x8e: {  	s11 =	sand.u32 $0xFFFFFE00, s11;
	s4 =	sshll.u32 s4, $0x6  }
0x8f: {  	s4 =	sor.u32 s4, s11  }
0x90: {  	s4 =	sshra.s32 s4, $0x2  }
0x91: {  	s26 =	sadd.s32 $0x1D400, s4  }
0x92: {  	s25 =	simm.s32 $0x1;
	s11 =	simm.s32 $0x8;
	s4 =	simm.s32 $0x1D400;
	[tilespmem:s26+$0x0] =	vst v1  }
.LBB2_4:
0x93: {  	p0 =	sne.s32 s11, $0x7C;
	v18 =	vld [tilespmem:s25+$0x1E980];
	_ =	sdelay $0x4  }
0x94: {  	(v2sf) =	vpush v18, $0x0;
	_ =	sdelay $0xe  }
0x95: {  	s25 =	spop (v2sf)  }
0x96: {  	s26 =	sshll.u32 s25, $0x6;
	s25 =	sand.u32 $0x7, s25  }
.Ltmp5:
0x97: {  	s26 =	sand.u32 $0xFFFFFE00, s26;
	s25 =	sshll.u32 s25, $0x6;
	(pc) =	sbr.rel @p0 .LBB2_4-.Ltmp5, $4  }
0x98: {  	s25 =	sor.u32 s25, s26  }
0x99: {  	s4 =	sadd.s32 $0x80, s4;
	s25 =	sshra.s32 s25, $0x2  }
0x9a: {  	s26 =	sadd.s32 s25, s4  }
0x9b: {  	s25 =	sshra.s32 s11, $0x2;
	s11 =	sadd.s32 $0x4, s11;
	[tilespmem:s26+$0x0] =	vst v1  }
0x9c: {  	v18 =	vld [tilespmem:s25+$0x1E980];
	_ =	sdelay $0x4  }
0x9d: {  	(v2sf) =	vpush v18, $0x0;
	_ =	sdelay $0xe  }
0x9e: {  	s11 =	spop (v2sf)  }
0x9f: {  	s30 =	sshll.u32 s11, $0x6;
	s11 =	sand.u32 $0x7, s11  }
0xa0: {  	s25 =	sand.u32 $0xFFFFFE00, s30;
	s11 =	sshll.u32 s11, $0x6  }
0xa1: {  	s11 =	sor.u32 s11, s25  }
0xa2: {  	s4 =	sadd.s32 $0x80, s4;
	s11 =	sshra.s32 s11, $0x2  }
0xa3: {  	s4 =	sadd.s32 s11, s4  }
0xa4: {  	[tilespmem:s4+$0x0] =	vst v1  }
.LBB2_6:
0xa5: {  	s25 =	sshll.u32 s5, $0x1  }
0xa6: {  	p0 =	sge.u32 s25, s23  }
0xa7: {  	s4 =	simm.s32 @!p0 $0x4  }
0xa8: {  	_ =	swait.ge @!p0 [sflag:s4], $0x20  }
0xa9: {  	[sflag:s4] =	ssyncset.done @!p0 $0x0  }
0xaa: {  	[sflag:s4] =	ssyncadd.s32 @!p0 $0xFFFFFFE0  }
0xab: {  	_ =	swait.ge @!p0 [sflag:s4], $0x20  }
0xac: {  	[sflag:s4] =	ssyncset.done @!p0 $0x0  }
0xad: {  	[sflag:s4] =	ssyncadd.s32 @!p0 $0xFFFFFFE0  }
0xae: {  	_ =	swait.ge @!p0 [sflag:s4], $0x20  }
0xaf: {  	p1 =	sgt.u32 s25, s23;
	s11 =	simm.s32 @!p0 $0x1E480;
	[sflag:s4] =	ssyncset.done @!p0 $0x0  }
0xb0: {  	s26 =	simm.s32 @!p0 $0x17400;
	[sflag:s4] =	ssyncadd.s32 @!p0 $0xFFFFFFE0;
	s4 =	simm.s32 @!p0 $0x20  }
0xb1: {  	[tilespmem:s26], [sflag:$0x2] =	stream.indirect.gather @!p0 [hbm4b:s1+s4], $0x80, s11, s4, $0xb8;
	[tilespmem:$0x1F300] =	vst v63  }
.Ltmp6:
0xb2: {  	_ = 	snop;
	(pc) =	sbr.rel @p1 .LBB2_14-.Ltmp6, $4  }
0xb3: {  	s26 =	simm.s32 @!p0 $0x19400  }
0xb4: {  	[tilespmem:s26], [sflag:$0x2] =	stream.indirect.gather @!p0 [hbm4b:s6+s4], $0x80, s11, s4, $0xb8;
	[tilespmem:$0x1F300] =	vst v63  }
0xb5: {  	s11 =	simm.s32 @!p0 $0x1E580;
	s26 =	simm.s32 @!p0 $0x1B400  }
0xb6: {  	[tilespmem:s26], [sflag:$0x2] =	stream.indirect.gather @!p0 [hbm4b:s7+s4], $0x80, s11, s4, $0xb8;
	[tilespmem:$0x1F300] =	vst v63  }
0xb7: {  	_ =	swait.ge [sflag:s31], $0x1000  }
0xb8: {  	[sflag:s31] =	ssyncset.done $0x0  }
0xb9: {  	[sflag:s31] =	ssyncadd.s32 $0xFFFFF000  }
0xba: {  	_ =	swait.ge [sflag:s31], $0x1000  }
0xbb: {  	[sflag:s31] =	ssyncset.done $0x0  }
0xbc: {  	[sflag:s31] =	ssyncadd.s32 $0xFFFFF000  }
0xbd: {  	_ =	swait.ge [sflag:s31], $0x1000  }
0xbe: {  	[sflag:s31] =	ssyncset.done $0x0  }
0xbf: {  	[sflag:s31] =	ssyncadd.s32 $0xFFFFF000  }
0xc0: {  	v18 =	vld [tilespmem:$0x1E500]  }
0xc1: {  	v19 =	vld [tilespmem:$0x1E510];
	_ =	sdelay $0x3  }
0xc2: {  	[tilespmem:$0x1E600] =	vst v18  }
0xc3: {  	v20 =	vshrl.u32 v18, $0x3;
	[tilespmem:$0x1E610] =	vst v19  }
0xc4: {  	v63 =	vand.u32 $0x7, v18;
	[tilespmem:$0x1E700] =	vst v20  }
0xc5: {  	v18 =	vshrl.u32 v19, $0x3;
	[tilespmem:$0x1E900] =	vst v63  }
0xc6: {  	[tilespmem:$0x1E710] =	vst v18;
	v18 =	vand.u32 $0x7, v19  }
0xc7: {  	s26 =	simm.s32 $0x0;
	p2 =	por $0x1, $0x1;
	s4 =	simm.s32 $0x0;
	[tilespmem:$0x1E910] =	vst v18  }
.LBB2_8:
0xc8: {  	v0 =	vld [tilespmem:$0x1FFF0];
	_ =	sdelay $0x1  }
0xc9: {  	v18 =	vmov s4  }
0xca: {  	v18 =	vshll.u32 v18, $0x7  }
0xcb: {  	v35 =	vor.u32 v2, v18  }
0xcc: {  	v20 =	vor.u32 v0, v35;
	v0 =	vld [tilespmem:$0x1FFE0];
	_ =	sdelay $0x4  }
0xcd: {  	v21 =	vor.u32 v0, v35;
	v0 =	vld [tilespmem:$0x1FFD0];
	_ =	sdelay $0x4  }
0xce: {  	v22 =	vor.u32 v0, v35;
	v0 =	vlaneseq.u32  }
0xcf: {  	v23 =	vor.u32 v0, v35;
	v0 =	vld [tilespmem:$0x1FFC0];
	_ =	sdelay $0x4  }
0xd0: {  	v25 =	vor.u32 v0, v35;
	v0 =	vld [tilespmem:$0x1FFB0];
	_ =	sdelay $0x2  }
0xd1: {  	v19 =	vor.u32 v17, v35  }
0xd2: {  	v18 =	vor.u32 s26, v19  }
0xd3: {  	v26 =	vor.u32 v0, v35;
	v0 =	vld [tilespmem:$0x1FFA0]  }
0xd4: {  	v4 =	vld [tilespmem:$0x1FF30]  }
0xd5: {  	v7 =	vld [tilespmem:$0x1FF20];
	v24 =	vor.u32 s26, v20  }
0xd6: {  	v8 =	vld [tilespmem:$0x1FF40]  }
0xd7: {  	v36 =	vld.idx.msk [tilespmem:v18+s17+$0x0], $0xffff;
	v37 =	vor.u32 s26, v21  }
0xd8: {  	v27 =	vor.u32 v0, v35;
	v0 =	vld [tilespmem:$0x1FF70]  }
0xd9: {  	v39 =	vld.idx.msk [tilespmem:v18+s15+$0x0], $0xffff  }
0xda: {  	v41 =	vld.idx.msk [tilespmem:v24+s15+$0x0], $0xffff;
	v38 =	vor.u32 s26, v22  }
0xdb: {  	v57 =	vld.idx.msk [tilespmem:v24+s17+$0x0], $0xffff  }
0xdc: {  	v42 =	vld.idx.msk [tilespmem:v37+s15+$0x0], $0xffff;
	v40 =	vor.u32 s26, v23  }
0xdd: {  	v28 =	vor.u32 v0, v35;
	v0 =	vld [tilespmem:$0x1FF90]  }
0xde: {  	v33 =	vor.u32 v4, v35;
	v44 =	vld.idx.msk [tilespmem:v37+s17+$0x0], $0xffff  }
0xdf: {  	v5 =	vor.u32 s26, v33;
	v45 =	vld.idx.msk [tilespmem:v38+s15+$0x0], $0xffff  }
0xe0: {  	v47 =	vld.idx.msk [tilespmem:v38+s17+$0x0], $0xffff;
	v43 =	vor.u32 s26, v25  }
0xe1: {  	v48 =	vld.idx.msk [tilespmem:v40+s15+$0x0], $0xffff  }
0xe2: {  	v29 =	vor.u32 v0, v35;
	v0 =	vld [tilespmem:$0x1FF50]  }
0xe3: {  	v49 =	vld.idx.msk [tilespmem:v40+s17+$0x0], $0xffff  }
0xe4: {  	v13 =	vld.idx.msk [tilespmem:v5+s17+$0x0], $0xffff;
	v46 =	vor.u32 s26, v26  }
0xe5: {  	v51 =	vld.idx.msk [tilespmem:v43+s15+$0x0], $0xffff  }
0xe6: {  	v53 =	vld.idx.msk [tilespmem:v43+s17+$0x0], $0xffff;
	v50 =	vor.u32 s26, v27  }
0xe7: {  	v42 =	vmul.f32 v44, v42;
	v30 =	vor.u32 v0, v35;
	v0 =	vld [tilespmem:$0x1FF60]  }
0xe8: {  	v44 =	vmul.f32 v47, v45;
	v47 =	vmul.f32 v49, v48;
	v49 =	vld.idx.msk [tilespmem:v5+s15+$0x0], $0xffff  }
0xe9: {  	v54 =	vld.idx.msk [tilespmem:v46+s15+$0x0], $0xffff;
	v52 =	vor.u32 s26, v28  }
0xea: {  	v55 =	vld.idx.msk [tilespmem:v46+s17+$0x0], $0xffff  }
0xeb: {  	v59 =	vld.idx.msk [tilespmem:v50+s15+$0x0], $0xffff;
	v56 =	vor.u32 s26, v29  }
0xec: {  	v31 =	vor.u32 v0, v35;
	v0 =	vld [tilespmem:$0x1FF80]  }
0xed: {  	v62 =	vld.idx.msk [tilespmem:v50+s17+$0x0], $0xffff;
	v58 =	vor.u32 s26, v30  }
0xee: {  	v61 =	vld.idx.msk [tilespmem:v52+s17+$0x0], $0xffff  }
0xef: {  	v63 =	vld.idx.msk [tilespmem:v52+s15+$0x0], $0xffff;
	v60 =	vor.u32 s26, v31  }
0xf0: {  	v34 =	vor.u32 v7, v35;
	v3 =	vld.idx.msk [tilespmem:v56+s17+$0x0], $0xffff  }
0xf1: {  	v7 =	vld.idx.msk [tilespmem:v56+s15+$0x0], $0xffff;
	v32 =	vor.u32 v0, v35;
	v35 =	vor.u32 v8, v35;
	v8 =	vor.u32 s26, v34  }
0xf2: {  	v4 =	vld.idx.msk [tilespmem:v58+s17+$0x0], $0xffff  }
0xf3: {  	v12 =	vld.idx.msk [tilespmem:v58+s15+$0x0], $0xffff;
	v0 =	vor.u32 s26, v32  }
0xf4: {  	v6 =	vld.idx.msk [tilespmem:v60+s17+$0x0], $0xffff  }
0xf5: {  	v9 =	vld.idx.msk [tilespmem:v60+s15+$0x0], $0xffff;
	v10 =	vor.u32 s26, v35  }
0xf6: {  	v15 =	vld.idx.msk [tilespmem:v8+s17+$0x0], $0xffff  }
0xf7: {  	v48 =	vmul.f32 v53, v51;
	v53 =	vld.idx.msk [tilespmem:v8+s15+$0x0], $0xffff  }
0xf8: {  	v11 =	vld.idx.msk [tilespmem:v0+s17+$0x0], $0xffff  }
0xf9: {  	v14 =	vld.idx.msk [tilespmem:v0+s15+$0x0], $0xffff  }
0xfa: {  	v16 =	vld.idx.msk [tilespmem:v10+s17+$0x0], $0xffff  }
0xfb: {  	v41 =	vmul.f32 v57, v41;
	v57 =	vmul.f32 v13, v49;
	v45 =	vld.idx.msk [tilespmem:v10+s15+$0x0], $0xffff  }
0xfc: {  	v51 =	vmul.f32 v55, v54;
	v55 =	vmul.f32 v36, v39  }
0xfd: {  	v42 =	vadd.f32 v42, v44;
	v62 =	vmul.f32 v62, v59;
	v63 =	vmul.f32 v61, v63  }
0xfe: {  	v44 =	vadd.f32 v48, v51;
	v3 =	vmul.f32 v3, v7;
	v4 =	vmul.f32 v4, v12  }
0xff: {  	v61 =	vadd.f32 v55, v41;
	v6 =	vmul.f32 v6, v9;
	v59 =	vmul.f32 v15, v53  }
0x100: {  	v51 =	vadd.f32 v62, v63;
	v48 =	vmul.f32 v11, v14;
	v54 =	vmul.f32 v16, v45  }
0x101: {  	v4 =	vadd.f32 v6, v4;
	v62 =	vadd.f32 v59, v47  }
0x102: {  	v3 =	vadd.f32 v3, v48;
	v6 =	vadd.f32 v54, v57  }
0x103: {  	v63 =	vadd.f32 v61, v42;
	v7 =	vadd.f32 v44, v51  }
0x104: {  	v3 =	vadd.f32 v3, v4;
	v6 =	vadd.f32 v6, v62  }
0x105: {  	v36 =	vld [tilespmem:s4+$0x1EA00]  }
0x106: {  	v4 =	vadd.f32 v63, v7;
	v3 =	vadd.f32 v3, v6;
	_ =	sdelay $0x1  }
0x107: {  	v3 =	vadd.f32 v4, v3;
	_ =	sdelay $0x1  }
0x108: {  	v3 =	vmul.f32 v3, v36;
	_ =	sdelay $0x1  }
0x109: {  	v3 =	vmax.f32 v3, $-5.000000000e+00  }
0x10a: {  	v3 =	vmin.f32 v3, $5.000000000e+00  }
0x10b: {  	v3 =	vmul.f32 $1.442695020e+00, v3;
	_ =	sdelay $0x1  }
0x10c: {  	(erf) = vpow2.f32 v3  }
0x10d: {  	v3 =	vmov s26  }
0x10e: {  	v3 =	vand.u32 $0x7F, v3  }
0x10f: {  	v3 =	vbroadcast v3, $0x0;
	_ =	sdelay $0x1  }
0x110: {  	v3 =	vor.u32 v2, v3;
	_ =	sdelay $0x3  }
0x111: {  	v41 =	vpop (erf)  }
0x112: {  	[tilespmem:v3+s21+$0x0] =	vst.idx.msk $0xffff, v41  }
0x113: {  	v3 =	vld.idx.msk [tilespmem:v40+s16+$0x0], $0xffff;
	_ =	sdelay $0x4  }
0x114: {  	v3 =	vmul.f32 v41, v3;
	_ =	sdelay $0x1  }
0x115: {  	[tilespmem:v40+s16+$0x0] =	vst.idx.msk $0xffff, v3  }
0x116: {  	v3 =	vld.idx.msk [tilespmem:v8+s16+$0x0], $0xffff;
	_ =	sdelay $0x4  }
0x117: {  	v3 =	vmul.f32 v41, v3;
	_ =	sdelay $0x1  }
0x118: {  	[tilespmem:v8+s16+$0x0] =	vst.idx.msk $0xffff, v3  }
0x119: {  	v3 =	vld.idx.msk [tilespmem:v5+s16+$0x0], $0xffff;
	_ =	sdelay $0x4  }
0x11a: {  	v3 =	vmul.f32 v41, v3;
	_ =	sdelay $0x1  }
0x11b: {  	[tilespmem:v5+s16+$0x0] =	vst.idx.msk $0xffff, v3  }
0x11c: {  	v3 =	vld.idx.msk [tilespmem:v10+s16+$0x0], $0xffff;
	_ =	sdelay $0x4  }
0x11d: {  	v3 =	vmul.f32 v41, v3;
	_ =	sdelay $0x1  }
0x11e: {  	[tilespmem:v10+s16+$0x0] =	vst.idx.msk $0xffff, v3  }
0x11f: {  	v3 =	vld.idx.msk [tilespmem:v58+s16+$0x0], $0xffff;
	_ =	sdelay $0x4  }
0x120: {  	v3 =	vmul.f32 v41, v3;
	_ =	sdelay $0x1  }
0x121: {  	[tilespmem:v58+s16+$0x0] =	vst.idx.msk $0xffff, v3  }
0x122: {  	v3 =	vld.idx.msk [tilespmem:v60+s16+$0x0], $0xffff;
	_ =	sdelay $0x4  }
0x123: {  	v3 =	vmul.f32 v3, v41;
	_ =	sdelay $0x1  }
0x124: {  	[tilespmem:v60+s16+$0x0] =	vst.idx.msk $0xffff, v3  }
0x125: {  	v3 =	vld.idx.msk [tilespmem:v0+s16+$0x0], $0xffff;
	_ =	sdelay $0x4  }
0x126: {  	v3 =	vmul.f32 v3, v41;
	_ =	sdelay $0x1  }
0x127: {  	[tilespmem:v0+s16+$0x0] =	vst.idx.msk $0xffff, v3  }
0x128: {  	v0 =	vld.idx.msk [tilespmem:v56+s16+$0x0], $0xffff;
	_ =	sdelay $0x4  }
0x129: {  	v0 =	vmul.f32 v0, v41;
	_ =	sdelay $0x1  }
0x12a: {  	[tilespmem:v56+s16+$0x0] =	vst.idx.msk $0xffff, v0  }
0x12b: {  	v0 =	vld.idx.msk [tilespmem:v52+s16+$0x0], $0xffff;
	_ =	sdelay $0x4  }
0x12c: {  	v0 =	vmul.f32 v0, v41;
	_ =	sdelay $0x1  }
0x12d: {  	[tilespmem:v52+s16+$0x0] =	vst.idx.msk $0xffff, v0  }
0x12e: {  	v0 =	vld.idx.msk [tilespmem:v50+s16+$0x0], $0xffff;
	_ =	sdelay $0x4  }
0x12f: {  	v0 =	vmul.f32 v0, v41;
	_ =	sdelay $0x1  }
0x130: {  	[tilespmem:v50+s16+$0x0] =	vst.idx.msk $0xffff, v0  }
0x131: {  	v0 =	vld.idx.msk [tilespmem:v46+s16+$0x0], $0xffff;
	_ =	sdelay $0x4  }
0x132: {  	v0 =	vmul.f32 v0, v41;
	_ =	sdelay $0x1  }
0x133: {  	[tilespmem:v46+s16+$0x0] =	vst.idx.msk $0xffff, v0  }
0x134: {  	v0 =	vld.idx.msk [tilespmem:v43+s16+$0x0], $0xffff;
	_ =	sdelay $0x4  }
0x135: {  	v0 =	vmul.f32 v0, v41;
	_ =	sdelay $0x1  }
0x136: {  	[tilespmem:v43+s16+$0x0] =	vst.idx.msk $0xffff, v0  }
0x137: {  	v0 =	vld.idx.msk [tilespmem:v38+s16+$0x0], $0xffff;
	_ =	sdelay $0x4  }
0x138: {  	v0 =	vmul.f32 v0, v41;
	_ =	sdelay $0x1  }
0x139: {  	[tilespmem:v38+s16+$0x0] =	vst.idx.msk $0xffff, v0  }
0x13a: {  	v0 =	vld.idx.msk [tilespmem:v37+s16+$0x0], $0xffff;
	_ =	sdelay $0x4  }
0x13b: {  	v0 =	vmul.f32 v0, v41;
	_ =	sdelay $0x1  }
0x13c: {  	[tilespmem:v37+s16+$0x0] =	vst.idx.msk $0xffff, v0  }
0x13d: {  	p1 =	por p2, p2;
	s11 =	simm.s32 $0x1;
	s29 =	simm.s32 $0x0;
	v37 =	vld.idx.msk [tilespmem:v24+s16+$0x0], $0xffff  }
.LBB2_9:
0x13e: {  	p2 =	sne.s32 s11, $0x7  }
0x13f: {  	s29 =	sadd.s32 $0x10, s29;
	s30 =	smov.u32 s11;
	s11 =	sadd.s32 $0x1, s11  }
0x140: {  	_ =	sdelay $0x3  }
0x141: {  	v0 =	vmul.f32 v37, v41;
	_ =	sdelay $0x1  }
0x142: {  	[tilespmem:v24+s16+$0x0] =	vst.idx.msk $0xffff, v0  }
0x143: {  	v0 =	vld.idx.msk [tilespmem:v18+s16+$0x0], $0xffff;
	_ =	sdelay $0x3  }
0x144: {  	v3 =	vor.u32 s29, v19;
	_ =	sdelay $0x1  }
0x145: {  	v24 =	vor.u32 s29, v20;
	v0 =	vmul.f32 v0, v41  }
0x146: {  	v37 =	vor.u32 s29, v21  }
0x147: {  	[tilespmem:v18+s16+$0x0] =	vst.idx.msk $0xffff, v0;
	v18 =	vmov v3  }
0x148: {  	v38 =	vor.u32 s29, v22;
	v0 =	vld.idx.msk [tilespmem:v3+s17+$0x0], $0xffff  }
0x149: {  	v3 =	vld.idx.msk [tilespmem:v3+s15+$0x0], $0xffff  }
0x14a: {  	v49 =	vor.u32 s29, v23;
	v4 =	vld.idx.msk [tilespmem:v24+s15+$0x0], $0xffff  }
0x14b: {  	v5 =	vld.idx.msk [tilespmem:v37+s15+$0x0], $0xffff  }
0x14c: {  	v39 =	vor.u32 s29, v25;
	v6 =	vld.idx.msk [tilespmem:v37+s17+$0x0], $0xffff  }
0x14d: {  	v7 =	vld.idx.msk [tilespmem:v38+s15+$0x0], $0xffff  }
0x14e: {  	v40 =	vor.u32 s29, v26;
	v8 =	vld.idx.msk [tilespmem:v38+s17+$0x0], $0xffff  }
0x14f: {  	v9 =	vld.idx.msk [tilespmem:v49+s15+$0x0], $0xffff  }
0x150: {  	v44 =	vor.u32 s29, v29;
	v43 =	vor.u32 s29, v28;
	v42 =	vor.u32 s29, v27;
	v10 =	vld.idx.msk [tilespmem:v49+s17+$0x0], $0xffff  }
0x151: {  	v47 =	vor.u32 s29, v30;
	v46 =	vor.u32 s29, v31;
	v45 =	vor.u32 s29, v32;
	v11 =	vld.idx.msk [tilespmem:v39+s15+$0x0], $0xffff  }
0x152: {  	v51 =	vor.u32 s29, v34;
	v50 =	vor.u32 s29, v33;
	v48 =	vor.u32 s29, v35;
	v12 =	vld.idx.msk [tilespmem:v39+s17+$0x0], $0xffff  }
0x153: {  	v5 =	vmul.f32 v6, v5;
	v13 =	vld.idx.msk [tilespmem:v40+s15+$0x0], $0xffff  }
0x154: {  	v7 =	vmul.f32 v8, v7;
	v6 =	vld.idx.msk [tilespmem:v40+s17+$0x0], $0xffff  }
0x155: {  	v8 =	vld.idx.msk [tilespmem:v24+s17+$0x0], $0xffff  }
0x156: {  	v9 =	vmul.f32 v10, v9;
	v5 =	vadd.f32 v5, v7;
	v10 =	vld.idx.msk [tilespmem:v42+s15+$0x0], $0xffff  }
0x157: {  	v7 =	vld.idx.msk [tilespmem:v43+s17+$0x0], $0xffff  }
0x158: {  	v11 =	vmul.f32 v12, v11;
	v14 =	vld.idx.msk [tilespmem:v42+s17+$0x0], $0xffff  }
0x159: {  	v12 =	vld.idx.msk [tilespmem:v43+s15+$0x0], $0xffff  }
0x15a: {  	v6 =	vmul.f32 v6, v13;
	v15 =	vld.idx.msk [tilespmem:v44+s17+$0x0], $0xffff  }
0x15b: {  	v4 =	vmul.f32 v8, v4;
	v13 =	vld.idx.msk [tilespmem:v47+s17+$0x0], $0xffff  }
0x15c: {  	v8 =	vld.idx.msk [tilespmem:v46+s17+$0x0], $0xffff  }
0x15d: {  	v16 =	vld.idx.msk [tilespmem:v44+s15+$0x0], $0xffff  }
0x15e: {  	v10 =	vmul.f32 v14, v10;
	v41 =	vld.idx.msk [tilespmem:v46+s15+$0x0], $0xffff  }
0x15f: {  	v7 =	vmul.f32 v7, v12;
	v14 =	vld.idx.msk [tilespmem:v45+s17+$0x0], $0xffff  }
0x160: {  	v6 =	vadd.f32 v11, v6;
	v12 =	vld.idx.msk [tilespmem:v47+s15+$0x0], $0xffff  }
0x161: {  	v7 =	vadd.f32 v10, v7;
	v11 =	vld.idx.msk [tilespmem:v50+s17+$0x0], $0xffff  }
0x162: {  	v10 =	vld.idx.msk [tilespmem:v45+s15+$0x0], $0xffff  }
0x163: {  	v15 =	vmul.f32 v15, v16;
	v6 =	vadd.f32 v6, v7;
	v52 =	vld.idx.msk [tilespmem:v51+s17+$0x0], $0xffff  }
0x164: {  	v8 =	vmul.f32 v8, v41;
	v7 =	vld.idx.msk [tilespmem:v48+s17+$0x0], $0xffff  }
0x165: {  	v16 =	vld.idx.msk [tilespmem:v48+s15+$0x0], $0xffff  }
0x166: {  	v12 =	vmul.f32 v13, v12;
	v41 =	vld.idx.msk [tilespmem:v50+s15+$0x0], $0xffff  }
0x167: {  	v13 =	vld.idx.msk [tilespmem:v51+s15+$0x0], $0xffff  }
0x168: {  	v10 =	vmul.f32 v14, v10;
	v8 =	vadd.f32 v8, v12;
	_ =	sdelay $0x1  }
0x169: {  	v10 =	vadd.f32 v15, v10  }
0x16a: {  	v0 =	vmul.f32 v0, v3;
	v7 =	vmul.f32 v7, v16  }
0x16b: {  	v3 =	vmul.f32 v11, v41;
	v8 =	vadd.f32 v10, v8  }
0x16c: {  	v0 =	vadd.f32 v0, v4;
	v10 =	vmul.f32 v52, v13  }
0x16d: {  	v3 =	vadd.f32 v7, v3  }
0x16e: {  	v0 =	vadd.f32 v0, v5;
	v4 =	vadd.f32 v10, v9;
	_ =	sdelay $0x1  }
0x16f: {  	v3 =	vadd.f32 v3, v4  }
0x170: {  	v0 =	vadd.f32 v0, v6  }
0x171: {  	v3 =	vadd.f32 v8, v3;
	_ =	sdelay $0x1  }
0x172: {  	v0 =	vadd.f32 v0, v3;
	_ =	sdelay $0x1  }
0x173: {  	v0 =	vmul.f32 v0, v36;
	_ =	sdelay $0x1  }
0x174: {  	v0 =	vmax.f32 v0, $-5.000000000e+00  }
0x175: {  	v0 =	vmin.f32 v0, $5.000000000e+00  }
0x176: {  	v0 =	vmul.f32 $1.442695020e+00, v0;
	_ =	sdelay $0x1  }
0x177: {  	v3 =	vmov s30;
	(erf) = vpow2.f32 v0  }
0x178: {  	v0 =	vand.u32 $0x7F, v3  }
0x179: {  	v0 =	vbroadcast v0, $0x0;
	_ =	sdelay $0x1  }
0x17a: {  	v0 =	vor.u32 v2, v0;
	_ =	sdelay $0x4  }
0x17b: {  	v41 =	vpop (erf)  }
0x17c: {  	[tilespmem:v0+s21+$0x0] =	vst.idx.msk $0xffff, v41  }
0x17d: {  	v0 =	vld.idx.msk [tilespmem:v49+s16+$0x0], $0xffff;
	_ =	sdelay $0x5  }
0x17e: {  	v0 =	vmul.f32 v41, v0;
	_ =	sdelay $0x1  }
0x17f: {  	[tilespmem:v49+s16+$0x0] =	vst.idx.msk $0xffff, v0  }
0x180: {  	v0 =	vld.idx.msk [tilespmem:v51+s16+$0x0], $0xffff;
	_ =	sdelay $0x5  }
0x181: {  	v0 =	vmul.f32 v41, v0;
	_ =	sdelay $0x1  }
0x182: {  	[tilespmem:v51+s16+$0x0] =	vst.idx.msk $0xffff, v0  }
0x183: {  	v0 =	vld.idx.msk [tilespmem:v50+s16+$0x0], $0xffff;
	_ =	sdelay $0x5  }
0x184: {  	v0 =	vmul.f32 v41, v0;
	_ =	sdelay $0x1  }
0x185: {  	[tilespmem:v50+s16+$0x0] =	vst.idx.msk $0xffff, v0  }
0x186: {  	v0 =	vld.idx.msk [tilespmem:v48+s16+$0x0], $0xffff;
	_ =	sdelay $0x5  }
0x187: {  	v0 =	vmul.f32 v41, v0;
	_ =	sdelay $0x1  }
0x188: {  	[tilespmem:v48+s16+$0x0] =	vst.idx.msk $0xffff, v0  }
0x189: {  	v0 =	vld.idx.msk [tilespmem:v47+s16+$0x0], $0xffff;
	_ =	sdelay $0x5  }
0x18a: {  	v0 =	vmul.f32 v41, v0;
	_ =	sdelay $0x1  }
0x18b: {  	[tilespmem:v47+s16+$0x0] =	vst.idx.msk $0xffff, v0  }
0x18c: {  	v0 =	vld.idx.msk [tilespmem:v46+s16+$0x0], $0xffff;
	_ =	sdelay $0x5  }
0x18d: {  	v0 =	vmul.f32 v0, v41;
	_ =	sdelay $0x1  }
0x18e: {  	[tilespmem:v46+s16+$0x0] =	vst.idx.msk $0xffff, v0  }
0x18f: {  	v0 =	vld.idx.msk [tilespmem:v45+s16+$0x0], $0xffff;
	_ =	sdelay $0x5  }
0x190: {  	v0 =	vmul.f32 v0, v41;
	_ =	sdelay $0x1  }
0x191: {  	[tilespmem:v45+s16+$0x0] =	vst.idx.msk $0xffff, v0  }
0x192: {  	v0 =	vld.idx.msk [tilespmem:v44+s16+$0x0], $0xffff;
	_ =	sdelay $0x5  }
0x193: {  	v0 =	vmul.f32 v0, v41;
	_ =	sdelay $0x1  }
0x194: {  	[tilespmem:v44+s16+$0x0] =	vst.idx.msk $0xffff, v0  }
0x195: {  	v0 =	vld.idx.msk [tilespmem:v43+s16+$0x0], $0xffff;
	_ =	sdelay $0x5  }
0x196: {  	v0 =	vmul.f32 v0, v41;
	_ =	sdelay $0x1  }
0x197: {  	[tilespmem:v43+s16+$0x0] =	vst.idx.msk $0xffff, v0  }
0x198: {  	v0 =	vld.idx.msk [tilespmem:v42+s16+$0x0], $0xffff;
	_ =	sdelay $0x5  }
0x199: {  	v0 =	vmul.f32 v0, v41;
	_ =	sdelay $0x1  }
0x19a: {  	[tilespmem:v42+s16+$0x0] =	vst.idx.msk $0xffff, v0  }
0x19b: {  	v0 =	vld.idx.msk [tilespmem:v40+s16+$0x0], $0xffff;
	_ =	sdelay $0x5  }
0x19c: {  	v0 =	vmul.f32 v0, v41;
	_ =	sdelay $0x1  }
0x19d: {  	[tilespmem:v40+s16+$0x0] =	vst.idx.msk $0xffff, v0  }
0x19e: {  	v0 =	vld.idx.msk [tilespmem:v39+s16+$0x0], $0xffff;
	_ =	sdelay $0x5  }
0x19f: {  	v0 =	vmul.f32 v0, v41;
	_ =	sdelay $0x1  }
0x1a0: {  	[tilespmem:v39+s16+$0x0] =	vst.idx.msk $0xffff, v0  }
0x1a1: {  	v0 =	vld.idx.msk [tilespmem:v38+s16+$0x0], $0xffff;
	_ =	sdelay $0x5  }
0x1a2: {  	v0 =	vmul.f32 v0, v41;
	_ =	sdelay $0x1  }
0x1a3: {  	[tilespmem:v38+s16+$0x0] =	vst.idx.msk $0xffff, v0  }
0x1a4: {  	v0 =	vld.idx.msk [tilespmem:v37+s16+$0x0], $0xffff;
	_ =	sdelay $0x4  }
.Ltmp7:
0x1a5: {  	(pc) =	sbr.rel @p2 .LBB2_9-.Ltmp7, $3  }
0x1a6: {  	v0 =	vmul.f32 v0, v41;
	_ =	sdelay $0x1  }
0x1a7: {  	[tilespmem:v37+s16+$0x0] =	vst.idx.msk $0xffff, v0  }
0x1a8: {  	v37 =	vld.idx.msk [tilespmem:v24+s16+$0x0], $0xffff  }
0x1a9: {  	_ =	sdelay $0x3  }
0x1aa: {  	v0 =	vmul.f32 v37, v41;
	_ =	sdelay $0x1  }
0x1ab: {  	[tilespmem:v24+s16+$0x0] =	vst.idx.msk $0xffff, v0  }
0x1ac: {  	v0 =	vld.idx.msk [tilespmem:v18+s16+$0x0], $0xffff;
	_ =	sdelay $0x4  }
0x1ad: {  	s11 =	sshll.u32 s4, $0x2;
	v0 =	vmul.f32 v0, v41  }
0x1ae: {  	s28 =	sshll.u32 s4, $0x7;
	s11 =	sshra.s32 s11, $0x2  }
0x1af: {  	s4 =	sand.u32 $0x3FFFFF80, s28;
	s11 =	sadd.s32 $0x1E900, s11;
	[tilespmem:v18+s16+$0x0] =	vst.idx.msk $0xffff, v0  }
0x1b0: {  	s30 =	simm.s32 $0x0;
	s29 =	simm.s32 $0x200;
	s4 =	sadd.s32 $0x1C400, s4;
	v18 =	vld [tilespmem:s11+$0x0]  }
.LBB2_11:
0x1b1: {  	p2 =	sne.s32 s29, $0x1E00;
	_ =	sdelay $0x3  }
0x1b2: {  	(v2sf) =	vpush v18, $0x0;
	_ =	sdelay $0xe  }
0x1b3: {  	s28 =	spop (v2sf)  }
0x1b4: {  	s2 =	sshra.s32 s30, $0x2;
	s30 =	sshll.u32 s28, $0x6;
	s28 =	sand.u32 $0x7, s28  }
0x1b5: {  	v0 =	vld [tilespmem:s2+$0x1EB00];
	s3 =	sand.u32 $0xFFFFFE00, s30;
	s28 =	sshll.u32 s28, $0x6;
	s30 =	smov.u32 s29  }
0x1b6: {  	s3 =	sor.u32 s28, s3  }
.Ltmp8:
0x1b7: {  	s3 =	sshra.s32 s3, $0x2;
	(pc) =	sbr.rel @p2 .LBB2_11-.Ltmp8, $4  }
0x1b8: {  	s3 =	sadd.s32 s3, s4  }
0x1b9: {  	s2 =	sadd.s32 s2, s3  }
0x1ba: {  	s11 =	sadd.s32 $0x1, s11;
	[tilespmem:s2+$0x0] =	vst v0  }
0x1bb: {  	s29 =	sadd.s32 $0x200, s29;
	v18 =	vld [tilespmem:s11+$0x0]  }
0x1bc: {  	_ =	sdelay $0x3  }
0x1bd: {  	(v2sf) =	vpush v18, $0x0;
	_ =	sdelay $0xe  }
0x1be: {  	s2 =	spop (v2sf)  }
0x1bf: {  	s3 =	sshra.s32 s30, $0x2;
	s11 =	sshll.u32 s2, $0x6;
	s2 =	sand.u32 $0x7, s2  }
0x1c0: {  	v0 =	vld [tilespmem:s3+$0x1EB00];
	s11 =	sand.u32 $0xFFFFFE00, s11;
	s2 =	sshll.u32 s2, $0x6  }
.Ltmp9:
0x1c1: {  	s2 =	sor.u32 s2, s11;
	(pc) =	sbr.rel @p1 .LBB2_8-.Ltmp9, $4  }
0x1c2: {  	s2 =	sshra.s32 s2, $0x2  }
0x1c3: {  	s2 =	sadd.s32 s2, s4  }
0x1c4: {  	s2 =	sadd.s32 s3, s2  }
0x1c5: {  	p2 =	por $0x0, $0x0;
	s4 =	simm.s32 $0x10;
	[tilespmem:s2+$0x0] =	vst v0  }
0x1c6: {  	v0 =	vld [tilespmem:$0x1E700]  }
0x1c7: {  	v3 =	vld [tilespmem:$0x1E710];
	_ =	sdelay $0x3  }
0x1c8: {  	[tilespmem:$0x1E800] =	vst v0  }
0x1c9: {  	s2 =	rddreg [dreg:$0x2];
	s3 =	simm.s32 $0x1E600;
	[tilespmem:$0x1E810] =	vst v3  }
0x1ca: {  	[spmem:s2] =	stream.indirect.scatter.add.f32 [tilespmem:s16], [sflag:$0x5], $0x80, s3, s12, $0xb8;
	[tilespmem:$0x1F300] =	vst v63  }
0x1cb: {  	s29 =	rddreg [dreg:$0x3];
	s30 =	simm.s32 $0x1C400;
	s4 =	simm.s32 $0x1E800  }
0x1cc: {  	[spmem:s29] =	stream.indirect.scatter.add.f32 [tilespmem:s30], [sflag:$0x5], $0x80, s4, s12, $0xb8;
	[tilespmem:$0x1F300] =	vst v63  }
.LBB2_14:
0x1cd: {  	s2 =	sadd.s32 $0x2, s25  }
0x1ce: {  	p1 =	sgt.u32 s2, s23  }
0x1cf: {  	s2 =	sadd.s32 @!p1 s13, s2  }
0x1d0: {  	s2 =	sshll.u32 @!p1 s2, $0x2  }
0x1d1: {  	p2 =	sge.u32 s25, s22;
	s2 =	sand.u32 @!p1 $0x1FFFFFFC, s2  }
0x1d2: {  	s26 =	simm.s32 @!p1 $0x0;
	s4 =	simm.s32 @!p1 $0x1E400;
	s3 =	sadd.s32 @!p1 s8, s2  }
0x1d3: {  	[tilespmem:s4], [sflag:$0x3] =	stream.linear.gather @!p1 [hbm4b:s3+s26], $0x20, $0x38;
	[tilespmem:$0x1F300] =	vst v63  }
.Ltmp10:
0x1d4: {  	_ = 	snop;
	(pc) =	sbr.rel @p2 .LBB2_18-.Ltmp10, $4  }
0x1d5: {  	s11 =	simm.s32 @!p1 $0x1E500;
	s3 =	sadd.s32 @!p1 s9, s2  }
0x1d6: {  	[tilespmem:s11], [sflag:$0x3] =	stream.linear.gather @!p1 [hbm4b:s3+s26], $0x20, $0x38;
	[tilespmem:$0x1F300] =	vst v63  }
0x1d7: {  	s2 =	sadd.s32 @!p1 s10, s2;
	s3 =	simm.s32 @!p1 $0x1EA00  }
0x1d8: {  	[tilespmem:s3], [sflag:$0x3] =	stream.linear.gather @!p1 [hbm4b:s2+s26], $0x20, $0x38;
	[tilespmem:$0x1F300] =	vst v63  }
0x1d9: {  	_ =	swait.ge [sflag:s18], $0x1000  }
0x1da: {  	[sflag:s18] =	ssyncset.done $0x0  }
0x1db: {  	[sflag:s18] =	ssyncadd.s32 $0xFFFFF000  }
0x1dc: {  	_ =	swait.ge [sflag:s18], $0x1000  }
0x1dd: {  	[sflag:s18] =	ssyncset.done $0x0  }
0x1de: {  	s2 =	simm.s32 $0x0;
	[sflag:s18] =	ssyncadd.s32 $0xFFFFF000  }
0x1df: {  	v0 =	vld [tilespmem:s2+$0x1E900];
	_ =	sdelay $0x4  }
0x1e0: {  	(v2sf) =	vpush v0, $0x0;
	_ =	sdelay $0xe  }
0x1e1: {  	s28 =	spop (v2sf)  }
0x1e2: {  	s3 =	sshll.u32 s28, $0x6;
	s2 =	sand.u32 $0x7, s28  }
0x1e3: {  	s3 =	sand.u32 $0xFFFFFE00, s3;
	s2 =	sshll.u32 s2, $0x6  }
0x1e4: {  	s2 =	sor.u32 s2, s3  }
0x1e5: {  	s2 =	sshra.s32 s2, $0x2  }
0x1e6: {  	s2 =	sadd.s32 $0x1C400, s2  }
0x1e7: {  	s26 =	simm.s32 $0x1C400;
	s30 =	simm.s32 $0x1;
	s29 =	simm.s32 $0x8;
	[tilespmem:s2+$0x0] =	vst v1  }
.LBB2_16:
0x1e8: {  	p2 =	sne.s32 s29, $0x7C;
	v0 =	vld [tilespmem:s30+$0x1E900];
	_ =	sdelay $0x4  }
0x1e9: {  	(v2sf) =	vpush v0, $0x0;
	_ =	sdelay $0xe  }
0x1ea: {  	s2 =	spop (v2sf)  }
0x1eb: {  	s3 =	sshll.u32 s2, $0x6;
	s2 =	sand.u32 $0x7, s2  }
.Ltmp11:
0x1ec: {  	s3 =	sand.u32 $0xFFFFFE00, s3;
	s2 =	sshll.u32 s2, $0x6;
	(pc) =	sbr.rel @p2 .LBB2_16-.Ltmp11, $4  }
0x1ed: {  	s2 =	sor.u32 s2, s3  }
0x1ee: {  	s26 =	sadd.s32 $0x80, s26;
	s2 =	sshra.s32 s2, $0x2  }
0x1ef: {  	s2 =	sadd.s32 s2, s26  }
0x1f0: {  	s30 =	sshra.s32 s29, $0x2;
	s29 =	sadd.s32 $0x4, s29;
	[tilespmem:s2+$0x0] =	vst v1  }
0x1f1: {  	v0 =	vld [tilespmem:s30+$0x1E900];
	_ =	sdelay $0x4  }
0x1f2: {  	(v2sf) =	vpush v0, $0x0;
	_ =	sdelay $0xe  }
0x1f3: {  	s2 =	spop (v2sf)  }
0x1f4: {  	s3 =	sshll.u32 s2, $0x6;
	s2 =	sand.u32 $0x7, s2  }
0x1f5: {  	s3 =	sand.u32 $0xFFFFFE00, s3;
	s2 =	sshll.u32 s2, $0x6  }
0x1f6: {  	s2 =	sor.u32 s2, s3  }
0x1f7: {  	s30 =	sadd.s32 $0x80, s26;
	s2 =	sshra.s32 s2, $0x2  }
0x1f8: {  	s2 =	sadd.s32 s2, s30  }
0x1f9: {  	[tilespmem:s2+$0x0] =	vst v1  }
.LBB2_18:
0x1fa: {  	s2 =	simm.s32 @!p1 $0x3  }
0x1fb: {  	_ =	swait.ge @!p1 [sflag:s2], $0x20  }
0x1fc: {  	[sflag:s2] =	ssyncset.done @!p1 $0x0  }
0x1fd: {  	[sflag:s2] =	ssyncadd.s32 @!p1 $0xFFFFFFE0  }
0x1fe: {  	_ =	swait.ge @!p1 [sflag:s2], $0x20  }
0x1ff: {  	[sflag:s2] =	ssyncset.done @!p1 $0x0  }
0x200: {  	[sflag:s2] =	ssyncadd.s32 @!p1 $0xFFFFFFE0  }
0x201: {  	_ =	swait.ge @!p1 [sflag:s2], $0x20  }
0x202: {  	[sflag:s2] =	ssyncset.done @!p1 $0x0  }
0x203: {  	s3 =	simm.s32 @!p1 $0x16400;
	[sflag:s2] =	ssyncadd.s32 @!p1 $0xFFFFFFE0;
	s2 =	simm.s32 @!p1 $0x20  }
0x204: {  	[tilespmem:s3], [sflag:$0x1] =	stream.indirect.gather @!p1 [hbm4b:s1+s2], $0x80, s4, s2, $0xb8;
	[tilespmem:$0x1F300] =	vst v63  }
.Ltmp12:
0x205: {  	_ = 	snop;
	(pc) =	sbr.rel @p0 .LBB2_26-.Ltmp12, $4  }
0x206: {  	s3 =	simm.s32 @!p1 $0x18400  }
0x207: {  	[tilespmem:s3], [sflag:$0x1] =	stream.indirect.gather @!p1 [hbm4b:s6+s2], $0x80, s4, s2, $0xb8;
	[tilespmem:$0x1F300] =	vst v63  }
0x208: {  	s3 =	simm.s32 @!p1 $0x1A400  }
0x209: {  	[tilespmem:s3], [sflag:$0x1] =	stream.indirect.gather @!p1 [hbm4b:s7+s2], $0x80, s11, s2, $0xb8;
	[tilespmem:$0x1F300] =	vst v63  }
0x20a: {  	_ =	swait.ge [sflag:s19], $0x1000  }
0x20b: {  	[sflag:s19] =	ssyncset.done $0x0  }
0x20c: {  	[sflag:s19] =	ssyncadd.s32 $0xFFFFF000  }
0x20d: {  	_ =	swait.ge [sflag:s19], $0x1000  }
0x20e: {  	[sflag:s19] =	ssyncset.done $0x0  }
0x20f: {  	[sflag:s19] =	ssyncadd.s32 $0xFFFFF000  }
0x210: {  	_ =	swait.ge [sflag:s19], $0x1000  }
0x211: {  	[sflag:s19] =	ssyncset.done $0x0  }
0x212: {  	[sflag:s19] =	ssyncadd.s32 $0xFFFFF000  }
0x213: {  	v0 =	vld [tilespmem:$0x1E580]  }
0x214: {  	v3 =	vld [tilespmem:$0x1E590];
	_ =	sdelay $0x3  }
0x215: {  	[tilespmem:$0x1E680] =	vst v0  }
0x216: {  	v4 =	vshrl.u32 v0, $0x3;
	[tilespmem:$0x1E690] =	vst v3  }
0x217: {  	v63 =	vand.u32 $0x7, v0;
	[tilespmem:$0x1E780] =	vst v4  }
0x218: {  	v0 =	vshrl.u32 v3, $0x3;
	[tilespmem:$0x1E980] =	vst v63  }
0x219: {  	[tilespmem:$0x1E790] =	vst v0;
	v0 =	vand.u32 $0x7, v3  }
0x21a: {  	s26 =	simm.s32 $0x0;
	p1 =	por $0x1, $0x1;
	s4 =	simm.s32 $0x0;
	[tilespmem:$0x1E990] =	vst v0  }
.LBB2_20:
0x21b: {  	v3 =	vld [tilespmem:$0x1FFF0]  }
0x21c: {  	v7 =	vld [tilespmem:$0x1FFC0]  }
0x21d: {  	v10 =	vld [tilespmem:$0x1FFB0]  }
0x21e: {  	v14 =	vld [tilespmem:$0x1FFA0]  }
0x21f: {  	v0 =	vmov s4;
	v15 =	vld [tilespmem:$0x1FF70]  }
0x220: {  	v29 =	vld [tilespmem:$0x1FF90];
	v0 =	vshll.u32 v0, $0x7  }
0x221: {  	v30 =	vld [tilespmem:$0x1FF50];
	v0 =	vor.u32 v2, v0  }
0x222: {  	v4 =	vlaneseq.u32;
	v31 =	vld [tilespmem:$0x1FF60];
	v19 =	vor.u32 v17, v0  }
0x223: {  	v32 =	vld [tilespmem:$0x1FF80];
	v23 =	vor.u32 v4, v0;
	v18 =	vor.u32 s26, v19  }
0x224: {  	v33 =	vld [tilespmem:$0x1FF30];
	v5 =	vor.u32 s26, v23  }
0x225: {  	v34 =	vld [tilespmem:$0x1FF20]  }
0x226: {  	v20 =	vor.u32 v3, v0;
	v3 =	vld [tilespmem:$0x1FFE0]  }
0x227: {  	v35 =	vld [tilespmem:$0x1FF40];
	v25 =	vor.u32 v7, v0;
	v24 =	vor.u32 s26, v20  }
0x228: {  	v8 =	vor.u32 s26, v25;
	v4 =	vld.idx.msk [tilespmem:v18+s20+$0x0], $0xffff  }
0x229: {  	v26 =	vor.u32 v10, v0;
	v13 =	vld.idx.msk [tilespmem:v5+s20+$0x0], $0xffff  }
0x22a: {  	v27 =	vor.u32 v14, v0;
	v11 =	vor.u32 s26, v26;
	v14 =	vld.idx.msk [tilespmem:v5+s0+$0x0], $0xffff  }
0x22b: {  	v21 =	vor.u32 v3, v0;
	v3 =	vld [tilespmem:$0x1FFD0]  }
0x22c: {  	v6 =	vld.idx.msk [tilespmem:v24+s20+$0x0], $0xffff  }
0x22d: {  	v28 =	vor.u32 v15, v0;
	v15 =	vor.u32 s26, v27;
	v16 =	vld.idx.msk [tilespmem:v8+s20+$0x0], $0xffff  }
0x22e: {  	v39 =	vor.u32 s26, v28;
	v36 =	vld.idx.msk [tilespmem:v8+s0+$0x0], $0xffff  }
0x22f: {  	v40 =	vld.idx.msk [tilespmem:v11+s20+$0x0], $0xffff  }
0x230: {  	v29 =	vor.u32 v29, v0;
	v41 =	vld.idx.msk [tilespmem:v11+s0+$0x0], $0xffff  }
0x231: {  	v30 =	vor.u32 v30, v0;
	v42 =	vor.u32 s26, v29;
	v43 =	vld.idx.msk [tilespmem:v24+s0+$0x0], $0xffff  }
0x232: {  	v31 =	vor.u32 v31, v0;
	v44 =	vor.u32 s26, v30;
	v45 =	vld.idx.msk [tilespmem:v15+s20+$0x0], $0xffff  }
0x233: {  	v46 =	vor.u32 s26, v31;
	v47 =	vld.idx.msk [tilespmem:v39+s0+$0x0], $0xffff  }
0x234: {  	v48 =	vld.idx.msk [tilespmem:v15+s0+$0x0], $0xffff  }
0x235: {  	v32 =	vor.u32 v32, v0;
	v49 =	vld.idx.msk [tilespmem:v39+s20+$0x0], $0xffff  }
0x236: {  	v50 =	vor.u32 s26, v32;
	v51 =	vld.idx.msk [tilespmem:v42+s0+$0x0], $0xffff  }
0x237: {  	v33 =	vor.u32 v33, v0;
	v52 =	vld.idx.msk [tilespmem:v44+s0+$0x0], $0xffff  }
0x238: {  	v53 =	vor.u32 s26, v33;
	v54 =	vld.idx.msk [tilespmem:v46+s0+$0x0], $0xffff  }
0x239: {  	v37 =	vor.u32 s26, v21;
	v55 =	vld.idx.msk [tilespmem:v42+s20+$0x0], $0xffff  }
0x23a: {  	v56 =	vld.idx.msk [tilespmem:v46+s20+$0x0], $0xffff;
	v22 =	vor.u32 v3, v0  }
0x23b: {  	v58 =	vld.idx.msk [tilespmem:v50+s0+$0x0], $0xffff;
	v38 =	vor.u32 s26, v22  }
0x23c: {  	v59 =	vld.idx.msk [tilespmem:v44+s20+$0x0], $0xffff  }
0x23d: {  	v35 =	vor.u32 v35, v0;
	v60 =	vld.idx.msk [tilespmem:v53+s0+$0x0], $0xffff  }
0x23e: {  	v57 =	vor.u32 s26, v35;
	v7 =	vld.idx.msk [tilespmem:v37+s20+$0x0], $0xffff  }
0x23f: {  	v34 =	vor.u32 v34, v0;
	v9 =	vld.idx.msk [tilespmem:v37+s0+$0x0], $0xffff  }
0x240: {  	v0 =	vor.u32 s26, v34;
	v10 =	vld.idx.msk [tilespmem:v38+s20+$0x0], $0xffff  }
0x241: {  	v12 =	vld.idx.msk [tilespmem:v38+s0+$0x0], $0xffff  }
0x242: {  	v61 =	vld.idx.msk [tilespmem:v50+s20+$0x0], $0xffff  }
0x243: {  	v63 =	vld.idx.msk [tilespmem:v57+s0+$0x0], $0xffff  }
0x244: {  	v3 =	vld.idx.msk [tilespmem:v18+s0+$0x0], $0xffff  }
0x245: {  	v6 =	vmul.f32 v43, v6;
	v62 =	vld.idx.msk [tilespmem:v0+s0+$0x0], $0xffff  }
0x246: {  	v7 =	vmul.f32 v9, v7;
	v9 =	vmul.f32 v12, v10;
	v10 =	vld.idx.msk [tilespmem:v57+s20+$0x0], $0xffff  }
0x247: {  	v48 =	vmul.f32 v48, v45;
	v12 =	vmul.f32 v14, v13;
	v14 =	vld.idx.msk [tilespmem:v53+s20+$0x0], $0xffff  }
0x248: {  	v49 =	vmul.f32 v47, v49;
	v13 =	vmul.f32 v36, v16;
	v36 =	vld.idx.msk [tilespmem:v0+s20+$0x0], $0xffff  }
0x249: {  	v55 =	vmul.f32 v51, v55;
	v16 =	vmul.f32 v41, v40  }
0x24a: {  	v56 =	vmul.f32 v54, v56;
	v3 =	vmul.f32 v3, v4  }
0x24b: {  	v58 =	vmul.f32 v58, v61;
	v13 =	vadd.f32 v13, v16;
	v16 =	vmul.f32 v52, v59  }
0x24c: {  	v3 =	vadd.f32 v3, v6;
	v40 =	vadd.f32 v48, v49;
	v10 =	vmul.f32 v63, v10  }
0x24d: {  	v59 =	vadd.f32 v56, v16;
	v14 =	vmul.f32 v60, v14;
	v16 =	vmul.f32 v62, v36  }
0x24e: {  	v7 =	vadd.f32 v7, v9;
	v9 =	vadd.f32 v55, v58  }
0x24f: {  	v61 =	vadd.f32 v10, v14;
	v62 =	vadd.f32 v16, v12  }
0x250: {  	v3 =	vadd.f32 v3, v7;
	v63 =	vadd.f32 v13, v40  }
0x251: {  	v4 =	vadd.f32 v9, v59;
	v6 =	vadd.f32 v61, v62  }
0x252: {  	v36 =	vld [tilespmem:s4+$0x1EA80]  }
0x253: {  	v3 =	vadd.f32 v3, v63;
	v4 =	vadd.f32 v4, v6;
	_ =	sdelay $0x1  }
0x254: {  	v3 =	vadd.f32 v3, v4;
	_ =	sdelay $0x1  }
0x255: {  	v3 =	vmul.f32 v3, v36;
	_ =	sdelay $0x1  }
0x256: {  	v3 =	vmax.f32 v3, $-5.000000000e+00  }
0x257: {  	v3 =	vmin.f32 v3, $5.000000000e+00  }
0x258: {  	v3 =	vmul.f32 $1.442695020e+00, v3;
	_ =	sdelay $0x1  }
0x259: {  	(erf) = vpow2.f32 v3  }
0x25a: {  	v3 =	vmov s26  }
0x25b: {  	v3 =	vand.u32 $0x7F, v3  }
0x25c: {  	v3 =	vbroadcast v3, $0x0;
	_ =	sdelay $0x1  }
0x25d: {  	v3 =	vor.u32 v2, v3;
	_ =	sdelay $0x3  }
0x25e: {  	v41 =	vpop (erf)  }
0x25f: {  	[tilespmem:v3+s21+$0x0] =	vst.idx.msk $0xffff, v41  }
0x260: {  	v3 =	vld.idx.msk [tilespmem:v5+s24+$0x0], $0xffff;
	_ =	sdelay $0x4  }
0x261: {  	v3 =	vmul.f32 v41, v3;
	_ =	sdelay $0x1  }
0x262: {  	[tilespmem:v5+s24+$0x0] =	vst.idx.msk $0xffff, v3  }
0x263: {  	v3 =	vld.idx.msk [tilespmem:v0+s24+$0x0], $0xffff;
	_ =	sdelay $0x4  }
0x264: {  	v3 =	vmul.f32 v41, v3;
	_ =	sdelay $0x1  }
0x265: {  	[tilespmem:v0+s24+$0x0] =	vst.idx.msk $0xffff, v3  }
0x266: {  	v0 =	vld.idx.msk [tilespmem:v53+s24+$0x0], $0xffff;
	_ =	sdelay $0x4  }
0x267: {  	v0 =	vmul.f32 v41, v0;
	_ =	sdelay $0x1  }
0x268: {  	[tilespmem:v53+s24+$0x0] =	vst.idx.msk $0xffff, v0  }
0x269: {  	v0 =	vld.idx.msk [tilespmem:v57+s24+$0x0], $0xffff;
	_ =	sdelay $0x4  }
0x26a: {  	v0 =	vmul.f32 v41, v0;
	_ =	sdelay $0x1  }
0x26b: {  	[tilespmem:v57+s24+$0x0] =	vst.idx.msk $0xffff, v0  }
0x26c: {  	v0 =	vld.idx.msk [tilespmem:v44+s24+$0x0], $0xffff;
	_ =	sdelay $0x4  }
0x26d: {  	v0 =	vmul.f32 v41, v0;
	_ =	sdelay $0x1  }
0x26e: {  	[tilespmem:v44+s24+$0x0] =	vst.idx.msk $0xffff, v0  }
0x26f: {  	v0 =	vld.idx.msk [tilespmem:v46+s24+$0x0], $0xffff;
	_ =	sdelay $0x4  }
0x270: {  	v0 =	vmul.f32 v0, v41;
	_ =	sdelay $0x1  }
0x271: {  	[tilespmem:v46+s24+$0x0] =	vst.idx.msk $0xffff, v0  }
0x272: {  	v0 =	vld.idx.msk [tilespmem:v50+s24+$0x0], $0xffff;
	_ =	sdelay $0x4  }
0x273: {  	v0 =	vmul.f32 v0, v41;
	_ =	sdelay $0x1  }
0x274: {  	[tilespmem:v50+s24+$0x0] =	vst.idx.msk $0xffff, v0  }
0x275: {  	v0 =	vld.idx.msk [tilespmem:v42+s24+$0x0], $0xffff;
	_ =	sdelay $0x4  }
0x276: {  	v0 =	vmul.f32 v0, v41;
	_ =	sdelay $0x1  }
0x277: {  	[tilespmem:v42+s24+$0x0] =	vst.idx.msk $0xffff, v0  }
0x278: {  	v0 =	vld.idx.msk [tilespmem:v39+s24+$0x0], $0xffff;
	_ =	sdelay $0x4  }
0x279: {  	v0 =	vmul.f32 v0, v41;
	_ =	sdelay $0x1  }
0x27a: {  	[tilespmem:v39+s24+$0x0] =	vst.idx.msk $0xffff, v0  }
0x27b: {  	v0 =	vld.idx.msk [tilespmem:v15+s24+$0x0], $0xffff;
	_ =	sdelay $0x4  }
0x27c: {  	v0 =	vmul.f32 v0, v41;
	_ =	sdelay $0x1  }
0x27d: {  	[tilespmem:v15+s24+$0x0] =	vst.idx.msk $0xffff, v0  }
0x27e: {  	v0 =	vld.idx.msk [tilespmem:v11+s24+$0x0], $0xffff;
	_ =	sdelay $0x4  }
0x27f: {  	v0 =	vmul.f32 v0, v41;
	_ =	sdelay $0x1  }
0x280: {  	[tilespmem:v11+s24+$0x0] =	vst.idx.msk $0xffff, v0  }
0x281: {  	v0 =	vld.idx.msk [tilespmem:v8+s24+$0x0], $0xffff;
	_ =	sdelay $0x4  }
0x282: {  	v0 =	vmul.f32 v0, v41;
	_ =	sdelay $0x1  }
0x283: {  	[tilespmem:v8+s24+$0x0] =	vst.idx.msk $0xffff, v0  }
0x284: {  	v0 =	vld.idx.msk [tilespmem:v38+s24+$0x0], $0xffff;
	_ =	sdelay $0x4  }
0x285: {  	v0 =	vmul.f32 v0, v41;
	_ =	sdelay $0x1  }
0x286: {  	[tilespmem:v38+s24+$0x0] =	vst.idx.msk $0xffff, v0  }
0x287: {  	v0 =	vld.idx.msk [tilespmem:v37+s24+$0x0], $0xffff;
	_ =	sdelay $0x4  }
0x288: {  	v0 =	vmul.f32 v0, v41;
	_ =	sdelay $0x1  }
0x289: {  	[tilespmem:v37+s24+$0x0] =	vst.idx.msk $0xffff, v0  }
0x28a: {  	p0 =	por p1, p1;
	s11 =	simm.s32 $0x1;
	s29 =	simm.s32 $0x0;
	v37 =	vld.idx.msk [tilespmem:v24+s24+$0x0], $0xffff  }
.LBB2_21:
0x28b: {  	p1 =	sne.s32 s11, $0x7  }
0x28c: {  	s29 =	sadd.s32 $0x10, s29;
	s30 =	smov.u32 s11;
	s11 =	sadd.s32 $0x1, s11  }
0x28d: {  	_ =	sdelay $0x3  }
0x28e: {  	v0 =	vmul.f32 v37, v41;
	_ =	sdelay $0x1  }
0x28f: {  	[tilespmem:v24+s24+$0x0] =	vst.idx.msk $0xffff, v0  }
0x290: {  	v0 =	vld.idx.msk [tilespmem:v18+s24+$0x0], $0xffff;
	_ =	sdelay $0x3  }
0x291: {  	v3 =	vor.u32 s29, v19;
	_ =	sdelay $0x1  }
0x292: {  	v24 =	vor.u32 s29, v20;
	v0 =	vmul.f32 v0, v41  }
0x293: {  	v37 =	vor.u32 s29, v21  }
0x294: {  	[tilespmem:v18+s24+$0x0] =	vst.idx.msk $0xffff, v0;
	v18 =	vmov v3  }
0x295: {  	v38 =	vor.u32 s29, v22;
	v0 =	vld.idx.msk [tilespmem:v3+s0+$0x0], $0xffff  }
0x296: {  	v3 =	vld.idx.msk [tilespmem:v3+s20+$0x0], $0xffff  }
0x297: {  	v49 =	vor.u32 s29, v23;
	v4 =	vld.idx.msk [tilespmem:v24+s20+$0x0], $0xffff  }
0x298: {  	v5 =	vld.idx.msk [tilespmem:v37+s20+$0x0], $0xffff  }
0x299: {  	v39 =	vor.u32 s29, v25;
	v6 =	vld.idx.msk [tilespmem:v37+s0+$0x0], $0xffff  }
0x29a: {  	v7 =	vld.idx.msk [tilespmem:v38+s20+$0x0], $0xffff  }
0x29b: {  	v40 =	vor.u32 s29, v26;
	v8 =	vld.idx.msk [tilespmem:v38+s0+$0x0], $0xffff  }
0x29c: {  	v9 =	vld.idx.msk [tilespmem:v49+s20+$0x0], $0xffff  }
0x29d: {  	v44 =	vor.u32 s29, v29;
	v43 =	vor.u32 s29, v28;
	v42 =	vor.u32 s29, v27;
	v10 =	vld.idx.msk [tilespmem:v49+s0+$0x0], $0xffff  }
0x29e: {  	v47 =	vor.u32 s29, v30;
	v46 =	vor.u32 s29, v31;
	v45 =	vor.u32 s29, v32;
	v11 =	vld.idx.msk [tilespmem:v39+s20+$0x0], $0xffff  }
0x29f: {  	v51 =	vor.u32 s29, v34;
	v50 =	vor.u32 s29, v33;
	v48 =	vor.u32 s29, v35;
	v12 =	vld.idx.msk [tilespmem:v39+s0+$0x0], $0xffff  }
0x2a0: {  	v5 =	vmul.f32 v6, v5;
	v13 =	vld.idx.msk [tilespmem:v40+s20+$0x0], $0xffff  }
0x2a1: {  	v7 =	vmul.f32 v8, v7;
	v6 =	vld.idx.msk [tilespmem:v40+s0+$0x0], $0xffff  }
0x2a2: {  	v8 =	vld.idx.msk [tilespmem:v24+s0+$0x0], $0xffff  }
0x2a3: {  	v9 =	vmul.f32 v10, v9;
	v5 =	vadd.f32 v5, v7;
	v10 =	vld.idx.msk [tilespmem:v42+s20+$0x0], $0xffff  }
0x2a4: {  	v7 =	vld.idx.msk [tilespmem:v43+s0+$0x0], $0xffff  }
0x2a5: {  	v11 =	vmul.f32 v12, v11;
	v14 =	vld.idx.msk [tilespmem:v42+s0+$0x0], $0xffff  }
0x2a6: {  	v12 =	vld.idx.msk [tilespmem:v43+s20+$0x0], $0xffff  }
0x2a7: {  	v6 =	vmul.f32 v6, v13;
	v15 =	vld.idx.msk [tilespmem:v44+s0+$0x0], $0xffff  }
0x2a8: {  	v4 =	vmul.f32 v8, v4;
	v13 =	vld.idx.msk [tilespmem:v47+s0+$0x0], $0xffff  }
0x2a9: {  	v8 =	vld.idx.msk [tilespmem:v46+s0+$0x0], $0xffff  }
0x2aa: {  	v16 =	vld.idx.msk [tilespmem:v44+s20+$0x0], $0xffff  }
0x2ab: {  	v10 =	vmul.f32 v14, v10;
	v41 =	vld.idx.msk [tilespmem:v46+s20+$0x0], $0xffff  }
0x2ac: {  	v7 =	vmul.f32 v7, v12;
	v14 =	vld.idx.msk [tilespmem:v45+s0+$0x0], $0xffff  }
0x2ad: {  	v6 =	vadd.f32 v11, v6;
	v12 =	vld.idx.msk [tilespmem:v47+s20+$0x0], $0xffff  }
0x2ae: {  	v7 =	vadd.f32 v10, v7;
	v11 =	vld.idx.msk [tilespmem:v50+s0+$0x0], $0xffff  }
0x2af: {  	v10 =	vld.idx.msk [tilespmem:v45+s20+$0x0], $0xffff  }
0x2b0: {  	v15 =	vmul.f32 v15, v16;
	v6 =	vadd.f32 v6, v7;
	v52 =	vld.idx.msk [tilespmem:v51+s0+$0x0], $0xffff  }
0x2b1: {  	v8 =	vmul.f32 v8, v41;
	v7 =	vld.idx.msk [tilespmem:v48+s0+$0x0], $0xffff  }
0x2b2: {  	v16 =	vld.idx.msk [tilespmem:v48+s20+$0x0], $0xffff  }
0x2b3: {  	v12 =	vmul.f32 v13, v12;
	v41 =	vld.idx.msk [tilespmem:v50+s20+$0x0], $0xffff  }
0x2b4: {  	v13 =	vld.idx.msk [tilespmem:v51+s20+$0x0], $0xffff  }
0x2b5: {  	v10 =	vmul.f32 v14, v10;
	v8 =	vadd.f32 v8, v12;
	_ =	sdelay $0x1  }
0x2b6: {  	v10 =	vadd.f32 v15, v10  }
0x2b7: {  	v0 =	vmul.f32 v0, v3;
	v7 =	vmul.f32 v7, v16  }
0x2b8: {  	v3 =	vmul.f32 v11, v41;
	v8 =	vadd.f32 v10, v8  }
0x2b9: {  	v0 =	vadd.f32 v0, v4;
	v10 =	vmul.f32 v52, v13  }
0x2ba: {  	v3 =	vadd.f32 v7, v3  }
0x2bb: {  	v0 =	vadd.f32 v0, v5;
	v4 =	vadd.f32 v10, v9;
	_ =	sdelay $0x1  }
0x2bc: {  	v3 =	vadd.f32 v3, v4  }
0x2bd: {  	v0 =	vadd.f32 v0, v6  }
0x2be: {  	v3 =	vadd.f32 v8, v3;
	_ =	sdelay $0x1  }
0x2bf: {  	v0 =	vadd.f32 v0, v3;
	_ =	sdelay $0x1  }
0x2c0: {  	v0 =	vmul.f32 v0, v36;
	_ =	sdelay $0x1  }
0x2c1: {  	v0 =	vmax.f32 v0, $-5.000000000e+00  }
0x2c2: {  	v0 =	vmin.f32 v0, $5.000000000e+00  }
0x2c3: {  	v0 =	vmul.f32 $1.442695020e+00, v0;
	_ =	sdelay $0x1  }
0x2c4: {  	v3 =	vmov s30;
	(erf) = vpow2.f32 v0  }
0x2c5: {  	v0 =	vand.u32 $0x7F, v3  }
0x2c6: {  	v0 =	vbroadcast v0, $0x0;
	_ =	sdelay $0x1  }
0x2c7: {  	v0 =	vor.u32 v2, v0;
	_ =	sdelay $0x4  }
0x2c8: {  	v41 =	vpop (erf)  }
0x2c9: {  	[tilespmem:v0+s21+$0x0] =	vst.idx.msk $0xffff, v41  }
0x2ca: {  	v0 =	vld.idx.msk [tilespmem:v49+s24+$0x0], $0xffff;
	_ =	sdelay $0x5  }
0x2cb: {  	v0 =	vmul.f32 v41, v0;
	_ =	sdelay $0x1  }
0x2cc: {  	[tilespmem:v49+s24+$0x0] =	vst.idx.msk $0xffff, v0  }
0x2cd: {  	v0 =	vld.idx.msk [tilespmem:v51+s24+$0x0], $0xffff;
	_ =	sdelay $0x5  }
0x2ce: {  	v0 =	vmul.f32 v41, v0;
	_ =	sdelay $0x1  }
0x2cf: {  	[tilespmem:v51+s24+$0x0] =	vst.idx.msk $0xffff, v0  }
0x2d0: {  	v0 =	vld.idx.msk [tilespmem:v50+s24+$0x0], $0xffff;
	_ =	sdelay $0x5  }
0x2d1: {  	v0 =	vmul.f32 v41, v0;
	_ =	sdelay $0x1  }
0x2d2: {  	[tilespmem:v50+s24+$0x0] =	vst.idx.msk $0xffff, v0  }
0x2d3: {  	v0 =	vld.idx.msk [tilespmem:v48+s24+$0x0], $0xffff;
	_ =	sdelay $0x5  }
0x2d4: {  	v0 =	vmul.f32 v41, v0;
	_ =	sdelay $0x1  }
0x2d5: {  	[tilespmem:v48+s24+$0x0] =	vst.idx.msk $0xffff, v0  }
0x2d6: {  	v0 =	vld.idx.msk [tilespmem:v47+s24+$0x0], $0xffff;
	_ =	sdelay $0x5  }
0x2d7: {  	v0 =	vmul.f32 v41, v0;
	_ =	sdelay $0x1  }
0x2d8: {  	[tilespmem:v47+s24+$0x0] =	vst.idx.msk $0xffff, v0  }
0x2d9: {  	v0 =	vld.idx.msk [tilespmem:v46+s24+$0x0], $0xffff;
	_ =	sdelay $0x5  }
0x2da: {  	v0 =	vmul.f32 v0, v41;
	_ =	sdelay $0x1  }
0x2db: {  	[tilespmem:v46+s24+$0x0] =	vst.idx.msk $0xffff, v0  }
0x2dc: {  	v0 =	vld.idx.msk [tilespmem:v45+s24+$0x0], $0xffff;
	_ =	sdelay $0x5  }
0x2dd: {  	v0 =	vmul.f32 v0, v41;
	_ =	sdelay $0x1  }
0x2de: {  	[tilespmem:v45+s24+$0x0] =	vst.idx.msk $0xffff, v0  }
0x2df: {  	v0 =	vld.idx.msk [tilespmem:v44+s24+$0x0], $0xffff;
	_ =	sdelay $0x5  }
0x2e0: {  	v0 =	vmul.f32 v0, v41;
	_ =	sdelay $0x1  }
0x2e1: {  	[tilespmem:v44+s24+$0x0] =	vst.idx.msk $0xffff, v0  }
0x2e2: {  	v0 =	vld.idx.msk [tilespmem:v43+s24+$0x0], $0xffff;
	_ =	sdelay $0x5  }
0x2e3: {  	v0 =	vmul.f32 v0, v41;
	_ =	sdelay $0x1  }
0x2e4: {  	[tilespmem:v43+s24+$0x0] =	vst.idx.msk $0xffff, v0  }
0x2e5: {  	v0 =	vld.idx.msk [tilespmem:v42+s24+$0x0], $0xffff;
	_ =	sdelay $0x5  }
0x2e6: {  	v0 =	vmul.f32 v0, v41;
	_ =	sdelay $0x1  }
0x2e7: {  	[tilespmem:v42+s24+$0x0] =	vst.idx.msk $0xffff, v0  }
0x2e8: {  	v0 =	vld.idx.msk [tilespmem:v40+s24+$0x0], $0xffff;
	_ =	sdelay $0x5  }
0x2e9: {  	v0 =	vmul.f32 v0, v41;
	_ =	sdelay $0x1  }
0x2ea: {  	[tilespmem:v40+s24+$0x0] =	vst.idx.msk $0xffff, v0  }
0x2eb: {  	v0 =	vld.idx.msk [tilespmem:v39+s24+$0x0], $0xffff;
	_ =	sdelay $0x5  }
0x2ec: {  	v0 =	vmul.f32 v0, v41;
	_ =	sdelay $0x1  }
0x2ed: {  	[tilespmem:v39+s24+$0x0] =	vst.idx.msk $0xffff, v0  }
0x2ee: {  	v0 =	vld.idx.msk [tilespmem:v38+s24+$0x0], $0xffff;
	_ =	sdelay $0x5  }
0x2ef: {  	v0 =	vmul.f32 v0, v41;
	_ =	sdelay $0x1  }
0x2f0: {  	[tilespmem:v38+s24+$0x0] =	vst.idx.msk $0xffff, v0  }
0x2f1: {  	v0 =	vld.idx.msk [tilespmem:v37+s24+$0x0], $0xffff;
	_ =	sdelay $0x4  }
.Ltmp13:
0x2f2: {  	(pc) =	sbr.rel @p1 .LBB2_21-.Ltmp13, $3  }
0x2f3: {  	v0 =	vmul.f32 v0, v41;
	_ =	sdelay $0x1  }
0x2f4: {  	[tilespmem:v37+s24+$0x0] =	vst.idx.msk $0xffff, v0  }
0x2f5: {  	v37 =	vld.idx.msk [tilespmem:v24+s24+$0x0], $0xffff  }
0x2f6: {  	_ =	sdelay $0x3  }
0x2f7: {  	v0 =	vmul.f32 v37, v41;
	_ =	sdelay $0x1  }
0x2f8: {  	[tilespmem:v24+s24+$0x0] =	vst.idx.msk $0xffff, v0  }
0x2f9: {  	v0 =	vld.idx.msk [tilespmem:v18+s24+$0x0], $0xffff;
	_ =	sdelay $0x4  }
0x2fa: {  	s2 =	sshll.u32 s4, $0x2;
	v0 =	vmul.f32 v0, v41  }
0x2fb: {  	s3 =	sshll.u32 s4, $0x7;
	s2 =	sshra.s32 s2, $0x2  }
0x2fc: {  	s28 =	sand.u32 $0x3FFFFF80, s3;
	s11 =	sadd.s32 $0x1E980, s2;
	[tilespmem:v18+s24+$0x0] =	vst.idx.msk $0xffff, v0  }
0x2fd: {  	s30 =	simm.s32 $0x0;
	s29 =	simm.s32 $0x200;
	s4 =	sadd.s32 $0x1D400, s28;
	v18 =	vld [tilespmem:s11+$0x0]  }
.LBB2_23:
0x2fe: {  	p1 =	sne.s32 s29, $0x1E00;
	_ =	sdelay $0x3  }
0x2ff: {  	(v2sf) =	vpush v18, $0x0;
	_ =	sdelay $0xe  }
0x300: {  	s2 =	spop (v2sf)  }
0x301: {  	s3 =	sshra.s32 s30, $0x2;
	s28 =	sshll.u32 s2, $0x6;
	s2 =	sand.u32 $0x7, s2  }
0x302: {  	s30 =	smov.u32 s29;
	v0 =	vld [tilespmem:s3+$0x1EB00];
	s28 =	sand.u32 $0xFFFFFE00, s28;
	s2 =	sshll.u32 s2, $0x6  }
0x303: {  	s2 =	sor.u32 s2, s28  }
.Ltmp14:
0x304: {  	s2 =	sshra.s32 s2, $0x2;
	(pc) =	sbr.rel @p1 .LBB2_23-.Ltmp14, $4  }
0x305: {  	s2 =	sadd.s32 s2, s4  }
0x306: {  	s2 =	sadd.s32 s3, s2  }
0x307: {  	s11 =	sadd.s32 $0x1, s11;
	[tilespmem:s2+$0x0] =	vst v0  }
0x308: {  	s29 =	sadd.s32 $0x200, s29;
	v18 =	vld [tilespmem:s11+$0x0]  }
0x309: {  	_ =	sdelay $0x3  }
0x30a: {  	(v2sf) =	vpush v18, $0x0;
	_ =	sdelay $0xe  }
0x30b: {  	s2 =	spop (v2sf)  }
0x30c: {  	s3 =	sshra.s32 s30, $0x2;
	s11 =	sshll.u32 s2, $0x6;
	s2 =	sand.u32 $0x7, s2  }
0x30d: {  	v0 =	vld [tilespmem:s3+$0x1EB00];
	s11 =	sand.u32 $0xFFFFFE00, s11;
	s2 =	sshll.u32 s2, $0x6  }
.Ltmp15:
0x30e: {  	s2 =	sor.u32 s2, s11;
	(pc) =	sbr.rel @p0 .LBB2_20-.Ltmp15, $4  }
0x30f: {  	s2 =	sshra.s32 s2, $0x2  }
0x310: {  	s2 =	sadd.s32 s2, s4  }
0x311: {  	s2 =	sadd.s32 s3, s2  }
0x312: {  	p1 =	por $0x0, $0x0;
	s4 =	simm.s32 $0x10;
	[tilespmem:s2+$0x0] =	vst v0  }
0x313: {  	v0 =	vld [tilespmem:$0x1E780]  }
0x314: {  	v3 =	vld [tilespmem:$0x1E790];
	_ =	sdelay $0x3  }
.Ltmp16:
0x315: {  	[tilespmem:$0x1E880] =	vst v0;
	(pc) =	sbr.rel .LBB2_26-.Ltmp16, $4  }
0x316: {  	s2 =	rddreg [dreg:$0x2];
	s3 =	simm.s32 $0x1E680;
	[tilespmem:$0x1E890] =	vst v3  }
0x317: {  	[spmem:s2] =	stream.indirect.scatter.add.f32 [tilespmem:s24], [sflag:$0x6], $0x80, s3, s12, $0xb8;
	[tilespmem:$0x1F300] =	vst v63  }
0x318: {  	s29 =	rddreg [dreg:$0x3];
	s30 =	simm.s32 $0x1D400;
	s4 =	simm.s32 $0x1E880  }
0x319: {  	[spmem:s29] =	stream.indirect.scatter.add.f32 [tilespmem:s30], [sflag:$0x6], $0x80, s4, s12, $0xb8;
	[tilespmem:$0x1F300] =	vst v63  }
.LBB2_28:
0x31a: {  	_ =	sfence.sel $0x180000  }
0x31b: {  	[bflag:$0x0] =	sbarrier.arrive $0xFFFF  }
0x31c: {  	_ =	strace $0x90000047  }
0x31d: {  	s0 =	stileid.u32;
	[bflag:$0x2] =	sbarrier.arrive $0xFFFF  }
0x31e: {  	p0 =	sne.s32 s0, $0x0;
	s0 =	rddreg [dreg:$0x4]  }
0x31f: {  	s0 =	sadd.s32 @!p0 $0x100000, s0  }
0x320: {  	[sflag:s0] =	ssyncadd.tile.s32 @!p0 $0x1;
	_ =	shalt  }
.Lfunc_end2:
_tile_overlayer_lowered:
.L_overlay_start_2:
0x321: {  	(tag) =	ssettag $0x2  }
0x322: {  	s0 =	rddreg [dreg:$0x0];
	s2 =	stileid.u32  }
0x323: {  	s1 =	rddreg [dreg:$0x1];
	p0 =	sne.s32 s2, $0x0  }
0x324: {  	s3 =	rddreg [dreg:$0x2];
	[bflag:$0x3] =	sbarrier.arrive $0xFFFF;
	s2 =	simm.s32 @!p0 $0x1C07  }
0x325: {  	[timem:s3], [sflag:s2] =	dma.local @!p0 [hbm:s0], s1  }
0x326: {  	s0 =	simm.s32 @!p0 $0x7  }
0x327: {  	_ =	swait.ge @!p0 [sflag:s0], s1  }
0x328: {  	s1 =	ssub.s32 @!p0 $0x0, s1;
	[sflag:s0] =	ssyncset.done @!p0 $0x0  }
0x329: {  	[sflag:s0] =	ssyncadd.s32 @!p0 s1  }
0x32a: {  	[bflag:$0x3] =	sbarrier.arrive $0xFFFF  }
0x32b: {  	_ =	shalt  }

</sc_bundles>
